<compile_context>
chip_gen: v7x
topology: tpu7x:2x2x1
jax: 0.10.2.dev20260603
libtpu: 0.0.44.dev20260713+nightly
codegen_flags: <defaults>
</compile_context>

<pallas_src>
import functools

import jax
import jax.numpy as jnp
from jax import lax
from jax.experimental import pallas as pl
from jax.experimental.pallas import tpu as pltpu
from jax.experimental.pallas import tpu_sc as plsc

VOCAB = 1000000
DIM = 64
BATCH = 16384
HIST = 50

NC = 2
NS = 16
NW = NC * NS

BPW = BATCH // NW
B_PER_W = BPW * HIST
CB = 8
R = CB * HIST
STREAMS = ((0, 128), (128, 128), (256, 128), (384, 16))
CHUNKS = BPW // CB
K = 4
T = CHUNKS // K


@functools.partial(
    pl.kernel,
    out_type=jax.ShapeDtypeStruct((BATCH, HIST, DIM), jnp.float32),
    mesh=plsc.VectorSubcoreMesh(core_axis_name="c", subcore_axis_name="s"),
    scratch_types=[
        pltpu.VMEM((B_PER_W,), jnp.int32),
        [pltpu.VMEM((R, DIM), jnp.float32) for _ in range(K)],
        [pltpu.SemaphoreType.DMA for _ in range(K)],
        [pltpu.SemaphoreType.DMA for _ in range(K)],
    ],
    compiler_params=pltpu.CompilerParams(use_tc_tiling_on_sc=False),
)
def _gather_kernel(idx_hbm, table_hbm, out_hbm, idx_v, gbuf, sem_g, sem_o):
    wid = lax.axis_index("s") * NC + lax.axis_index("c")
    base_i = wid * B_PER_W
    base_b = wid * BPW

    def fire_gathers(b, c):
        return [
            pltpu.async_copy(
                table_hbm.at[idx_v.at[pl.ds(c * R + so, sl)]],
                gbuf[b].at[pl.ds(so, sl)],
                sem_g[b],
            )
            for so, sl in STREAMS
        ]

    def fire_outs(b, c):
        for i in range(CB):
            pltpu.async_copy(
                gbuf[b].at[pl.ds(i * HIST, HIST)],
                out_hbm.at[base_b + c * CB + i],
                sem_o[b],
            )

    def drain_outs(b, c):
        for i in range(CB):
            pltpu.make_async_copy(
                gbuf[b].at[pl.ds(i * HIST, HIST)],
                out_hbm.at[base_b + c * CB + i],
                sem_o[b],
            ).wait()

    pltpu.sync_copy(idx_hbm.at[pl.ds(base_i, B_PER_W)], idx_v)

    ds0 = [fire_gathers(b, b) for b in range(K)]
    for b in range(K):
        for d in ds0[b]:
            d.wait()
        fire_outs(b, b)

    def body(t, _):
        c0 = t * K
        ds = []
        for b in range(K):
            drain_outs(b, c0 - K + b)
            ds.append(fire_gathers(b, c0 + b))
        for b in range(K):
            for d in ds[b]:
                d.wait()
            fire_outs(b, c0 + b)
        return 0

    lax.fori_loop(1, T, body, 0)

    for b in range(K):
        drain_outs(b, (T - 1) * K + b)


BLOCKS = VOCAB // 128
BPB = BLOCKS // NW
EXTRA = BLOCKS - BPB * NW
TAIL_R = BLOCKS * 128


@functools.partial(
    pl.kernel,
    out_type=jax.ShapeDtypeStruct((VOCAB // 2, 128), jnp.float32),
    mesh=plsc.VectorSubcoreMesh(core_axis_name="c", subcore_axis_name="s"),
    scratch_types=[
        [pltpu.VMEM((DIM, 128), jnp.float32) for _ in range(2)],
        [pltpu.VMEM((DIM, 128), jnp.float32) for _ in range(2)],
        [pltpu.SemaphoreType.DMA for _ in range(2)],
        [pltpu.SemaphoreType.DMA for _ in range(2)],
    ],
    compiler_params=pltpu.CompilerParams(
        use_tc_tiling_on_sc=True, needs_layout_passes=False
    ),
)
def _fmt_kernel(wt_hbm, stage_hbm, tbuf, sbuf, sem_r, sem_w):
    wid = lax.axis_index("s") * NC + lax.axis_index("c")
    base = wid * BPB
    rows4 = [jax.lax.iota(jnp.int32, 16) + dg * 16 for dg in range(4)]

    def fire_read(b, rb):
        pltpu.async_copy(
            wt_hbm.at[:, pl.ds(rb * 128, 128)], tbuf[b], sem_r[b]
        )

    def wait_read(b, rb):
        pltpu.make_async_copy(
            wt_hbm.at[:, pl.ds(rb * 128, 128)], tbuf[b], sem_r[b]
        ).wait()

    def fire_write(b, rb):
        pltpu.async_copy(
            sbuf[b], stage_hbm.at[pl.ds(rb * 64, DIM)], sem_w[b]
        )

    def drain_write(b, rb):
        pltpu.make_async_copy(
            sbuf[b], stage_hbm.at[pl.ds(rb * 64, DIM)], sem_w[b]
        ).wait()

    def transpose(b, nrows):
        def col(j, _):
            for dg in range(4):
                v = plsc.load_gather(tbuf[b], [rows4[dg], rows4[0] * 0 + j])
                sbuf[b][j >> 1, pl.ds((j & 1) * DIM + dg * 16, 16)] = v
            return 0
        lax.fori_loop(0, nrows, col, 0)

    fire_read(0, base)
    fire_read(1, base + 1)

    def body2(t, _):
        for b in range(2):
            rb = t * 2 + b
            wait_read(b, base + rb)

            @pl.when(rb >= 2)
            def _():
                drain_write(b, base + rb - 2)
            transpose(b, 128)
            fire_write(b, base + rb)

            @pl.when(rb + 2 < BPB)
            def _():
                fire_read(b, base + rb + 2)
        return 0

    lax.fori_loop(0, BPB // 2, body2, 0)
    for b in range(2):
        drain_write(b, base + BPB - 2 + b)

    @pl.when(wid < EXTRA)
    def _():
        rb = NW * BPB + wid
        pltpu.sync_copy(wt_hbm.at[:, pl.ds(rb * 128, 128)], tbuf[0])
        transpose(0, 128)
        pltpu.sync_copy(sbuf[0], stage_hbm.at[pl.ds(rb * 64, DIM)])



def kernel(x, weight):
    idx = x.reshape(BATCH * HIST).astype(jnp.int32)
    stage = _fmt_kernel(weight.T)
    stage = stage.at[TAIL_R // 2:].set(weight[TAIL_R:].reshape(32, 128))
    table = stage.reshape(VOCAB, DIM)
    return _gather_kernel(idx, table)

# --- scband reference (transcript-rebuilt; emitter-appended) ---
"""Pipeline reference for scband-embedding-3023656976402 (READ-ONLY COPY).

The authoritative reference and input builder live on the scoring server;
editing this copy changes nothing except your own understanding.
"""

import jax, jax.numpy as jnp
import numpy as np

VOCAB = 1000000
DIM = 64
BATCH = 16384
HIST = 50

def setup_inputs(seed: int = 0) -> dict:
    key = jax.random.key(seed)
    k1, k2 = jax.random.split(key)
    x = jax.random.randint(k1, (BATCH, HIST), 0, VOCAB, dtype=jnp.int64 if jax.config.jax_enable_x64 else jnp.int32)
    weight = jax.random.normal(k2, (VOCAB, DIM), dtype=jnp.float32) * 0.02
    return {"x": x, "weight": weight}

def reference(x, weight):
    # Embedding lookup: weight[x]
    return jnp.take(weight, x, axis=0)

if __name__ == "__main__":
    import jax
    _d = setup_inputs()
    print(jax.jit(kernel)(*tuple(_d.values())))

</pallas_src>

<mosaic_0001>
#map = affine_map<(d0, d1) -> (0, 0)>
module attributes {stable_mosaic.version = 14 : i64} {
  func.func @_fmt_kernel(%arg0: i32, %arg1: i32, %arg2: memref<64x1000000xf32, #tpu.memory_space<hbm>>, %arg3: memref<500000x128xf32, #tpu.memory_space<hbm>>, %arg4: memref<64x128xf32, #tpu.memory_space<vmem>>, %arg5: memref<64x128xf32, #tpu.memory_space<vmem>>, %arg6: memref<64x128xf32, #tpu.memory_space<vmem>>, %arg7: memref<64x128xf32, #tpu.memory_space<vmem>>, %arg8: memref<!tpu.dma_semaphore, #tpu.memory_space<semaphore_mem>>, %arg9: memref<!tpu.dma_semaphore, #tpu.memory_space<semaphore_mem>>, %arg10: memref<!tpu.dma_semaphore, #tpu.memory_space<semaphore_mem>>, %arg11: memref<!tpu.dma_semaphore, #tpu.memory_space<semaphore_mem>>) attributes {dimension_semantics = [#tpu.dimension_semantics<core_parallel>, #tpu.dimension_semantics<subcore_parallel>], iteration_bounds = array<i64: 2, 16>, scalar_prefetch = 0 : i64, scratch_operands = 8 : i64, tpu.core_type = #tpu.core_type<sc_vector_subcore>, window_params = [{transform_indices = #map}, {transform_indices = #map}]} {
    %mul3A = arith.constant 2 : i32
    %mul3A_0 = arith.muli %arg1, %mul3A : i32
    %add3A = arith.addi %mul3A_0, %arg0 : i32
    %mul3A_1 = arith.constant 244 : i32
    %mul3A_2 = arith.muli %add3A, %mul3A_1 : i32
    %iota3A = tpu.iota {dimensions = array<i32: 0>} : vector<16xi32>
    %add3A_3 = arith.constant 0 : i32
    %add3A_4 = vector.broadcast %add3A_3 : i32 to vector<16xi32>
    %add3A_5 = arith.addi %iota3A, %add3A_4 : vector<16xi32>
    %iota3A_6 = tpu.iota {dimensions = array<i32: 0>} : vector<16xi32>
    %add3A_7 = arith.constant 16 : i32
    %add3A_8 = vector.broadcast %add3A_7 : i32 to vector<16xi32>
    %add3A_9 = arith.addi %iota3A_6, %add3A_8 : vector<16xi32>
    %iota3A_10 = tpu.iota {dimensions = array<i32: 0>} : vector<16xi32>
    %add3A_11 = arith.constant 32 : i32
    %add3A_12 = vector.broadcast %add3A_11 : i32 to vector<16xi32>
    %add3A_13 = arith.addi %iota3A_10, %add3A_12 : vector<16xi32>
    %iota3A_14 = tpu.iota {dimensions = array<i32: 0>} : vector<16xi32>
    %add3A_15 = arith.constant 48 : i32
    %add3A_16 = vector.broadcast %add3A_15 : i32 to vector<16xi32>
    %add3A_17 = arith.addi %iota3A_14, %add3A_16 : vector<16xi32>
    %mul3A_18 = arith.constant 128 : i32
    %mul3A_19 = arith.muli %mul3A_2, %mul3A_18 : i32
    %dma_start3A = arith.constant 0 : i32
    %dma_start3A_20 = tpu.memref_slice %arg2[%dma_start3A, %mul3A_19] : memref<64x1000000xf32, #tpu.memory_space<hbm>> -> memref<64x128xf32, #tpu.memory_space<hbm>>
    %dma_start3A_21 = arith.constant 0 : i32
    %dma_start3A_22 = tpu.memref_slice %arg2[%dma_start3A_21, %mul3A_19] : memref<64x1000000xf32, #tpu.memory_space<hbm>> -> memref<64x128xf32, #tpu.memory_space<hbm>>
    tpu.enqueue_dma source(%dma_start3A_22 : memref<64x128xf32, #tpu.memory_space<hbm>>) target(%arg4 : memref<64x128xf32, #tpu.memory_space<vmem>>) target_semaphore(%arg8 : memref<!tpu.dma_semaphore, #tpu.memory_space<semaphore_mem>>)
    %add3A_23 = arith.constant 1 : i32
    %add3A_24 = arith.addi %mul3A_2, %add3A_23 : i32
    %mul3A_25 = arith.constant 128 : i32
    %mul3A_26 = arith.muli %add3A_24, %mul3A_25 : i32
    %dma_start3A_27 = arith.constant 0 : i32
    %dma_start3A_28 = tpu.memref_slice %arg2[%dma_start3A_27, %mul3A_26] : memref<64x1000000xf32, #tpu.memory_space<hbm>> -> memref<64x128xf32, #tpu.memory_space<hbm>>
    %dma_start3A_29 = arith.constant 0 : i32
    %dma_start3A_30 = tpu.memref_slice %arg2[%dma_start3A_29, %mul3A_26] : memref<64x1000000xf32, #tpu.memory_space<hbm>> -> memref<64x128xf32, #tpu.memory_space<hbm>>
    tpu.enqueue_dma source(%dma_start3A_30 : memref<64x128xf32, #tpu.memory_space<hbm>>) target(%arg5 : memref<64x128xf32, #tpu.memory_space<vmem>>) target_semaphore(%arg9 : memref<!tpu.dma_semaphore, #tpu.memory_space<semaphore_mem>>)
    %scan3A = arith.constant 0 : i32
    %scan3A_31 = arith.constant 0 : i32
    %scan3A_32 = arith.constant 122 : i32
    %scan3A_33 = arith.addi %scan3A_31, %scan3A_32 : i32
    %scan3A_34 = arith.constant 1 : i32
    %scan3A_35 = scf.for %scan3A_61 = %scan3A_31 to %scan3A_33 step %scan3A_34 iter_args(%scan3A_62 = %scan3A) -> (i32)  : i32 {
      %mul3A_63 = arith.constant 2 : i32
      %mul3A_64 = arith.muli %scan3A_61, %mul3A_63 : i32
      %add3A_65 = arith.constant 0 : i32
      %add3A_66 = arith.addi %mul3A_64, %add3A_65 : i32
      %add3A_67 = arith.addi %mul3A_2, %add3A_66 : i32
      %mul3A_68 = arith.constant 128 : i32
      %mul3A_69 = arith.muli %add3A_67, %mul3A_68 : i32
      %dma_wait3A_70 = arith.constant 0 : i32
      %dma_wait3A_71 = tpu.memref_slice %arg2[%dma_wait3A_70, %mul3A_69] : memref<64x1000000xf32, #tpu.memory_space<hbm>> -> memref<64x128xf32, #tpu.memory_space<hbm>>
      %dma_wait3A_72 = arith.constant 0 : i32
      %dma_wait3A_73 = tpu.memref_slice %arg2[%dma_wait3A_72, %mul3A_69] : memref<64x1000000xf32, #tpu.memory_space<hbm>> -> memref<64x128xf32, #tpu.memory_space<hbm>>
      tpu.wait_dma2 semaphore(%arg8 : memref<!tpu.dma_semaphore, #tpu.memory_space<semaphore_mem>>) src(%dma_wait3A_73 : memref<64x128xf32, #tpu.memory_space<hbm>>) dst(%arg4 : memref<64x128xf32, #tpu.memory_space<vmem>>)
      %ge3A = arith.constant 2 : i32
      %ge3A_74 = arith.cmpi sge, %add3A_66, %ge3A : i32
      %convert_element_type3A_75 = arith.extui %ge3A_74 : i1 to i32
      %cond3A_76 = arith.constant 0 : i32
      %cond3A_77 = arith.cmpi ne, %convert_element_type3A_75, %cond3A_76 : i32
      scf.if %cond3A_77 {
        %add3A_137 = arith.addi %mul3A_2, %add3A_66 : i32
        %sub3A_138 = arith.constant 2 : i32
        %sub3A_139 = arith.subi %add3A_137, %sub3A_138 : i32
        %mul3A_140 = arith.constant 64 : i32
        %mul3A_141 = arith.muli %sub3A_139, %mul3A_140 : i32
        %dma_wait3A_142 = arith.constant 0 : i32
        %dma_wait3A_143 = tpu.memref_slice %arg3[%mul3A_141, %dma_wait3A_142] : memref<500000x128xf32, #tpu.memory_space<hbm>> -> memref<64x128xf32, #tpu.memory_space<hbm>>
        %dma_wait3A_144 = arith.constant 0 : i32
        %dma_wait3A_145 = tpu.memref_slice %arg3[%mul3A_141, %dma_wait3A_144] : memref<500000x128xf32, #tpu.memory_space<hbm>> -> memref<64x128xf32, #tpu.memory_space<hbm>>
        tpu.wait_dma2 semaphore(%arg10 : memref<!tpu.dma_semaphore, #tpu.memory_space<semaphore_mem>>) src(%arg6 : memref<64x128xf32, #tpu.memory_space<vmem>>) dst(%dma_wait3A_145 : memref<64x128xf32, #tpu.memory_space<hbm>>)
      } else {
      }
      %scan3A_78 = arith.constant 0 : i32
      %scan3A_79 = arith.constant 0 : i32
      %scan3A_80 = arith.constant 128 : i32
      %scan3A_81 = arith.addi %scan3A_79, %scan3A_80 : i32
      %scan3A_82 = arith.constant 1 : i32
      %scan3A_83 = scf.for %scan3A_137 = %scan3A_79 to %scan3A_81 step %scan3A_82 iter_args(%scan3A_138 = %scan3A_78) -> (i32)  : i32 {
        %mul3A_139 = arith.constant 0 : i32
        %mul3A_140 = vector.broadcast %mul3A_139 : i32 to vector<16xi32>
        %mul3A_141 = arith.muli %add3A_5, %mul3A_140 : vector<16xi32>
        %add3A_142 = vector.broadcast %scan3A_137 : i32 to vector<16xi32>
        %add3A_143 = arith.addi %mul3A_141, %add3A_142 : vector<16xi32>
        %gather3A = tpu.vector_load_idx %arg4[%add3A_5, %add3A_143] : memref<64x128xf32, #tpu.memory_space<vmem>>[vector<16xi32>, vector<16xi32>], vector<16xf32>,
        %shift_right_arithmetic3A = arith.constant 1 : i32
        %shift_right_arithmetic3A_144 = arith.shrsi %scan3A_137, %shift_right_arithmetic3A : i32
        %and3A = arith.constant 1 : i32
        %and3A_145 = arith.andi %scan3A_137, %and3A : i32
        %mul3A_146 = arith.constant 64 : i32
        %mul3A_147 = arith.muli %and3A_145, %mul3A_146 : i32
        %add3A_148 = arith.constant 0 : i32
        %add3A_149 = arith.addi %mul3A_147, %add3A_148 : i32
        %swap3A = arith.index_cast %shift_right_arithmetic3A_144 : i32 to index
        %swap3A_150 = arith.index_cast %add3A_149 : i32 to index
        %swap3A_151 = tpu.vector_load %arg6[%swap3A, %swap3A_150] {strides = array<i32>} : memref<64x128xf32, #tpu.memory_space<vmem>>, vector<16xf32>,
        tpu.vector_store %arg6[%swap3A, %swap3A_150], %gather3A {strides = array<i32>} : memref<64x128xf32, #tpu.memory_space<vmem>>, vector<16xf32>,
        %mul3A_152 = arith.constant 0 : i32
        %mul3A_153 = vector.broadcast %mul3A_152 : i32 to vector<16xi32>
        %mul3A_154 = arith.muli %add3A_5, %mul3A_153 : vector<16xi32>
        %add3A_155 = vector.broadcast %scan3A_137 : i32 to vector<16xi32>
        %add3A_156 = arith.addi %mul3A_154, %add3A_155 : vector<16xi32>
        %gather3A_157 = tpu.vector_load_idx %arg4[%add3A_9, %add3A_156] : memref<64x128xf32, #tpu.memory_space<vmem>>[vector<16xi32>, vector<16xi32>], vector<16xf32>,
        %shift_right_arithmetic3A_158 = arith.constant 1 : i32
        %shift_right_arithmetic3A_159 = arith.shrsi %scan3A_137, %shift_right_arithmetic3A_158 : i32
        %and3A_160 = arith.constant 1 : i32
        %and3A_161 = arith.andi %scan3A_137, %and3A_160 : i32
        %mul3A_162 = arith.constant 64 : i32
        %mul3A_163 = arith.muli %and3A_161, %mul3A_162 : i32
        %add3A_164 = arith.constant 16 : i32
        %add3A_165 = arith.addi %mul3A_163, %add3A_164 : i32
        %swap3A_166 = arith.index_cast %shift_right_arithmetic3A_159 : i32 to index
        %swap3A_167 = arith.index_cast %add3A_165 : i32 to index
        %swap3A_168 = tpu.vector_load %arg6[%swap3A_166, %swap3A_167] {strides = array<i32>} : memref<64x128xf32, #tpu.memory_space<vmem>>, vector<16xf32>,
        tpu.vector_store %arg6[%swap3A_166, %swap3A_167], %gather3A_157 {strides = array<i32>} : memref<64x128xf32, #tpu.memory_space<vmem>>, vector<16xf32>,
        %mul3A_169 = arith.constant 0 : i32
        %mul3A_170 = vector.broadcast %mul3A_169 : i32 to vector<16xi32>
        %mul3A_171 = arith.muli %add3A_5, %mul3A_170 : vector<16xi32>
        %add3A_172 = vector.broadcast %scan3A_137 : i32 to vector<16xi32>
        %add3A_173 = arith.addi %mul3A_171, %add3A_172 : vector<16xi32>
        %gather3A_174 = tpu.vector_load_idx %arg4[%add3A_13, %add3A_173] : memref<64x128xf32, #tpu.memory_space<vmem>>[vector<16xi32>, vector<16xi32>], vector<16xf32>,
        %shift_right_arithmetic3A_175 = arith.constant 1 : i32
        %shift_right_arithmetic3A_176 = arith.shrsi %scan3A_137, %shift_right_arithmetic3A_175 : i32
        %and3A_177 = arith.constant 1 : i32
        %and3A_178 = arith.andi %scan3A_137, %and3A_177 : i32
        %mul3A_179 = arith.constant 64 : i32
        %mul3A_180 = arith.muli %and3A_178, %mul3A_179 : i32
        %add3A_181 = arith.constant 32 : i32
        %add3A_182 = arith.addi %mul3A_180, %add3A_181 : i32
        %swap3A_183 = arith.index_cast %shift_right_arithmetic3A_176 : i32 to index
        %swap3A_184 = arith.index_cast %add3A_182 : i32 to index
        %swap3A_185 = tpu.vector_load %arg6[%swap3A_183, %swap3A_184] {strides = array<i32>} : memref<64x128xf32, #tpu.memory_space<vmem>>, vector<16xf32>,
        tpu.vector_store %arg6[%swap3A_183, %swap3A_184], %gather3A_174 {strides = array<i32>} : memref<64x128xf32, #tpu.memory_space<vmem>>, vector<16xf32>,
        %mul3A_186 = arith.constant 0 : i32
        %mul3A_187 = vector.broadcast %mul3A_186 : i32 to vector<16xi32>
        %mul3A_188 = arith.muli %add3A_5, %mul3A_187 : vector<16xi32>
        %add3A_189 = vector.broadcast %scan3A_137 : i32 to vector<16xi32>
        %add3A_190 = arith.addi %mul3A_188, %add3A_189 : vector<16xi32>
        %gather3A_191 = tpu.vector_load_idx %arg4[%add3A_17, %add3A_190] : memref<64x128xf32, #tpu.memory_space<vmem>>[vector<16xi32>, vector<16xi32>], vector<16xf32>,
        %shift_right_arithmetic3A_192 = arith.constant 1 : i32
        %shift_right_arithmetic3A_193 = arith.shrsi %scan3A_137, %shift_right_arithmetic3A_192 : i32
        %and3A_194 = arith.constant 1 : i32
        %and3A_195 = arith.andi %scan3A_137, %and3A_194 : i32
        %mul3A_196 = arith.constant 64 : i32
        %mul3A_197 = arith.muli %and3A_195, %mul3A_196 : i32
        %add3A_198 = arith.constant 48 : i32
        %add3A_199 = arith.addi %mul3A_197, %add3A_198 : i32
        %swap3A_200 = arith.index_cast %shift_right_arithmetic3A_193 : i32 to index
        %swap3A_201 = arith.index_cast %add3A_199 : i32 to index
        %swap3A_202 = tpu.vector_load %arg6[%swap3A_200, %swap3A_201] {strides = array<i32>} : memref<64x128xf32, #tpu.memory_space<vmem>>, vector<16xf32>,
        tpu.vector_store %arg6[%swap3A_200, %swap3A_201], %gather3A_191 {strides = array<i32>} : memref<64x128xf32, #tpu.memory_space<vmem>>, vector<16xf32>,
        %scan3A_203 = arith.constant 0 : i32
        scf.yield %scan3A_203 : i32
      }
      %scan3A_84 = arith.constant 128 : i32
      %add3A_85 = arith.addi %mul3A_2, %add3A_66 : i32
      %mul3A_86 = arith.constant 64 : i32
      %mul3A_87 = arith.muli %add3A_85, %mul3A_86 : i32
      %dma_start3A_88 = arith.constant 0 : i32
      %dma_start3A_89 = tpu.memref_slice %arg3[%mul3A_87, %dma_start3A_88] : memref<500000x128xf32, #tpu.memory_space<hbm>> -> memref<64x128xf32, #tpu.memory_space<hbm>>
      %dma_start3A_90 = arith.constant 0 : i32
      %dma_start3A_91 = tpu.memref_slice %arg3[%mul3A_87, %dma_start3A_90] : memref<500000x128xf32, #tpu.memory_space<hbm>> -> memref<64x128xf32, #tpu.memory_space<hbm>>
      tpu.enqueue_dma source(%arg6 : memref<64x128xf32, #tpu.memory_space<vmem>>) target(%dma_start3A_91 : memref<64x128xf32, #tpu.memory_space<hbm>>) target_semaphore(%arg10 : memref<!tpu.dma_semaphore, #tpu.memory_space<semaphore_mem>>)
      %add3A_92 = arith.constant 2 : i32
      %add3A_93 = arith.addi %add3A_66, %add3A_92 : i32
      %lt3A_94 = arith.constant 244 : i32
      %lt3A_95 = arith.cmpi slt, %add3A_93, %lt3A_94 : i32
      %convert_element_type3A_96 = arith.extui %lt3A_95 : i1 to i32
      %cond3A_97 = arith.constant 0 : i32
      %cond3A_98 = arith.cmpi ne, %convert_element_type3A_96, %cond3A_97 : i32
      scf.if %cond3A_98 {
        %add3A_137 = arith.addi %mul3A_2, %add3A_66 : i32
        %add3A_138 = arith.constant 2 : i32
        %add3A_139 = arith.addi %add3A_137, %add3A_138 : i32
        %mul3A_140 = arith.constant 128 : i32
        %mul3A_141 = arith.muli %add3A_139, %mul3A_140 : i32
        %dma_start3A_142 = arith.constant 0 : i32
        %dma_start3A_143 = tpu.memref_slice %arg2[%dma_start3A_142, %mul3A_141] : memref<64x1000000xf32, #tpu.memory_space<hbm>> -> memref<64x128xf32, #tpu.memory_space<hbm>>
        %dma_start3A_144 = arith.constant 0 : i32
        %dma_start3A_145 = tpu.memref_slice %arg2[%dma_start3A_144, %mul3A_141] : memref<64x1000000xf32, #tpu.memory_space<hbm>> -> memref<64x128xf32, #tpu.memory_space<hbm>>
        tpu.enqueue_dma source(%dma_start3A_145 : memref<64x128xf32, #tpu.memory_space<hbm>>) target(%arg4 : memref<64x128xf32, #tpu.memory_space<vmem>>) target_semaphore(%arg8 : memref<!tpu.dma_semaphore, #tpu.memory_space<semaphore_mem>>)
      } else {
      }
      %mul3A_99 = arith.constant 2 : i32
      %mul3A_100 = arith.muli %scan3A_61, %mul3A_99 : i32
      %add3A_101 = arith.constant 1 : i32
      %add3A_102 = arith.addi %mul3A_100, %add3A_101 : i32
      %add3A_103 = arith.addi %mul3A_2, %add3A_102 : i32
      %mul3A_104 = arith.constant 128 : i32
      %mul3A_105 = arith.muli %add3A_103, %mul3A_104 : i32
      %dma_wait3A_106 = arith.constant 0 : i32
      %dma_wait3A_107 = tpu.memref_slice %arg2[%dma_wait3A_106, %mul3A_105] : memref<64x1000000xf32, #tpu.memory_space<hbm>> -> memref<64x128xf32, #tpu.memory_space<hbm>>
      %dma_wait3A_108 = arith.constant 0 : i32
      %dma_wait3A_109 = tpu.memref_slice %arg2[%dma_wait3A_108, %mul3A_105] : memref<64x1000000xf32, #tpu.memory_space<hbm>> -> memref<64x128xf32, #tpu.memory_space<hbm>>
      tpu.wait_dma2 semaphore(%arg9 : memref<!tpu.dma_semaphore, #tpu.memory_space<semaphore_mem>>) src(%dma_wait3A_109 : memref<64x128xf32, #tpu.memory_space<hbm>>) dst(%arg5 : memref<64x128xf32, #tpu.memory_space<vmem>>)
      %ge3A_110 = arith.constant 2 : i32
      %ge3A_111 = arith.cmpi sge, %add3A_102, %ge3A_110 : i32
      %convert_element_type3A_112 = arith.extui %ge3A_111 : i1 to i32
      %cond3A_113 = arith.constant 0 : i32
      %cond3A_114 = arith.cmpi ne, %convert_element_type3A_112, %cond3A_113 : i32
      scf.if %cond3A_114 {
        %add3A_137 = arith.addi %mul3A_2, %add3A_102 : i32
        %sub3A_138 = arith.constant 2 : i32
        %sub3A_139 = arith.subi %add3A_137, %sub3A_138 : i32
        %mul3A_140 = arith.constant 64 : i32
        %mul3A_141 = arith.muli %sub3A_139, %mul3A_140 : i32
        %dma_wait3A_142 = arith.constant 0 : i32
        %dma_wait3A_143 = tpu.memref_slice %arg3[%mul3A_141, %dma_wait3A_142] : memref<500000x128xf32, #tpu.memory_space<hbm>> -> memref<64x128xf32, #tpu.memory_space<hbm>>
        %dma_wait3A_144 = arith.constant 0 : i32
        %dma_wait3A_145 = tpu.memref_slice %arg3[%mul3A_141, %dma_wait3A_144] : memref<500000x128xf32, #tpu.memory_space<hbm>> -> memref<64x128xf32, #tpu.memory_space<hbm>>
        tpu.wait_dma2 semaphore(%arg11 : memref<!tpu.dma_semaphore, #tpu.memory_space<semaphore_mem>>) src(%arg7 : memref<64x128xf32, #tpu.memory_space<vmem>>) dst(%dma_wait3A_145 : memref<64x128xf32, #tpu.memory_space<hbm>>)
      } else {
      }
      %scan3A_115 = arith.constant 0 : i32
      %scan3A_116 = arith.constant 0 : i32
      %scan3A_117 = arith.constant 128 : i32
      %scan3A_118 = arith.addi %scan3A_116, %scan3A_117 : i32
      %scan3A_119 = arith.constant 1 : i32
      %scan3A_120 = scf.for %scan3A_137 = %scan3A_116 to %scan3A_118 step %scan3A_119 iter_args(%scan3A_138 = %scan3A_115) -> (i32)  : i32 {
        %mul3A_139 = arith.constant 0 : i32
        %mul3A_140 = vector.broadcast %mul3A_139 : i32 to vector<16xi32>
        %mul3A_141 = arith.muli %add3A_5, %mul3A_140 : vector<16xi32>
        %add3A_142 = vector.broadcast %scan3A_137 : i32 to vector<16xi32>
        %add3A_143 = arith.addi %mul3A_141, %add3A_142 : vector<16xi32>
        %gather3A = tpu.vector_load_idx %arg5[%add3A_5, %add3A_143] : memref<64x128xf32, #tpu.memory_space<vmem>>[vector<16xi32>, vector<16xi32>], vector<16xf32>,
        %shift_right_arithmetic3A = arith.constant 1 : i32
        %shift_right_arithmetic3A_144 = arith.shrsi %scan3A_137, %shift_right_arithmetic3A : i32
        %and3A = arith.constant 1 : i32
        %and3A_145 = arith.andi %scan3A_137, %and3A : i32
        %mul3A_146 = arith.constant 64 : i32
        %mul3A_147 = arith.muli %and3A_145, %mul3A_146 : i32
        %add3A_148 = arith.constant 0 : i32
        %add3A_149 = arith.addi %mul3A_147, %add3A_148 : i32
        %swap3A = arith.index_cast %shift_right_arithmetic3A_144 : i32 to index
        %swap3A_150 = arith.index_cast %add3A_149 : i32 to index
        %swap3A_151 = tpu.vector_load %arg7[%swap3A, %swap3A_150] {strides = array<i32>} : memref<64x128xf32, #tpu.memory_space<vmem>>, vector<16xf32>,
        tpu.vector_store %arg7[%swap3A, %swap3A_150], %gather3A {strides = array<i32>} : memref<64x128xf32, #tpu.memory_space<vmem>>, vector<16xf32>,
        %mul3A_152 = arith.constant 0 : i32
        %mul3A_153 = vector.broadcast %mul3A_152 : i32 to vector<16xi32>
        %mul3A_154 = arith.muli %add3A_5, %mul3A_153 : vector<16xi32>
        %add3A_155 = vector.broadcast %scan3A_137 : i32 to vector<16xi32>
        %add3A_156 = arith.addi %mul3A_154, %add3A_155 : vector<16xi32>
        %gather3A_157 = tpu.vector_load_idx %arg5[%add3A_9, %add3A_156] : memref<64x128xf32, #tpu.memory_space<vmem>>[vector<16xi32>, vector<16xi32>], vector<16xf32>,
        %shift_right_arithmetic3A_158 = arith.constant 1 : i32
        %shift_right_arithmetic3A_159 = arith.shrsi %scan3A_137, %shift_right_arithmetic3A_158 : i32
        %and3A_160 = arith.constant 1 : i32
        %and3A_161 = arith.andi %scan3A_137, %and3A_160 : i32
        %mul3A_162 = arith.constant 64 : i32
        %mul3A_163 = arith.muli %and3A_161, %mul3A_162 : i32
        %add3A_164 = arith.constant 16 : i32
        %add3A_165 = arith.addi %mul3A_163, %add3A_164 : i32
        %swap3A_166 = arith.index_cast %shift_right_arithmetic3A_159 : i32 to index
        %swap3A_167 = arith.index_cast %add3A_165 : i32 to index
        %swap3A_168 = tpu.vector_load %arg7[%swap3A_166, %swap3A_167] {strides = array<i32>} : memref<64x128xf32, #tpu.memory_space<vmem>>, vector<16xf32>,
        tpu.vector_store %arg7[%swap3A_166, %swap3A_167], %gather3A_157 {strides = array<i32>} : memref<64x128xf32, #tpu.memory_space<vmem>>, vector<16xf32>,
        %mul3A_169 = arith.constant 0 : i32
        %mul3A_170 = vector.broadcast %mul3A_169 : i32 to vector<16xi32>
        %mul3A_171 = arith.muli %add3A_5, %mul3A_170 : vector<16xi32>
        %add3A_172 = vector.broadcast %scan3A_137 : i32 to vector<16xi32>
        %add3A_173 = arith.addi %mul3A_171, %add3A_172 : vector<16xi32>
        %gather3A_174 = tpu.vector_load_idx %arg5[%add3A_13, %add3A_173] : memref<64x128xf32, #tpu.memory_space<vmem>>[vector<16xi32>, vector<16xi32>], vector<16xf32>,
        %shift_right_arithmetic3A_175 = arith.constant 1 : i32
        %shift_right_arithmetic3A_176 = arith.shrsi %scan3A_137, %shift_right_arithmetic3A_175 : i32
        %and3A_177 = arith.constant 1 : i32
        %and3A_178 = arith.andi %scan3A_137, %and3A_177 : i32
        %mul3A_179 = arith.constant 64 : i32
        %mul3A_180 = arith.muli %and3A_178, %mul3A_179 : i32
        %add3A_181 = arith.constant 32 : i32
        %add3A_182 = arith.addi %mul3A_180, %add3A_181 : i32
        %swap3A_183 = arith.index_cast %shift_right_arithmetic3A_176 : i32 to index
        %swap3A_184 = arith.index_cast %add3A_182 : i32 to index
        %swap3A_185 = tpu.vector_load %arg7[%swap3A_183, %swap3A_184] {strides = array<i32>} : memref<64x128xf32, #tpu.memory_space<vmem>>, vector<16xf32>,
        tpu.vector_store %arg7[%swap3A_183, %swap3A_184], %gather3A_174 {strides = array<i32>} : memref<64x128xf32, #tpu.memory_space<vmem>>, vector<16xf32>,
        %mul3A_186 = arith.constant 0 : i32
        %mul3A_187 = vector.broadcast %mul3A_186 : i32 to vector<16xi32>
        %mul3A_188 = arith.muli %add3A_5, %mul3A_187 : vector<16xi32>
        %add3A_189 = vector.broadcast %scan3A_137 : i32 to vector<16xi32>
        %add3A_190 = arith.addi %mul3A_188, %add3A_189 : vector<16xi32>
        %gather3A_191 = tpu.vector_load_idx %arg5[%add3A_17, %add3A_190] : memref<64x128xf32, #tpu.memory_space<vmem>>[vector<16xi32>, vector<16xi32>], vector<16xf32>,
        %shift_right_arithmetic3A_192 = arith.constant 1 : i32
        %shift_right_arithmetic3A_193 = arith.shrsi %scan3A_137, %shift_right_arithmetic3A_192 : i32
        %and3A_194 = arith.constant 1 : i32
        %and3A_195 = arith.andi %scan3A_137, %and3A_194 : i32
        %mul3A_196 = arith.constant 64 : i32
        %mul3A_197 = arith.muli %and3A_195, %mul3A_196 : i32
        %add3A_198 = arith.constant 48 : i32
        %add3A_199 = arith.addi %mul3A_197, %add3A_198 : i32
        %swap3A_200 = arith.index_cast %shift_right_arithmetic3A_193 : i32 to index
        %swap3A_201 = arith.index_cast %add3A_199 : i32 to index
        %swap3A_202 = tpu.vector_load %arg7[%swap3A_200, %swap3A_201] {strides = array<i32>} : memref<64x128xf32, #tpu.memory_space<vmem>>, vector<16xf32>,
        tpu.vector_store %arg7[%swap3A_200, %swap3A_201], %gather3A_191 {strides = array<i32>} : memref<64x128xf32, #tpu.memory_space<vmem>>, vector<16xf32>,
        %scan3A_203 = arith.constant 0 : i32
        scf.yield %scan3A_203 : i32
      }
      %scan3A_121 = arith.constant 128 : i32
      %add3A_122 = arith.addi %mul3A_2, %add3A_102 : i32
      %mul3A_123 = arith.constant 64 : i32
      %mul3A_124 = arith.muli %add3A_122, %mul3A_123 : i32
      %dma_start3A_125 = arith.constant 0 : i32
      %dma_start3A_126 = tpu.memref_slice %arg3[%mul3A_124, %dma_start3A_125] : memref<500000x128xf32, #tpu.memory_space<hbm>> -> memref<64x128xf32, #tpu.memory_space<hbm>>
      %dma_start3A_127 = arith.constant 0 : i32
      %dma_start3A_128 = tpu.memref_slice %arg3[%mul3A_124, %dma_start3A_127] : memref<500000x128xf32, #tpu.memory_space<hbm>> -> memref<64x128xf32, #tpu.memory_space<hbm>>
      tpu.enqueue_dma source(%arg7 : memref<64x128xf32, #tpu.memory_space<vmem>>) target(%dma_start3A_128 : memref<64x128xf32, #tpu.memory_space<hbm>>) target_semaphore(%arg11 : memref<!tpu.dma_semaphore, #tpu.memory_space<semaphore_mem>>)
      %add3A_129 = arith.constant 2 : i32
      %add3A_130 = arith.addi %add3A_102, %add3A_129 : i32
      %lt3A_131 = arith.constant 244 : i32
      %lt3A_132 = arith.cmpi slt, %add3A_130, %lt3A_131 : i32
      %convert_element_type3A_133 = arith.extui %lt3A_132 : i1 to i32
      %cond3A_134 = arith.constant 0 : i32
      %cond3A_135 = arith.cmpi ne, %convert_element_type3A_133, %cond3A_134 : i32
      scf.if %cond3A_135 {
        %add3A_137 = arith.addi %mul3A_2, %add3A_102 : i32
        %add3A_138 = arith.constant 2 : i32
        %add3A_139 = arith.addi %add3A_137, %add3A_138 : i32
        %mul3A_140 = arith.constant 128 : i32
        %mul3A_141 = arith.muli %add3A_139, %mul3A_140 : i32
        %dma_start3A_142 = arith.constant 0 : i32
        %dma_start3A_143 = tpu.memref_slice %arg2[%dma_start3A_142, %mul3A_141] : memref<64x1000000xf32, #tpu.memory_space<hbm>> -> memref<64x128xf32, #tpu.memory_space<hbm>>
        %dma_start3A_144 = arith.constant 0 : i32
        %dma_start3A_145 = tpu.memref_slice %arg2[%dma_start3A_144, %mul3A_141] : memref<64x1000000xf32, #tpu.memory_space<hbm>> -> memref<64x128xf32, #tpu.memory_space<hbm>>
        tpu.enqueue_dma source(%dma_start3A_145 : memref<64x128xf32, #tpu.memory_space<hbm>>) target(%arg5 : memref<64x128xf32, #tpu.memory_space<vmem>>) target_semaphore(%arg9 : memref<!tpu.dma_semaphore, #tpu.memory_space<semaphore_mem>>)
      } else {
      }
      %scan3A_136 = arith.constant 0 : i32
      scf.yield %scan3A_136 : i32
    }
    %scan3A_36 = arith.constant 122 : i32
    %add3A_37 = arith.constant 244 : i32
    %add3A_38 = arith.addi %mul3A_2, %add3A_37 : i32
    %sub3A = arith.constant 2 : i32
    %sub3A_39 = arith.subi %add3A_38, %sub3A : i32
    %add3A_40 = arith.constant 0 : i32
    %add3A_41 = arith.addi %sub3A_39, %add3A_40 : i32
    %mul3A_42 = arith.constant 64 : i32
    %mul3A_43 = arith.muli %add3A_41, %mul3A_42 : i32
    %dma_wait3A = arith.constant 0 : i32
    %dma_wait3A_44 = tpu.memref_slice %arg3[%mul3A_43, %dma_wait3A] : memref<500000x128xf32, #tpu.memory_space<hbm>> -> memref<64x128xf32, #tpu.memory_space<hbm>>
    %dma_wait3A_45 = arith.constant 0 : i32
    %dma_wait3A_46 = tpu.memref_slice %arg3[%mul3A_43, %dma_wait3A_45] : memref<500000x128xf32, #tpu.memory_space<hbm>> -> memref<64x128xf32, #tpu.memory_space<hbm>>
    tpu.wait_dma2 semaphore(%arg10 : memref<!tpu.dma_semaphore, #tpu.memory_space<semaphore_mem>>) src(%arg6 : memref<64x128xf32, #tpu.memory_space<vmem>>) dst(%dma_wait3A_46 : memref<64x128xf32, #tpu.memory_space<hbm>>)
    %add3A_47 = arith.constant 244 : i32
    %add3A_48 = arith.addi %mul3A_2, %add3A_47 : i32
    %sub3A_49 = arith.constant 2 : i32
    %sub3A_50 = arith.subi %add3A_48, %sub3A_49 : i32
    %add3A_51 = arith.constant 1 : i32
    %add3A_52 = arith.addi %sub3A_50, %add3A_51 : i32
    %mul3A_53 = arith.constant 64 : i32
    %mul3A_54 = arith.muli %add3A_52, %mul3A_53 : i32
    %dma_wait3A_55 = arith.constant 0 : i32
    %dma_wait3A_56 = tpu.memref_slice %arg3[%mul3A_54, %dma_wait3A_55] : memref<500000x128xf32, #tpu.memory_space<hbm>> -> memref<64x128xf32, #tpu.memory_space<hbm>>
    %dma_wait3A_57 = arith.constant 0 : i32
    %dma_wait3A_58 = tpu.memref_slice %arg3[%mul3A_54, %dma_wait3A_57] : memref<500000x128xf32, #tpu.memory_space<hbm>> -> memref<64x128xf32, #tpu.memory_space<hbm>>
    tpu.wait_dma2 semaphore(%arg11 : memref<!tpu.dma_semaphore, #tpu.memory_space<semaphore_mem>>) src(%arg7 : memref<64x128xf32, #tpu.memory_space<vmem>>) dst(%dma_wait3A_58 : memref<64x128xf32, #tpu.memory_space<hbm>>)
    %lt3A = arith.constant 4 : i32
    %lt3A_59 = arith.cmpi slt, %add3A, %lt3A : i32
    %convert_element_type3A = arith.extui %lt3A_59 : i1 to i32
    %cond3A = arith.constant 0 : i32
    %cond3A_60 = arith.cmpi ne, %convert_element_type3A, %cond3A : i32
    scf.if %cond3A_60 {
      %add3A_61 = arith.constant 7808 : i32
      %add3A_62 = arith.addi %add3A_61, %add3A : i32
      %mul3A_63 = arith.constant 128 : i32
      %mul3A_64 = arith.muli %add3A_62, %mul3A_63 : i32
      "tpu.region"() ({
        %run_scoped3A = tpu.sem_alloc : memref<!tpu.dma_semaphore, #tpu.memory_space<semaphore_mem>>
        %dma_start3A_74 = arith.constant 0 : i32
        %dma_start3A_75 = tpu.memref_slice %arg2[%dma_start3A_74, %mul3A_64] : memref<64x1000000xf32, #tpu.memory_space<hbm>> -> memref<64x128xf32, #tpu.memory_space<hbm>>
        %dma_start3A_76 = arith.constant 0 : i32
        %dma_start3A_77 = tpu.memref_slice %arg2[%dma_start3A_76, %mul3A_64] : memref<64x1000000xf32, #tpu.memory_space<hbm>> -> memref<64x128xf32, #tpu.memory_space<hbm>>
        tpu.enqueue_dma source(%dma_start3A_77 : memref<64x128xf32, #tpu.memory_space<hbm>>) target(%arg4 : memref<64x128xf32, #tpu.memory_space<vmem>>) target_semaphore(%run_scoped3A : memref<!tpu.dma_semaphore, #tpu.memory_space<semaphore_mem>>)
        %dma_wait3A_78 = arith.constant 0 : i32
        %dma_wait3A_79 = tpu.memref_slice %arg2[%dma_wait3A_78, %mul3A_64] : memref<64x1000000xf32, #tpu.memory_space<hbm>> -> memref<64x128xf32, #tpu.memory_space<hbm>>
        %dma_wait3A_80 = arith.constant 0 : i32
        %dma_wait3A_81 = tpu.memref_slice %arg2[%dma_wait3A_80, %mul3A_64] : memref<64x1000000xf32, #tpu.memory_space<hbm>> -> memref<64x128xf32, #tpu.memory_space<hbm>>
        tpu.wait_dma2 semaphore(%run_scoped3A : memref<!tpu.dma_semaphore, #tpu.memory_space<semaphore_mem>>) src(%dma_wait3A_81 : memref<64x128xf32, #tpu.memory_space<hbm>>) dst(%arg4 : memref<64x128xf32, #tpu.memory_space<vmem>>)
        tpu.yield
      }) : () -> ()
      %scan3A_65 = arith.constant 0 : i32
      %scan3A_66 = arith.constant 0 : i32
      %scan3A_67 = arith.constant 128 : i32
      %scan3A_68 = arith.addi %scan3A_66, %scan3A_67 : i32
      %scan3A_69 = arith.constant 1 : i32
      %scan3A_70 = scf.for %scan3A_74 = %scan3A_66 to %scan3A_68 step %scan3A_69 iter_args(%scan3A_75 = %scan3A_65) -> (i32)  : i32 {
        %mul3A_76 = arith.constant 0 : i32
        %mul3A_77 = vector.broadcast %mul3A_76 : i32 to vector<16xi32>
        %mul3A_78 = arith.muli %add3A_5, %mul3A_77 : vector<16xi32>
        %add3A_79 = vector.broadcast %scan3A_74 : i32 to vector<16xi32>
        %add3A_80 = arith.addi %mul3A_78, %add3A_79 : vector<16xi32>
        %gather3A = tpu.vector_load_idx %arg4[%add3A_5, %add3A_80] : memref<64x128xf32, #tpu.memory_space<vmem>>[vector<16xi32>, vector<16xi32>], vector<16xf32>,
        %shift_right_arithmetic3A = arith.constant 1 : i32
        %shift_right_arithmetic3A_81 = arith.shrsi %scan3A_74, %shift_right_arithmetic3A : i32
        %and3A = arith.constant 1 : i32
        %and3A_82 = arith.andi %scan3A_74, %and3A : i32
        %mul3A_83 = arith.constant 64 : i32
        %mul3A_84 = arith.muli %and3A_82, %mul3A_83 : i32
        %add3A_85 = arith.constant 0 : i32
        %add3A_86 = arith.addi %mul3A_84, %add3A_85 : i32
        %swap3A = arith.index_cast %shift_right_arithmetic3A_81 : i32 to index
        %swap3A_87 = arith.index_cast %add3A_86 : i32 to index
        %swap3A_88 = tpu.vector_load %arg6[%swap3A, %swap3A_87] {strides = array<i32>} : memref<64x128xf32, #tpu.memory_space<vmem>>, vector<16xf32>,
        tpu.vector_store %arg6[%swap3A, %swap3A_87], %gather3A {strides = array<i32>} : memref<64x128xf32, #tpu.memory_space<vmem>>, vector<16xf32>,
        %mul3A_89 = arith.constant 0 : i32
        %mul3A_90 = vector.broadcast %mul3A_89 : i32 to vector<16xi32>
        %mul3A_91 = arith.muli %add3A_5, %mul3A_90 : vector<16xi32>
        %add3A_92 = vector.broadcast %scan3A_74 : i32 to vector<16xi32>
        %add3A_93 = arith.addi %mul3A_91, %add3A_92 : vector<16xi32>
        %gather3A_94 = tpu.vector_load_idx %arg4[%add3A_9, %add3A_93] : memref<64x128xf32, #tpu.memory_space<vmem>>[vector<16xi32>, vector<16xi32>], vector<16xf32>,
        %shift_right_arithmetic3A_95 = arith.constant 1 : i32
        %shift_right_arithmetic3A_96 = arith.shrsi %scan3A_74, %shift_right_arithmetic3A_95 : i32
        %and3A_97 = arith.constant 1 : i32
        %and3A_98 = arith.andi %scan3A_74, %and3A_97 : i32
        %mul3A_99 = arith.constant 64 : i32
        %mul3A_100 = arith.muli %and3A_98, %mul3A_99 : i32
        %add3A_101 = arith.constant 16 : i32
        %add3A_102 = arith.addi %mul3A_100, %add3A_101 : i32
        %swap3A_103 = arith.index_cast %shift_right_arithmetic3A_96 : i32 to index
        %swap3A_104 = arith.index_cast %add3A_102 : i32 to index
        %swap3A_105 = tpu.vector_load %arg6[%swap3A_103, %swap3A_104] {strides = array<i32>} : memref<64x128xf32, #tpu.memory_space<vmem>>, vector<16xf32>,
        tpu.vector_store %arg6[%swap3A_103, %swap3A_104], %gather3A_94 {strides = array<i32>} : memref<64x128xf32, #tpu.memory_space<vmem>>, vector<16xf32>,
        %mul3A_106 = arith.constant 0 : i32
        %mul3A_107 = vector.broadcast %mul3A_106 : i32 to vector<16xi32>
        %mul3A_108 = arith.muli %add3A_5, %mul3A_107 : vector<16xi32>
        %add3A_109 = vector.broadcast %scan3A_74 : i32 to vector<16xi32>
        %add3A_110 = arith.addi %mul3A_108, %add3A_109 : vector<16xi32>
        %gather3A_111 = tpu.vector_load_idx %arg4[%add3A_13, %add3A_110] : memref<64x128xf32, #tpu.memory_space<vmem>>[vector<16xi32>, vector<16xi32>], vector<16xf32>,
        %shift_right_arithmetic3A_112 = arith.constant 1 : i32
        %shift_right_arithmetic3A_113 = arith.shrsi %scan3A_74, %shift_right_arithmetic3A_112 : i32
        %and3A_114 = arith.constant 1 : i32
        %and3A_115 = arith.andi %scan3A_74, %and3A_114 : i32
        %mul3A_116 = arith.constant 64 : i32
        %mul3A_117 = arith.muli %and3A_115, %mul3A_116 : i32
        %add3A_118 = arith.constant 32 : i32
        %add3A_119 = arith.addi %mul3A_117, %add3A_118 : i32
        %swap3A_120 = arith.index_cast %shift_right_arithmetic3A_113 : i32 to index
        %swap3A_121 = arith.index_cast %add3A_119 : i32 to index
        %swap3A_122 = tpu.vector_load %arg6[%swap3A_120, %swap3A_121] {strides = array<i32>} : memref<64x128xf32, #tpu.memory_space<vmem>>, vector<16xf32>,
        tpu.vector_store %arg6[%swap3A_120, %swap3A_121], %gather3A_111 {strides = array<i32>} : memref<64x128xf32, #tpu.memory_space<vmem>>, vector<16xf32>,
        %mul3A_123 = arith.constant 0 : i32
        %mul3A_124 = vector.broadcast %mul3A_123 : i32 to vector<16xi32>
        %mul3A_125 = arith.muli %add3A_5, %mul3A_124 : vector<16xi32>
        %add3A_126 = vector.broadcast %scan3A_74 : i32 to vector<16xi32>
        %add3A_127 = arith.addi %mul3A_125, %add3A_126 : vector<16xi32>
        %gather3A_128 = tpu.vector_load_idx %arg4[%add3A_17, %add3A_127] : memref<64x128xf32, #tpu.memory_space<vmem>>[vector<16xi32>, vector<16xi32>], vector<16xf32>,
        %shift_right_arithmetic3A_129 = arith.constant 1 : i32
        %shift_right_arithmetic3A_130 = arith.shrsi %scan3A_74, %shift_right_arithmetic3A_129 : i32
        %and3A_131 = arith.constant 1 : i32
        %and3A_132 = arith.andi %scan3A_74, %and3A_131 : i32
        %mul3A_133 = arith.constant 64 : i32
        %mul3A_134 = arith.muli %and3A_132, %mul3A_133 : i32
        %add3A_135 = arith.constant 48 : i32
        %add3A_136 = arith.addi %mul3A_134, %add3A_135 : i32
        %swap3A_137 = arith.index_cast %shift_right_arithmetic3A_130 : i32 to index
        %swap3A_138 = arith.index_cast %add3A_136 : i32 to index
        %swap3A_139 = tpu.vector_load %arg6[%swap3A_137, %swap3A_138] {strides = array<i32>} : memref<64x128xf32, #tpu.memory_space<vmem>>, vector<16xf32>,
        tpu.vector_store %arg6[%swap3A_137, %swap3A_138], %gather3A_128 {strides = array<i32>} : memref<64x128xf32, #tpu.memory_space<vmem>>, vector<16xf32>,
        %scan3A_140 = arith.constant 0 : i32
        scf.yield %scan3A_140 : i32
      }
      %scan3A_71 = arith.constant 128 : i32
      %mul3A_72 = arith.constant 64 : i32
      %mul3A_73 = arith.muli %add3A_62, %mul3A_72 : i32
      "tpu.region"() ({
        %run_scoped3A = tpu.sem_alloc : memref<!tpu.dma_semaphore, #tpu.memory_space<semaphore_mem>>
        %dma_start3A_74 = arith.constant 0 : i32
        %dma_start3A_75 = tpu.memref_slice %arg3[%mul3A_73, %dma_start3A_74] : memref<500000x128xf32, #tpu.memory_space<hbm>> -> memref<64x128xf32, #tpu.memory_space<hbm>>
        %dma_start3A_76 = arith.constant 0 : i32
        %dma_start3A_77 = tpu.memref_slice %arg3[%mul3A_73, %dma_start3A_76] : memref<500000x128xf32, #tpu.memory_space<hbm>> -> memref<64x128xf32, #tpu.memory_space<hbm>>
        tpu.enqueue_dma source(%arg6 : memref<64x128xf32, #tpu.memory_space<vmem>>) target(%dma_start3A_77 : memref<64x128xf32, #tpu.memory_space<hbm>>) target_semaphore(%run_scoped3A : memref<!tpu.dma_semaphore, #tpu.memory_space<semaphore_mem>>)
        %dma_wait3A_78 = arith.constant 0 : i32
        %dma_wait3A_79 = tpu.memref_slice %arg3[%mul3A_73, %dma_wait3A_78] : memref<500000x128xf32, #tpu.memory_space<hbm>> -> memref<64x128xf32, #tpu.memory_space<hbm>>
        %dma_wait3A_80 = arith.constant 0 : i32
        %dma_wait3A_81 = tpu.memref_slice %arg3[%mul3A_73, %dma_wait3A_80] : memref<500000x128xf32, #tpu.memory_space<hbm>> -> memref<64x128xf32, #tpu.memory_space<hbm>>
        tpu.wait_dma2 semaphore(%run_scoped3A : memref<!tpu.dma_semaphore, #tpu.memory_space<semaphore_mem>>) src(%arg6 : memref<64x128xf32, #tpu.memory_space<vmem>>) dst(%dma_wait3A_81 : memref<64x128xf32, #tpu.memory_space<hbm>>)
        tpu.yield
      }) : () -> ()
    } else {
    }
    return
  }
}

#map = affine_map<(d0, d1) -> (0)>
#map1 = affine_map<(d0, d1) -> (0, 0)>
#map2 = affine_map<(d0, d1) -> (0, 0, 0)>
module attributes {stable_mosaic.version = 14 : i64} {
  func.func @_gather_kernel(%arg0: i32, %arg1: i32, %arg2: memref<819200xi32, #tpu.memory_space<hbm>>, %arg3: memref<1000000x64xf32, #tpu.memory_space<hbm>>, %arg4: memref<16384x50x64xf32, #tpu.memory_space<hbm>>, %arg5: memref<25600xi32, #tpu.memory_space<vmem>>, %arg6: memref<400x64xf32, #tpu.memory_space<vmem>>, %arg7: memref<400x64xf32, #tpu.memory_space<vmem>>, %arg8: memref<400x64xf32, #tpu.memory_space<vmem>>, %arg9: memref<400x64xf32, #tpu.memory_space<vmem>>, %arg10: memref<!tpu.dma_semaphore, #tpu.memory_space<semaphore_mem>>, %arg11: memref<!tpu.dma_semaphore, #tpu.memory_space<semaphore_mem>>, %arg12: memref<!tpu.dma_semaphore, #tpu.memory_space<semaphore_mem>>, %arg13: memref<!tpu.dma_semaphore, #tpu.memory_space<semaphore_mem>>, %arg14: memref<!tpu.dma_semaphore, #tpu.memory_space<semaphore_mem>>, %arg15: memref<!tpu.dma_semaphore, #tpu.memory_space<semaphore_mem>>, %arg16: memref<!tpu.dma_semaphore, #tpu.memory_space<semaphore_mem>>, %arg17: memref<!tpu.dma_semaphore, #tpu.memory_space<semaphore_mem>>) attributes {dimension_semantics = [#tpu.dimension_semantics<core_parallel>, #tpu.dimension_semantics<subcore_parallel>], iteration_bounds = array<i64: 2, 16>, scalar_prefetch = 0 : i64, scratch_operands = 13 : i64, tpu.core_type = #tpu.core_type<sc_vector_subcore>, window_params = [{transform_indices = #map}, {transform_indices = #map1}, {transform_indices = #map2}]} {
    %mul3A = arith.constant 2 : i32
    %mul3A_0 = arith.muli %arg1, %mul3A : i32
    %add3A = arith.addi %mul3A_0, %arg0 : i32
    %mul3A_1 = arith.constant 25600 : i32
    %mul3A_2 = arith.muli %add3A, %mul3A_1 : i32
    %mul3A_3 = arith.constant 512 : i32
    %mul3A_4 = arith.muli %add3A, %mul3A_3 : i32
    "tpu.region"() ({
      %run_scoped3A = tpu.sem_alloc : memref<!tpu.dma_semaphore, #tpu.memory_space<semaphore_mem>>
      %dma_start3A_1417 = tpu.memref_slice %arg2[%mul3A_2] : memref<819200xi32, #tpu.memory_space<hbm>> -> memref<25600xi32, #tpu.memory_space<hbm>>
      %dma_start3A_1418 = tpu.memref_slice %arg2[%mul3A_2] : memref<819200xi32, #tpu.memory_space<hbm>> -> memref<25600xi32, #tpu.memory_space<hbm>>
      tpu.enqueue_dma source(%dma_start3A_1418 : memref<25600xi32, #tpu.memory_space<hbm>>) target(%arg5 : memref<25600xi32, #tpu.memory_space<vmem>>) target_semaphore(%run_scoped3A : memref<!tpu.dma_semaphore, #tpu.memory_space<semaphore_mem>>)
      %dma_wait3A_1419 = tpu.memref_slice %arg2[%mul3A_2] : memref<819200xi32, #tpu.memory_space<hbm>> -> memref<25600xi32, #tpu.memory_space<hbm>>
      %dma_wait3A_1420 = tpu.memref_slice %arg2[%mul3A_2] : memref<819200xi32, #tpu.memory_space<hbm>> -> memref<25600xi32, #tpu.memory_space<hbm>>
      tpu.wait_dma2 semaphore(%run_scoped3A : memref<!tpu.dma_semaphore, #tpu.memory_space<semaphore_mem>>) src(%dma_wait3A_1420 : memref<25600xi32, #tpu.memory_space<hbm>>) dst(%arg5 : memref<25600xi32, #tpu.memory_space<vmem>>)
      tpu.yield
    }) : () -> ()
    %dma_start3A = arith.constant 0 : i32
    %dma_start3A_5 = arith.constant 0 : i32
    %dma_start3A_6 = tpu.memref_slice %arg6[%dma_start3A, %dma_start3A_5] : memref<400x64xf32, #tpu.memory_space<vmem>> -> memref<128x64xf32, #tpu.memory_space<vmem>>
    %dma_start3A_7 = arith.constant 0 : i32
    %dma_start3A_8 = tpu.memref_slice %arg5[%dma_start3A_7] : memref<25600xi32, #tpu.memory_space<vmem>> -> memref<128xi32, #tpu.memory_space<vmem>>
    %dma_start3A_9 = arith.constant 0 : i32
    %dma_start3A_10 = arith.constant 0 : i32
    %dma_start3A_11 = tpu.memref_slice %arg3[%dma_start3A_9, %dma_start3A_10] : memref<1000000x64xf32, #tpu.memory_space<hbm>> -> memref<1000000x64xf32, #tpu.memory_space<hbm>>
    tpu.enqueue_indirect_dma source(%dma_start3A_11 : memref<1000000x64xf32, #tpu.memory_space<hbm>>) target(%dma_start3A_6 : memref<128x64xf32, #tpu.memory_space<vmem>>) offsets(%dma_start3A_8 : memref<128xi32, #tpu.memory_space<vmem>>) semaphore(%arg10 : memref<!tpu.dma_semaphore, #tpu.memory_space<semaphore_mem>>)
    %dma_start3A_12 = arith.constant 128 : i32
    %dma_start3A_13 = arith.constant 0 : i32
    %dma_start3A_14 = tpu.memref_slice %arg6[%dma_start3A_12, %dma_start3A_13] : memref<400x64xf32, #tpu.memory_space<vmem>> -> memref<128x64xf32, #tpu.memory_space<vmem>>
    %dma_start3A_15 = arith.constant 128 : i32
    %dma_start3A_16 = tpu.memref_slice %arg5[%dma_start3A_15] : memref<25600xi32, #tpu.memory_space<vmem>> -> memref<128xi32, #tpu.memory_space<vmem>>
    %dma_start3A_17 = arith.constant 0 : i32
    %dma_start3A_18 = arith.constant 0 : i32
    %dma_start3A_19 = tpu.memref_slice %arg3[%dma_start3A_17, %dma_start3A_18] : memref<1000000x64xf32, #tpu.memory_space<hbm>> -> memref<1000000x64xf32, #tpu.memory_space<hbm>>
    tpu.enqueue_indirect_dma source(%dma_start3A_19 : memref<1000000x64xf32, #tpu.memory_space<hbm>>) target(%dma_start3A_14 : memref<128x64xf32, #tpu.memory_space<vmem>>) offsets(%dma_start3A_16 : memref<128xi32, #tpu.memory_space<vmem>>) semaphore(%arg10 : memref<!tpu.dma_semaphore, #tpu.memory_space<semaphore_mem>>)
    %dma_start3A_20 = arith.constant 256 : i32
    %dma_start3A_21 = arith.constant 0 : i32
    %dma_start3A_22 = tpu.memref_slice %arg6[%dma_start3A_20, %dma_start3A_21] : memref<400x64xf32, #tpu.memory_space<vmem>> -> memref<128x64xf32, #tpu.memory_space<vmem>>
    %dma_start3A_23 = arith.constant 256 : i32
    %dma_start3A_24 = tpu.memref_slice %arg5[%dma_start3A_23] : memref<25600xi32, #tpu.memory_space<vmem>> -> memref<128xi32, #tpu.memory_space<vmem>>
    %dma_start3A_25 = arith.constant 0 : i32
    %dma_start3A_26 = arith.constant 0 : i32
    %dma_start3A_27 = tpu.memref_slice %arg3[%dma_start3A_25, %dma_start3A_26] : memref<1000000x64xf32, #tpu.memory_space<hbm>> -> memref<1000000x64xf32, #tpu.memory_space<hbm>>
    tpu.enqueue_indirect_dma source(%dma_start3A_27 : memref<1000000x64xf32, #tpu.memory_space<hbm>>) target(%dma_start3A_22 : memref<128x64xf32, #tpu.memory_space<vmem>>) offsets(%dma_start3A_24 : memref<128xi32, #tpu.memory_space<vmem>>) semaphore(%arg10 : memref<!tpu.dma_semaphore, #tpu.memory_space<semaphore_mem>>)
    %dma_start3A_28 = arith.constant 384 : i32
    %dma_start3A_29 = arith.constant 0 : i32
    %dma_start3A_30 = tpu.memref_slice %arg6[%dma_start3A_28, %dma_start3A_29] : memref<400x64xf32, #tpu.memory_space<vmem>> -> memref<16x64xf32, #tpu.memory_space<vmem>>
    %dma_start3A_31 = arith.constant 384 : i32
    %dma_start3A_32 = tpu.memref_slice %arg5[%dma_start3A_31] : memref<25600xi32, #tpu.memory_space<vmem>> -> memref<16xi32, #tpu.memory_space<vmem>>
    %dma_start3A_33 = arith.constant 0 : i32
    %dma_start3A_34 = arith.constant 0 : i32
    %dma_start3A_35 = tpu.memref_slice %arg3[%dma_start3A_33, %dma_start3A_34] : memref<1000000x64xf32, #tpu.memory_space<hbm>> -> memref<1000000x64xf32, #tpu.memory_space<hbm>>
    tpu.enqueue_indirect_dma source(%dma_start3A_35 : memref<1000000x64xf32, #tpu.memory_space<hbm>>) target(%dma_start3A_30 : memref<16x64xf32, #tpu.memory_space<vmem>>) offsets(%dma_start3A_32 : memref<16xi32, #tpu.memory_space<vmem>>) semaphore(%arg10 : memref<!tpu.dma_semaphore, #tpu.memory_space<semaphore_mem>>)
    %dma_start3A_36 = arith.constant 0 : i32
    %dma_start3A_37 = arith.constant 0 : i32
    %dma_start3A_38 = tpu.memref_slice %arg7[%dma_start3A_36, %dma_start3A_37] : memref<400x64xf32, #tpu.memory_space<vmem>> -> memref<128x64xf32, #tpu.memory_space<vmem>>
    %dma_start3A_39 = arith.constant 400 : i32
    %dma_start3A_40 = tpu.memref_slice %arg5[%dma_start3A_39] : memref<25600xi32, #tpu.memory_space<vmem>> -> memref<128xi32, #tpu.memory_space<vmem>>
    %dma_start3A_41 = arith.constant 0 : i32
    %dma_start3A_42 = arith.constant 0 : i32
    %dma_start3A_43 = tpu.memref_slice %arg3[%dma_start3A_41, %dma_start3A_42] : memref<1000000x64xf32, #tpu.memory_space<hbm>> -> memref<1000000x64xf32, #tpu.memory_space<hbm>>
    tpu.enqueue_indirect_dma source(%dma_start3A_43 : memref<1000000x64xf32, #tpu.memory_space<hbm>>) target(%dma_start3A_38 : memref<128x64xf32, #tpu.memory_space<vmem>>) offsets(%dma_start3A_40 : memref<128xi32, #tpu.memory_space<vmem>>) semaphore(%arg11 : memref<!tpu.dma_semaphore, #tpu.memory_space<semaphore_mem>>)
    %dma_start3A_44 = arith.constant 128 : i32
    %dma_start3A_45 = arith.constant 0 : i32
    %dma_start3A_46 = tpu.memref_slice %arg7[%dma_start3A_44, %dma_start3A_45] : memref<400x64xf32, #tpu.memory_space<vmem>> -> memref<128x64xf32, #tpu.memory_space<vmem>>
    %dma_start3A_47 = arith.constant 528 : i32
    %dma_start3A_48 = tpu.memref_slice %arg5[%dma_start3A_47] : memref<25600xi32, #tpu.memory_space<vmem>> -> memref<128xi32, #tpu.memory_space<vmem>>
    %dma_start3A_49 = arith.constant 0 : i32
    %dma_start3A_50 = arith.constant 0 : i32
    %dma_start3A_51 = tpu.memref_slice %arg3[%dma_start3A_49, %dma_start3A_50] : memref<1000000x64xf32, #tpu.memory_space<hbm>> -> memref<1000000x64xf32, #tpu.memory_space<hbm>>
    tpu.enqueue_indirect_dma source(%dma_start3A_51 : memref<1000000x64xf32, #tpu.memory_space<hbm>>) target(%dma_start3A_46 : memref<128x64xf32, #tpu.memory_space<vmem>>) offsets(%dma_start3A_48 : memref<128xi32, #tpu.memory_space<vmem>>) semaphore(%arg11 : memref<!tpu.dma_semaphore, #tpu.memory_space<semaphore_mem>>)
    %dma_start3A_52 = arith.constant 256 : i32
    %dma_start3A_53 = arith.constant 0 : i32
    %dma_start3A_54 = tpu.memref_slice %arg7[%dma_start3A_52, %dma_start3A_53] : memref<400x64xf32, #tpu.memory_space<vmem>> -> memref<128x64xf32, #tpu.memory_space<vmem>>
    %dma_start3A_55 = arith.constant 656 : i32
    %dma_start3A_56 = tpu.memref_slice %arg5[%dma_start3A_55] : memref<25600xi32, #tpu.memory_space<vmem>> -> memref<128xi32, #tpu.memory_space<vmem>>
    %dma_start3A_57 = arith.constant 0 : i32
    %dma_start3A_58 = arith.constant 0 : i32
    %dma_start3A_59 = tpu.memref_slice %arg3[%dma_start3A_57, %dma_start3A_58] : memref<1000000x64xf32, #tpu.memory_space<hbm>> -> memref<1000000x64xf32, #tpu.memory_space<hbm>>
    tpu.enqueue_indirect_dma source(%dma_start3A_59 : memref<1000000x64xf32, #tpu.memory_space<hbm>>) target(%dma_start3A_54 : memref<128x64xf32, #tpu.memory_space<vmem>>) offsets(%dma_start3A_56 : memref<128xi32, #tpu.memory_space<vmem>>) semaphore(%arg11 : memref<!tpu.dma_semaphore, #tpu.memory_space<semaphore_mem>>)
    %dma_start3A_60 = arith.constant 384 : i32
    %dma_start3A_61 = arith.constant 0 : i32
    %dma_start3A_62 = tpu.memref_slice %arg7[%dma_start3A_60, %dma_start3A_61] : memref<400x64xf32, #tpu.memory_space<vmem>> -> memref<16x64xf32, #tpu.memory_space<vmem>>
    %dma_start3A_63 = arith.constant 784 : i32
    %dma_start3A_64 = tpu.memref_slice %arg5[%dma_start3A_63] : memref<25600xi32, #tpu.memory_space<vmem>> -> memref<16xi32, #tpu.memory_space<vmem>>
    %dma_start3A_65 = arith.constant 0 : i32
    %dma_start3A_66 = arith.constant 0 : i32
    %dma_start3A_67 = tpu.memref_slice %arg3[%dma_start3A_65, %dma_start3A_66] : memref<1000000x64xf32, #tpu.memory_space<hbm>> -> memref<1000000x64xf32, #tpu.memory_space<hbm>>
    tpu.enqueue_indirect_dma source(%dma_start3A_67 : memref<1000000x64xf32, #tpu.memory_space<hbm>>) target(%dma_start3A_62 : memref<16x64xf32, #tpu.memory_space<vmem>>) offsets(%dma_start3A_64 : memref<16xi32, #tpu.memory_space<vmem>>) semaphore(%arg11 : memref<!tpu.dma_semaphore, #tpu.memory_space<semaphore_mem>>)
    %dma_start3A_68 = arith.constant 0 : i32
    %dma_start3A_69 = arith.constant 0 : i32
    %dma_start3A_70 = tpu.memref_slice %arg8[%dma_start3A_68, %dma_start3A_69] : memref<400x64xf32, #tpu.memory_space<vmem>> -> memref<128x64xf32, #tpu.memory_space<vmem>>
    %dma_start3A_71 = arith.constant 800 : i32
    %dma_start3A_72 = tpu.memref_slice %arg5[%dma_start3A_71] : memref<25600xi32, #tpu.memory_space<vmem>> -> memref<128xi32, #tpu.memory_space<vmem>>
    %dma_start3A_73 = arith.constant 0 : i32
    %dma_start3A_74 = arith.constant 0 : i32
    %dma_start3A_75 = tpu.memref_slice %arg3[%dma_start3A_73, %dma_start3A_74] : memref<1000000x64xf32, #tpu.memory_space<hbm>> -> memref<1000000x64xf32, #tpu.memory_space<hbm>>
    tpu.enqueue_indirect_dma source(%dma_start3A_75 : memref<1000000x64xf32, #tpu.memory_space<hbm>>) target(%dma_start3A_70 : memref<128x64xf32, #tpu.memory_space<vmem>>) offsets(%dma_start3A_72 : memref<128xi32, #tpu.memory_space<vmem>>) semaphore(%arg12 : memref<!tpu.dma_semaphore, #tpu.memory_space<semaphore_mem>>)
    %dma_start3A_76 = arith.constant 128 : i32
    %dma_start3A_77 = arith.constant 0 : i32
    %dma_start3A_78 = tpu.memref_slice %arg8[%dma_start3A_76, %dma_start3A_77] : memref<400x64xf32, #tpu.memory_space<vmem>> -> memref<128x64xf32, #tpu.memory_space<vmem>>
    %dma_start3A_79 = arith.constant 928 : i32
    %dma_start3A_80 = tpu.memref_slice %arg5[%dma_start3A_79] : memref<25600xi32, #tpu.memory_space<vmem>> -> memref<128xi32, #tpu.memory_space<vmem>>
    %dma_start3A_81 = arith.constant 0 : i32
    %dma_start3A_82 = arith.constant 0 : i32
    %dma_start3A_83 = tpu.memref_slice %arg3[%dma_start3A_81, %dma_start3A_82] : memref<1000000x64xf32, #tpu.memory_space<hbm>> -> memref<1000000x64xf32, #tpu.memory_space<hbm>>
    tpu.enqueue_indirect_dma source(%dma_start3A_83 : memref<1000000x64xf32, #tpu.memory_space<hbm>>) target(%dma_start3A_78 : memref<128x64xf32, #tpu.memory_space<vmem>>) offsets(%dma_start3A_80 : memref<128xi32, #tpu.memory_space<vmem>>) semaphore(%arg12 : memref<!tpu.dma_semaphore, #tpu.memory_space<semaphore_mem>>)
    %dma_start3A_84 = arith.constant 256 : i32
    %dma_start3A_85 = arith.constant 0 : i32
    %dma_start3A_86 = tpu.memref_slice %arg8[%dma_start3A_84, %dma_start3A_85] : memref<400x64xf32, #tpu.memory_space<vmem>> -> memref<128x64xf32, #tpu.memory_space<vmem>>
    %dma_start3A_87 = arith.constant 1056 : i32
    %dma_start3A_88 = tpu.memref_slice %arg5[%dma_start3A_87] : memref<25600xi32, #tpu.memory_space<vmem>> -> memref<128xi32, #tpu.memory_space<vmem>>
    %dma_start3A_89 = arith.constant 0 : i32
    %dma_start3A_90 = arith.constant 0 : i32
    %dma_start3A_91 = tpu.memref_slice %arg3[%dma_start3A_89, %dma_start3A_90] : memref<1000000x64xf32, #tpu.memory_space<hbm>> -> memref<1000000x64xf32, #tpu.memory_space<hbm>>
    tpu.enqueue_indirect_dma source(%dma_start3A_91 : memref<1000000x64xf32, #tpu.memory_space<hbm>>) target(%dma_start3A_86 : memref<128x64xf32, #tpu.memory_space<vmem>>) offsets(%dma_start3A_88 : memref<128xi32, #tpu.memory_space<vmem>>) semaphore(%arg12 : memref<!tpu.dma_semaphore, #tpu.memory_space<semaphore_mem>>)
    %dma_start3A_92 = arith.constant 384 : i32
    %dma_start3A_93 = arith.constant 0 : i32
    %dma_start3A_94 = tpu.memref_slice %arg8[%dma_start3A_92, %dma_start3A_93] : memref<400x64xf32, #tpu.memory_space<vmem>> -> memref<16x64xf32, #tpu.memory_space<vmem>>
    %dma_start3A_95 = arith.constant 1184 : i32
    %dma_start3A_96 = tpu.memref_slice %arg5[%dma_start3A_95] : memref<25600xi32, #tpu.memory_space<vmem>> -> memref<16xi32, #tpu.memory_space<vmem>>
    %dma_start3A_97 = arith.constant 0 : i32
    %dma_start3A_98 = arith.constant 0 : i32
    %dma_start3A_99 = tpu.memref_slice %arg3[%dma_start3A_97, %dma_start3A_98] : memref<1000000x64xf32, #tpu.memory_space<hbm>> -> memref<1000000x64xf32, #tpu.memory_space<hbm>>
    tpu.enqueue_indirect_dma source(%dma_start3A_99 : memref<1000000x64xf32, #tpu.memory_space<hbm>>) target(%dma_start3A_94 : memref<16x64xf32, #tpu.memory_space<vmem>>) offsets(%dma_start3A_96 : memref<16xi32, #tpu.memory_space<vmem>>) semaphore(%arg12 : memref<!tpu.dma_semaphore, #tpu.memory_space<semaphore_mem>>)
    %dma_start3A_100 = arith.constant 0 : i32
    %dma_start3A_101 = arith.constant 0 : i32
    %dma_start3A_102 = tpu.memref_slice %arg9[%dma_start3A_100, %dma_start3A_101] : memref<400x64xf32, #tpu.memory_space<vmem>> -> memref<128x64xf32, #tpu.memory_space<vmem>>
    %dma_start3A_103 = arith.constant 1200 : i32
    %dma_start3A_104 = tpu.memref_slice %arg5[%dma_start3A_103] : memref<25600xi32, #tpu.memory_space<vmem>> -> memref<128xi32, #tpu.memory_space<vmem>>
    %dma_start3A_105 = arith.constant 0 : i32
    %dma_start3A_106 = arith.constant 0 : i32
    %dma_start3A_107 = tpu.memref_slice %arg3[%dma_start3A_105, %dma_start3A_106] : memref<1000000x64xf32, #tpu.memory_space<hbm>> -> memref<1000000x64xf32, #tpu.memory_space<hbm>>
    tpu.enqueue_indirect_dma source(%dma_start3A_107 : memref<1000000x64xf32, #tpu.memory_space<hbm>>) target(%dma_start3A_102 : memref<128x64xf32, #tpu.memory_space<vmem>>) offsets(%dma_start3A_104 : memref<128xi32, #tpu.memory_space<vmem>>) semaphore(%arg13 : memref<!tpu.dma_semaphore, #tpu.memory_space<semaphore_mem>>)
    %dma_start3A_108 = arith.constant 128 : i32
    %dma_start3A_109 = arith.constant 0 : i32
    %dma_start3A_110 = tpu.memref_slice %arg9[%dma_start3A_108, %dma_start3A_109] : memref<400x64xf32, #tpu.memory_space<vmem>> -> memref<128x64xf32, #tpu.memory_space<vmem>>
    %dma_start3A_111 = arith.constant 1328 : i32
    %dma_start3A_112 = tpu.memref_slice %arg5[%dma_start3A_111] : memref<25600xi32, #tpu.memory_space<vmem>> -> memref<128xi32, #tpu.memory_space<vmem>>
    %dma_start3A_113 = arith.constant 0 : i32
    %dma_start3A_114 = arith.constant 0 : i32
    %dma_start3A_115 = tpu.memref_slice %arg3[%dma_start3A_113, %dma_start3A_114] : memref<1000000x64xf32, #tpu.memory_space<hbm>> -> memref<1000000x64xf32, #tpu.memory_space<hbm>>
    tpu.enqueue_indirect_dma source(%dma_start3A_115 : memref<1000000x64xf32, #tpu.memory_space<hbm>>) target(%dma_start3A_110 : memref<128x64xf32, #tpu.memory_space<vmem>>) offsets(%dma_start3A_112 : memref<128xi32, #tpu.memory_space<vmem>>) semaphore(%arg13 : memref<!tpu.dma_semaphore, #tpu.memory_space<semaphore_mem>>)
    %dma_start3A_116 = arith.constant 256 : i32
    %dma_start3A_117 = arith.constant 0 : i32
    %dma_start3A_118 = tpu.memref_slice %arg9[%dma_start3A_116, %dma_start3A_117] : memref<400x64xf32, #tpu.memory_space<vmem>> -> memref<128x64xf32, #tpu.memory_space<vmem>>
    %dma_start3A_119 = arith.constant 1456 : i32
    %dma_start3A_120 = tpu.memref_slice %arg5[%dma_start3A_119] : memref<25600xi32, #tpu.memory_space<vmem>> -> memref<128xi32, #tpu.memory_space<vmem>>
    %dma_start3A_121 = arith.constant 0 : i32
    %dma_start3A_122 = arith.constant 0 : i32
    %dma_start3A_123 = tpu.memref_slice %arg3[%dma_start3A_121, %dma_start3A_122] : memref<1000000x64xf32, #tpu.memory_space<hbm>> -> memref<1000000x64xf32, #tpu.memory_space<hbm>>
    tpu.enqueue_indirect_dma source(%dma_start3A_123 : memref<1000000x64xf32, #tpu.memory_space<hbm>>) target(%dma_start3A_118 : memref<128x64xf32, #tpu.memory_space<vmem>>) offsets(%dma_start3A_120 : memref<128xi32, #tpu.memory_space<vmem>>) semaphore(%arg13 : memref<!tpu.dma_semaphore, #tpu.memory_space<semaphore_mem>>)
    %dma_start3A_124 = arith.constant 384 : i32
    %dma_start3A_125 = arith.constant 0 : i32
    %dma_start3A_126 = tpu.memref_slice %arg9[%dma_start3A_124, %dma_start3A_125] : memref<400x64xf32, #tpu.memory_space<vmem>> -> memref<16x64xf32, #tpu.memory_space<vmem>>
    %dma_start3A_127 = arith.constant 1584 : i32
    %dma_start3A_128 = tpu.memref_slice %arg5[%dma_start3A_127] : memref<25600xi32, #tpu.memory_space<vmem>> -> memref<16xi32, #tpu.memory_space<vmem>>
    %dma_start3A_129 = arith.constant 0 : i32
    %dma_start3A_130 = arith.constant 0 : i32
    %dma_start3A_131 = tpu.memref_slice %arg3[%dma_start3A_129, %dma_start3A_130] : memref<1000000x64xf32, #tpu.memory_space<hbm>> -> memref<1000000x64xf32, #tpu.memory_space<hbm>>
    tpu.enqueue_indirect_dma source(%dma_start3A_131 : memref<1000000x64xf32, #tpu.memory_space<hbm>>) target(%dma_start3A_126 : memref<16x64xf32, #tpu.memory_space<vmem>>) offsets(%dma_start3A_128 : memref<16xi32, #tpu.memory_space<vmem>>) semaphore(%arg13 : memref<!tpu.dma_semaphore, #tpu.memory_space<semaphore_mem>>)
    %dma_wait3A = arith.constant 0 : i32
    %dma_wait3A_132 = arith.constant 0 : i32
    %dma_wait3A_133 = tpu.memref_slice %arg6[%dma_wait3A, %dma_wait3A_132] : memref<400x64xf32, #tpu.memory_space<vmem>> -> memref<128x64xf32, #tpu.memory_space<vmem>>
    %dma_wait3A_134 = arith.constant 0 : i32
    %dma_wait3A_135 = tpu.memref_slice %arg5[%dma_wait3A_134] : memref<25600xi32, #tpu.memory_space<vmem>> -> memref<128xi32, #tpu.memory_space<vmem>>
    %dma_wait3A_136 = arith.constant 0 : i32
    %dma_wait3A_137 = arith.constant 0 : i32
    %dma_wait3A_138 = tpu.memref_slice %arg3[%dma_wait3A_136, %dma_wait3A_137] : memref<1000000x64xf32, #tpu.memory_space<hbm>> -> memref<1000000x64xf32, #tpu.memory_space<hbm>>
    tpu.wait_indirect_dma semaphore(%arg10 : memref<!tpu.dma_semaphore, #tpu.memory_space<semaphore_mem>>) src(%dma_wait3A_138 : memref<1000000x64xf32, #tpu.memory_space<hbm>>) dst(%dma_wait3A_133 : memref<128x64xf32, #tpu.memory_space<vmem>>)
    %dma_wait3A_139 = arith.constant 128 : i32
    %dma_wait3A_140 = arith.constant 0 : i32
    %dma_wait3A_141 = tpu.memref_slice %arg6[%dma_wait3A_139, %dma_wait3A_140] : memref<400x64xf32, #tpu.memory_space<vmem>> -> memref<128x64xf32, #tpu.memory_space<vmem>>
    %dma_wait3A_142 = arith.constant 128 : i32
    %dma_wait3A_143 = tpu.memref_slice %arg5[%dma_wait3A_142] : memref<25600xi32, #tpu.memory_space<vmem>> -> memref<128xi32, #tpu.memory_space<vmem>>
    %dma_wait3A_144 = arith.constant 0 : i32
    %dma_wait3A_145 = arith.constant 0 : i32
    %dma_wait3A_146 = tpu.memref_slice %arg3[%dma_wait3A_144, %dma_wait3A_145] : memref<1000000x64xf32, #tpu.memory_space<hbm>> -> memref<1000000x64xf32, #tpu.memory_space<hbm>>
    tpu.wait_indirect_dma semaphore(%arg10 : memref<!tpu.dma_semaphore, #tpu.memory_space<semaphore_mem>>) src(%dma_wait3A_146 : memref<1000000x64xf32, #tpu.memory_space<hbm>>) dst(%dma_wait3A_141 : memref<128x64xf32, #tpu.memory_space<vmem>>)
    %dma_wait3A_147 = arith.constant 256 : i32
    %dma_wait3A_148 = arith.constant 0 : i32
    %dma_wait3A_149 = tpu.memref_slice %arg6[%dma_wait3A_147, %dma_wait3A_148] : memref<400x64xf32, #tpu.memory_space<vmem>> -> memref<128x64xf32, #tpu.memory_space<vmem>>
    %dma_wait3A_150 = arith.constant 256 : i32
    %dma_wait3A_151 = tpu.memref_slice %arg5[%dma_wait3A_150] : memref<25600xi32, #tpu.memory_space<vmem>> -> memref<128xi32, #tpu.memory_space<vmem>>
    %dma_wait3A_152 = arith.constant 0 : i32
    %dma_wait3A_153 = arith.constant 0 : i32
    %dma_wait3A_154 = tpu.memref_slice %arg3[%dma_wait3A_152, %dma_wait3A_153] : memref<1000000x64xf32, #tpu.memory_space<hbm>> -> memref<1000000x64xf32, #tpu.memory_space<hbm>>
    tpu.wait_indirect_dma semaphore(%arg10 : memref<!tpu.dma_semaphore, #tpu.memory_space<semaphore_mem>>) src(%dma_wait3A_154 : memref<1000000x64xf32, #tpu.memory_space<hbm>>) dst(%dma_wait3A_149 : memref<128x64xf32, #tpu.memory_space<vmem>>)
    %dma_wait3A_155 = arith.constant 384 : i32
    %dma_wait3A_156 = arith.constant 0 : i32
    %dma_wait3A_157 = tpu.memref_slice %arg6[%dma_wait3A_155, %dma_wait3A_156] : memref<400x64xf32, #tpu.memory_space<vmem>> -> memref<16x64xf32, #tpu.memory_space<vmem>>
    %dma_wait3A_158 = arith.constant 384 : i32
    %dma_wait3A_159 = tpu.memref_slice %arg5[%dma_wait3A_158] : memref<25600xi32, #tpu.memory_space<vmem>> -> memref<16xi32, #tpu.memory_space<vmem>>
    %dma_wait3A_160 = arith.constant 0 : i32
    %dma_wait3A_161 = arith.constant 0 : i32
    %dma_wait3A_162 = tpu.memref_slice %arg3[%dma_wait3A_160, %dma_wait3A_161] : memref<1000000x64xf32, #tpu.memory_space<hbm>> -> memref<1000000x64xf32, #tpu.memory_space<hbm>>
    tpu.wait_indirect_dma semaphore(%arg10 : memref<!tpu.dma_semaphore, #tpu.memory_space<semaphore_mem>>) src(%dma_wait3A_162 : memref<1000000x64xf32, #tpu.memory_space<hbm>>) dst(%dma_wait3A_157 : memref<16x64xf32, #tpu.memory_space<vmem>>)
    %add3A_163 = arith.constant 0 : i32
    %add3A_164 = arith.addi %mul3A_4, %add3A_163 : i32
    %add3A_165 = arith.constant 0 : i32
    %add3A_166 = arith.addi %add3A_164, %add3A_165 : i32
    %dma_start3A_167 = arith.constant 0 : i32
    %dma_start3A_168 = arith.constant 0 : i32
    %dma_start3A_169 = tpu.memref_slice %arg6[%dma_start3A_167, %dma_start3A_168] : memref<400x64xf32, #tpu.memory_space<vmem>> -> memref<50x64xf32, #tpu.memory_space<vmem>>
    %dma_start3A_170 = arith.constant 0 : i32
    %dma_start3A_171 = arith.constant 0 : i32
    %dma_start3A_172 = tpu.memref_slice %arg4[%add3A_166, %dma_start3A_170, %dma_start3A_171] : memref<16384x50x64xf32, #tpu.memory_space<hbm>> -> memref<1x50x64xf32, #tpu.memory_space<hbm>>
    %dma_start3A_173 = tpu.memref_squeeze %dma_start3A_172 : memref<1x50x64xf32, #tpu.memory_space<hbm>> -> memref<50x64xf32, #tpu.memory_space<hbm>>
    %dma_start3A_174 = arith.constant 0 : i32
    %dma_start3A_175 = arith.constant 0 : i32
    %dma_start3A_176 = tpu.memref_slice %arg4[%add3A_166, %dma_start3A_174, %dma_start3A_175] : memref<16384x50x64xf32, #tpu.memory_space<hbm>> -> memref<1x50x64xf32, #tpu.memory_space<hbm>>
    %dma_start3A_177 = tpu.memref_squeeze %dma_start3A_176 : memref<1x50x64xf32, #tpu.memory_space<hbm>> -> memref<50x64xf32, #tpu.memory_space<hbm>>
    %dma_start3A_178 = arith.constant 0 : i32
    %dma_start3A_179 = arith.constant 0 : i32
    %dma_start3A_180 = tpu.memref_slice %arg6[%dma_start3A_178, %dma_start3A_179] : memref<400x64xf32, #tpu.memory_space<vmem>> -> memref<50x64xf32, #tpu.memory_space<vmem>>
    tpu.enqueue_dma source(%dma_start3A_180 : memref<50x64xf32, #tpu.memory_space<vmem>>) target(%dma_start3A_177 : memref<50x64xf32, #tpu.memory_space<hbm>>) target_semaphore(%arg14 : memref<!tpu.dma_semaphore, #tpu.memory_space<semaphore_mem>>)
    %add3A_181 = arith.constant 0 : i32
    %add3A_182 = arith.addi %mul3A_4, %add3A_181 : i32
    %add3A_183 = arith.constant 1 : i32
    %add3A_184 = arith.addi %add3A_182, %add3A_183 : i32
    %dma_start3A_185 = arith.constant 50 : i32
    %dma_start3A_186 = arith.constant 0 : i32
    %dma_start3A_187 = tpu.memref_slice %arg6[%dma_start3A_185, %dma_start3A_186] : memref<400x64xf32, #tpu.memory_space<vmem>> -> memref<50x64xf32, #tpu.memory_space<vmem>>
    %dma_start3A_188 = arith.constant 0 : i32
    %dma_start3A_189 = arith.constant 0 : i32
    %dma_start3A_190 = tpu.memref_slice %arg4[%add3A_184, %dma_start3A_188, %dma_start3A_189] : memref<16384x50x64xf32, #tpu.memory_space<hbm>> -> memref<1x50x64xf32, #tpu.memory_space<hbm>>
    %dma_start3A_191 = tpu.memref_squeeze %dma_start3A_190 : memref<1x50x64xf32, #tpu.memory_space<hbm>> -> memref<50x64xf32, #tpu.memory_space<hbm>>
    %dma_start3A_192 = arith.constant 0 : i32
    %dma_start3A_193 = arith.constant 0 : i32
    %dma_start3A_194 = tpu.memref_slice %arg4[%add3A_184, %dma_start3A_192, %dma_start3A_193] : memref<16384x50x64xf32, #tpu.memory_space<hbm>> -> memref<1x50x64xf32, #tpu.memory_space<hbm>>
    %dma_start3A_195 = tpu.memref_squeeze %dma_start3A_194 : memref<1x50x64xf32, #tpu.memory_space<hbm>> -> memref<50x64xf32, #tpu.memory_space<hbm>>
    %dma_start3A_196 = arith.constant 50 : i32
    %dma_start3A_197 = arith.constant 0 : i32
    %dma_start3A_198 = tpu.memref_slice %arg6[%dma_start3A_196, %dma_start3A_197] : memref<400x64xf32, #tpu.memory_space<vmem>> -> memref<50x64xf32, #tpu.memory_space<vmem>>
    tpu.enqueue_dma source(%dma_start3A_198 : memref<50x64xf32, #tpu.memory_space<vmem>>) target(%dma_start3A_195 : memref<50x64xf32, #tpu.memory_space<hbm>>) target_semaphore(%arg14 : memref<!tpu.dma_semaphore, #tpu.memory_space<semaphore_mem>>)
    %add3A_199 = arith.constant 0 : i32
    %add3A_200 = arith.addi %mul3A_4, %add3A_199 : i32
    %add3A_201 = arith.constant 2 : i32
    %add3A_202 = arith.addi %add3A_200, %add3A_201 : i32
    %dma_start3A_203 = arith.constant 100 : i32
    %dma_start3A_204 = arith.constant 0 : i32
    %dma_start3A_205 = tpu.memref_slice %arg6[%dma_start3A_203, %dma_start3A_204] : memref<400x64xf32, #tpu.memory_space<vmem>> -> memref<50x64xf32, #tpu.memory_space<vmem>>
    %dma_start3A_206 = arith.constant 0 : i32
    %dma_start3A_207 = arith.constant 0 : i32
    %dma_start3A_208 = tpu.memref_slice %arg4[%add3A_202, %dma_start3A_206, %dma_start3A_207] : memref<16384x50x64xf32, #tpu.memory_space<hbm>> -> memref<1x50x64xf32, #tpu.memory_space<hbm>>
    %dma_start3A_209 = tpu.memref_squeeze %dma_start3A_208 : memref<1x50x64xf32, #tpu.memory_space<hbm>> -> memref<50x64xf32, #tpu.memory_space<hbm>>
    %dma_start3A_210 = arith.constant 0 : i32
    %dma_start3A_211 = arith.constant 0 : i32
    %dma_start3A_212 = tpu.memref_slice %arg4[%add3A_202, %dma_start3A_210, %dma_start3A_211] : memref<16384x50x64xf32, #tpu.memory_space<hbm>> -> memref<1x50x64xf32, #tpu.memory_space<hbm>>
    %dma_start3A_213 = tpu.memref_squeeze %dma_start3A_212 : memref<1x50x64xf32, #tpu.memory_space<hbm>> -> memref<50x64xf32, #tpu.memory_space<hbm>>
    %dma_start3A_214 = arith.constant 100 : i32
    %dma_start3A_215 = arith.constant 0 : i32
    %dma_start3A_216 = tpu.memref_slice %arg6[%dma_start3A_214, %dma_start3A_215] : memref<400x64xf32, #tpu.memory_space<vmem>> -> memref<50x64xf32, #tpu.memory_space<vmem>>
    tpu.enqueue_dma source(%dma_start3A_216 : memref<50x64xf32, #tpu.memory_space<vmem>>) target(%dma_start3A_213 : memref<50x64xf32, #tpu.memory_space<hbm>>) target_semaphore(%arg14 : memref<!tpu.dma_semaphore, #tpu.memory_space<semaphore_mem>>)
    %add3A_217 = arith.constant 0 : i32
    %add3A_218 = arith.addi %mul3A_4, %add3A_217 : i32
    %add3A_219 = arith.constant 3 : i32
    %add3A_220 = arith.addi %add3A_218, %add3A_219 : i32
    %dma_start3A_221 = arith.constant 150 : i32
    %dma_start3A_222 = arith.constant 0 : i32
    %dma_start3A_223 = tpu.memref_slice %arg6[%dma_start3A_221, %dma_start3A_222] : memref<400x64xf32, #tpu.memory_space<vmem>> -> memref<50x64xf32, #tpu.memory_space<vmem>>
    %dma_start3A_224 = arith.constant 0 : i32
    %dma_start3A_225 = arith.constant 0 : i32
    %dma_start3A_226 = tpu.memref_slice %arg4[%add3A_220, %dma_start3A_224, %dma_start3A_225] : memref<16384x50x64xf32, #tpu.memory_space<hbm>> -> memref<1x50x64xf32, #tpu.memory_space<hbm>>
    %dma_start3A_227 = tpu.memref_squeeze %dma_start3A_226 : memref<1x50x64xf32, #tpu.memory_space<hbm>> -> memref<50x64xf32, #tpu.memory_space<hbm>>
    %dma_start3A_228 = arith.constant 0 : i32
    %dma_start3A_229 = arith.constant 0 : i32
    %dma_start3A_230 = tpu.memref_slice %arg4[%add3A_220, %dma_start3A_228, %dma_start3A_229] : memref<16384x50x64xf32, #tpu.memory_space<hbm>> -> memref<1x50x64xf32, #tpu.memory_space<hbm>>
    %dma_start3A_231 = tpu.memref_squeeze %dma_start3A_230 : memref<1x50x64xf32, #tpu.memory_space<hbm>> -> memref<50x64xf32, #tpu.memory_space<hbm>>
    %dma_start3A_232 = arith.constant 150 : i32
    %dma_start3A_233 = arith.constant 0 : i32
    %dma_start3A_234 = tpu.memref_slice %arg6[%dma_start3A_232, %dma_start3A_233] : memref<400x64xf32, #tpu.memory_space<vmem>> -> memref<50x64xf32, #tpu.memory_space<vmem>>
    tpu.enqueue_dma source(%dma_start3A_234 : memref<50x64xf32, #tpu.memory_space<vmem>>) target(%dma_start3A_231 : memref<50x64xf32, #tpu.memory_space<hbm>>) target_semaphore(%arg14 : memref<!tpu.dma_semaphore, #tpu.memory_space<semaphore_mem>>)
    %add3A_235 = arith.constant 0 : i32
    %add3A_236 = arith.addi %mul3A_4, %add3A_235 : i32
    %add3A_237 = arith.constant 4 : i32
    %add3A_238 = arith.addi %add3A_236, %add3A_237 : i32
    %dma_start3A_239 = arith.constant 200 : i32
    %dma_start3A_240 = arith.constant 0 : i32
    %dma_start3A_241 = tpu.memref_slice %arg6[%dma_start3A_239, %dma_start3A_240] : memref<400x64xf32, #tpu.memory_space<vmem>> -> memref<50x64xf32, #tpu.memory_space<vmem>>
    %dma_start3A_242 = arith.constant 0 : i32
    %dma_start3A_243 = arith.constant 0 : i32
    %dma_start3A_244 = tpu.memref_slice %arg4[%add3A_238, %dma_start3A_242, %dma_start3A_243] : memref<16384x50x64xf32, #tpu.memory_space<hbm>> -> memref<1x50x64xf32, #tpu.memory_space<hbm>>
    %dma_start3A_245 = tpu.memref_squeeze %dma_start3A_244 : memref<1x50x64xf32, #tpu.memory_space<hbm>> -> memref<50x64xf32, #tpu.memory_space<hbm>>
    %dma_start3A_246 = arith.constant 0 : i32
    %dma_start3A_247 = arith.constant 0 : i32
    %dma_start3A_248 = tpu.memref_slice %arg4[%add3A_238, %dma_start3A_246, %dma_start3A_247] : memref<16384x50x64xf32, #tpu.memory_space<hbm>> -> memref<1x50x64xf32, #tpu.memory_space<hbm>>
    %dma_start3A_249 = tpu.memref_squeeze %dma_start3A_248 : memref<1x50x64xf32, #tpu.memory_space<hbm>> -> memref<50x64xf32, #tpu.memory_space<hbm>>
    %dma_start3A_250 = arith.constant 200 : i32
    %dma_start3A_251 = arith.constant 0 : i32
    %dma_start3A_252 = tpu.memref_slice %arg6[%dma_start3A_250, %dma_start3A_251] : memref<400x64xf32, #tpu.memory_space<vmem>> -> memref<50x64xf32, #tpu.memory_space<vmem>>
    tpu.enqueue_dma source(%dma_start3A_252 : memref<50x64xf32, #tpu.memory_space<vmem>>) target(%dma_start3A_249 : memref<50x64xf32, #tpu.memory_space<hbm>>) target_semaphore(%arg14 : memref<!tpu.dma_semaphore, #tpu.memory_space<semaphore_mem>>)
    %add3A_253 = arith.constant 0 : i32
    %add3A_254 = arith.addi %mul3A_4, %add3A_253 : i32
    %add3A_255 = arith.constant 5 : i32
    %add3A_256 = arith.addi %add3A_254, %add3A_255 : i32
    %dma_start3A_257 = arith.constant 250 : i32
    %dma_start3A_258 = arith.constant 0 : i32
    %dma_start3A_259 = tpu.memref_slice %arg6[%dma_start3A_257, %dma_start3A_258] : memref<400x64xf32, #tpu.memory_space<vmem>> -> memref<50x64xf32, #tpu.memory_space<vmem>>
    %dma_start3A_260 = arith.constant 0 : i32
    %dma_start3A_261 = arith.constant 0 : i32
    %dma_start3A_262 = tpu.memref_slice %arg4[%add3A_256, %dma_start3A_260, %dma_start3A_261] : memref<16384x50x64xf32, #tpu.memory_space<hbm>> -> memref<1x50x64xf32, #tpu.memory_space<hbm>>
    %dma_start3A_263 = tpu.memref_squeeze %dma_start3A_262 : memref<1x50x64xf32, #tpu.memory_space<hbm>> -> memref<50x64xf32, #tpu.memory_space<hbm>>
    %dma_start3A_264 = arith.constant 0 : i32
    %dma_start3A_265 = arith.constant 0 : i32
    %dma_start3A_266 = tpu.memref_slice %arg4[%add3A_256, %dma_start3A_264, %dma_start3A_265] : memref<16384x50x64xf32, #tpu.memory_space<hbm>> -> memref<1x50x64xf32, #tpu.memory_space<hbm>>
    %dma_start3A_267 = tpu.memref_squeeze %dma_start3A_266 : memref<1x50x64xf32, #tpu.memory_space<hbm>> -> memref<50x64xf32, #tpu.memory_space<hbm>>
    %dma_start3A_268 = arith.constant 250 : i32
    %dma_start3A_269 = arith.constant 0 : i32
    %dma_start3A_270 = tpu.memref_slice %arg6[%dma_start3A_268, %dma_start3A_269] : memref<400x64xf32, #tpu.memory_space<vmem>> -> memref<50x64xf32, #tpu.memory_space<vmem>>
    tpu.enqueue_dma source(%dma_start3A_270 : memref<50x64xf32, #tpu.memory_space<vmem>>) target(%dma_start3A_267 : memref<50x64xf32, #tpu.memory_space<hbm>>) target_semaphore(%arg14 : memref<!tpu.dma_semaphore, #tpu.memory_space<semaphore_mem>>)
    %add3A_271 = arith.constant 0 : i32
    %add3A_272 = arith.addi %mul3A_4, %add3A_271 : i32
    %add3A_273 = arith.constant 6 : i32
    %add3A_274 = arith.addi %add3A_272, %add3A_273 : i32
    %dma_start3A_275 = arith.constant 300 : i32
    %dma_start3A_276 = arith.constant 0 : i32
    %dma_start3A_277 = tpu.memref_slice %arg6[%dma_start3A_275, %dma_start3A_276] : memref<400x64xf32, #tpu.memory_space<vmem>> -> memref<50x64xf32, #tpu.memory_space<vmem>>
    %dma_start3A_278 = arith.constant 0 : i32
    %dma_start3A_279 = arith.constant 0 : i32
    %dma_start3A_280 = tpu.memref_slice %arg4[%add3A_274, %dma_start3A_278, %dma_start3A_279] : memref<16384x50x64xf32, #tpu.memory_space<hbm>> -> memref<1x50x64xf32, #tpu.memory_space<hbm>>
    %dma_start3A_281 = tpu.memref_squeeze %dma_start3A_280 : memref<1x50x64xf32, #tpu.memory_space<hbm>> -> memref<50x64xf32, #tpu.memory_space<hbm>>
    %dma_start3A_282 = arith.constant 0 : i32
    %dma_start3A_283 = arith.constant 0 : i32
    %dma_start3A_284 = tpu.memref_slice %arg4[%add3A_274, %dma_start3A_282, %dma_start3A_283] : memref<16384x50x64xf32, #tpu.memory_space<hbm>> -> memref<1x50x64xf32, #tpu.memory_space<hbm>>
    %dma_start3A_285 = tpu.memref_squeeze %dma_start3A_284 : memref<1x50x64xf32, #tpu.memory_space<hbm>> -> memref<50x64xf32, #tpu.memory_space<hbm>>
    %dma_start3A_286 = arith.constant 300 : i32
    %dma_start3A_287 = arith.constant 0 : i32
    %dma_start3A_288 = tpu.memref_slice %arg6[%dma_start3A_286, %dma_start3A_287] : memref<400x64xf32, #tpu.memory_space<vmem>> -> memref<50x64xf32, #tpu.memory_space<vmem>>
    tpu.enqueue_dma source(%dma_start3A_288 : memref<50x64xf32, #tpu.memory_space<vmem>>) target(%dma_start3A_285 : memref<50x64xf32, #tpu.memory_space<hbm>>) target_semaphore(%arg14 : memref<!tpu.dma_semaphore, #tpu.memory_space<semaphore_mem>>)
    %add3A_289 = arith.constant 0 : i32
    %add3A_290 = arith.addi %mul3A_4, %add3A_289 : i32
    %add3A_291 = arith.constant 7 : i32
    %add3A_292 = arith.addi %add3A_290, %add3A_291 : i32
    %dma_start3A_293 = arith.constant 350 : i32
    %dma_start3A_294 = arith.constant 0 : i32
    %dma_start3A_295 = tpu.memref_slice %arg6[%dma_start3A_293, %dma_start3A_294] : memref<400x64xf32, #tpu.memory_space<vmem>> -> memref<50x64xf32, #tpu.memory_space<vmem>>
    %dma_start3A_296 = arith.constant 0 : i32
    %dma_start3A_297 = arith.constant 0 : i32
    %dma_start3A_298 = tpu.memref_slice %arg4[%add3A_292, %dma_start3A_296, %dma_start3A_297] : memref<16384x50x64xf32, #tpu.memory_space<hbm>> -> memref<1x50x64xf32, #tpu.memory_space<hbm>>
    %dma_start3A_299 = tpu.memref_squeeze %dma_start3A_298 : memref<1x50x64xf32, #tpu.memory_space<hbm>> -> memref<50x64xf32, #tpu.memory_space<hbm>>
    %dma_start3A_300 = arith.constant 0 : i32
    %dma_start3A_301 = arith.constant 0 : i32
    %dma_start3A_302 = tpu.memref_slice %arg4[%add3A_292, %dma_start3A_300, %dma_start3A_301] : memref<16384x50x64xf32, #tpu.memory_space<hbm>> -> memref<1x50x64xf32, #tpu.memory_space<hbm>>
    %dma_start3A_303 = tpu.memref_squeeze %dma_start3A_302 : memref<1x50x64xf32, #tpu.memory_space<hbm>> -> memref<50x64xf32, #tpu.memory_space<hbm>>
    %dma_start3A_304 = arith.constant 350 : i32
    %dma_start3A_305 = arith.constant 0 : i32
    %dma_start3A_306 = tpu.memref_slice %arg6[%dma_start3A_304, %dma_start3A_305] : memref<400x64xf32, #tpu.memory_space<vmem>> -> memref<50x64xf32, #tpu.memory_space<vmem>>
    tpu.enqueue_dma source(%dma_start3A_306 : memref<50x64xf32, #tpu.memory_space<vmem>>) target(%dma_start3A_303 : memref<50x64xf32, #tpu.memory_space<hbm>>) target_semaphore(%arg14 : memref<!tpu.dma_semaphore, #tpu.memory_space<semaphore_mem>>)
    %dma_wait3A_307 = arith.constant 0 : i32
    %dma_wait3A_308 = arith.constant 0 : i32
    %dma_wait3A_309 = tpu.memref_slice %arg7[%dma_wait3A_307, %dma_wait3A_308] : memref<400x64xf32, #tpu.memory_space<vmem>> -> memref<128x64xf32, #tpu.memory_space<vmem>>
    %dma_wait3A_310 = arith.constant 400 : i32
    %dma_wait3A_311 = tpu.memref_slice %arg5[%dma_wait3A_310] : memref<25600xi32, #tpu.memory_space<vmem>> -> memref<128xi32, #tpu.memory_space<vmem>>
    %dma_wait3A_312 = arith.constant 0 : i32
    %dma_wait3A_313 = arith.constant 0 : i32
    %dma_wait3A_314 = tpu.memref_slice %arg3[%dma_wait3A_312, %dma_wait3A_313] : memref<1000000x64xf32, #tpu.memory_space<hbm>> -> memref<1000000x64xf32, #tpu.memory_space<hbm>>
    tpu.wait_indirect_dma semaphore(%arg11 : memref<!tpu.dma_semaphore, #tpu.memory_space<semaphore_mem>>) src(%dma_wait3A_314 : memref<1000000x64xf32, #tpu.memory_space<hbm>>) dst(%dma_wait3A_309 : memref<128x64xf32, #tpu.memory_space<vmem>>)
    %dma_wait3A_315 = arith.constant 128 : i32
    %dma_wait3A_316 = arith.constant 0 : i32
    %dma_wait3A_317 = tpu.memref_slice %arg7[%dma_wait3A_315, %dma_wait3A_316] : memref<400x64xf32, #tpu.memory_space<vmem>> -> memref<128x64xf32, #tpu.memory_space<vmem>>
    %dma_wait3A_318 = arith.constant 528 : i32
    %dma_wait3A_319 = tpu.memref_slice %arg5[%dma_wait3A_318] : memref<25600xi32, #tpu.memory_space<vmem>> -> memref<128xi32, #tpu.memory_space<vmem>>
    %dma_wait3A_320 = arith.constant 0 : i32
    %dma_wait3A_321 = arith.constant 0 : i32
    %dma_wait3A_322 = tpu.memref_slice %arg3[%dma_wait3A_320, %dma_wait3A_321] : memref<1000000x64xf32, #tpu.memory_space<hbm>> -> memref<1000000x64xf32, #tpu.memory_space<hbm>>
    tpu.wait_indirect_dma semaphore(%arg11 : memref<!tpu.dma_semaphore, #tpu.memory_space<semaphore_mem>>) src(%dma_wait3A_322 : memref<1000000x64xf32, #tpu.memory_space<hbm>>) dst(%dma_wait3A_317 : memref<128x64xf32, #tpu.memory_space<vmem>>)
    %dma_wait3A_323 = arith.constant 256 : i32
    %dma_wait3A_324 = arith.constant 0 : i32
    %dma_wait3A_325 = tpu.memref_slice %arg7[%dma_wait3A_323, %dma_wait3A_324] : memref<400x64xf32, #tpu.memory_space<vmem>> -> memref<128x64xf32, #tpu.memory_space<vmem>>
    %dma_wait3A_326 = arith.constant 656 : i32
    %dma_wait3A_327 = tpu.memref_slice %arg5[%dma_wait3A_326] : memref<25600xi32, #tpu.memory_space<vmem>> -> memref<128xi32, #tpu.memory_space<vmem>>
    %dma_wait3A_328 = arith.constant 0 : i32
    %dma_wait3A_329 = arith.constant 0 : i32
    %dma_wait3A_330 = tpu.memref_slice %arg3[%dma_wait3A_328, %dma_wait3A_329] : memref<1000000x64xf32, #tpu.memory_space<hbm>> -> memref<1000000x64xf32, #tpu.memory_space<hbm>>
    tpu.wait_indirect_dma semaphore(%arg11 : memref<!tpu.dma_semaphore, #tpu.memory_space<semaphore_mem>>) src(%dma_wait3A_330 : memref<1000000x64xf32, #tpu.memory_space<hbm>>) dst(%dma_wait3A_325 : memref<128x64xf32, #tpu.memory_space<vmem>>)
    %dma_wait3A_331 = arith.constant 384 : i32
    %dma_wait3A_332 = arith.constant 0 : i32
    %dma_wait3A_333 = tpu.memref_slice %arg7[%dma_wait3A_331, %dma_wait3A_332] : memref<400x64xf32, #tpu.memory_space<vmem>> -> memref<16x64xf32, #tpu.memory_space<vmem>>
    %dma_wait3A_334 = arith.constant 784 : i32
    %dma_wait3A_335 = tpu.memref_slice %arg5[%dma_wait3A_334] : memref<25600xi32, #tpu.memory_space<vmem>> -> memref<16xi32, #tpu.memory_space<vmem>>
    %dma_wait3A_336 = arith.constant 0 : i32
    %dma_wait3A_337 = arith.constant 0 : i32
    %dma_wait3A_338 = tpu.memref_slice %arg3[%dma_wait3A_336, %dma_wait3A_337] : memref<1000000x64xf32, #tpu.memory_space<hbm>> -> memref<1000000x64xf32, #tpu.memory_space<hbm>>
    tpu.wait_indirect_dma semaphore(%arg11 : memref<!tpu.dma_semaphore, #tpu.memory_space<semaphore_mem>>) src(%dma_wait3A_338 : memref<1000000x64xf32, #tpu.memory_space<hbm>>) dst(%dma_wait3A_333 : memref<16x64xf32, #tpu.memory_space<vmem>>)
    %add3A_339 = arith.constant 8 : i32
    %add3A_340 = arith.addi %mul3A_4, %add3A_339 : i32
    %add3A_341 = arith.constant 0 : i32
    %add3A_342 = arith.addi %add3A_340, %add3A_341 : i32
    %dma_start3A_343 = arith.constant 0 : i32
    %dma_start3A_344 = arith.constant 0 : i32
    %dma_start3A_345 = tpu.memref_slice %arg7[%dma_start3A_343, %dma_start3A_344] : memref<400x64xf32, #tpu.memory_space<vmem>> -> memref<50x64xf32, #tpu.memory_space<vmem>>
    %dma_start3A_346 = arith.constant 0 : i32
    %dma_start3A_347 = arith.constant 0 : i32
    %dma_start3A_348 = tpu.memref_slice %arg4[%add3A_342, %dma_start3A_346, %dma_start3A_347] : memref<16384x50x64xf32, #tpu.memory_space<hbm>> -> memref<1x50x64xf32, #tpu.memory_space<hbm>>
    %dma_start3A_349 = tpu.memref_squeeze %dma_start3A_348 : memref<1x50x64xf32, #tpu.memory_space<hbm>> -> memref<50x64xf32, #tpu.memory_space<hbm>>
    %dma_start3A_350 = arith.constant 0 : i32
    %dma_start3A_351 = arith.constant 0 : i32
    %dma_start3A_352 = tpu.memref_slice %arg4[%add3A_342, %dma_start3A_350, %dma_start3A_351] : memref<16384x50x64xf32, #tpu.memory_space<hbm>> -> memref<1x50x64xf32, #tpu.memory_space<hbm>>
    %dma_start3A_353 = tpu.memref_squeeze %dma_start3A_352 : memref<1x50x64xf32, #tpu.memory_space<hbm>> -> memref<50x64xf32, #tpu.memory_space<hbm>>
    %dma_start3A_354 = arith.constant 0 : i32
    %dma_start3A_355 = arith.constant 0 : i32
    %dma_start3A_356 = tpu.memref_slice %arg7[%dma_start3A_354, %dma_start3A_355] : memref<400x64xf32, #tpu.memory_space<vmem>> -> memref<50x64xf32, #tpu.memory_space<vmem>>
    tpu.enqueue_dma source(%dma_start3A_356 : memref<50x64xf32, #tpu.memory_space<vmem>>) target(%dma_start3A_353 : memref<50x64xf32, #tpu.memory_space<hbm>>) target_semaphore(%arg15 : memref<!tpu.dma_semaphore, #tpu.memory_space<semaphore_mem>>)
    %add3A_357 = arith.constant 8 : i32
    %add3A_358 = arith.addi %mul3A_4, %add3A_357 : i32
    %add3A_359 = arith.constant 1 : i32
    %add3A_360 = arith.addi %add3A_358, %add3A_359 : i32
    %dma_start3A_361 = arith.constant 50 : i32
    %dma_start3A_362 = arith.constant 0 : i32
    %dma_start3A_363 = tpu.memref_slice %arg7[%dma_start3A_361, %dma_start3A_362] : memref<400x64xf32, #tpu.memory_space<vmem>> -> memref<50x64xf32, #tpu.memory_space<vmem>>
    %dma_start3A_364 = arith.constant 0 : i32
    %dma_start3A_365 = arith.constant 0 : i32
    %dma_start3A_366 = tpu.memref_slice %arg4[%add3A_360, %dma_start3A_364, %dma_start3A_365] : memref<16384x50x64xf32, #tpu.memory_space<hbm>> -> memref<1x50x64xf32, #tpu.memory_space<hbm>>
    %dma_start3A_367 = tpu.memref_squeeze %dma_start3A_366 : memref<1x50x64xf32, #tpu.memory_space<hbm>> -> memref<50x64xf32, #tpu.memory_space<hbm>>
    %dma_start3A_368 = arith.constant 0 : i32
    %dma_start3A_369 = arith.constant 0 : i32
    %dma_start3A_370 = tpu.memref_slice %arg4[%add3A_360, %dma_start3A_368, %dma_start3A_369] : memref<16384x50x64xf32, #tpu.memory_space<hbm>> -> memref<1x50x64xf32, #tpu.memory_space<hbm>>
    %dma_start3A_371 = tpu.memref_squeeze %dma_start3A_370 : memref<1x50x64xf32, #tpu.memory_space<hbm>> -> memref<50x64xf32, #tpu.memory_space<hbm>>
    %dma_start3A_372 = arith.constant 50 : i32
    %dma_start3A_373 = arith.constant 0 : i32
    %dma_start3A_374 = tpu.memref_slice %arg7[%dma_start3A_372, %dma_start3A_373] : memref<400x64xf32, #tpu.memory_space<vmem>> -> memref<50x64xf32, #tpu.memory_space<vmem>>
    tpu.enqueue_dma source(%dma_start3A_374 : memref<50x64xf32, #tpu.memory_space<vmem>>) target(%dma_start3A_371 : memref<50x64xf32, #tpu.memory_space<hbm>>) target_semaphore(%arg15 : memref<!tpu.dma_semaphore, #tpu.memory_space<semaphore_mem>>)
    %add3A_375 = arith.constant 8 : i32
    %add3A_376 = arith.addi %mul3A_4, %add3A_375 : i32
    %add3A_377 = arith.constant 2 : i32
    %add3A_378 = arith.addi %add3A_376, %add3A_377 : i32
    %dma_start3A_379 = arith.constant 100 : i32
    %dma_start3A_380 = arith.constant 0 : i32
    %dma_start3A_381 = tpu.memref_slice %arg7[%dma_start3A_379, %dma_start3A_380] : memref<400x64xf32, #tpu.memory_space<vmem>> -> memref<50x64xf32, #tpu.memory_space<vmem>>
    %dma_start3A_382 = arith.constant 0 : i32
    %dma_start3A_383 = arith.constant 0 : i32
    %dma_start3A_384 = tpu.memref_slice %arg4[%add3A_378, %dma_start3A_382, %dma_start3A_383] : memref<16384x50x64xf32, #tpu.memory_space<hbm>> -> memref<1x50x64xf32, #tpu.memory_space<hbm>>
    %dma_start3A_385 = tpu.memref_squeeze %dma_start3A_384 : memref<1x50x64xf32, #tpu.memory_space<hbm>> -> memref<50x64xf32, #tpu.memory_space<hbm>>
    %dma_start3A_386 = arith.constant 0 : i32
    %dma_start3A_387 = arith.constant 0 : i32
    %dma_start3A_388 = tpu.memref_slice %arg4[%add3A_378, %dma_start3A_386, %dma_start3A_387] : memref<16384x50x64xf32, #tpu.memory_space<hbm>> -> memref<1x50x64xf32, #tpu.memory_space<hbm>>
    %dma_start3A_389 = tpu.memref_squeeze %dma_start3A_388 : memref<1x50x64xf32, #tpu.memory_space<hbm>> -> memref<50x64xf32, #tpu.memory_space<hbm>>
    %dma_start3A_390 = arith.constant 100 : i32
    %dma_start3A_391 = arith.constant 0 : i32
    %dma_start3A_392 = tpu.memref_slice %arg7[%dma_start3A_390, %dma_start3A_391] : memref<400x64xf32, #tpu.memory_space<vmem>> -> memref<50x64xf32, #tpu.memory_space<vmem>>
    tpu.enqueue_dma source(%dma_start3A_392 : memref<50x64xf32, #tpu.memory_space<vmem>>) target(%dma_start3A_389 : memref<50x64xf32, #tpu.memory_space<hbm>>) target_semaphore(%arg15 : memref<!tpu.dma_semaphore, #tpu.memory_space<semaphore_mem>>)
    %add3A_393 = arith.constant 8 : i32
    %add3A_394 = arith.addi %mul3A_4, %add3A_393 : i32
    %add3A_395 = arith.constant 3 : i32
    %add3A_396 = arith.addi %add3A_394, %add3A_395 : i32
    %dma_start3A_397 = arith.constant 150 : i32
    %dma_start3A_398 = arith.constant 0 : i32
    %dma_start3A_399 = tpu.memref_slice %arg7[%dma_start3A_397, %dma_start3A_398] : memref<400x64xf32, #tpu.memory_space<vmem>> -> memref<50x64xf32, #tpu.memory_space<vmem>>
    %dma_start3A_400 = arith.constant 0 : i32
    %dma_start3A_401 = arith.constant 0 : i32
    %dma_start3A_402 = tpu.memref_slice %arg4[%add3A_396, %dma_start3A_400, %dma_start3A_401] : memref<16384x50x64xf32, #tpu.memory_space<hbm>> -> memref<1x50x64xf32, #tpu.memory_space<hbm>>
    %dma_start3A_403 = tpu.memref_squeeze %dma_start3A_402 : memref<1x50x64xf32, #tpu.memory_space<hbm>> -> memref<50x64xf32, #tpu.memory_space<hbm>>
    %dma_start3A_404 = arith.constant 0 : i32
    %dma_start3A_405 = arith.constant 0 : i32
    %dma_start3A_406 = tpu.memref_slice %arg4[%add3A_396, %dma_start3A_404, %dma_start3A_405] : memref<16384x50x64xf32, #tpu.memory_space<hbm>> -> memref<1x50x64xf32, #tpu.memory_space<hbm>>
    %dma_start3A_407 = tpu.memref_squeeze %dma_start3A_406 : memref<1x50x64xf32, #tpu.memory_space<hbm>> -> memref<50x64xf32, #tpu.memory_space<hbm>>
    %dma_start3A_408 = arith.constant 150 : i32
    %dma_start3A_409 = arith.constant 0 : i32
    %dma_start3A_410 = tpu.memref_slice %arg7[%dma_start3A_408, %dma_start3A_409] : memref<400x64xf32, #tpu.memory_space<vmem>> -> memref<50x64xf32, #tpu.memory_space<vmem>>
    tpu.enqueue_dma source(%dma_start3A_410 : memref<50x64xf32, #tpu.memory_space<vmem>>) target(%dma_start3A_407 : memref<50x64xf32, #tpu.memory_space<hbm>>) target_semaphore(%arg15 : memref<!tpu.dma_semaphore, #tpu.memory_space<semaphore_mem>>)
    %add3A_411 = arith.constant 8 : i32
    %add3A_412 = arith.addi %mul3A_4, %add3A_411 : i32
    %add3A_413 = arith.constant 4 : i32
    %add3A_414 = arith.addi %add3A_412, %add3A_413 : i32
    %dma_start3A_415 = arith.constant 200 : i32
    %dma_start3A_416 = arith.constant 0 : i32
    %dma_start3A_417 = tpu.memref_slice %arg7[%dma_start3A_415, %dma_start3A_416] : memref<400x64xf32, #tpu.memory_space<vmem>> -> memref<50x64xf32, #tpu.memory_space<vmem>>
    %dma_start3A_418 = arith.constant 0 : i32
    %dma_start3A_419 = arith.constant 0 : i32
    %dma_start3A_420 = tpu.memref_slice %arg4[%add3A_414, %dma_start3A_418, %dma_start3A_419] : memref<16384x50x64xf32, #tpu.memory_space<hbm>> -> memref<1x50x64xf32, #tpu.memory_space<hbm>>
    %dma_start3A_421 = tpu.memref_squeeze %dma_start3A_420 : memref<1x50x64xf32, #tpu.memory_space<hbm>> -> memref<50x64xf32, #tpu.memory_space<hbm>>
    %dma_start3A_422 = arith.constant 0 : i32
    %dma_start3A_423 = arith.constant 0 : i32
    %dma_start3A_424 = tpu.memref_slice %arg4[%add3A_414, %dma_start3A_422, %dma_start3A_423] : memref<16384x50x64xf32, #tpu.memory_space<hbm>> -> memref<1x50x64xf32, #tpu.memory_space<hbm>>
    %dma_start3A_425 = tpu.memref_squeeze %dma_start3A_424 : memref<1x50x64xf32, #tpu.memory_space<hbm>> -> memref<50x64xf32, #tpu.memory_space<hbm>>
    %dma_start3A_426 = arith.constant 200 : i32
    %dma_start3A_427 = arith.constant 0 : i32
    %dma_start3A_428 = tpu.memref_slice %arg7[%dma_start3A_426, %dma_start3A_427] : memref<400x64xf32, #tpu.memory_space<vmem>> -> memref<50x64xf32, #tpu.memory_space<vmem>>
    tpu.enqueue_dma source(%dma_start3A_428 : memref<50x64xf32, #tpu.memory_space<vmem>>) target(%dma_start3A_425 : memref<50x64xf32, #tpu.memory_space<hbm>>) target_semaphore(%arg15 : memref<!tpu.dma_semaphore, #tpu.memory_space<semaphore_mem>>)
    %add3A_429 = arith.constant 8 : i32
    %add3A_430 = arith.addi %mul3A_4, %add3A_429 : i32
    %add3A_431 = arith.constant 5 : i32
    %add3A_432 = arith.addi %add3A_430, %add3A_431 : i32
    %dma_start3A_433 = arith.constant 250 : i32
    %dma_start3A_434 = arith.constant 0 : i32
    %dma_start3A_435 = tpu.memref_slice %arg7[%dma_start3A_433, %dma_start3A_434] : memref<400x64xf32, #tpu.memory_space<vmem>> -> memref<50x64xf32, #tpu.memory_space<vmem>>
    %dma_start3A_436 = arith.constant 0 : i32
    %dma_start3A_437 = arith.constant 0 : i32
    %dma_start3A_438 = tpu.memref_slice %arg4[%add3A_432, %dma_start3A_436, %dma_start3A_437] : memref<16384x50x64xf32, #tpu.memory_space<hbm>> -> memref<1x50x64xf32, #tpu.memory_space<hbm>>
    %dma_start3A_439 = tpu.memref_squeeze %dma_start3A_438 : memref<1x50x64xf32, #tpu.memory_space<hbm>> -> memref<50x64xf32, #tpu.memory_space<hbm>>
    %dma_start3A_440 = arith.constant 0 : i32
    %dma_start3A_441 = arith.constant 0 : i32
    %dma_start3A_442 = tpu.memref_slice %arg4[%add3A_432, %dma_start3A_440, %dma_start3A_441] : memref<16384x50x64xf32, #tpu.memory_space<hbm>> -> memref<1x50x64xf32, #tpu.memory_space<hbm>>
    %dma_start3A_443 = tpu.memref_squeeze %dma_start3A_442 : memref<1x50x64xf32, #tpu.memory_space<hbm>> -> memref<50x64xf32, #tpu.memory_space<hbm>>
    %dma_start3A_444 = arith.constant 250 : i32
    %dma_start3A_445 = arith.constant 0 : i32
    %dma_start3A_446 = tpu.memref_slice %arg7[%dma_start3A_444, %dma_start3A_445] : memref<400x64xf32, #tpu.memory_space<vmem>> -> memref<50x64xf32, #tpu.memory_space<vmem>>
    tpu.enqueue_dma source(%dma_start3A_446 : memref<50x64xf32, #tpu.memory_space<vmem>>) target(%dma_start3A_443 : memref<50x64xf32, #tpu.memory_space<hbm>>) target_semaphore(%arg15 : memref<!tpu.dma_semaphore, #tpu.memory_space<semaphore_mem>>)
    %add3A_447 = arith.constant 8 : i32
    %add3A_448 = arith.addi %mul3A_4, %add3A_447 : i32
    %add3A_449 = arith.constant 6 : i32
    %add3A_450 = arith.addi %add3A_448, %add3A_449 : i32
    %dma_start3A_451 = arith.constant 300 : i32
    %dma_start3A_452 = arith.constant 0 : i32
    %dma_start3A_453 = tpu.memref_slice %arg7[%dma_start3A_451, %dma_start3A_452] : memref<400x64xf32, #tpu.memory_space<vmem>> -> memref<50x64xf32, #tpu.memory_space<vmem>>
    %dma_start3A_454 = arith.constant 0 : i32
    %dma_start3A_455 = arith.constant 0 : i32
    %dma_start3A_456 = tpu.memref_slice %arg4[%add3A_450, %dma_start3A_454, %dma_start3A_455] : memref<16384x50x64xf32, #tpu.memory_space<hbm>> -> memref<1x50x64xf32, #tpu.memory_space<hbm>>
    %dma_start3A_457 = tpu.memref_squeeze %dma_start3A_456 : memref<1x50x64xf32, #tpu.memory_space<hbm>> -> memref<50x64xf32, #tpu.memory_space<hbm>>
    %dma_start3A_458 = arith.constant 0 : i32
    %dma_start3A_459 = arith.constant 0 : i32
    %dma_start3A_460 = tpu.memref_slice %arg4[%add3A_450, %dma_start3A_458, %dma_start3A_459] : memref<16384x50x64xf32, #tpu.memory_space<hbm>> -> memref<1x50x64xf32, #tpu.memory_space<hbm>>
    %dma_start3A_461 = tpu.memref_squeeze %dma_start3A_460 : memref<1x50x64xf32, #tpu.memory_space<hbm>> -> memref<50x64xf32, #tpu.memory_space<hbm>>
    %dma_start3A_462 = arith.constant 300 : i32
    %dma_start3A_463 = arith.constant 0 : i32
    %dma_start3A_464 = tpu.memref_slice %arg7[%dma_start3A_462, %dma_start3A_463] : memref<400x64xf32, #tpu.memory_space<vmem>> -> memref<50x64xf32, #tpu.memory_space<vmem>>
    tpu.enqueue_dma source(%dma_start3A_464 : memref<50x64xf32, #tpu.memory_space<vmem>>) target(%dma_start3A_461 : memref<50x64xf32, #tpu.memory_space<hbm>>) target_semaphore(%arg15 : memref<!tpu.dma_semaphore, #tpu.memory_space<semaphore_mem>>)
    %add3A_465 = arith.constant 8 : i32
    %add3A_466 = arith.addi %mul3A_4, %add3A_465 : i32
    %add3A_467 = arith.constant 7 : i32
    %add3A_468 = arith.addi %add3A_466, %add3A_467 : i32
    %dma_start3A_469 = arith.constant 350 : i32
    %dma_start3A_470 = arith.constant 0 : i32
    %dma_start3A_471 = tpu.memref_slice %arg7[%dma_start3A_469, %dma_start3A_470] : memref<400x64xf32, #tpu.memory_space<vmem>> -> memref<50x64xf32, #tpu.memory_space<vmem>>
    %dma_start3A_472 = arith.constant 0 : i32
    %dma_start3A_473 = arith.constant 0 : i32
    %dma_start3A_474 = tpu.memref_slice %arg4[%add3A_468, %dma_start3A_472, %dma_start3A_473] : memref<16384x50x64xf32, #tpu.memory_space<hbm>> -> memref<1x50x64xf32, #tpu.memory_space<hbm>>
    %dma_start3A_475 = tpu.memref_squeeze %dma_start3A_474 : memref<1x50x64xf32, #tpu.memory_space<hbm>> -> memref<50x64xf32, #tpu.memory_space<hbm>>
    %dma_start3A_476 = arith.constant 0 : i32
    %dma_start3A_477 = arith.constant 0 : i32
    %dma_start3A_478 = tpu.memref_slice %arg4[%add3A_468, %dma_start3A_476, %dma_start3A_477] : memref<16384x50x64xf32, #tpu.memory_space<hbm>> -> memref<1x50x64xf32, #tpu.memory_space<hbm>>
    %dma_start3A_479 = tpu.memref_squeeze %dma_start3A_478 : memref<1x50x64xf32, #tpu.memory_space<hbm>> -> memref<50x64xf32, #tpu.memory_space<hbm>>
    %dma_start3A_480 = arith.constant 350 : i32
    %dma_start3A_481 = arith.constant 0 : i32
    %dma_start3A_482 = tpu.memref_slice %arg7[%dma_start3A_480, %dma_start3A_481] : memref<400x64xf32, #tpu.memory_space<vmem>> -> memref<50x64xf32, #tpu.memory_space<vmem>>
    tpu.enqueue_dma source(%dma_start3A_482 : memref<50x64xf32, #tpu.memory_space<vmem>>) target(%dma_start3A_479 : memref<50x64xf32, #tpu.memory_space<hbm>>) target_semaphore(%arg15 : memref<!tpu.dma_semaphore, #tpu.memory_space<semaphore_mem>>)
    %dma_wait3A_483 = arith.constant 0 : i32
    %dma_wait3A_484 = arith.constant 0 : i32
    %dma_wait3A_485 = tpu.memref_slice %arg8[%dma_wait3A_483, %dma_wait3A_484] : memref<400x64xf32, #tpu.memory_space<vmem>> -> memref<128x64xf32, #tpu.memory_space<vmem>>
    %dma_wait3A_486 = arith.constant 800 : i32
    %dma_wait3A_487 = tpu.memref_slice %arg5[%dma_wait3A_486] : memref<25600xi32, #tpu.memory_space<vmem>> -> memref<128xi32, #tpu.memory_space<vmem>>
    %dma_wait3A_488 = arith.constant 0 : i32
    %dma_wait3A_489 = arith.constant 0 : i32
    %dma_wait3A_490 = tpu.memref_slice %arg3[%dma_wait3A_488, %dma_wait3A_489] : memref<1000000x64xf32, #tpu.memory_space<hbm>> -> memref<1000000x64xf32, #tpu.memory_space<hbm>>
    tpu.wait_indirect_dma semaphore(%arg12 : memref<!tpu.dma_semaphore, #tpu.memory_space<semaphore_mem>>) src(%dma_wait3A_490 : memref<1000000x64xf32, #tpu.memory_space<hbm>>) dst(%dma_wait3A_485 : memref<128x64xf32, #tpu.memory_space<vmem>>)
    %dma_wait3A_491 = arith.constant 128 : i32
    %dma_wait3A_492 = arith.constant 0 : i32
    %dma_wait3A_493 = tpu.memref_slice %arg8[%dma_wait3A_491, %dma_wait3A_492] : memref<400x64xf32, #tpu.memory_space<vmem>> -> memref<128x64xf32, #tpu.memory_space<vmem>>
    %dma_wait3A_494 = arith.constant 928 : i32
    %dma_wait3A_495 = tpu.memref_slice %arg5[%dma_wait3A_494] : memref<25600xi32, #tpu.memory_space<vmem>> -> memref<128xi32, #tpu.memory_space<vmem>>
    %dma_wait3A_496 = arith.constant 0 : i32
    %dma_wait3A_497 = arith.constant 0 : i32
    %dma_wait3A_498 = tpu.memref_slice %arg3[%dma_wait3A_496, %dma_wait3A_497] : memref<1000000x64xf32, #tpu.memory_space<hbm>> -> memref<1000000x64xf32, #tpu.memory_space<hbm>>
    tpu.wait_indirect_dma semaphore(%arg12 : memref<!tpu.dma_semaphore, #tpu.memory_space<semaphore_mem>>) src(%dma_wait3A_498 : memref<1000000x64xf32, #tpu.memory_space<hbm>>) dst(%dma_wait3A_493 : memref<128x64xf32, #tpu.memory_space<vmem>>)
    %dma_wait3A_499 = arith.constant 256 : i32
    %dma_wait3A_500 = arith.constant 0 : i32
    %dma_wait3A_501 = tpu.memref_slice %arg8[%dma_wait3A_499, %dma_wait3A_500] : memref<400x64xf32, #tpu.memory_space<vmem>> -> memref<128x64xf32, #tpu.memory_space<vmem>>
    %dma_wait3A_502 = arith.constant 1056 : i32
    %dma_wait3A_503 = tpu.memref_slice %arg5[%dma_wait3A_502] : memref<25600xi32, #tpu.memory_space<vmem>> -> memref<128xi32, #tpu.memory_space<vmem>>
    %dma_wait3A_504 = arith.constant 0 : i32
    %dma_wait3A_505 = arith.constant 0 : i32
    %dma_wait3A_506 = tpu.memref_slice %arg3[%dma_wait3A_504, %dma_wait3A_505] : memref<1000000x64xf32, #tpu.memory_space<hbm>> -> memref<1000000x64xf32, #tpu.memory_space<hbm>>
    tpu.wait_indirect_dma semaphore(%arg12 : memref<!tpu.dma_semaphore, #tpu.memory_space<semaphore_mem>>) src(%dma_wait3A_506 : memref<1000000x64xf32, #tpu.memory_space<hbm>>) dst(%dma_wait3A_501 : memref<128x64xf32, #tpu.memory_space<vmem>>)
    %dma_wait3A_507 = arith.constant 384 : i32
    %dma_wait3A_508 = arith.constant 0 : i32
    %dma_wait3A_509 = tpu.memref_slice %arg8[%dma_wait3A_507, %dma_wait3A_508] : memref<400x64xf32, #tpu.memory_space<vmem>> -> memref<16x64xf32, #tpu.memory_space<vmem>>
    %dma_wait3A_510 = arith.constant 1184 : i32
    %dma_wait3A_511 = tpu.memref_slice %arg5[%dma_wait3A_510] : memref<25600xi32, #tpu.memory_space<vmem>> -> memref<16xi32, #tpu.memory_space<vmem>>
    %dma_wait3A_512 = arith.constant 0 : i32
    %dma_wait3A_513 = arith.constant 0 : i32
    %dma_wait3A_514 = tpu.memref_slice %arg3[%dma_wait3A_512, %dma_wait3A_513] : memref<1000000x64xf32, #tpu.memory_space<hbm>> -> memref<1000000x64xf32, #tpu.memory_space<hbm>>
    tpu.wait_indirect_dma semaphore(%arg12 : memref<!tpu.dma_semaphore, #tpu.memory_space<semaphore_mem>>) src(%dma_wait3A_514 : memref<1000000x64xf32, #tpu.memory_space<hbm>>) dst(%dma_wait3A_509 : memref<16x64xf32, #tpu.memory_space<vmem>>)
    %add3A_515 = arith.constant 16 : i32
    %add3A_516 = arith.addi %mul3A_4, %add3A_515 : i32
    %add3A_517 = arith.constant 0 : i32
    %add3A_518 = arith.addi %add3A_516, %add3A_517 : i32
    %dma_start3A_519 = arith.constant 0 : i32
    %dma_start3A_520 = arith.constant 0 : i32
    %dma_start3A_521 = tpu.memref_slice %arg8[%dma_start3A_519, %dma_start3A_520] : memref<400x64xf32, #tpu.memory_space<vmem>> -> memref<50x64xf32, #tpu.memory_space<vmem>>
    %dma_start3A_522 = arith.constant 0 : i32
    %dma_start3A_523 = arith.constant 0 : i32
    %dma_start3A_524 = tpu.memref_slice %arg4[%add3A_518, %dma_start3A_522, %dma_start3A_523] : memref<16384x50x64xf32, #tpu.memory_space<hbm>> -> memref<1x50x64xf32, #tpu.memory_space<hbm>>
    %dma_start3A_525 = tpu.memref_squeeze %dma_start3A_524 : memref<1x50x64xf32, #tpu.memory_space<hbm>> -> memref<50x64xf32, #tpu.memory_space<hbm>>
    %dma_start3A_526 = arith.constant 0 : i32
    %dma_start3A_527 = arith.constant 0 : i32
    %dma_start3A_528 = tpu.memref_slice %arg4[%add3A_518, %dma_start3A_526, %dma_start3A_527] : memref<16384x50x64xf32, #tpu.memory_space<hbm>> -> memref<1x50x64xf32, #tpu.memory_space<hbm>>
    %dma_start3A_529 = tpu.memref_squeeze %dma_start3A_528 : memref<1x50x64xf32, #tpu.memory_space<hbm>> -> memref<50x64xf32, #tpu.memory_space<hbm>>
    %dma_start3A_530 = arith.constant 0 : i32
    %dma_start3A_531 = arith.constant 0 : i32
    %dma_start3A_532 = tpu.memref_slice %arg8[%dma_start3A_530, %dma_start3A_531] : memref<400x64xf32, #tpu.memory_space<vmem>> -> memref<50x64xf32, #tpu.memory_space<vmem>>
    tpu.enqueue_dma source(%dma_start3A_532 : memref<50x64xf32, #tpu.memory_space<vmem>>) target(%dma_start3A_529 : memref<50x64xf32, #tpu.memory_space<hbm>>) target_semaphore(%arg16 : memref<!tpu.dma_semaphore, #tpu.memory_space<semaphore_mem>>)
    %add3A_533 = arith.constant 16 : i32
    %add3A_534 = arith.addi %mul3A_4, %add3A_533 : i32
    %add3A_535 = arith.constant 1 : i32
    %add3A_536 = arith.addi %add3A_534, %add3A_535 : i32
    %dma_start3A_537 = arith.constant 50 : i32
    %dma_start3A_538 = arith.constant 0 : i32
    %dma_start3A_539 = tpu.memref_slice %arg8[%dma_start3A_537, %dma_start3A_538] : memref<400x64xf32, #tpu.memory_space<vmem>> -> memref<50x64xf32, #tpu.memory_space<vmem>>
    %dma_start3A_540 = arith.constant 0 : i32
    %dma_start3A_541 = arith.constant 0 : i32
    %dma_start3A_542 = tpu.memref_slice %arg4[%add3A_536, %dma_start3A_540, %dma_start3A_541] : memref<16384x50x64xf32, #tpu.memory_space<hbm>> -> memref<1x50x64xf32, #tpu.memory_space<hbm>>
    %dma_start3A_543 = tpu.memref_squeeze %dma_start3A_542 : memref<1x50x64xf32, #tpu.memory_space<hbm>> -> memref<50x64xf32, #tpu.memory_space<hbm>>
    %dma_start3A_544 = arith.constant 0 : i32
    %dma_start3A_545 = arith.constant 0 : i32
    %dma_start3A_546 = tpu.memref_slice %arg4[%add3A_536, %dma_start3A_544, %dma_start3A_545] : memref<16384x50x64xf32, #tpu.memory_space<hbm>> -> memref<1x50x64xf32, #tpu.memory_space<hbm>>
    %dma_start3A_547 = tpu.memref_squeeze %dma_start3A_546 : memref<1x50x64xf32, #tpu.memory_space<hbm>> -> memref<50x64xf32, #tpu.memory_space<hbm>>
    %dma_start3A_548 = arith.constant 50 : i32
    %dma_start3A_549 = arith.constant 0 : i32
    %dma_start3A_550 = tpu.memref_slice %arg8[%dma_start3A_548, %dma_start3A_549] : memref<400x64xf32, #tpu.memory_space<vmem>> -> memref<50x64xf32, #tpu.memory_space<vmem>>
    tpu.enqueue_dma source(%dma_start3A_550 : memref<50x64xf32, #tpu.memory_space<vmem>>) target(%dma_start3A_547 : memref<50x64xf32, #tpu.memory_space<hbm>>) target_semaphore(%arg16 : memref<!tpu.dma_semaphore, #tpu.memory_space<semaphore_mem>>)
    %add3A_551 = arith.constant 16 : i32
    %add3A_552 = arith.addi %mul3A_4, %add3A_551 : i32
    %add3A_553 = arith.constant 2 : i32
    %add3A_554 = arith.addi %add3A_552, %add3A_553 : i32
    %dma_start3A_555 = arith.constant 100 : i32
    %dma_start3A_556 = arith.constant 0 : i32
    %dma_start3A_557 = tpu.memref_slice %arg8[%dma_start3A_555, %dma_start3A_556] : memref<400x64xf32, #tpu.memory_space<vmem>> -> memref<50x64xf32, #tpu.memory_space<vmem>>
    %dma_start3A_558 = arith.constant 0 : i32
    %dma_start3A_559 = arith.constant 0 : i32
    %dma_start3A_560 = tpu.memref_slice %arg4[%add3A_554, %dma_start3A_558, %dma_start3A_559] : memref<16384x50x64xf32, #tpu.memory_space<hbm>> -> memref<1x50x64xf32, #tpu.memory_space<hbm>>
    %dma_start3A_561 = tpu.memref_squeeze %dma_start3A_560 : memref<1x50x64xf32, #tpu.memory_space<hbm>> -> memref<50x64xf32, #tpu.memory_space<hbm>>
    %dma_start3A_562 = arith.constant 0 : i32
    %dma_start3A_563 = arith.constant 0 : i32
    %dma_start3A_564 = tpu.memref_slice %arg4[%add3A_554, %dma_start3A_562, %dma_start3A_563] : memref<16384x50x64xf32, #tpu.memory_space<hbm>> -> memref<1x50x64xf32, #tpu.memory_space<hbm>>
    %dma_start3A_565 = tpu.memref_squeeze %dma_start3A_564 : memref<1x50x64xf32, #tpu.memory_space<hbm>> -> memref<50x64xf32, #tpu.memory_space<hbm>>
    %dma_start3A_566 = arith.constant 100 : i32
    %dma_start3A_567 = arith.constant 0 : i32
    %dma_start3A_568 = tpu.memref_slice %arg8[%dma_start3A_566, %dma_start3A_567] : memref<400x64xf32, #tpu.memory_space<vmem>> -> memref<50x64xf32, #tpu.memory_space<vmem>>
    tpu.enqueue_dma source(%dma_start3A_568 : memref<50x64xf32, #tpu.memory_space<vmem>>) target(%dma_start3A_565 : memref<50x64xf32, #tpu.memory_space<hbm>>) target_semaphore(%arg16 : memref<!tpu.dma_semaphore, #tpu.memory_space<semaphore_mem>>)
    %add3A_569 = arith.constant 16 : i32
    %add3A_570 = arith.addi %mul3A_4, %add3A_569 : i32
    %add3A_571 = arith.constant 3 : i32
    %add3A_572 = arith.addi %add3A_570, %add3A_571 : i32
    %dma_start3A_573 = arith.constant 150 : i32
    %dma_start3A_574 = arith.constant 0 : i32
    %dma_start3A_575 = tpu.memref_slice %arg8[%dma_start3A_573, %dma_start3A_574] : memref<400x64xf32, #tpu.memory_space<vmem>> -> memref<50x64xf32, #tpu.memory_space<vmem>>
    %dma_start3A_576 = arith.constant 0 : i32
    %dma_start3A_577 = arith.constant 0 : i32
    %dma_start3A_578 = tpu.memref_slice %arg4[%add3A_572, %dma_start3A_576, %dma_start3A_577] : memref<16384x50x64xf32, #tpu.memory_space<hbm>> -> memref<1x50x64xf32, #tpu.memory_space<hbm>>
    %dma_start3A_579 = tpu.memref_squeeze %dma_start3A_578 : memref<1x50x64xf32, #tpu.memory_space<hbm>> -> memref<50x64xf32, #tpu.memory_space<hbm>>
    %dma_start3A_580 = arith.constant 0 : i32
    %dma_start3A_581 = arith.constant 0 : i32
    %dma_start3A_582 = tpu.memref_slice %arg4[%add3A_572, %dma_start3A_580, %dma_start3A_581] : memref<16384x50x64xf32, #tpu.memory_space<hbm>> -> memref<1x50x64xf32, #tpu.memory_space<hbm>>
    %dma_start3A_583 = tpu.memref_squeeze %dma_start3A_582 : memref<1x50x64xf32, #tpu.memory_space<hbm>> -> memref<50x64xf32, #tpu.memory_space<hbm>>
    %dma_start3A_584 = arith.constant 150 : i32
    %dma_start3A_585 = arith.constant 0 : i32
    %dma_start3A_586 = tpu.memref_slice %arg8[%dma_start3A_584, %dma_start3A_585] : memref<400x64xf32, #tpu.memory_space<vmem>> -> memref<50x64xf32, #tpu.memory_space<vmem>>
    tpu.enqueue_dma source(%dma_start3A_586 : memref<50x64xf32, #tpu.memory_space<vmem>>) target(%dma_start3A_583 : memref<50x64xf32, #tpu.memory_space<hbm>>) target_semaphore(%arg16 : memref<!tpu.dma_semaphore, #tpu.memory_space<semaphore_mem>>)
    %add3A_587 = arith.constant 16 : i32
    %add3A_588 = arith.addi %mul3A_4, %add3A_587 : i32
    %add3A_589 = arith.constant 4 : i32
    %add3A_590 = arith.addi %add3A_588, %add3A_589 : i32
    %dma_start3A_591 = arith.constant 200 : i32
    %dma_start3A_592 = arith.constant 0 : i32
    %dma_start3A_593 = tpu.memref_slice %arg8[%dma_start3A_591, %dma_start3A_592] : memref<400x64xf32, #tpu.memory_space<vmem>> -> memref<50x64xf32, #tpu.memory_space<vmem>>
    %dma_start3A_594 = arith.constant 0 : i32
    %dma_start3A_595 = arith.constant 0 : i32
    %dma_start3A_596 = tpu.memref_slice %arg4[%add3A_590, %dma_start3A_594, %dma_start3A_595] : memref<16384x50x64xf32, #tpu.memory_space<hbm>> -> memref<1x50x64xf32, #tpu.memory_space<hbm>>
    %dma_start3A_597 = tpu.memref_squeeze %dma_start3A_596 : memref<1x50x64xf32, #tpu.memory_space<hbm>> -> memref<50x64xf32, #tpu.memory_space<hbm>>
    %dma_start3A_598 = arith.constant 0 : i32
    %dma_start3A_599 = arith.constant 0 : i32
    %dma_start3A_600 = tpu.memref_slice %arg4[%add3A_590, %dma_start3A_598, %dma_start3A_599] : memref<16384x50x64xf32, #tpu.memory_space<hbm>> -> memref<1x50x64xf32, #tpu.memory_space<hbm>>
    %dma_start3A_601 = tpu.memref_squeeze %dma_start3A_600 : memref<1x50x64xf32, #tpu.memory_space<hbm>> -> memref<50x64xf32, #tpu.memory_space<hbm>>
    %dma_start3A_602 = arith.constant 200 : i32
    %dma_start3A_603 = arith.constant 0 : i32
    %dma_start3A_604 = tpu.memref_slice %arg8[%dma_start3A_602, %dma_start3A_603] : memref<400x64xf32, #tpu.memory_space<vmem>> -> memref<50x64xf32, #tpu.memory_space<vmem>>
    tpu.enqueue_dma source(%dma_start3A_604 : memref<50x64xf32, #tpu.memory_space<vmem>>) target(%dma_start3A_601 : memref<50x64xf32, #tpu.memory_space<hbm>>) target_semaphore(%arg16 : memref<!tpu.dma_semaphore, #tpu.memory_space<semaphore_mem>>)
    %add3A_605 = arith.constant 16 : i32
    %add3A_606 = arith.addi %mul3A_4, %add3A_605 : i32
    %add3A_607 = arith.constant 5 : i32
    %add3A_608 = arith.addi %add3A_606, %add3A_607 : i32
    %dma_start3A_609 = arith.constant 250 : i32
    %dma_start3A_610 = arith.constant 0 : i32
    %dma_start3A_611 = tpu.memref_slice %arg8[%dma_start3A_609, %dma_start3A_610] : memref<400x64xf32, #tpu.memory_space<vmem>> -> memref<50x64xf32, #tpu.memory_space<vmem>>
    %dma_start3A_612 = arith.constant 0 : i32
    %dma_start3A_613 = arith.constant 0 : i32
    %dma_start3A_614 = tpu.memref_slice %arg4[%add3A_608, %dma_start3A_612, %dma_start3A_613] : memref<16384x50x64xf32, #tpu.memory_space<hbm>> -> memref<1x50x64xf32, #tpu.memory_space<hbm>>
    %dma_start3A_615 = tpu.memref_squeeze %dma_start3A_614 : memref<1x50x64xf32, #tpu.memory_space<hbm>> -> memref<50x64xf32, #tpu.memory_space<hbm>>
    %dma_start3A_616 = arith.constant 0 : i32
    %dma_start3A_617 = arith.constant 0 : i32
    %dma_start3A_618 = tpu.memref_slice %arg4[%add3A_608, %dma_start3A_616, %dma_start3A_617] : memref<16384x50x64xf32, #tpu.memory_space<hbm>> -> memref<1x50x64xf32, #tpu.memory_space<hbm>>
    %dma_start3A_619 = tpu.memref_squeeze %dma_start3A_618 : memref<1x50x64xf32, #tpu.memory_space<hbm>> -> memref<50x64xf32, #tpu.memory_space<hbm>>
    %dma_start3A_620 = arith.constant 250 : i32
    %dma_start3A_621 = arith.constant 0 : i32
    %dma_start3A_622 = tpu.memref_slice %arg8[%dma_start3A_620, %dma_start3A_621] : memref<400x64xf32, #tpu.memory_space<vmem>> -> memref<50x64xf32, #tpu.memory_space<vmem>>
    tpu.enqueue_dma source(%dma_start3A_622 : memref<50x64xf32, #tpu.memory_space<vmem>>) target(%dma_start3A_619 : memref<50x64xf32, #tpu.memory_space<hbm>>) target_semaphore(%arg16 : memref<!tpu.dma_semaphore, #tpu.memory_space<semaphore_mem>>)
    %add3A_623 = arith.constant 16 : i32
    %add3A_624 = arith.addi %mul3A_4, %add3A_623 : i32
    %add3A_625 = arith.constant 6 : i32
    %add3A_626 = arith.addi %add3A_624, %add3A_625 : i32
    %dma_start3A_627 = arith.constant 300 : i32
    %dma_start3A_628 = arith.constant 0 : i32
    %dma_start3A_629 = tpu.memref_slice %arg8[%dma_start3A_627, %dma_start3A_628] : memref<400x64xf32, #tpu.memory_space<vmem>> -> memref<50x64xf32, #tpu.memory_space<vmem>>
    %dma_start3A_630 = arith.constant 0 : i32
    %dma_start3A_631 = arith.constant 0 : i32
    %dma_start3A_632 = tpu.memref_slice %arg4[%add3A_626, %dma_start3A_630, %dma_start3A_631] : memref<16384x50x64xf32, #tpu.memory_space<hbm>> -> memref<1x50x64xf32, #tpu.memory_space<hbm>>
    %dma_start3A_633 = tpu.memref_squeeze %dma_start3A_632 : memref<1x50x64xf32, #tpu.memory_space<hbm>> -> memref<50x64xf32, #tpu.memory_space<hbm>>
    %dma_start3A_634 = arith.constant 0 : i32
    %dma_start3A_635 = arith.constant 0 : i32
    %dma_start3A_636 = tpu.memref_slice %arg4[%add3A_626, %dma_start3A_634, %dma_start3A_635] : memref<16384x50x64xf32, #tpu.memory_space<hbm>> -> memref<1x50x64xf32, #tpu.memory_space<hbm>>
    %dma_start3A_637 = tpu.memref_squeeze %dma_start3A_636 : memref<1x50x64xf32, #tpu.memory_space<hbm>> -> memref<50x64xf32, #tpu.memory_space<hbm>>
    %dma_start3A_638 = arith.constant 300 : i32
    %dma_start3A_639 = arith.constant 0 : i32
    %dma_start3A_640 = tpu.memref_slice %arg8[%dma_start3A_638, %dma_start3A_639] : memref<400x64xf32, #tpu.memory_space<vmem>> -> memref<50x64xf32, #tpu.memory_space<vmem>>
    tpu.enqueue_dma source(%dma_start3A_640 : memref<50x64xf32, #tpu.memory_space<vmem>>) target(%dma_start3A_637 : memref<50x64xf32, #tpu.memory_space<hbm>>) target_semaphore(%arg16 : memref<!tpu.dma_semaphore, #tpu.memory_space<semaphore_mem>>)
    %add3A_641 = arith.constant 16 : i32
    %add3A_642 = arith.addi %mul3A_4, %add3A_641 : i32
    %add3A_643 = arith.constant 7 : i32
    %add3A_644 = arith.addi %add3A_642, %add3A_643 : i32
    %dma_start3A_645 = arith.constant 350 : i32
    %dma_start3A_646 = arith.constant 0 : i32
    %dma_start3A_647 = tpu.memref_slice %arg8[%dma_start3A_645, %dma_start3A_646] : memref<400x64xf32, #tpu.memory_space<vmem>> -> memref<50x64xf32, #tpu.memory_space<vmem>>
    %dma_start3A_648 = arith.constant 0 : i32
    %dma_start3A_649 = arith.constant 0 : i32
    %dma_start3A_650 = tpu.memref_slice %arg4[%add3A_644, %dma_start3A_648, %dma_start3A_649] : memref<16384x50x64xf32, #tpu.memory_space<hbm>> -> memref<1x50x64xf32, #tpu.memory_space<hbm>>
    %dma_start3A_651 = tpu.memref_squeeze %dma_start3A_650 : memref<1x50x64xf32, #tpu.memory_space<hbm>> -> memref<50x64xf32, #tpu.memory_space<hbm>>
    %dma_start3A_652 = arith.constant 0 : i32
    %dma_start3A_653 = arith.constant 0 : i32
    %dma_start3A_654 = tpu.memref_slice %arg4[%add3A_644, %dma_start3A_652, %dma_start3A_653] : memref<16384x50x64xf32, #tpu.memory_space<hbm>> -> memref<1x50x64xf32, #tpu.memory_space<hbm>>
    %dma_start3A_655 = tpu.memref_squeeze %dma_start3A_654 : memref<1x50x64xf32, #tpu.memory_space<hbm>> -> memref<50x64xf32, #tpu.memory_space<hbm>>
    %dma_start3A_656 = arith.constant 350 : i32
    %dma_start3A_657 = arith.constant 0 : i32
    %dma_start3A_658 = tpu.memref_slice %arg8[%dma_start3A_656, %dma_start3A_657] : memref<400x64xf32, #tpu.memory_space<vmem>> -> memref<50x64xf32, #tpu.memory_space<vmem>>
    tpu.enqueue_dma source(%dma_start3A_658 : memref<50x64xf32, #tpu.memory_space<vmem>>) target(%dma_start3A_655 : memref<50x64xf32, #tpu.memory_space<hbm>>) target_semaphore(%arg16 : memref<!tpu.dma_semaphore, #tpu.memory_space<semaphore_mem>>)
    %dma_wait3A_659 = arith.constant 0 : i32
    %dma_wait3A_660 = arith.constant 0 : i32
    %dma_wait3A_661 = tpu.memref_slice %arg9[%dma_wait3A_659, %dma_wait3A_660] : memref<400x64xf32, #tpu.memory_space<vmem>> -> memref<128x64xf32, #tpu.memory_space<vmem>>
    %dma_wait3A_662 = arith.constant 1200 : i32
    %dma_wait3A_663 = tpu.memref_slice %arg5[%dma_wait3A_662] : memref<25600xi32, #tpu.memory_space<vmem>> -> memref<128xi32, #tpu.memory_space<vmem>>
    %dma_wait3A_664 = arith.constant 0 : i32
    %dma_wait3A_665 = arith.constant 0 : i32
    %dma_wait3A_666 = tpu.memref_slice %arg3[%dma_wait3A_664, %dma_wait3A_665] : memref<1000000x64xf32, #tpu.memory_space<hbm>> -> memref<1000000x64xf32, #tpu.memory_space<hbm>>
    tpu.wait_indirect_dma semaphore(%arg13 : memref<!tpu.dma_semaphore, #tpu.memory_space<semaphore_mem>>) src(%dma_wait3A_666 : memref<1000000x64xf32, #tpu.memory_space<hbm>>) dst(%dma_wait3A_661 : memref<128x64xf32, #tpu.memory_space<vmem>>)
    %dma_wait3A_667 = arith.constant 128 : i32
    %dma_wait3A_668 = arith.constant 0 : i32
    %dma_wait3A_669 = tpu.memref_slice %arg9[%dma_wait3A_667, %dma_wait3A_668] : memref<400x64xf32, #tpu.memory_space<vmem>> -> memref<128x64xf32, #tpu.memory_space<vmem>>
    %dma_wait3A_670 = arith.constant 1328 : i32
    %dma_wait3A_671 = tpu.memref_slice %arg5[%dma_wait3A_670] : memref<25600xi32, #tpu.memory_space<vmem>> -> memref<128xi32, #tpu.memory_space<vmem>>
    %dma_wait3A_672 = arith.constant 0 : i32
    %dma_wait3A_673 = arith.constant 0 : i32
    %dma_wait3A_674 = tpu.memref_slice %arg3[%dma_wait3A_672, %dma_wait3A_673] : memref<1000000x64xf32, #tpu.memory_space<hbm>> -> memref<1000000x64xf32, #tpu.memory_space<hbm>>
    tpu.wait_indirect_dma semaphore(%arg13 : memref<!tpu.dma_semaphore, #tpu.memory_space<semaphore_mem>>) src(%dma_wait3A_674 : memref<1000000x64xf32, #tpu.memory_space<hbm>>) dst(%dma_wait3A_669 : memref<128x64xf32, #tpu.memory_space<vmem>>)
    %dma_wait3A_675 = arith.constant 256 : i32
    %dma_wait3A_676 = arith.constant 0 : i32
    %dma_wait3A_677 = tpu.memref_slice %arg9[%dma_wait3A_675, %dma_wait3A_676] : memref<400x64xf32, #tpu.memory_space<vmem>> -> memref<128x64xf32, #tpu.memory_space<vmem>>
    %dma_wait3A_678 = arith.constant 1456 : i32
    %dma_wait3A_679 = tpu.memref_slice %arg5[%dma_wait3A_678] : memref<25600xi32, #tpu.memory_space<vmem>> -> memref<128xi32, #tpu.memory_space<vmem>>
    %dma_wait3A_680 = arith.constant 0 : i32
    %dma_wait3A_681 = arith.constant 0 : i32
    %dma_wait3A_682 = tpu.memref_slice %arg3[%dma_wait3A_680, %dma_wait3A_681] : memref<1000000x64xf32, #tpu.memory_space<hbm>> -> memref<1000000x64xf32, #tpu.memory_space<hbm>>
    tpu.wait_indirect_dma semaphore(%arg13 : memref<!tpu.dma_semaphore, #tpu.memory_space<semaphore_mem>>) src(%dma_wait3A_682 : memref<1000000x64xf32, #tpu.memory_space<hbm>>) dst(%dma_wait3A_677 : memref<128x64xf32, #tpu.memory_space<vmem>>)
    %dma_wait3A_683 = arith.constant 384 : i32
    %dma_wait3A_684 = arith.constant 0 : i32
    %dma_wait3A_685 = tpu.memref_slice %arg9[%dma_wait3A_683, %dma_wait3A_684] : memref<400x64xf32, #tpu.memory_space<vmem>> -> memref<16x64xf32, #tpu.memory_space<vmem>>
    %dma_wait3A_686 = arith.constant 1584 : i32
    %dma_wait3A_687 = tpu.memref_slice %arg5[%dma_wait3A_686] : memref<25600xi32, #tpu.memory_space<vmem>> -> memref<16xi32, #tpu.memory_space<vmem>>
    %dma_wait3A_688 = arith.constant 0 : i32
    %dma_wait3A_689 = arith.constant 0 : i32
    %dma_wait3A_690 = tpu.memref_slice %arg3[%dma_wait3A_688, %dma_wait3A_689] : memref<1000000x64xf32, #tpu.memory_space<hbm>> -> memref<1000000x64xf32, #tpu.memory_space<hbm>>
    tpu.wait_indirect_dma semaphore(%arg13 : memref<!tpu.dma_semaphore, #tpu.memory_space<semaphore_mem>>) src(%dma_wait3A_690 : memref<1000000x64xf32, #tpu.memory_space<hbm>>) dst(%dma_wait3A_685 : memref<16x64xf32, #tpu.memory_space<vmem>>)
    %add3A_691 = arith.constant 24 : i32
    %add3A_692 = arith.addi %mul3A_4, %add3A_691 : i32
    %add3A_693 = arith.constant 0 : i32
    %add3A_694 = arith.addi %add3A_692, %add3A_693 : i32
    %dma_start3A_695 = arith.constant 0 : i32
    %dma_start3A_696 = arith.constant 0 : i32
    %dma_start3A_697 = tpu.memref_slice %arg9[%dma_start3A_695, %dma_start3A_696] : memref<400x64xf32, #tpu.memory_space<vmem>> -> memref<50x64xf32, #tpu.memory_space<vmem>>
    %dma_start3A_698 = arith.constant 0 : i32
    %dma_start3A_699 = arith.constant 0 : i32
    %dma_start3A_700 = tpu.memref_slice %arg4[%add3A_694, %dma_start3A_698, %dma_start3A_699] : memref<16384x50x64xf32, #tpu.memory_space<hbm>> -> memref<1x50x64xf32, #tpu.memory_space<hbm>>
    %dma_start3A_701 = tpu.memref_squeeze %dma_start3A_700 : memref<1x50x64xf32, #tpu.memory_space<hbm>> -> memref<50x64xf32, #tpu.memory_space<hbm>>
    %dma_start3A_702 = arith.constant 0 : i32
    %dma_start3A_703 = arith.constant 0 : i32
    %dma_start3A_704 = tpu.memref_slice %arg4[%add3A_694, %dma_start3A_702, %dma_start3A_703] : memref<16384x50x64xf32, #tpu.memory_space<hbm>> -> memref<1x50x64xf32, #tpu.memory_space<hbm>>
    %dma_start3A_705 = tpu.memref_squeeze %dma_start3A_704 : memref<1x50x64xf32, #tpu.memory_space<hbm>> -> memref<50x64xf32, #tpu.memory_space<hbm>>
    %dma_start3A_706 = arith.constant 0 : i32
    %dma_start3A_707 = arith.constant 0 : i32
    %dma_start3A_708 = tpu.memref_slice %arg9[%dma_start3A_706, %dma_start3A_707] : memref<400x64xf32, #tpu.memory_space<vmem>> -> memref<50x64xf32, #tpu.memory_space<vmem>>
    tpu.enqueue_dma source(%dma_start3A_708 : memref<50x64xf32, #tpu.memory_space<vmem>>) target(%dma_start3A_705 : memref<50x64xf32, #tpu.memory_space<hbm>>) target_semaphore(%arg17 : memref<!tpu.dma_semaphore, #tpu.memory_space<semaphore_mem>>)
    %add3A_709 = arith.constant 24 : i32
    %add3A_710 = arith.addi %mul3A_4, %add3A_709 : i32
    %add3A_711 = arith.constant 1 : i32
    %add3A_712 = arith.addi %add3A_710, %add3A_711 : i32
    %dma_start3A_713 = arith.constant 50 : i32
    %dma_start3A_714 = arith.constant 0 : i32
    %dma_start3A_715 = tpu.memref_slice %arg9[%dma_start3A_713, %dma_start3A_714] : memref<400x64xf32, #tpu.memory_space<vmem>> -> memref<50x64xf32, #tpu.memory_space<vmem>>
    %dma_start3A_716 = arith.constant 0 : i32
    %dma_start3A_717 = arith.constant 0 : i32
    %dma_start3A_718 = tpu.memref_slice %arg4[%add3A_712, %dma_start3A_716, %dma_start3A_717] : memref<16384x50x64xf32, #tpu.memory_space<hbm>> -> memref<1x50x64xf32, #tpu.memory_space<hbm>>
    %dma_start3A_719 = tpu.memref_squeeze %dma_start3A_718 : memref<1x50x64xf32, #tpu.memory_space<hbm>> -> memref<50x64xf32, #tpu.memory_space<hbm>>
    %dma_start3A_720 = arith.constant 0 : i32
    %dma_start3A_721 = arith.constant 0 : i32
    %dma_start3A_722 = tpu.memref_slice %arg4[%add3A_712, %dma_start3A_720, %dma_start3A_721] : memref<16384x50x64xf32, #tpu.memory_space<hbm>> -> memref<1x50x64xf32, #tpu.memory_space<hbm>>
    %dma_start3A_723 = tpu.memref_squeeze %dma_start3A_722 : memref<1x50x64xf32, #tpu.memory_space<hbm>> -> memref<50x64xf32, #tpu.memory_space<hbm>>
    %dma_start3A_724 = arith.constant 50 : i32
    %dma_start3A_725 = arith.constant 0 : i32
    %dma_start3A_726 = tpu.memref_slice %arg9[%dma_start3A_724, %dma_start3A_725] : memref<400x64xf32, #tpu.memory_space<vmem>> -> memref<50x64xf32, #tpu.memory_space<vmem>>
    tpu.enqueue_dma source(%dma_start3A_726 : memref<50x64xf32, #tpu.memory_space<vmem>>) target(%dma_start3A_723 : memref<50x64xf32, #tpu.memory_space<hbm>>) target_semaphore(%arg17 : memref<!tpu.dma_semaphore, #tpu.memory_space<semaphore_mem>>)
    %add3A_727 = arith.constant 24 : i32
    %add3A_728 = arith.addi %mul3A_4, %add3A_727 : i32
    %add3A_729 = arith.constant 2 : i32
    %add3A_730 = arith.addi %add3A_728, %add3A_729 : i32
    %dma_start3A_731 = arith.constant 100 : i32
    %dma_start3A_732 = arith.constant 0 : i32
    %dma_start3A_733 = tpu.memref_slice %arg9[%dma_start3A_731, %dma_start3A_732] : memref<400x64xf32, #tpu.memory_space<vmem>> -> memref<50x64xf32, #tpu.memory_space<vmem>>
    %dma_start3A_734 = arith.constant 0 : i32
    %dma_start3A_735 = arith.constant 0 : i32
    %dma_start3A_736 = tpu.memref_slice %arg4[%add3A_730, %dma_start3A_734, %dma_start3A_735] : memref<16384x50x64xf32, #tpu.memory_space<hbm>> -> memref<1x50x64xf32, #tpu.memory_space<hbm>>
    %dma_start3A_737 = tpu.memref_squeeze %dma_start3A_736 : memref<1x50x64xf32, #tpu.memory_space<hbm>> -> memref<50x64xf32, #tpu.memory_space<hbm>>
    %dma_start3A_738 = arith.constant 0 : i32
    %dma_start3A_739 = arith.constant 0 : i32
    %dma_start3A_740 = tpu.memref_slice %arg4[%add3A_730, %dma_start3A_738, %dma_start3A_739] : memref<16384x50x64xf32, #tpu.memory_space<hbm>> -> memref<1x50x64xf32, #tpu.memory_space<hbm>>
    %dma_start3A_741 = tpu.memref_squeeze %dma_start3A_740 : memref<1x50x64xf32, #tpu.memory_space<hbm>> -> memref<50x64xf32, #tpu.memory_space<hbm>>
    %dma_start3A_742 = arith.constant 100 : i32
    %dma_start3A_743 = arith.constant 0 : i32
    %dma_start3A_744 = tpu.memref_slice %arg9[%dma_start3A_742, %dma_start3A_743] : memref<400x64xf32, #tpu.memory_space<vmem>> -> memref<50x64xf32, #tpu.memory_space<vmem>>
    tpu.enqueue_dma source(%dma_start3A_744 : memref<50x64xf32, #tpu.memory_space<vmem>>) target(%dma_start3A_741 : memref<50x64xf32, #tpu.memory_space<hbm>>) target_semaphore(%arg17 : memref<!tpu.dma_semaphore, #tpu.memory_space<semaphore_mem>>)
    %add3A_745 = arith.constant 24 : i32
    %add3A_746 = arith.addi %mul3A_4, %add3A_745 : i32
    %add3A_747 = arith.constant 3 : i32
    %add3A_748 = arith.addi %add3A_746, %add3A_747 : i32
    %dma_start3A_749 = arith.constant 150 : i32
    %dma_start3A_750 = arith.constant 0 : i32
    %dma_start3A_751 = tpu.memref_slice %arg9[%dma_start3A_749, %dma_start3A_750] : memref<400x64xf32, #tpu.memory_space<vmem>> -> memref<50x64xf32, #tpu.memory_space<vmem>>
    %dma_start3A_752 = arith.constant 0 : i32
    %dma_start3A_753 = arith.constant 0 : i32
    %dma_start3A_754 = tpu.memref_slice %arg4[%add3A_748, %dma_start3A_752, %dma_start3A_753] : memref<16384x50x64xf32, #tpu.memory_space<hbm>> -> memref<1x50x64xf32, #tpu.memory_space<hbm>>
    %dma_start3A_755 = tpu.memref_squeeze %dma_start3A_754 : memref<1x50x64xf32, #tpu.memory_space<hbm>> -> memref<50x64xf32, #tpu.memory_space<hbm>>
    %dma_start3A_756 = arith.constant 0 : i32
    %dma_start3A_757 = arith.constant 0 : i32
    %dma_start3A_758 = tpu.memref_slice %arg4[%add3A_748, %dma_start3A_756, %dma_start3A_757] : memref<16384x50x64xf32, #tpu.memory_space<hbm>> -> memref<1x50x64xf32, #tpu.memory_space<hbm>>
    %dma_start3A_759 = tpu.memref_squeeze %dma_start3A_758 : memref<1x50x64xf32, #tpu.memory_space<hbm>> -> memref<50x64xf32, #tpu.memory_space<hbm>>
    %dma_start3A_760 = arith.constant 150 : i32
    %dma_start3A_761 = arith.constant 0 : i32
    %dma_start3A_762 = tpu.memref_slice %arg9[%dma_start3A_760, %dma_start3A_761] : memref<400x64xf32, #tpu.memory_space<vmem>> -> memref<50x64xf32, #tpu.memory_space<vmem>>
    tpu.enqueue_dma source(%dma_start3A_762 : memref<50x64xf32, #tpu.memory_space<vmem>>) target(%dma_start3A_759 : memref<50x64xf32, #tpu.memory_space<hbm>>) target_semaphore(%arg17 : memref<!tpu.dma_semaphore, #tpu.memory_space<semaphore_mem>>)
    %add3A_763 = arith.constant 24 : i32
    %add3A_764 = arith.addi %mul3A_4, %add3A_763 : i32
    %add3A_765 = arith.constant 4 : i32
    %add3A_766 = arith.addi %add3A_764, %add3A_765 : i32
    %dma_start3A_767 = arith.constant 200 : i32
    %dma_start3A_768 = arith.constant 0 : i32
    %dma_start3A_769 = tpu.memref_slice %arg9[%dma_start3A_767, %dma_start3A_768] : memref<400x64xf32, #tpu.memory_space<vmem>> -> memref<50x64xf32, #tpu.memory_space<vmem>>
    %dma_start3A_770 = arith.constant 0 : i32
    %dma_start3A_771 = arith.constant 0 : i32
    %dma_start3A_772 = tpu.memref_slice %arg4[%add3A_766, %dma_start3A_770, %dma_start3A_771] : memref<16384x50x64xf32, #tpu.memory_space<hbm>> -> memref<1x50x64xf32, #tpu.memory_space<hbm>>
    %dma_start3A_773 = tpu.memref_squeeze %dma_start3A_772 : memref<1x50x64xf32, #tpu.memory_space<hbm>> -> memref<50x64xf32, #tpu.memory_space<hbm>>
    %dma_start3A_774 = arith.constant 0 : i32
    %dma_start3A_775 = arith.constant 0 : i32
    %dma_start3A_776 = tpu.memref_slice %arg4[%add3A_766, %dma_start3A_774, %dma_start3A_775] : memref<16384x50x64xf32, #tpu.memory_space<hbm>> -> memref<1x50x64xf32, #tpu.memory_space<hbm>>
    %dma_start3A_777 = tpu.memref_squeeze %dma_start3A_776 : memref<1x50x64xf32, #tpu.memory_space<hbm>> -> memref<50x64xf32, #tpu.memory_space<hbm>>
    %dma_start3A_778 = arith.constant 200 : i32
    %dma_start3A_779 = arith.constant 0 : i32
    %dma_start3A_780 = tpu.memref_slice %arg9[%dma_start3A_778, %dma_start3A_779] : memref<400x64xf32, #tpu.memory_space<vmem>> -> memref<50x64xf32, #tpu.memory_space<vmem>>
    tpu.enqueue_dma source(%dma_start3A_780 : memref<50x64xf32, #tpu.memory_space<vmem>>) target(%dma_start3A_777 : memref<50x64xf32, #tpu.memory_space<hbm>>) target_semaphore(%arg17 : memref<!tpu.dma_semaphore, #tpu.memory_space<semaphore_mem>>)
    %add3A_781 = arith.constant 24 : i32
    %add3A_782 = arith.addi %mul3A_4, %add3A_781 : i32
    %add3A_783 = arith.constant 5 : i32
    %add3A_784 = arith.addi %add3A_782, %add3A_783 : i32
    %dma_start3A_785 = arith.constant 250 : i32
    %dma_start3A_786 = arith.constant 0 : i32
    %dma_start3A_787 = tpu.memref_slice %arg9[%dma_start3A_785, %dma_start3A_786] : memref<400x64xf32, #tpu.memory_space<vmem>> -> memref<50x64xf32, #tpu.memory_space<vmem>>
    %dma_start3A_788 = arith.constant 0 : i32
    %dma_start3A_789 = arith.constant 0 : i32
    %dma_start3A_790 = tpu.memref_slice %arg4[%add3A_784, %dma_start3A_788, %dma_start3A_789] : memref<16384x50x64xf32, #tpu.memory_space<hbm>> -> memref<1x50x64xf32, #tpu.memory_space<hbm>>
    %dma_start3A_791 = tpu.memref_squeeze %dma_start3A_790 : memref<1x50x64xf32, #tpu.memory_space<hbm>> -> memref<50x64xf32, #tpu.memory_space<hbm>>
    %dma_start3A_792 = arith.constant 0 : i32
    %dma_start3A_793 = arith.constant 0 : i32
    %dma_start3A_794 = tpu.memref_slice %arg4[%add3A_784, %dma_start3A_792, %dma_start3A_793] : memref<16384x50x64xf32, #tpu.memory_space<hbm>> -> memref<1x50x64xf32, #tpu.memory_space<hbm>>
    %dma_start3A_795 = tpu.memref_squeeze %dma_start3A_794 : memref<1x50x64xf32, #tpu.memory_space<hbm>> -> memref<50x64xf32, #tpu.memory_space<hbm>>
    %dma_start3A_796 = arith.constant 250 : i32
    %dma_start3A_797 = arith.constant 0 : i32
    %dma_start3A_798 = tpu.memref_slice %arg9[%dma_start3A_796, %dma_start3A_797] : memref<400x64xf32, #tpu.memory_space<vmem>> -> memref<50x64xf32, #tpu.memory_space<vmem>>
    tpu.enqueue_dma source(%dma_start3A_798 : memref<50x64xf32, #tpu.memory_space<vmem>>) target(%dma_start3A_795 : memref<50x64xf32, #tpu.memory_space<hbm>>) target_semaphore(%arg17 : memref<!tpu.dma_semaphore, #tpu.memory_space<semaphore_mem>>)
    %add3A_799 = arith.constant 24 : i32
    %add3A_800 = arith.addi %mul3A_4, %add3A_799 : i32
    %add3A_801 = arith.constant 6 : i32
    %add3A_802 = arith.addi %add3A_800, %add3A_801 : i32
    %dma_start3A_803 = arith.constant 300 : i32
    %dma_start3A_804 = arith.constant 0 : i32
    %dma_start3A_805 = tpu.memref_slice %arg9[%dma_start3A_803, %dma_start3A_804] : memref<400x64xf32, #tpu.memory_space<vmem>> -> memref<50x64xf32, #tpu.memory_space<vmem>>
    %dma_start3A_806 = arith.constant 0 : i32
    %dma_start3A_807 = arith.constant 0 : i32
    %dma_start3A_808 = tpu.memref_slice %arg4[%add3A_802, %dma_start3A_806, %dma_start3A_807] : memref<16384x50x64xf32, #tpu.memory_space<hbm>> -> memref<1x50x64xf32, #tpu.memory_space<hbm>>
    %dma_start3A_809 = tpu.memref_squeeze %dma_start3A_808 : memref<1x50x64xf32, #tpu.memory_space<hbm>> -> memref<50x64xf32, #tpu.memory_space<hbm>>
    %dma_start3A_810 = arith.constant 0 : i32
    %dma_start3A_811 = arith.constant 0 : i32
    %dma_start3A_812 = tpu.memref_slice %arg4[%add3A_802, %dma_start3A_810, %dma_start3A_811] : memref<16384x50x64xf32, #tpu.memory_space<hbm>> -> memref<1x50x64xf32, #tpu.memory_space<hbm>>
    %dma_start3A_813 = tpu.memref_squeeze %dma_start3A_812 : memref<1x50x64xf32, #tpu.memory_space<hbm>> -> memref<50x64xf32, #tpu.memory_space<hbm>>
    %dma_start3A_814 = arith.constant 300 : i32
    %dma_start3A_815 = arith.constant 0 : i32
    %dma_start3A_816 = tpu.memref_slice %arg9[%dma_start3A_814, %dma_start3A_815] : memref<400x64xf32, #tpu.memory_space<vmem>> -> memref<50x64xf32, #tpu.memory_space<vmem>>
    tpu.enqueue_dma source(%dma_start3A_816 : memref<50x64xf32, #tpu.memory_space<vmem>>) target(%dma_start3A_813 : memref<50x64xf32, #tpu.memory_space<hbm>>) target_semaphore(%arg17 : memref<!tpu.dma_semaphore, #tpu.memory_space<semaphore_mem>>)
    %add3A_817 = arith.constant 24 : i32
    %add3A_818 = arith.addi %mul3A_4, %add3A_817 : i32
    %add3A_819 = arith.constant 7 : i32
    %add3A_820 = arith.addi %add3A_818, %add3A_819 : i32
    %dma_start3A_821 = arith.constant 350 : i32
    %dma_start3A_822 = arith.constant 0 : i32
    %dma_start3A_823 = tpu.memref_slice %arg9[%dma_start3A_821, %dma_start3A_822] : memref<400x64xf32, #tpu.memory_space<vmem>> -> memref<50x64xf32, #tpu.memory_space<vmem>>
    %dma_start3A_824 = arith.constant 0 : i32
    %dma_start3A_825 = arith.constant 0 : i32
    %dma_start3A_826 = tpu.memref_slice %arg4[%add3A_820, %dma_start3A_824, %dma_start3A_825] : memref<16384x50x64xf32, #tpu.memory_space<hbm>> -> memref<1x50x64xf32, #tpu.memory_space<hbm>>
    %dma_start3A_827 = tpu.memref_squeeze %dma_start3A_826 : memref<1x50x64xf32, #tpu.memory_space<hbm>> -> memref<50x64xf32, #tpu.memory_space<hbm>>
    %dma_start3A_828 = arith.constant 0 : i32
    %dma_start3A_829 = arith.constant 0 : i32
    %dma_start3A_830 = tpu.memref_slice %arg4[%add3A_820, %dma_start3A_828, %dma_start3A_829] : memref<16384x50x64xf32, #tpu.memory_space<hbm>> -> memref<1x50x64xf32, #tpu.memory_space<hbm>>
    %dma_start3A_831 = tpu.memref_squeeze %dma_start3A_830 : memref<1x50x64xf32, #tpu.memory_space<hbm>> -> memref<50x64xf32, #tpu.memory_space<hbm>>
    %dma_start3A_832 = arith.constant 350 : i32
    %dma_start3A_833 = arith.constant 0 : i32
    %dma_start3A_834 = tpu.memref_slice %arg9[%dma_start3A_832, %dma_start3A_833] : memref<400x64xf32, #tpu.memory_space<vmem>> -> memref<50x64xf32, #tpu.memory_space<vmem>>
    tpu.enqueue_dma source(%dma_start3A_834 : memref<50x64xf32, #tpu.memory_space<vmem>>) target(%dma_start3A_831 : memref<50x64xf32, #tpu.memory_space<hbm>>) target_semaphore(%arg17 : memref<!tpu.dma_semaphore, #tpu.memory_space<semaphore_mem>>)
    %scan3A = arith.constant 0 : i32
    %scan3A_835 = arith.constant 1 : i32
    %scan3A_836 = arith.constant 15 : i32
    %scan3A_837 = arith.addi %scan3A_835, %scan3A_836 : i32
    %scan3A_838 = arith.constant 1 : i32
    %scan3A_839 = scf.for %scan3A_1417 = %scan3A_835 to %scan3A_837 step %scan3A_838 iter_args(%scan3A_1418 = %scan3A) -> (i32)  : i32 {
      %mul3A_1419 = arith.constant 4 : i32
      %mul3A_1420 = arith.muli %scan3A_1417, %mul3A_1419 : i32
      %sub3A = arith.constant 4 : i32
      %sub3A_1421 = arith.subi %mul3A_1420, %sub3A : i32
      %add3A_1422 = arith.constant 0 : i32
      %add3A_1423 = arith.addi %sub3A_1421, %add3A_1422 : i32
      %mul3A_1424 = arith.constant 8 : i32
      %mul3A_1425 = arith.muli %add3A_1423, %mul3A_1424 : i32
      %add3A_1426 = arith.addi %mul3A_4, %mul3A_1425 : i32
      %add3A_1427 = arith.constant 0 : i32
      %add3A_1428 = arith.addi %add3A_1426, %add3A_1427 : i32
      %dma_wait3A_1429 = arith.constant 0 : i32
      %dma_wait3A_1430 = arith.constant 0 : i32
      %dma_wait3A_1431 = tpu.memref_slice %arg6[%dma_wait3A_1429, %dma_wait3A_1430] : memref<400x64xf32, #tpu.memory_space<vmem>> -> memref<50x64xf32, #tpu.memory_space<vmem>>
      %dma_wait3A_1432 = arith.constant 0 : i32
      %dma_wait3A_1433 = arith.constant 0 : i32
      %dma_wait3A_1434 = tpu.memref_slice %arg4[%add3A_1428, %dma_wait3A_1432, %dma_wait3A_1433] : memref<16384x50x64xf32, #tpu.memory_space<hbm>> -> memref<1x50x64xf32, #tpu.memory_space<hbm>>
      %dma_wait3A_1435 = tpu.memref_squeeze %dma_wait3A_1434 : memref<1x50x64xf32, #tpu.memory_space<hbm>> -> memref<50x64xf32, #tpu.memory_space<hbm>>
      %dma_wait3A_1436 = arith.constant 0 : i32
      %dma_wait3A_1437 = arith.constant 0 : i32
      %dma_wait3A_1438 = tpu.memref_slice %arg4[%add3A_1428, %dma_wait3A_1436, %dma_wait3A_1437] : memref<16384x50x64xf32, #tpu.memory_space<hbm>> -> memref<1x50x64xf32, #tpu.memory_space<hbm>>
      %dma_wait3A_1439 = tpu.memref_squeeze %dma_wait3A_1438 : memref<1x50x64xf32, #tpu.memory_space<hbm>> -> memref<50x64xf32, #tpu.memory_space<hbm>>
      %dma_wait3A_1440 = arith.constant 0 : i32
      %dma_wait3A_1441 = arith.constant 0 : i32
      %dma_wait3A_1442 = tpu.memref_slice %arg6[%dma_wait3A_1440, %dma_wait3A_1441] : memref<400x64xf32, #tpu.memory_space<vmem>> -> memref<50x64xf32, #tpu.memory_space<vmem>>
      tpu.wait_dma2 semaphore(%arg14 : memref<!tpu.dma_semaphore, #tpu.memory_space<semaphore_mem>>) src(%dma_wait3A_1442 : memref<50x64xf32, #tpu.memory_space<vmem>>) dst(%dma_wait3A_1439 : memref<50x64xf32, #tpu.memory_space<hbm>>)
      %mul3A_1443 = arith.constant 8 : i32
      %mul3A_1444 = arith.muli %add3A_1423, %mul3A_1443 : i32
      %add3A_1445 = arith.addi %mul3A_4, %mul3A_1444 : i32
      %add3A_1446 = arith.constant 1 : i32
      %add3A_1447 = arith.addi %add3A_1445, %add3A_1446 : i32
      %dma_wait3A_1448 = arith.constant 50 : i32
      %dma_wait3A_1449 = arith.constant 0 : i32
      %dma_wait3A_1450 = tpu.memref_slice %arg6[%dma_wait3A_1448, %dma_wait3A_1449] : memref<400x64xf32, #tpu.memory_space<vmem>> -> memref<50x64xf32, #tpu.memory_space<vmem>>
      %dma_wait3A_1451 = arith.constant 0 : i32
      %dma_wait3A_1452 = arith.constant 0 : i32
      %dma_wait3A_1453 = tpu.memref_slice %arg4[%add3A_1447, %dma_wait3A_1451, %dma_wait3A_1452] : memref<16384x50x64xf32, #tpu.memory_space<hbm>> -> memref<1x50x64xf32, #tpu.memory_space<hbm>>
      %dma_wait3A_1454 = tpu.memref_squeeze %dma_wait3A_1453 : memref<1x50x64xf32, #tpu.memory_space<hbm>> -> memref<50x64xf32, #tpu.memory_space<hbm>>
      %dma_wait3A_1455 = arith.constant 0 : i32
      %dma_wait3A_1456 = arith.constant 0 : i32
      %dma_wait3A_1457 = tpu.memref_slice %arg4[%add3A_1447, %dma_wait3A_1455, %dma_wait3A_1456] : memref<16384x50x64xf32, #tpu.memory_space<hbm>> -> memref<1x50x64xf32, #tpu.memory_space<hbm>>
      %dma_wait3A_1458 = tpu.memref_squeeze %dma_wait3A_1457 : memref<1x50x64xf32, #tpu.memory_space<hbm>> -> memref<50x64xf32, #tpu.memory_space<hbm>>
      %dma_wait3A_1459 = arith.constant 50 : i32
      %dma_wait3A_1460 = arith.constant 0 : i32
      %dma_wait3A_1461 = tpu.memref_slice %arg6[%dma_wait3A_1459, %dma_wait3A_1460] : memref<400x64xf32, #tpu.memory_space<vmem>> -> memref<50x64xf32, #tpu.memory_space<vmem>>
      tpu.wait_dma2 semaphore(%arg14 : memref<!tpu.dma_semaphore, #tpu.memory_space<semaphore_mem>>) src(%dma_wait3A_1461 : memref<50x64xf32, #tpu.memory_space<vmem>>) dst(%dma_wait3A_1458 : memref<50x64xf32, #tpu.memory_space<hbm>>)
      %mul3A_1462 = arith.constant 8 : i32
      %mul3A_1463 = arith.muli %add3A_1423, %mul3A_1462 : i32
      %add3A_1464 = arith.addi %mul3A_4, %mul3A_1463 : i32
      %add3A_1465 = arith.constant 2 : i32
      %add3A_1466 = arith.addi %add3A_1464, %add3A_1465 : i32
      %dma_wait3A_1467 = arith.constant 100 : i32
      %dma_wait3A_1468 = arith.constant 0 : i32
      %dma_wait3A_1469 = tpu.memref_slice %arg6[%dma_wait3A_1467, %dma_wait3A_1468] : memref<400x64xf32, #tpu.memory_space<vmem>> -> memref<50x64xf32, #tpu.memory_space<vmem>>
      %dma_wait3A_1470 = arith.constant 0 : i32
      %dma_wait3A_1471 = arith.constant 0 : i32
      %dma_wait3A_1472 = tpu.memref_slice %arg4[%add3A_1466, %dma_wait3A_1470, %dma_wait3A_1471] : memref<16384x50x64xf32, #tpu.memory_space<hbm>> -> memref<1x50x64xf32, #tpu.memory_space<hbm>>
      %dma_wait3A_1473 = tpu.memref_squeeze %dma_wait3A_1472 : memref<1x50x64xf32, #tpu.memory_space<hbm>> -> memref<50x64xf32, #tpu.memory_space<hbm>>
      %dma_wait3A_1474 = arith.constant 0 : i32
      %dma_wait3A_1475 = arith.constant 0 : i32
      %dma_wait3A_1476 = tpu.memref_slice %arg4[%add3A_1466, %dma_wait3A_1474, %dma_wait3A_1475] : memref<16384x50x64xf32, #tpu.memory_space<hbm>> -> memref<1x50x64xf32, #tpu.memory_space<hbm>>
      %dma_wait3A_1477 = tpu.memref_squeeze %dma_wait3A_1476 : memref<1x50x64xf32, #tpu.memory_space<hbm>> -> memref<50x64xf32, #tpu.memory_space<hbm>>
      %dma_wait3A_1478 = arith.constant 100 : i32
      %dma_wait3A_1479 = arith.constant 0 : i32
      %dma_wait3A_1480 = tpu.memref_slice %arg6[%dma_wait3A_1478, %dma_wait3A_1479] : memref<400x64xf32, #tpu.memory_space<vmem>> -> memref<50x64xf32, #tpu.memory_space<vmem>>
      tpu.wait_dma2 semaphore(%arg14 : memref<!tpu.dma_semaphore, #tpu.memory_space<semaphore_mem>>) src(%dma_wait3A_1480 : memref<50x64xf32, #tpu.memory_space<vmem>>) dst(%dma_wait3A_1477 : memref<50x64xf32, #tpu.memory_space<hbm>>)
      %mul3A_1481 = arith.constant 8 : i32
      %mul3A_1482 = arith.muli %add3A_1423, %mul3A_1481 : i32
      %add3A_1483 = arith.addi %mul3A_4, %mul3A_1482 : i32
      %add3A_1484 = arith.constant 3 : i32
      %add3A_1485 = arith.addi %add3A_1483, %add3A_1484 : i32
      %dma_wait3A_1486 = arith.constant 150 : i32
      %dma_wait3A_1487 = arith.constant 0 : i32
      %dma_wait3A_1488 = tpu.memref_slice %arg6[%dma_wait3A_1486, %dma_wait3A_1487] : memref<400x64xf32, #tpu.memory_space<vmem>> -> memref<50x64xf32, #tpu.memory_space<vmem>>
      %dma_wait3A_1489 = arith.constant 0 : i32
      %dma_wait3A_1490 = arith.constant 0 : i32
      %dma_wait3A_1491 = tpu.memref_slice %arg4[%add3A_1485, %dma_wait3A_1489, %dma_wait3A_1490] : memref<16384x50x64xf32, #tpu.memory_space<hbm>> -> memref<1x50x64xf32, #tpu.memory_space<hbm>>
      %dma_wait3A_1492 = tpu.memref_squeeze %dma_wait3A_1491 : memref<1x50x64xf32, #tpu.memory_space<hbm>> -> memref<50x64xf32, #tpu.memory_space<hbm>>
      %dma_wait3A_1493 = arith.constant 0 : i32
      %dma_wait3A_1494 = arith.constant 0 : i32
      %dma_wait3A_1495 = tpu.memref_slice %arg4[%add3A_1485, %dma_wait3A_1493, %dma_wait3A_1494] : memref<16384x50x64xf32, #tpu.memory_space<hbm>> -> memref<1x50x64xf32, #tpu.memory_space<hbm>>
      %dma_wait3A_1496 = tpu.memref_squeeze %dma_wait3A_1495 : memref<1x50x64xf32, #tpu.memory_space<hbm>> -> memref<50x64xf32, #tpu.memory_space<hbm>>
      %dma_wait3A_1497 = arith.constant 150 : i32
      %dma_wait3A_1498 = arith.constant 0 : i32
      %dma_wait3A_1499 = tpu.memref_slice %arg6[%dma_wait3A_1497, %dma_wait3A_1498] : memref<400x64xf32, #tpu.memory_space<vmem>> -> memref<50x64xf32, #tpu.memory_space<vmem>>
      tpu.wait_dma2 semaphore(%arg14 : memref<!tpu.dma_semaphore, #tpu.memory_space<semaphore_mem>>) src(%dma_wait3A_1499 : memref<50x64xf32, #tpu.memory_space<vmem>>) dst(%dma_wait3A_1496 : memref<50x64xf32, #tpu.memory_space<hbm>>)
      %mul3A_1500 = arith.constant 8 : i32
      %mul3A_1501 = arith.muli %add3A_1423, %mul3A_1500 : i32
      %add3A_1502 = arith.addi %mul3A_4, %mul3A_1501 : i32
      %add3A_1503 = arith.constant 4 : i32
      %add3A_1504 = arith.addi %add3A_1502, %add3A_1503 : i32
      %dma_wait3A_1505 = arith.constant 200 : i32
      %dma_wait3A_1506 = arith.constant 0 : i32
      %dma_wait3A_1507 = tpu.memref_slice %arg6[%dma_wait3A_1505, %dma_wait3A_1506] : memref<400x64xf32, #tpu.memory_space<vmem>> -> memref<50x64xf32, #tpu.memory_space<vmem>>
      %dma_wait3A_1508 = arith.constant 0 : i32
      %dma_wait3A_1509 = arith.constant 0 : i32
      %dma_wait3A_1510 = tpu.memref_slice %arg4[%add3A_1504, %dma_wait3A_1508, %dma_wait3A_1509] : memref<16384x50x64xf32, #tpu.memory_space<hbm>> -> memref<1x50x64xf32, #tpu.memory_space<hbm>>
      %dma_wait3A_1511 = tpu.memref_squeeze %dma_wait3A_1510 : memref<1x50x64xf32, #tpu.memory_space<hbm>> -> memref<50x64xf32, #tpu.memory_space<hbm>>
      %dma_wait3A_1512 = arith.constant 0 : i32
      %dma_wait3A_1513 = arith.constant 0 : i32
      %dma_wait3A_1514 = tpu.memref_slice %arg4[%add3A_1504, %dma_wait3A_1512, %dma_wait3A_1513] : memref<16384x50x64xf32, #tpu.memory_space<hbm>> -> memref<1x50x64xf32, #tpu.memory_space<hbm>>
      %dma_wait3A_1515 = tpu.memref_squeeze %dma_wait3A_1514 : memref<1x50x64xf32, #tpu.memory_space<hbm>> -> memref<50x64xf32, #tpu.memory_space<hbm>>
      %dma_wait3A_1516 = arith.constant 200 : i32
      %dma_wait3A_1517 = arith.constant 0 : i32
      %dma_wait3A_1518 = tpu.memref_slice %arg6[%dma_wait3A_1516, %dma_wait3A_1517] : memref<400x64xf32, #tpu.memory_space<vmem>> -> memref<50x64xf32, #tpu.memory_space<vmem>>
      tpu.wait_dma2 semaphore(%arg14 : memref<!tpu.dma_semaphore, #tpu.memory_space<semaphore_mem>>) src(%dma_wait3A_1518 : memref<50x64xf32, #tpu.memory_space<vmem>>) dst(%dma_wait3A_1515 : memref<50x64xf32, #tpu.memory_space<hbm>>)
      %mul3A_1519 = arith.constant 8 : i32
      %mul3A_1520 = arith.muli %add3A_1423, %mul3A_1519 : i32
      %add3A_1521 = arith.addi %mul3A_4, %mul3A_1520 : i32
      %add3A_1522 = arith.constant 5 : i32
      %add3A_1523 = arith.addi %add3A_1521, %add3A_1522 : i32
      %dma_wait3A_1524 = arith.constant 250 : i32
      %dma_wait3A_1525 = arith.constant 0 : i32
      %dma_wait3A_1526 = tpu.memref_slice %arg6[%dma_wait3A_1524, %dma_wait3A_1525] : memref<400x64xf32, #tpu.memory_space<vmem>> -> memref<50x64xf32, #tpu.memory_space<vmem>>
      %dma_wait3A_1527 = arith.constant 0 : i32
      %dma_wait3A_1528 = arith.constant 0 : i32
      %dma_wait3A_1529 = tpu.memref_slice %arg4[%add3A_1523, %dma_wait3A_1527, %dma_wait3A_1528] : memref<16384x50x64xf32, #tpu.memory_space<hbm>> -> memref<1x50x64xf32, #tpu.memory_space<hbm>>
      %dma_wait3A_1530 = tpu.memref_squeeze %dma_wait3A_1529 : memref<1x50x64xf32, #tpu.memory_space<hbm>> -> memref<50x64xf32, #tpu.memory_space<hbm>>
      %dma_wait3A_1531 = arith.constant 0 : i32
      %dma_wait3A_1532 = arith.constant 0 : i32
      %dma_wait3A_1533 = tpu.memref_slice %arg4[%add3A_1523, %dma_wait3A_1531, %dma_wait3A_1532] : memref<16384x50x64xf32, #tpu.memory_space<hbm>> -> memref<1x50x64xf32, #tpu.memory_space<hbm>>
      %dma_wait3A_1534 = tpu.memref_squeeze %dma_wait3A_1533 : memref<1x50x64xf32, #tpu.memory_space<hbm>> -> memref<50x64xf32, #tpu.memory_space<hbm>>
      %dma_wait3A_1535 = arith.constant 250 : i32
      %dma_wait3A_1536 = arith.constant 0 : i32
      %dma_wait3A_1537 = tpu.memref_slice %arg6[%dma_wait3A_1535, %dma_wait3A_1536] : memref<400x64xf32, #tpu.memory_space<vmem>> -> memref<50x64xf32, #tpu.memory_space<vmem>>
      tpu.wait_dma2 semaphore(%arg14 : memref<!tpu.dma_semaphore, #tpu.memory_space<semaphore_mem>>) src(%dma_wait3A_1537 : memref<50x64xf32, #tpu.memory_space<vmem>>) dst(%dma_wait3A_1534 : memref<50x64xf32, #tpu.memory_space<hbm>>)
      %mul3A_1538 = arith.constant 8 : i32
      %mul3A_1539 = arith.muli %add3A_1423, %mul3A_1538 : i32
      %add3A_1540 = arith.addi %mul3A_4, %mul3A_1539 : i32
      %add3A_1541 = arith.constant 6 : i32
      %add3A_1542 = arith.addi %add3A_1540, %add3A_1541 : i32
      %dma_wait3A_1543 = arith.constant 300 : i32
      %dma_wait3A_1544 = arith.constant 0 : i32
      %dma_wait3A_1545 = tpu.memref_slice %arg6[%dma_wait3A_1543, %dma_wait3A_1544] : memref<400x64xf32, #tpu.memory_space<vmem>> -> memref<50x64xf32, #tpu.memory_space<vmem>>
      %dma_wait3A_1546 = arith.constant 0 : i32
      %dma_wait3A_1547 = arith.constant 0 : i32
      %dma_wait3A_1548 = tpu.memref_slice %arg4[%add3A_1542, %dma_wait3A_1546, %dma_wait3A_1547] : memref<16384x50x64xf32, #tpu.memory_space<hbm>> -> memref<1x50x64xf32, #tpu.memory_space<hbm>>
      %dma_wait3A_1549 = tpu.memref_squeeze %dma_wait3A_1548 : memref<1x50x64xf32, #tpu.memory_space<hbm>> -> memref<50x64xf32, #tpu.memory_space<hbm>>
      %dma_wait3A_1550 = arith.constant 0 : i32
      %dma_wait3A_1551 = arith.constant 0 : i32
      %dma_wait3A_1552 = tpu.memref_slice %arg4[%add3A_1542, %dma_wait3A_1550, %dma_wait3A_1551] : memref<16384x50x64xf32, #tpu.memory_space<hbm>> -> memref<1x50x64xf32, #tpu.memory_space<hbm>>
      %dma_wait3A_1553 = tpu.memref_squeeze %dma_wait3A_1552 : memref<1x50x64xf32, #tpu.memory_space<hbm>> -> memref<50x64xf32, #tpu.memory_space<hbm>>
      %dma_wait3A_1554 = arith.constant 300 : i32
      %dma_wait3A_1555 = arith.constant 0 : i32
      %dma_wait3A_1556 = tpu.memref_slice %arg6[%dma_wait3A_1554, %dma_wait3A_1555] : memref<400x64xf32, #tpu.memory_space<vmem>> -> memref<50x64xf32, #tpu.memory_space<vmem>>
      tpu.wait_dma2 semaphore(%arg14 : memref<!tpu.dma_semaphore, #tpu.memory_space<semaphore_mem>>) src(%dma_wait3A_1556 : memref<50x64xf32, #tpu.memory_space<vmem>>) dst(%dma_wait3A_1553 : memref<50x64xf32, #tpu.memory_space<hbm>>)
      %mul3A_1557 = arith.constant 8 : i32
      %mul3A_1558 = arith.muli %add3A_1423, %mul3A_1557 : i32
      %add3A_1559 = arith.addi %mul3A_4, %mul3A_1558 : i32
      %add3A_1560 = arith.constant 7 : i32
      %add3A_1561 = arith.addi %add3A_1559, %add3A_1560 : i32
      %dma_wait3A_1562 = arith.constant 350 : i32
      %dma_wait3A_1563 = arith.constant 0 : i32
      %dma_wait3A_1564 = tpu.memref_slice %arg6[%dma_wait3A_1562, %dma_wait3A_1563] : memref<400x64xf32, #tpu.memory_space<vmem>> -> memref<50x64xf32, #tpu.memory_space<vmem>>
      %dma_wait3A_1565 = arith.constant 0 : i32
      %dma_wait3A_1566 = arith.constant 0 : i32
      %dma_wait3A_1567 = tpu.memref_slice %arg4[%add3A_1561, %dma_wait3A_1565, %dma_wait3A_1566] : memref<16384x50x64xf32, #tpu.memory_space<hbm>> -> memref<1x50x64xf32, #tpu.memory_space<hbm>>
      %dma_wait3A_1568 = tpu.memref_squeeze %dma_wait3A_1567 : memref<1x50x64xf32, #tpu.memory_space<hbm>> -> memref<50x64xf32, #tpu.memory_space<hbm>>
      %dma_wait3A_1569 = arith.constant 0 : i32
      %dma_wait3A_1570 = arith.constant 0 : i32
      %dma_wait3A_1571 = tpu.memref_slice %arg4[%add3A_1561, %dma_wait3A_1569, %dma_wait3A_1570] : memref<16384x50x64xf32, #tpu.memory_space<hbm>> -> memref<1x50x64xf32, #tpu.memory_space<hbm>>
      %dma_wait3A_1572 = tpu.memref_squeeze %dma_wait3A_1571 : memref<1x50x64xf32, #tpu.memory_space<hbm>> -> memref<50x64xf32, #tpu.memory_space<hbm>>
      %dma_wait3A_1573 = arith.constant 350 : i32
      %dma_wait3A_1574 = arith.constant 0 : i32
      %dma_wait3A_1575 = tpu.memref_slice %arg6[%dma_wait3A_1573, %dma_wait3A_1574] : memref<400x64xf32, #tpu.memory_space<vmem>> -> memref<50x64xf32, #tpu.memory_space<vmem>>
      tpu.wait_dma2 semaphore(%arg14 : memref<!tpu.dma_semaphore, #tpu.memory_space<semaphore_mem>>) src(%dma_wait3A_1575 : memref<50x64xf32, #tpu.memory_space<vmem>>) dst(%dma_wait3A_1572 : memref<50x64xf32, #tpu.memory_space<hbm>>)
      %add3A_1576 = arith.constant 0 : i32
      %add3A_1577 = arith.addi %mul3A_1420, %add3A_1576 : i32
      %mul3A_1578 = arith.constant 400 : i32
      %mul3A_1579 = arith.muli %add3A_1577, %mul3A_1578 : i32
      %add3A_1580 = arith.constant 0 : i32
      %add3A_1581 = arith.addi %mul3A_1579, %add3A_1580 : i32
      %dma_start3A_1582 = arith.constant 0 : i32
      %dma_start3A_1583 = arith.constant 0 : i32
      %dma_start3A_1584 = tpu.memref_slice %arg6[%dma_start3A_1582, %dma_start3A_1583] : memref<400x64xf32, #tpu.memory_space<vmem>> -> memref<128x64xf32, #tpu.memory_space<vmem>>
      %dma_start3A_1585 = tpu.memref_slice %arg5[%add3A_1581] : memref<25600xi32, #tpu.memory_space<vmem>> -> memref<128xi32, #tpu.memory_space<vmem>>
      %dma_start3A_1586 = arith.constant 0 : i32
      %dma_start3A_1587 = arith.constant 0 : i32
      %dma_start3A_1588 = tpu.memref_slice %arg3[%dma_start3A_1586, %dma_start3A_1587] : memref<1000000x64xf32, #tpu.memory_space<hbm>> -> memref<1000000x64xf32, #tpu.memory_space<hbm>>
      tpu.enqueue_indirect_dma source(%dma_start3A_1588 : memref<1000000x64xf32, #tpu.memory_space<hbm>>) target(%dma_start3A_1584 : memref<128x64xf32, #tpu.memory_space<vmem>>) offsets(%dma_start3A_1585 : memref<128xi32, #tpu.memory_space<vmem>>) semaphore(%arg10 : memref<!tpu.dma_semaphore, #tpu.memory_space<semaphore_mem>>)
      %mul3A_1589 = arith.constant 400 : i32
      %mul3A_1590 = arith.muli %add3A_1577, %mul3A_1589 : i32
      %add3A_1591 = arith.constant 128 : i32
      %add3A_1592 = arith.addi %mul3A_1590, %add3A_1591 : i32
      %dma_start3A_1593 = arith.constant 128 : i32
      %dma_start3A_1594 = arith.constant 0 : i32
      %dma_start3A_1595 = tpu.memref_slice %arg6[%dma_start3A_1593, %dma_start3A_1594] : memref<400x64xf32, #tpu.memory_space<vmem>> -> memref<128x64xf32, #tpu.memory_space<vmem>>
      %dma_start3A_1596 = tpu.memref_slice %arg5[%add3A_1592] : memref<25600xi32, #tpu.memory_space<vmem>> -> memref<128xi32, #tpu.memory_space<vmem>>
      %dma_start3A_1597 = arith.constant 0 : i32
      %dma_start3A_1598 = arith.constant 0 : i32
      %dma_start3A_1599 = tpu.memref_slice %arg3[%dma_start3A_1597, %dma_start3A_1598] : memref<1000000x64xf32, #tpu.memory_space<hbm>> -> memref<1000000x64xf32, #tpu.memory_space<hbm>>
      tpu.enqueue_indirect_dma source(%dma_start3A_1599 : memref<1000000x64xf32, #tpu.memory_space<hbm>>) target(%dma_start3A_1595 : memref<128x64xf32, #tpu.memory_space<vmem>>) offsets(%dma_start3A_1596 : memref<128xi32, #tpu.memory_space<vmem>>) semaphore(%arg10 : memref<!tpu.dma_semaphore, #tpu.memory_space<semaphore_mem>>)
      %mul3A_1600 = arith.constant 400 : i32
      %mul3A_1601 = arith.muli %add3A_1577, %mul3A_1600 : i32
      %add3A_1602 = arith.constant 256 : i32
      %add3A_1603 = arith.addi %mul3A_1601, %add3A_1602 : i32
      %dma_start3A_1604 = arith.constant 256 : i32
      %dma_start3A_1605 = arith.constant 0 : i32
      %dma_start3A_1606 = tpu.memref_slice %arg6[%dma_start3A_1604, %dma_start3A_1605] : memref<400x64xf32, #tpu.memory_space<vmem>> -> memref<128x64xf32, #tpu.memory_space<vmem>>
      %dma_start3A_1607 = tpu.memref_slice %arg5[%add3A_1603] : memref<25600xi32, #tpu.memory_space<vmem>> -> memref<128xi32, #tpu.memory_space<vmem>>
      %dma_start3A_1608 = arith.constant 0 : i32
      %dma_start3A_1609 = arith.constant 0 : i32
      %dma_start3A_1610 = tpu.memref_slice %arg3[%dma_start3A_1608, %dma_start3A_1609] : memref<1000000x64xf32, #tpu.memory_space<hbm>> -> memref<1000000x64xf32, #tpu.memory_space<hbm>>
      tpu.enqueue_indirect_dma source(%dma_start3A_1610 : memref<1000000x64xf32, #tpu.memory_space<hbm>>) target(%dma_start3A_1606 : memref<128x64xf32, #tpu.memory_space<vmem>>) offsets(%dma_start3A_1607 : memref<128xi32, #tpu.memory_space<vmem>>) semaphore(%arg10 : memref<!tpu.dma_semaphore, #tpu.memory_space<semaphore_mem>>)
      %mul3A_1611 = arith.constant 400 : i32
      %mul3A_1612 = arith.muli %add3A_1577, %mul3A_1611 : i32
      %add3A_1613 = arith.constant 384 : i32
      %add3A_1614 = arith.addi %mul3A_1612, %add3A_1613 : i32
      %dma_start3A_1615 = arith.constant 384 : i32
      %dma_start3A_1616 = arith.constant 0 : i32
      %dma_start3A_1617 = tpu.memref_slice %arg6[%dma_start3A_1615, %dma_start3A_1616] : memref<400x64xf32, #tpu.memory_space<vmem>> -> memref<16x64xf32, #tpu.memory_space<vmem>>
      %dma_start3A_1618 = tpu.memref_slice %arg5[%add3A_1614] : memref<25600xi32, #tpu.memory_space<vmem>> -> memref<16xi32, #tpu.memory_space<vmem>>
      %dma_start3A_1619 = arith.constant 0 : i32
      %dma_start3A_1620 = arith.constant 0 : i32
      %dma_start3A_1621 = tpu.memref_slice %arg3[%dma_start3A_1619, %dma_start3A_1620] : memref<1000000x64xf32, #tpu.memory_space<hbm>> -> memref<1000000x64xf32, #tpu.memory_space<hbm>>
      tpu.enqueue_indirect_dma source(%dma_start3A_1621 : memref<1000000x64xf32, #tpu.memory_space<hbm>>) target(%dma_start3A_1617 : memref<16x64xf32, #tpu.memory_space<vmem>>) offsets(%dma_start3A_1618 : memref<16xi32, #tpu.memory_space<vmem>>) semaphore(%arg10 : memref<!tpu.dma_semaphore, #tpu.memory_space<semaphore_mem>>)
      %sub3A_1622 = arith.constant 4 : i32
      %sub3A_1623 = arith.subi %mul3A_1420, %sub3A_1622 : i32
      %add3A_1624 = arith.constant 1 : i32
      %add3A_1625 = arith.addi %sub3A_1623, %add3A_1624 : i32
      %mul3A_1626 = arith.constant 8 : i32
      %mul3A_1627 = arith.muli %add3A_1625, %mul3A_1626 : i32
      %add3A_1628 = arith.addi %mul3A_4, %mul3A_1627 : i32
      %add3A_1629 = arith.constant 0 : i32
      %add3A_1630 = arith.addi %add3A_1628, %add3A_1629 : i32
      %dma_wait3A_1631 = arith.constant 0 : i32
      %dma_wait3A_1632 = arith.constant 0 : i32
      %dma_wait3A_1633 = tpu.memref_slice %arg7[%dma_wait3A_1631, %dma_wait3A_1632] : memref<400x64xf32, #tpu.memory_space<vmem>> -> memref<50x64xf32, #tpu.memory_space<vmem>>
      %dma_wait3A_1634 = arith.constant 0 : i32
      %dma_wait3A_1635 = arith.constant 0 : i32
      %dma_wait3A_1636 = tpu.memref_slice %arg4[%add3A_1630, %dma_wait3A_1634, %dma_wait3A_1635] : memref<16384x50x64xf32, #tpu.memory_space<hbm>> -> memref<1x50x64xf32, #tpu.memory_space<hbm>>
      %dma_wait3A_1637 = tpu.memref_squeeze %dma_wait3A_1636 : memref<1x50x64xf32, #tpu.memory_space<hbm>> -> memref<50x64xf32, #tpu.memory_space<hbm>>
      %dma_wait3A_1638 = arith.constant 0 : i32
      %dma_wait3A_1639 = arith.constant 0 : i32
      %dma_wait3A_1640 = tpu.memref_slice %arg4[%add3A_1630, %dma_wait3A_1638, %dma_wait3A_1639] : memref<16384x50x64xf32, #tpu.memory_space<hbm>> -> memref<1x50x64xf32, #tpu.memory_space<hbm>>
      %dma_wait3A_1641 = tpu.memref_squeeze %dma_wait3A_1640 : memref<1x50x64xf32, #tpu.memory_space<hbm>> -> memref<50x64xf32, #tpu.memory_space<hbm>>
      %dma_wait3A_1642 = arith.constant 0 : i32
      %dma_wait3A_1643 = arith.constant 0 : i32
      %dma_wait3A_1644 = tpu.memref_slice %arg7[%dma_wait3A_1642, %dma_wait3A_1643] : memref<400x64xf32, #tpu.memory_space<vmem>> -> memref<50x64xf32, #tpu.memory_space<vmem>>
      tpu.wait_dma2 semaphore(%arg15 : memref<!tpu.dma_semaphore, #tpu.memory_space<semaphore_mem>>) src(%dma_wait3A_1644 : memref<50x64xf32, #tpu.memory_space<vmem>>) dst(%dma_wait3A_1641 : memref<50x64xf32, #tpu.memory_space<hbm>>)
      %mul3A_1645 = arith.constant 8 : i32
      %mul3A_1646 = arith.muli %add3A_1625, %mul3A_1645 : i32
      %add3A_1647 = arith.addi %mul3A_4, %mul3A_1646 : i32
      %add3A_1648 = arith.constant 1 : i32
      %add3A_1649 = arith.addi %add3A_1647, %add3A_1648 : i32
      %dma_wait3A_1650 = arith.constant 50 : i32
      %dma_wait3A_1651 = arith.constant 0 : i32
      %dma_wait3A_1652 = tpu.memref_slice %arg7[%dma_wait3A_1650, %dma_wait3A_1651] : memref<400x64xf32, #tpu.memory_space<vmem>> -> memref<50x64xf32, #tpu.memory_space<vmem>>
      %dma_wait3A_1653 = arith.constant 0 : i32
      %dma_wait3A_1654 = arith.constant 0 : i32
      %dma_wait3A_1655 = tpu.memref_slice %arg4[%add3A_1649, %dma_wait3A_1653, %dma_wait3A_1654] : memref<16384x50x64xf32, #tpu.memory_space<hbm>> -> memref<1x50x64xf32, #tpu.memory_space<hbm>>
      %dma_wait3A_1656 = tpu.memref_squeeze %dma_wait3A_1655 : memref<1x50x64xf32, #tpu.memory_space<hbm>> -> memref<50x64xf32, #tpu.memory_space<hbm>>
      %dma_wait3A_1657 = arith.constant 0 : i32
      %dma_wait3A_1658 = arith.constant 0 : i32
      %dma_wait3A_1659 = tpu.memref_slice %arg4[%add3A_1649, %dma_wait3A_1657, %dma_wait3A_1658] : memref<16384x50x64xf32, #tpu.memory_space<hbm>> -> memref<1x50x64xf32, #tpu.memory_space<hbm>>
      %dma_wait3A_1660 = tpu.memref_squeeze %dma_wait3A_1659 : memref<1x50x64xf32, #tpu.memory_space<hbm>> -> memref<50x64xf32, #tpu.memory_space<hbm>>
      %dma_wait3A_1661 = arith.constant 50 : i32
      %dma_wait3A_1662 = arith.constant 0 : i32
      %dma_wait3A_1663 = tpu.memref_slice %arg7[%dma_wait3A_1661, %dma_wait3A_1662] : memref<400x64xf32, #tpu.memory_space<vmem>> -> memref<50x64xf32, #tpu.memory_space<vmem>>
      tpu.wait_dma2 semaphore(%arg15 : memref<!tpu.dma_semaphore, #tpu.memory_space<semaphore_mem>>) src(%dma_wait3A_1663 : memref<50x64xf32, #tpu.memory_space<vmem>>) dst(%dma_wait3A_1660 : memref<50x64xf32, #tpu.memory_space<hbm>>)
      %mul3A_1664 = arith.constant 8 : i32
      %mul3A_1665 = arith.muli %add3A_1625, %mul3A_1664 : i32
      %add3A_1666 = arith.addi %mul3A_4, %mul3A_1665 : i32
      %add3A_1667 = arith.constant 2 : i32
      %add3A_1668 = arith.addi %add3A_1666, %add3A_1667 : i32
      %dma_wait3A_1669 = arith.constant 100 : i32
      %dma_wait3A_1670 = arith.constant 0 : i32
      %dma_wait3A_1671 = tpu.memref_slice %arg7[%dma_wait3A_1669, %dma_wait3A_1670] : memref<400x64xf32, #tpu.memory_space<vmem>> -> memref<50x64xf32, #tpu.memory_space<vmem>>
      %dma_wait3A_1672 = arith.constant 0 : i32
      %dma_wait3A_1673 = arith.constant 0 : i32
      %dma_wait3A_1674 = tpu.memref_slice %arg4[%add3A_1668, %dma_wait3A_1672, %dma_wait3A_1673] : memref<16384x50x64xf32, #tpu.memory_space<hbm>> -> memref<1x50x64xf32, #tpu.memory_space<hbm>>
      %dma_wait3A_1675 = tpu.memref_squeeze %dma_wait3A_1674 : memref<1x50x64xf32, #tpu.memory_space<hbm>> -> memref<50x64xf32, #tpu.memory_space<hbm>>
      %dma_wait3A_1676 = arith.constant 0 : i32
      %dma_wait3A_1677 = arith.constant 0 : i32
      %dma_wait3A_1678 = tpu.memref_slice %arg4[%add3A_1668, %dma_wait3A_1676, %dma_wait3A_1677] : memref<16384x50x64xf32, #tpu.memory_space<hbm>> -> memref<1x50x64xf32, #tpu.memory_space<hbm>>
      %dma_wait3A_1679 = tpu.memref_squeeze %dma_wait3A_1678 : memref<1x50x64xf32, #tpu.memory_space<hbm>> -> memref<50x64xf32, #tpu.memory_space<hbm>>
      %dma_wait3A_1680 = arith.constant 100 : i32
      %dma_wait3A_1681 = arith.constant 0 : i32
      %dma_wait3A_1682 = tpu.memref_slice %arg7[%dma_wait3A_1680, %dma_wait3A_1681] : memref<400x64xf32, #tpu.memory_space<vmem>> -> memref<50x64xf32, #tpu.memory_space<vmem>>
      tpu.wait_dma2 semaphore(%arg15 : memref<!tpu.dma_semaphore, #tpu.memory_space<semaphore_mem>>) src(%dma_wait3A_1682 : memref<50x64xf32, #tpu.memory_space<vmem>>) dst(%dma_wait3A_1679 : memref<50x64xf32, #tpu.memory_space<hbm>>)
      %mul3A_1683 = arith.constant 8 : i32
      %mul3A_1684 = arith.muli %add3A_1625, %mul3A_1683 : i32
      %add3A_1685 = arith.addi %mul3A_4, %mul3A_1684 : i32
      %add3A_1686 = arith.constant 3 : i32
      %add3A_1687 = arith.addi %add3A_1685, %add3A_1686 : i32
      %dma_wait3A_1688 = arith.constant 150 : i32
      %dma_wait3A_1689 = arith.constant 0 : i32
      %dma_wait3A_1690 = tpu.memref_slice %arg7[%dma_wait3A_1688, %dma_wait3A_1689] : memref<400x64xf32, #tpu.memory_space<vmem>> -> memref<50x64xf32, #tpu.memory_space<vmem>>
      %dma_wait3A_1691 = arith.constant 0 : i32
      %dma_wait3A_1692 = arith.constant 0 : i32
      %dma_wait3A_1693 = tpu.memref_slice %arg4[%add3A_1687, %dma_wait3A_1691, %dma_wait3A_1692] : memref<16384x50x64xf32, #tpu.memory_space<hbm>> -> memref<1x50x64xf32, #tpu.memory_space<hbm>>
      %dma_wait3A_1694 = tpu.memref_squeeze %dma_wait3A_1693 : memref<1x50x64xf32, #tpu.memory_space<hbm>> -> memref<50x64xf32, #tpu.memory_space<hbm>>
      %dma_wait3A_1695 = arith.constant 0 : i32
      %dma_wait3A_1696 = arith.constant 0 : i32
      %dma_wait3A_1697 = tpu.memref_slice %arg4[%add3A_1687, %dma_wait3A_1695, %dma_wait3A_1696] : memref<16384x50x64xf32, #tpu.memory_space<hbm>> -> memref<1x50x64xf32, #tpu.memory_space<hbm>>
      %dma_wait3A_1698 = tpu.memref_squeeze %dma_wait3A_1697 : memref<1x50x64xf32, #tpu.memory_space<hbm>> -> memref<50x64xf32, #tpu.memory_space<hbm>>
      %dma_wait3A_1699 = arith.constant 150 : i32
      %dma_wait3A_1700 = arith.constant 0 : i32
      %dma_wait3A_1701 = tpu.memref_slice %arg7[%dma_wait3A_1699, %dma_wait3A_1700] : memref<400x64xf32, #tpu.memory_space<vmem>> -> memref<50x64xf32, #tpu.memory_space<vmem>>
      tpu.wait_dma2 semaphore(%arg15 : memref<!tpu.dma_semaphore, #tpu.memory_space<semaphore_mem>>) src(%dma_wait3A_1701 : memref<50x64xf32, #tpu.memory_space<vmem>>) dst(%dma_wait3A_1698 : memref<50x64xf32, #tpu.memory_space<hbm>>)
      %mul3A_1702 = arith.constant 8 : i32
      %mul3A_1703 = arith.muli %add3A_1625, %mul3A_1702 : i32
      %add3A_1704 = arith.addi %mul3A_4, %mul3A_1703 : i32
      %add3A_1705 = arith.constant 4 : i32
      %add3A_1706 = arith.addi %add3A_1704, %add3A_1705 : i32
      %dma_wait3A_1707 = arith.constant 200 : i32
      %dma_wait3A_1708 = arith.constant 0 : i32
      %dma_wait3A_1709 = tpu.memref_slice %arg7[%dma_wait3A_1707, %dma_wait3A_1708] : memref<400x64xf32, #tpu.memory_space<vmem>> -> memref<50x64xf32, #tpu.memory_space<vmem>>
      %dma_wait3A_1710 = arith.constant 0 : i32
      %dma_wait3A_1711 = arith.constant 0 : i32
      %dma_wait3A_1712 = tpu.memref_slice %arg4[%add3A_1706, %dma_wait3A_1710, %dma_wait3A_1711] : memref<16384x50x64xf32, #tpu.memory_space<hbm>> -> memref<1x50x64xf32, #tpu.memory_space<hbm>>
      %dma_wait3A_1713 = tpu.memref_squeeze %dma_wait3A_1712 : memref<1x50x64xf32, #tpu.memory_space<hbm>> -> memref<50x64xf32, #tpu.memory_space<hbm>>
      %dma_wait3A_1714 = arith.constant 0 : i32
      %dma_wait3A_1715 = arith.constant 0 : i32
      %dma_wait3A_1716 = tpu.memref_slice %arg4[%add3A_1706, %dma_wait3A_1714, %dma_wait3A_1715] : memref<16384x50x64xf32, #tpu.memory_space<hbm>> -> memref<1x50x64xf32, #tpu.memory_space<hbm>>
      %dma_wait3A_1717 = tpu.memref_squeeze %dma_wait3A_1716 : memref<1x50x64xf32, #tpu.memory_space<hbm>> -> memref<50x64xf32, #tpu.memory_space<hbm>>
      %dma_wait3A_1718 = arith.constant 200 : i32
      %dma_wait3A_1719 = arith.constant 0 : i32
      %dma_wait3A_1720 = tpu.memref_slice %arg7[%dma_wait3A_1718, %dma_wait3A_1719] : memref<400x64xf32, #tpu.memory_space<vmem>> -> memref<50x64xf32, #tpu.memory_space<vmem>>
      tpu.wait_dma2 semaphore(%arg15 : memref<!tpu.dma_semaphore, #tpu.memory_space<semaphore_mem>>) src(%dma_wait3A_1720 : memref<50x64xf32, #tpu.memory_space<vmem>>) dst(%dma_wait3A_1717 : memref<50x64xf32, #tpu.memory_space<hbm>>)
      %mul3A_1721 = arith.constant 8 : i32
      %mul3A_1722 = arith.muli %add3A_1625, %mul3A_1721 : i32
      %add3A_1723 = arith.addi %mul3A_4, %mul3A_1722 : i32
      %add3A_1724 = arith.constant 5 : i32
      %add3A_1725 = arith.addi %add3A_1723, %add3A_1724 : i32
      %dma_wait3A_1726 = arith.constant 250 : i32
      %dma_wait3A_1727 = arith.constant 0 : i32
      %dma_wait3A_1728 = tpu.memref_slice %arg7[%dma_wait3A_1726, %dma_wait3A_1727] : memref<400x64xf32, #tpu.memory_space<vmem>> -> memref<50x64xf32, #tpu.memory_space<vmem>>
      %dma_wait3A_1729 = arith.constant 0 : i32
      %dma_wait3A_1730 = arith.constant 0 : i32
      %dma_wait3A_1731 = tpu.memref_slice %arg4[%add3A_1725, %dma_wait3A_1729, %dma_wait3A_1730] : memref<16384x50x64xf32, #tpu.memory_space<hbm>> -> memref<1x50x64xf32, #tpu.memory_space<hbm>>
      %dma_wait3A_1732 = tpu.memref_squeeze %dma_wait3A_1731 : memref<1x50x64xf32, #tpu.memory_space<hbm>> -> memref<50x64xf32, #tpu.memory_space<hbm>>
      %dma_wait3A_1733 = arith.constant 0 : i32
      %dma_wait3A_1734 = arith.constant 0 : i32
      %dma_wait3A_1735 = tpu.memref_slice %arg4[%add3A_1725, %dma_wait3A_1733, %dma_wait3A_1734] : memref<16384x50x64xf32, #tpu.memory_space<hbm>> -> memref<1x50x64xf32, #tpu.memory_space<hbm>>
      %dma_wait3A_1736 = tpu.memref_squeeze %dma_wait3A_1735 : memref<1x50x64xf32, #tpu.memory_space<hbm>> -> memref<50x64xf32, #tpu.memory_space<hbm>>
      %dma_wait3A_1737 = arith.constant 250 : i32
      %dma_wait3A_1738 = arith.constant 0 : i32
      %dma_wait3A_1739 = tpu.memref_slice %arg7[%dma_wait3A_1737, %dma_wait3A_1738] : memref<400x64xf32, #tpu.memory_space<vmem>> -> memref<50x64xf32, #tpu.memory_space<vmem>>
      tpu.wait_dma2 semaphore(%arg15 : memref<!tpu.dma_semaphore, #tpu.memory_space<semaphore_mem>>) src(%dma_wait3A_1739 : memref<50x64xf32, #tpu.memory_space<vmem>>) dst(%dma_wait3A_1736 : memref<50x64xf32, #tpu.memory_space<hbm>>)
      %mul3A_1740 = arith.constant 8 : i32
      %mul3A_1741 = arith.muli %add3A_1625, %mul3A_1740 : i32
      %add3A_1742 = arith.addi %mul3A_4, %mul3A_1741 : i32
      %add3A_1743 = arith.constant 6 : i32
      %add3A_1744 = arith.addi %add3A_1742, %add3A_1743 : i32
      %dma_wait3A_1745 = arith.constant 300 : i32
      %dma_wait3A_1746 = arith.constant 0 : i32
      %dma_wait3A_1747 = tpu.memref_slice %arg7[%dma_wait3A_1745, %dma_wait3A_1746] : memref<400x64xf32, #tpu.memory_space<vmem>> -> memref<50x64xf32, #tpu.memory_space<vmem>>
      %dma_wait3A_1748 = arith.constant 0 : i32
      %dma_wait3A_1749 = arith.constant 0 : i32
      %dma_wait3A_1750 = tpu.memref_slice %arg4[%add3A_1744, %dma_wait3A_1748, %dma_wait3A_1749] : memref<16384x50x64xf32, #tpu.memory_space<hbm>> -> memref<1x50x64xf32, #tpu.memory_space<hbm>>
      %dma_wait3A_1751 = tpu.memref_squeeze %dma_wait3A_1750 : memref<1x50x64xf32, #tpu.memory_space<hbm>> -> memref<50x64xf32, #tpu.memory_space<hbm>>
      %dma_wait3A_1752 = arith.constant 0 : i32
      %dma_wait3A_1753 = arith.constant 0 : i32
      %dma_wait3A_1754 = tpu.memref_slice %arg4[%add3A_1744, %dma_wait3A_1752, %dma_wait3A_1753] : memref<16384x50x64xf32, #tpu.memory_space<hbm>> -> memref<1x50x64xf32, #tpu.memory_space<hbm>>
      %dma_wait3A_1755 = tpu.memref_squeeze %dma_wait3A_1754 : memref<1x50x64xf32, #tpu.memory_space<hbm>> -> memref<50x64xf32, #tpu.memory_space<hbm>>
      %dma_wait3A_1756 = arith.constant 300 : i32
      %dma_wait3A_1757 = arith.constant 0 : i32
      %dma_wait3A_1758 = tpu.memref_slice %arg7[%dma_wait3A_1756, %dma_wait3A_1757] : memref<400x64xf32, #tpu.memory_space<vmem>> -> memref<50x64xf32, #tpu.memory_space<vmem>>
      tpu.wait_dma2 semaphore(%arg15 : memref<!tpu.dma_semaphore, #tpu.memory_space<semaphore_mem>>) src(%dma_wait3A_1758 : memref<50x64xf32, #tpu.memory_space<vmem>>) dst(%dma_wait3A_1755 : memref<50x64xf32, #tpu.memory_space<hbm>>)
      %mul3A_1759 = arith.constant 8 : i32
      %mul3A_1760 = arith.muli %add3A_1625, %mul3A_1759 : i32
      %add3A_1761 = arith.addi %mul3A_4, %mul3A_1760 : i32
      %add3A_1762 = arith.constant 7 : i32
      %add3A_1763 = arith.addi %add3A_1761, %add3A_1762 : i32
      %dma_wait3A_1764 = arith.constant 350 : i32
      %dma_wait3A_1765 = arith.constant 0 : i32
      %dma_wait3A_1766 = tpu.memref_slice %arg7[%dma_wait3A_1764, %dma_wait3A_1765] : memref<400x64xf32, #tpu.memory_space<vmem>> -> memref<50x64xf32, #tpu.memory_space<vmem>>
      %dma_wait3A_1767 = arith.constant 0 : i32
      %dma_wait3A_1768 = arith.constant 0 : i32
      %dma_wait3A_1769 = tpu.memref_slice %arg4[%add3A_1763, %dma_wait3A_1767, %dma_wait3A_1768] : memref<16384x50x64xf32, #tpu.memory_space<hbm>> -> memref<1x50x64xf32, #tpu.memory_space<hbm>>
      %dma_wait3A_1770 = tpu.memref_squeeze %dma_wait3A_1769 : memref<1x50x64xf32, #tpu.memory_space<hbm>> -> memref<50x64xf32, #tpu.memory_space<hbm>>
      %dma_wait3A_1771 = arith.constant 0 : i32
      %dma_wait3A_1772 = arith.constant 0 : i32
      %dma_wait3A_1773 = tpu.memref_slice %arg4[%add3A_1763, %dma_wait3A_1771, %dma_wait3A_1772] : memref<16384x50x64xf32, #tpu.memory_space<hbm>> -> memref<1x50x64xf32, #tpu.memory_space<hbm>>
      %dma_wait3A_1774 = tpu.memref_squeeze %dma_wait3A_1773 : memref<1x50x64xf32, #tpu.memory_space<hbm>> -> memref<50x64xf32, #tpu.memory_space<hbm>>
      %dma_wait3A_1775 = arith.constant 350 : i32
      %dma_wait3A_1776 = arith.constant 0 : i32
      %dma_wait3A_1777 = tpu.memref_slice %arg7[%dma_wait3A_1775, %dma_wait3A_1776] : memref<400x64xf32, #tpu.memory_space<vmem>> -> memref<50x64xf32, #tpu.memory_space<vmem>>
      tpu.wait_dma2 semaphore(%arg15 : memref<!tpu.dma_semaphore, #tpu.memory_space<semaphore_mem>>) src(%dma_wait3A_1777 : memref<50x64xf32, #tpu.memory_space<vmem>>) dst(%dma_wait3A_1774 : memref<50x64xf32, #tpu.memory_space<hbm>>)
      %add3A_1778 = arith.constant 1 : i32
      %add3A_1779 = arith.addi %mul3A_1420, %add3A_1778 : i32
      %mul3A_1780 = arith.constant 400 : i32
      %mul3A_1781 = arith.muli %add3A_1779, %mul3A_1780 : i32
      %add3A_1782 = arith.constant 0 : i32
      %add3A_1783 = arith.addi %mul3A_1781, %add3A_1782 : i32
      %dma_start3A_1784 = arith.constant 0 : i32
      %dma_start3A_1785 = arith.constant 0 : i32
      %dma_start3A_1786 = tpu.memref_slice %arg7[%dma_start3A_1784, %dma_start3A_1785] : memref<400x64xf32, #tpu.memory_space<vmem>> -> memref<128x64xf32, #tpu.memory_space<vmem>>
      %dma_start3A_1787 = tpu.memref_slice %arg5[%add3A_1783] : memref<25600xi32, #tpu.memory_space<vmem>> -> memref<128xi32, #tpu.memory_space<vmem>>
      %dma_start3A_1788 = arith.constant 0 : i32
      %dma_start3A_1789 = arith.constant 0 : i32
      %dma_start3A_1790 = tpu.memref_slice %arg3[%dma_start3A_1788, %dma_start3A_1789] : memref<1000000x64xf32, #tpu.memory_space<hbm>> -> memref<1000000x64xf32, #tpu.memory_space<hbm>>
      tpu.enqueue_indirect_dma source(%dma_start3A_1790 : memref<1000000x64xf32, #tpu.memory_space<hbm>>) target(%dma_start3A_1786 : memref<128x64xf32, #tpu.memory_space<vmem>>) offsets(%dma_start3A_1787 : memref<128xi32, #tpu.memory_space<vmem>>) semaphore(%arg11 : memref<!tpu.dma_semaphore, #tpu.memory_space<semaphore_mem>>)
      %mul3A_1791 = arith.constant 400 : i32
      %mul3A_1792 = arith.muli %add3A_1779, %mul3A_1791 : i32
      %add3A_1793 = arith.constant 128 : i32
      %add3A_1794 = arith.addi %mul3A_1792, %add3A_1793 : i32
      %dma_start3A_1795 = arith.constant 128 : i32
      %dma_start3A_1796 = arith.constant 0 : i32
      %dma_start3A_1797 = tpu.memref_slice %arg7[%dma_start3A_1795, %dma_start3A_1796] : memref<400x64xf32, #tpu.memory_space<vmem>> -> memref<128x64xf32, #tpu.memory_space<vmem>>
      %dma_start3A_1798 = tpu.memref_slice %arg5[%add3A_1794] : memref<25600xi32, #tpu.memory_space<vmem>> -> memref<128xi32, #tpu.memory_space<vmem>>
      %dma_start3A_1799 = arith.constant 0 : i32
      %dma_start3A_1800 = arith.constant 0 : i32
      %dma_start3A_1801 = tpu.memref_slice %arg3[%dma_start3A_1799, %dma_start3A_1800] : memref<1000000x64xf32, #tpu.memory_space<hbm>> -> memref<1000000x64xf32, #tpu.memory_space<hbm>>
      tpu.enqueue_indirect_dma source(%dma_start3A_1801 : memref<1000000x64xf32, #tpu.memory_space<hbm>>) target(%dma_start3A_1797 : memref<128x64xf32, #tpu.memory_space<vmem>>) offsets(%dma_start3A_1798 : memref<128xi32, #tpu.memory_space<vmem>>) semaphore(%arg11 : memref<!tpu.dma_semaphore, #tpu.memory_space<semaphore_mem>>)
      %mul3A_1802 = arith.constant 400 : i32
      %mul3A_1803 = arith.muli %add3A_1779, %mul3A_1802 : i32
      %add3A_1804 = arith.constant 256 : i32
      %add3A_1805 = arith.addi %mul3A_1803, %add3A_1804 : i32
      %dma_start3A_1806 = arith.constant 256 : i32
      %dma_start3A_1807 = arith.constant 0 : i32
      %dma_start3A_1808 = tpu.memref_slice %arg7[%dma_start3A_1806, %dma_start3A_1807] : memref<400x64xf32, #tpu.memory_space<vmem>> -> memref<128x64xf32, #tpu.memory_space<vmem>>
      %dma_start3A_1809 = tpu.memref_slice %arg5[%add3A_1805] : memref<25600xi32, #tpu.memory_space<vmem>> -> memref<128xi32, #tpu.memory_space<vmem>>
      %dma_start3A_1810 = arith.constant 0 : i32
      %dma_start3A_1811 = arith.constant 0 : i32
      %dma_start3A_1812 = tpu.memref_slice %arg3[%dma_start3A_1810, %dma_start3A_1811] : memref<1000000x64xf32, #tpu.memory_space<hbm>> -> memref<1000000x64xf32, #tpu.memory_space<hbm>>
      tpu.enqueue_indirect_dma source(%dma_start3A_1812 : memref<1000000x64xf32, #tpu.memory_space<hbm>>) target(%dma_start3A_1808 : memref<128x64xf32, #tpu.memory_space<vmem>>) offsets(%dma_start3A_1809 : memref<128xi32, #tpu.memory_space<vmem>>) semaphore(%arg11 : memref<!tpu.dma_semaphore, #tpu.memory_space<semaphore_mem>>)
      %mul3A_1813 = arith.constant 400 : i32
      %mul3A_1814 = arith.muli %add3A_1779, %mul3A_1813 : i32
      %add3A_1815 = arith.constant 384 : i32
      %add3A_1816 = arith.addi %mul3A_1814, %add3A_1815 : i32
      %dma_start3A_1817 = arith.constant 384 : i32
      %dma_start3A_1818 = arith.constant 0 : i32
      %dma_start3A_1819 = tpu.memref_slice %arg7[%dma_start3A_1817, %dma_start3A_1818] : memref<400x64xf32, #tpu.memory_space<vmem>> -> memref<16x64xf32, #tpu.memory_space<vmem>>
      %dma_start3A_1820 = tpu.memref_slice %arg5[%add3A_1816] : memref<25600xi32, #tpu.memory_space<vmem>> -> memref<16xi32, #tpu.memory_space<vmem>>
      %dma_start3A_1821 = arith.constant 0 : i32
      %dma_start3A_1822 = arith.constant 0 : i32
      %dma_start3A_1823 = tpu.memref_slice %arg3[%dma_start3A_1821, %dma_start3A_1822] : memref<1000000x64xf32, #tpu.memory_space<hbm>> -> memref<1000000x64xf32, #tpu.memory_space<hbm>>
      tpu.enqueue_indirect_dma source(%dma_start3A_1823 : memref<1000000x64xf32, #tpu.memory_space<hbm>>) target(%dma_start3A_1819 : memref<16x64xf32, #tpu.memory_space<vmem>>) offsets(%dma_start3A_1820 : memref<16xi32, #tpu.memory_space<vmem>>) semaphore(%arg11 : memref<!tpu.dma_semaphore, #tpu.memory_space<semaphore_mem>>)
      %sub3A_1824 = arith.constant 4 : i32
      %sub3A_1825 = arith.subi %mul3A_1420, %sub3A_1824 : i32
      %add3A_1826 = arith.constant 2 : i32
      %add3A_1827 = arith.addi %sub3A_1825, %add3A_1826 : i32
      %mul3A_1828 = arith.constant 8 : i32
      %mul3A_1829 = arith.muli %add3A_1827, %mul3A_1828 : i32
      %add3A_1830 = arith.addi %mul3A_4, %mul3A_1829 : i32
      %add3A_1831 = arith.constant 0 : i32
      %add3A_1832 = arith.addi %add3A_1830, %add3A_1831 : i32
      %dma_wait3A_1833 = arith.constant 0 : i32
      %dma_wait3A_1834 = arith.constant 0 : i32
      %dma_wait3A_1835 = tpu.memref_slice %arg8[%dma_wait3A_1833, %dma_wait3A_1834] : memref<400x64xf32, #tpu.memory_space<vmem>> -> memref<50x64xf32, #tpu.memory_space<vmem>>
      %dma_wait3A_1836 = arith.constant 0 : i32
      %dma_wait3A_1837 = arith.constant 0 : i32
      %dma_wait3A_1838 = tpu.memref_slice %arg4[%add3A_1832, %dma_wait3A_1836, %dma_wait3A_1837] : memref<16384x50x64xf32, #tpu.memory_space<hbm>> -> memref<1x50x64xf32, #tpu.memory_space<hbm>>
      %dma_wait3A_1839 = tpu.memref_squeeze %dma_wait3A_1838 : memref<1x50x64xf32, #tpu.memory_space<hbm>> -> memref<50x64xf32, #tpu.memory_space<hbm>>
      %dma_wait3A_1840 = arith.constant 0 : i32
      %dma_wait3A_1841 = arith.constant 0 : i32
      %dma_wait3A_1842 = tpu.memref_slice %arg4[%add3A_1832, %dma_wait3A_1840, %dma_wait3A_1841] : memref<16384x50x64xf32, #tpu.memory_space<hbm>> -> memref<1x50x64xf32, #tpu.memory_space<hbm>>
      %dma_wait3A_1843 = tpu.memref_squeeze %dma_wait3A_1842 : memref<1x50x64xf32, #tpu.memory_space<hbm>> -> memref<50x64xf32, #tpu.memory_space<hbm>>
      %dma_wait3A_1844 = arith.constant 0 : i32
      %dma_wait3A_1845 = arith.constant 0 : i32
      %dma_wait3A_1846 = tpu.memref_slice %arg8[%dma_wait3A_1844, %dma_wait3A_1845] : memref<400x64xf32, #tpu.memory_space<vmem>> -> memref<50x64xf32, #tpu.memory_space<vmem>>
      tpu.wait_dma2 semaphore(%arg16 : memref<!tpu.dma_semaphore, #tpu.memory_space<semaphore_mem>>) src(%dma_wait3A_1846 : memref<50x64xf32, #tpu.memory_space<vmem>>) dst(%dma_wait3A_1843 : memref<50x64xf32, #tpu.memory_space<hbm>>)
      %mul3A_1847 = arith.constant 8 : i32
      %mul3A_1848 = arith.muli %add3A_1827, %mul3A_1847 : i32
      %add3A_1849 = arith.addi %mul3A_4, %mul3A_1848 : i32
      %add3A_1850 = arith.constant 1 : i32
      %add3A_1851 = arith.addi %add3A_1849, %add3A_1850 : i32
      %dma_wait3A_1852 = arith.constant 50 : i32
      %dma_wait3A_1853 = arith.constant 0 : i32
      %dma_wait3A_1854 = tpu.memref_slice %arg8[%dma_wait3A_1852, %dma_wait3A_1853] : memref<400x64xf32, #tpu.memory_space<vmem>> -> memref<50x64xf32, #tpu.memory_space<vmem>>
      %dma_wait3A_1855 = arith.constant 0 : i32
      %dma_wait3A_1856 = arith.constant 0 : i32
      %dma_wait3A_1857 = tpu.memref_slice %arg4[%add3A_1851, %dma_wait3A_1855, %dma_wait3A_1856] : memref<16384x50x64xf32, #tpu.memory_space<hbm>> -> memref<1x50x64xf32, #tpu.memory_space<hbm>>
      %dma_wait3A_1858 = tpu.memref_squeeze %dma_wait3A_1857 : memref<1x50x64xf32, #tpu.memory_space<hbm>> -> memref<50x64xf32, #tpu.memory_space<hbm>>
      %dma_wait3A_1859 = arith.constant 0 : i32
      %dma_wait3A_1860 = arith.constant 0 : i32
      %dma_wait3A_1861 = tpu.memref_slice %arg4[%add3A_1851, %dma_wait3A_1859, %dma_wait3A_1860] : memref<16384x50x64xf32, #tpu.memory_space<hbm>> -> memref<1x50x64xf32, #tpu.memory_space<hbm>>
      %dma_wait3A_1862 = tpu.memref_squeeze %dma_wait3A_1861 : memref<1x50x64xf32, #tpu.memory_space<hbm>> -> memref<50x64xf32, #tpu.memory_space<hbm>>
      %dma_wait3A_1863 = arith.constant 50 : i32
      %dma_wait3A_1864 = arith.constant 0 : i32
      %dma_wait3A_1865 = tpu.memref_slice %arg8[%dma_wait3A_1863, %dma_wait3A_1864] : memref<400x64xf32, #tpu.memory_space<vmem>> -> memref<50x64xf32, #tpu.memory_space<vmem>>
      tpu.wait_dma2 semaphore(%arg16 : memref<!tpu.dma_semaphore, #tpu.memory_space<semaphore_mem>>) src(%dma_wait3A_1865 : memref<50x64xf32, #tpu.memory_space<vmem>>) dst(%dma_wait3A_1862 : memref<50x64xf32, #tpu.memory_space<hbm>>)
      %mul3A_1866 = arith.constant 8 : i32
      %mul3A_1867 = arith.muli %add3A_1827, %mul3A_1866 : i32
      %add3A_1868 = arith.addi %mul3A_4, %mul3A_1867 : i32
      %add3A_1869 = arith.constant 2 : i32
      %add3A_1870 = arith.addi %add3A_1868, %add3A_1869 : i32
      %dma_wait3A_1871 = arith.constant 100 : i32
      %dma_wait3A_1872 = arith.constant 0 : i32
      %dma_wait3A_1873 = tpu.memref_slice %arg8[%dma_wait3A_1871, %dma_wait3A_1872] : memref<400x64xf32, #tpu.memory_space<vmem>> -> memref<50x64xf32, #tpu.memory_space<vmem>>
      %dma_wait3A_1874 = arith.constant 0 : i32
      %dma_wait3A_1875 = arith.constant 0 : i32
      %dma_wait3A_1876 = tpu.memref_slice %arg4[%add3A_1870, %dma_wait3A_1874, %dma_wait3A_1875] : memref<16384x50x64xf32, #tpu.memory_space<hbm>> -> memref<1x50x64xf32, #tpu.memory_space<hbm>>
      %dma_wait3A_1877 = tpu.memref_squeeze %dma_wait3A_1876 : memref<1x50x64xf32, #tpu.memory_space<hbm>> -> memref<50x64xf32, #tpu.memory_space<hbm>>
      %dma_wait3A_1878 = arith.constant 0 : i32
      %dma_wait3A_1879 = arith.constant 0 : i32
      %dma_wait3A_1880 = tpu.memref_slice %arg4[%add3A_1870, %dma_wait3A_1878, %dma_wait3A_1879] : memref<16384x50x64xf32, #tpu.memory_space<hbm>> -> memref<1x50x64xf32, #tpu.memory_space<hbm>>
      %dma_wait3A_1881 = tpu.memref_squeeze %dma_wait3A_1880 : memref<1x50x64xf32, #tpu.memory_space<hbm>> -> memref<50x64xf32, #tpu.memory_space<hbm>>
      %dma_wait3A_1882 = arith.constant 100 : i32
      %dma_wait3A_1883 = arith.constant 0 : i32
      %dma_wait3A_1884 = tpu.memref_slice %arg8[%dma_wait3A_1882, %dma_wait3A_1883] : memref<400x64xf32, #tpu.memory_space<vmem>> -> memref<50x64xf32, #tpu.memory_space<vmem>>
      tpu.wait_dma2 semaphore(%arg16 : memref<!tpu.dma_semaphore, #tpu.memory_space<semaphore_mem>>) src(%dma_wait3A_1884 : memref<50x64xf32, #tpu.memory_space<vmem>>) dst(%dma_wait3A_1881 : memref<50x64xf32, #tpu.memory_space<hbm>>)
      %mul3A_1885 = arith.constant 8 : i32
      %mul3A_1886 = arith.muli %add3A_1827, %mul3A_1885 : i32
      %add3A_1887 = arith.addi %mul3A_4, %mul3A_1886 : i32
      %add3A_1888 = arith.constant 3 : i32
      %add3A_1889 = arith.addi %add3A_1887, %add3A_1888 : i32
      %dma_wait3A_1890 = arith.constant 150 : i32
      %dma_wait3A_1891 = arith.constant 0 : i32
      %dma_wait3A_1892 = tpu.memref_slice %arg8[%dma_wait3A_1890, %dma_wait3A_1891] : memref<400x64xf32, #tpu.memory_space<vmem>> -> memref<50x64xf32, #tpu.memory_space<vmem>>
      %dma_wait3A_1893 = arith.constant 0 : i32
      %dma_wait3A_1894 = arith.constant 0 : i32
      %dma_wait3A_1895 = tpu.memref_slice %arg4[%add3A_1889, %dma_wait3A_1893, %dma_wait3A_1894] : memref<16384x50x64xf32, #tpu.memory_space<hbm>> -> memref<1x50x64xf32, #tpu.memory_space<hbm>>
      %dma_wait3A_1896 = tpu.memref_squeeze %dma_wait3A_1895 : memref<1x50x64xf32, #tpu.memory_space<hbm>> -> memref<50x64xf32, #tpu.memory_space<hbm>>
      %dma_wait3A_1897 = arith.constant 0 : i32
      %dma_wait3A_1898 = arith.constant 0 : i32
      %dma_wait3A_1899 = tpu.memref_slice %arg4[%add3A_1889, %dma_wait3A_1897, %dma_wait3A_1898] : memref<16384x50x64xf32, #tpu.memory_space<hbm>> -> memref<1x50x64xf32, #tpu.memory_space<hbm>>
      %dma_wait3A_1900 = tpu.memref_squeeze %dma_wait3A_1899 : memref<1x50x64xf32, #tpu.memory_space<hbm>> -> memref<50x64xf32, #tpu.memory_space<hbm>>
      %dma_wait3A_1901 = arith.constant 150 : i32
      %dma_wait3A_1902 = arith.constant 0 : i32
      %dma_wait3A_1903 = tpu.memref_slice %arg8[%dma_wait3A_1901, %dma_wait3A_1902] : memref<400x64xf32, #tpu.memory_space<vmem>> -> memref<50x64xf32, #tpu.memory_space<vmem>>
      tpu.wait_dma2 semaphore(%arg16 : memref<!tpu.dma_semaphore, #tpu.memory_space<semaphore_mem>>) src(%dma_wait3A_1903 : memref<50x64xf32, #tpu.memory_space<vmem>>) dst(%dma_wait3A_1900 : memref<50x64xf32, #tpu.memory_space<hbm>>)
      %mul3A_1904 = arith.constant 8 : i32
      %mul3A_1905 = arith.muli %add3A_1827, %mul3A_1904 : i32
      %add3A_1906 = arith.addi %mul3A_4, %mul3A_1905 : i32
      %add3A_1907 = arith.constant 4 : i32
      %add3A_1908 = arith.addi %add3A_1906, %add3A_1907 : i32
      %dma_wait3A_1909 = arith.constant 200 : i32
      %dma_wait3A_1910 = arith.constant 0 : i32
      %dma_wait3A_1911 = tpu.memref_slice %arg8[%dma_wait3A_1909, %dma_wait3A_1910] : memref<400x64xf32, #tpu.memory_space<vmem>> -> memref<50x64xf32, #tpu.memory_space<vmem>>
      %dma_wait3A_1912 = arith.constant 0 : i32
      %dma_wait3A_1913 = arith.constant 0 : i32
      %dma_wait3A_1914 = tpu.memref_slice %arg4[%add3A_1908, %dma_wait3A_1912, %dma_wait3A_1913] : memref<16384x50x64xf32, #tpu.memory_space<hbm>> -> memref<1x50x64xf32, #tpu.memory_space<hbm>>
      %dma_wait3A_1915 = tpu.memref_squeeze %dma_wait3A_1914 : memref<1x50x64xf32, #tpu.memory_space<hbm>> -> memref<50x64xf32, #tpu.memory_space<hbm>>
      %dma_wait3A_1916 = arith.constant 0 : i32
      %dma_wait3A_1917 = arith.constant 0 : i32
      %dma_wait3A_1918 = tpu.memref_slice %arg4[%add3A_1908, %dma_wait3A_1916, %dma_wait3A_1917] : memref<16384x50x64xf32, #tpu.memory_space<hbm>> -> memref<1x50x64xf32, #tpu.memory_space<hbm>>
      %dma_wait3A_1919 = tpu.memref_squeeze %dma_wait3A_1918 : memref<1x50x64xf32, #tpu.memory_space<hbm>> -> memref<50x64xf32, #tpu.memory_space<hbm>>
      %dma_wait3A_1920 = arith.constant 200 : i32
      %dma_wait3A_1921 = arith.constant 0 : i32
      %dma_wait3A_1922 = tpu.memref_slice %arg8[%dma_wait3A_1920, %dma_wait3A_1921] : memref<400x64xf32, #tpu.memory_space<vmem>> -> memref<50x64xf32, #tpu.memory_space<vmem>>
      tpu.wait_dma2 semaphore(%arg16 : memref<!tpu.dma_semaphore, #tpu.memory_space<semaphore_mem>>) src(%dma_wait3A_1922 : memref<50x64xf32, #tpu.memory_space<vmem>>) dst(%dma_wait3A_1919 : memref<50x64xf32, #tpu.memory_space<hbm>>)
      %mul3A_1923 = arith.constant 8 : i32
      %mul3A_1924 = arith.muli %add3A_1827, %mul3A_1923 : i32
      %add3A_1925 = arith.addi %mul3A_4, %mul3A_1924 : i32
      %add3A_1926 = arith.constant 5 : i32
      %add3A_1927 = arith.addi %add3A_1925, %add3A_1926 : i32
      %dma_wait3A_1928 = arith.constant 250 : i32
      %dma_wait3A_1929 = arith.constant 0 : i32
      %dma_wait3A_1930 = tpu.memref_slice %arg8[%dma_wait3A_1928, %dma_wait3A_1929] : memref<400x64xf32, #tpu.memory_space<vmem>> -> memref<50x64xf32, #tpu.memory_space<vmem>>
      %dma_wait3A_1931 = arith.constant 0 : i32
      %dma_wait3A_1932 = arith.constant 0 : i32
      %dma_wait3A_1933 = tpu.memref_slice %arg4[%add3A_1927, %dma_wait3A_1931, %dma_wait3A_1932] : memref<16384x50x64xf32, #tpu.memory_space<hbm>> -> memref<1x50x64xf32, #tpu.memory_space<hbm>>
      %dma_wait3A_1934 = tpu.memref_squeeze %dma_wait3A_1933 : memref<1x50x64xf32, #tpu.memory_space<hbm>> -> memref<50x64xf32, #tpu.memory_space<hbm>>
      %dma_wait3A_1935 = arith.constant 0 : i32
      %dma_wait3A_1936 = arith.constant 0 : i32
      %dma_wait3A_1937 = tpu.memref_slice %arg4[%add3A_1927, %dma_wait3A_1935, %dma_wait3A_1936] : memref<16384x50x64xf32, #tpu.memory_space<hbm>> -> memref<1x50x64xf32, #tpu.memory_space<hbm>>
      %dma_wait3A_1938 = tpu.memref_squeeze %dma_wait3A_1937 : memref<1x50x64xf32, #tpu.memory_space<hbm>> -> memref<50x64xf32, #tpu.memory_space<hbm>>
      %dma_wait3A_1939 = arith.constant 250 : i32
      %dma_wait3A_1940 = arith.constant 0 : i32
      %dma_wait3A_1941 = tpu.memref_slice %arg8[%dma_wait3A_1939, %dma_wait3A_1940] : memref<400x64xf32, #tpu.memory_space<vmem>> -> memref<50x64xf32, #tpu.memory_space<vmem>>
      tpu.wait_dma2 semaphore(%arg16 : memref<!tpu.dma_semaphore, #tpu.memory_space<semaphore_mem>>) src(%dma_wait3A_1941 : memref<50x64xf32, #tpu.memory_space<vmem>>) dst(%dma_wait3A_1938 : memref<50x64xf32, #tpu.memory_space<hbm>>)
      %mul3A_1942 = arith.constant 8 : i32
      %mul3A_1943 = arith.muli %add3A_1827, %mul3A_1942 : i32
      %add3A_1944 = arith.addi %mul3A_4, %mul3A_1943 : i32
      %add3A_1945 = arith.constant 6 : i32
      %add3A_1946 = arith.addi %add3A_1944, %add3A_1945 : i32
      %dma_wait3A_1947 = arith.constant 300 : i32
      %dma_wait3A_1948 = arith.constant 0 : i32
      %dma_wait3A_1949 = tpu.memref_slice %arg8[%dma_wait3A_1947, %dma_wait3A_1948] : memref<400x64xf32, #tpu.memory_space<vmem>> -> memref<50x64xf32, #tpu.memory_space<vmem>>
      %dma_wait3A_1950 = arith.constant 0 : i32
      %dma_wait3A_1951 = arith.constant 0 : i32
      %dma_wait3A_1952 = tpu.memref_slice %arg4[%add3A_1946, %dma_wait3A_1950, %dma_wait3A_1951] : memref<16384x50x64xf32, #tpu.memory_space<hbm>> -> memref<1x50x64xf32, #tpu.memory_space<hbm>>
      %dma_wait3A_1953 = tpu.memref_squeeze %dma_wait3A_1952 : memref<1x50x64xf32, #tpu.memory_space<hbm>> -> memref<50x64xf32, #tpu.memory_space<hbm>>
      %dma_wait3A_1954 = arith.constant 0 : i32
      %dma_wait3A_1955 = arith.constant 0 : i32
      %dma_wait3A_1956 = tpu.memref_slice %arg4[%add3A_1946, %dma_wait3A_1954, %dma_wait3A_1955] : memref<16384x50x64xf32, #tpu.memory_space<hbm>> -> memref<1x50x64xf32, #tpu.memory_space<hbm>>
      %dma_wait3A_1957 = tpu.memref_squeeze %dma_wait3A_1956 : memref<1x50x64xf32, #tpu.memory_space<hbm>> -> memref<50x64xf32, #tpu.memory_space<hbm>>
      %dma_wait3A_1958 = arith.constant 300 : i32
      %dma_wait3A_1959 = arith.constant 0 : i32
      %dma_wait3A_1960 = tpu.memref_slice %arg8[%dma_wait3A_1958, %dma_wait3A_1959] : memref<400x64xf32, #tpu.memory_space<vmem>> -> memref<50x64xf32, #tpu.memory_space<vmem>>
      tpu.wait_dma2 semaphore(%arg16 : memref<!tpu.dma_semaphore, #tpu.memory_space<semaphore_mem>>) src(%dma_wait3A_1960 : memref<50x64xf32, #tpu.memory_space<vmem>>) dst(%dma_wait3A_1957 : memref<50x64xf32, #tpu.memory_space<hbm>>)
      %mul3A_1961 = arith.constant 8 : i32
      %mul3A_1962 = arith.muli %add3A_1827, %mul3A_1961 : i32
      %add3A_1963 = arith.addi %mul3A_4, %mul3A_1962 : i32
      %add3A_1964 = arith.constant 7 : i32
      %add3A_1965 = arith.addi %add3A_1963, %add3A_1964 : i32
      %dma_wait3A_1966 = arith.constant 350 : i32
      %dma_wait3A_1967 = arith.constant 0 : i32
      %dma_wait3A_1968 = tpu.memref_slice %arg8[%dma_wait3A_1966, %dma_wait3A_1967] : memref<400x64xf32, #tpu.memory_space<vmem>> -> memref<50x64xf32, #tpu.memory_space<vmem>>
      %dma_wait3A_1969 = arith.constant 0 : i32
      %dma_wait3A_1970 = arith.constant 0 : i32
      %dma_wait3A_1971 = tpu.memref_slice %arg4[%add3A_1965, %dma_wait3A_1969, %dma_wait3A_1970] : memref<16384x50x64xf32, #tpu.memory_space<hbm>> -> memref<1x50x64xf32, #tpu.memory_space<hbm>>
      %dma_wait3A_1972 = tpu.memref_squeeze %dma_wait3A_1971 : memref<1x50x64xf32, #tpu.memory_space<hbm>> -> memref<50x64xf32, #tpu.memory_space<hbm>>
      %dma_wait3A_1973 = arith.constant 0 : i32
      %dma_wait3A_1974 = arith.constant 0 : i32
      %dma_wait3A_1975 = tpu.memref_slice %arg4[%add3A_1965, %dma_wait3A_1973, %dma_wait3A_1974] : memref<16384x50x64xf32, #tpu.memory_space<hbm>> -> memref<1x50x64xf32, #tpu.memory_space<hbm>>
      %dma_wait3A_1976 = tpu.memref_squeeze %dma_wait3A_1975 : memref<1x50x64xf32, #tpu.memory_space<hbm>> -> memref<50x64xf32, #tpu.memory_space<hbm>>
      %dma_wait3A_1977 = arith.constant 350 : i32
      %dma_wait3A_1978 = arith.constant 0 : i32
      %dma_wait3A_1979 = tpu.memref_slice %arg8[%dma_wait3A_1977, %dma_wait3A_1978] : memref<400x64xf32, #tpu.memory_space<vmem>> -> memref<50x64xf32, #tpu.memory_space<vmem>>
      tpu.wait_dma2 semaphore(%arg16 : memref<!tpu.dma_semaphore, #tpu.memory_space<semaphore_mem>>) src(%dma_wait3A_1979 : memref<50x64xf32, #tpu.memory_space<vmem>>) dst(%dma_wait3A_1976 : memref<50x64xf32, #tpu.memory_space<hbm>>)
      %add3A_1980 = arith.constant 2 : i32
      %add3A_1981 = arith.addi %mul3A_1420, %add3A_1980 : i32
      %mul3A_1982 = arith.constant 400 : i32
      %mul3A_1983 = arith.muli %add3A_1981, %mul3A_1982 : i32
      %add3A_1984 = arith.constant 0 : i32
      %add3A_1985 = arith.addi %mul3A_1983, %add3A_1984 : i32
      %dma_start3A_1986 = arith.constant 0 : i32
      %dma_start3A_1987 = arith.constant 0 : i32
      %dma_start3A_1988 = tpu.memref_slice %arg8[%dma_start3A_1986, %dma_start3A_1987] : memref<400x64xf32, #tpu.memory_space<vmem>> -> memref<128x64xf32, #tpu.memory_space<vmem>>
      %dma_start3A_1989 = tpu.memref_slice %arg5[%add3A_1985] : memref<25600xi32, #tpu.memory_space<vmem>> -> memref<128xi32, #tpu.memory_space<vmem>>
      %dma_start3A_1990 = arith.constant 0 : i32
      %dma_start3A_1991 = arith.constant 0 : i32
      %dma_start3A_1992 = tpu.memref_slice %arg3[%dma_start3A_1990, %dma_start3A_1991] : memref<1000000x64xf32, #tpu.memory_space<hbm>> -> memref<1000000x64xf32, #tpu.memory_space<hbm>>
      tpu.enqueue_indirect_dma source(%dma_start3A_1992 : memref<1000000x64xf32, #tpu.memory_space<hbm>>) target(%dma_start3A_1988 : memref<128x64xf32, #tpu.memory_space<vmem>>) offsets(%dma_start3A_1989 : memref<128xi32, #tpu.memory_space<vmem>>) semaphore(%arg12 : memref<!tpu.dma_semaphore, #tpu.memory_space<semaphore_mem>>)
      %mul3A_1993 = arith.constant 400 : i32
      %mul3A_1994 = arith.muli %add3A_1981, %mul3A_1993 : i32
      %add3A_1995 = arith.constant 128 : i32
      %add3A_1996 = arith.addi %mul3A_1994, %add3A_1995 : i32
      %dma_start3A_1997 = arith.constant 128 : i32
      %dma_start3A_1998 = arith.constant 0 : i32
      %dma_start3A_1999 = tpu.memref_slice %arg8[%dma_start3A_1997, %dma_start3A_1998] : memref<400x64xf32, #tpu.memory_space<vmem>> -> memref<128x64xf32, #tpu.memory_space<vmem>>
      %dma_start3A_2000 = tpu.memref_slice %arg5[%add3A_1996] : memref<25600xi32, #tpu.memory_space<vmem>> -> memref<128xi32, #tpu.memory_space<vmem>>
      %dma_start3A_2001 = arith.constant 0 : i32
      %dma_start3A_2002 = arith.constant 0 : i32
      %dma_start3A_2003 = tpu.memref_slice %arg3[%dma_start3A_2001, %dma_start3A_2002] : memref<1000000x64xf32, #tpu.memory_space<hbm>> -> memref<1000000x64xf32, #tpu.memory_space<hbm>>
      tpu.enqueue_indirect_dma source(%dma_start3A_2003 : memref<1000000x64xf32, #tpu.memory_space<hbm>>) target(%dma_start3A_1999 : memref<128x64xf32, #tpu.memory_space<vmem>>) offsets(%dma_start3A_2000 : memref<128xi32, #tpu.memory_space<vmem>>) semaphore(%arg12 : memref<!tpu.dma_semaphore, #tpu.memory_space<semaphore_mem>>)
      %mul3A_2004 = arith.constant 400 : i32
      %mul3A_2005 = arith.muli %add3A_1981, %mul3A_2004 : i32
      %add3A_2006 = arith.constant 256 : i32
      %add3A_2007 = arith.addi %mul3A_2005, %add3A_2006 : i32
      %dma_start3A_2008 = arith.constant 256 : i32
      %dma_start3A_2009 = arith.constant 0 : i32
      %dma_start3A_2010 = tpu.memref_slice %arg8[%dma_start3A_2008, %dma_start3A_2009] : memref<400x64xf32, #tpu.memory_space<vmem>> -> memref<128x64xf32, #tpu.memory_space<vmem>>
      %dma_start3A_2011 = tpu.memref_slice %arg5[%add3A_2007] : memref<25600xi32, #tpu.memory_space<vmem>> -> memref<128xi32, #tpu.memory_space<vmem>>
      %dma_start3A_2012 = arith.constant 0 : i32
      %dma_start3A_2013 = arith.constant 0 : i32
      %dma_start3A_2014 = tpu.memref_slice %arg3[%dma_start3A_2012, %dma_start3A_2013] : memref<1000000x64xf32, #tpu.memory_space<hbm>> -> memref<1000000x64xf32, #tpu.memory_space<hbm>>
      tpu.enqueue_indirect_dma source(%dma_start3A_2014 : memref<1000000x64xf32, #tpu.memory_space<hbm>>) target(%dma_start3A_2010 : memref<128x64xf32, #tpu.memory_space<vmem>>) offsets(%dma_start3A_2011 : memref<128xi32, #tpu.memory_space<vmem>>) semaphore(%arg12 : memref<!tpu.dma_semaphore, #tpu.memory_space<semaphore_mem>>)
      %mul3A_2015 = arith.constant 400 : i32
      %mul3A_2016 = arith.muli %add3A_1981, %mul3A_2015 : i32
      %add3A_2017 = arith.constant 384 : i32
      %add3A_2018 = arith.addi %mul3A_2016, %add3A_2017 : i32
      %dma_start3A_2019 = arith.constant 384 : i32
      %dma_start3A_2020 = arith.constant 0 : i32
      %dma_start3A_2021 = tpu.memref_slice %arg8[%dma_start3A_2019, %dma_start3A_2020] : memref<400x64xf32, #tpu.memory_space<vmem>> -> memref<16x64xf32, #tpu.memory_space<vmem>>
      %dma_start3A_2022 = tpu.memref_slice %arg5[%add3A_2018] : memref<25600xi32, #tpu.memory_space<vmem>> -> memref<16xi32, #tpu.memory_space<vmem>>
      %dma_start3A_2023 = arith.constant 0 : i32
      %dma_start3A_2024 = arith.constant 0 : i32
      %dma_start3A_2025 = tpu.memref_slice %arg3[%dma_start3A_2023, %dma_start3A_2024] : memref<1000000x64xf32, #tpu.memory_space<hbm>> -> memref<1000000x64xf32, #tpu.memory_space<hbm>>
      tpu.enqueue_indirect_dma source(%dma_start3A_2025 : memref<1000000x64xf32, #tpu.memory_space<hbm>>) target(%dma_start3A_2021 : memref<16x64xf32, #tpu.memory_space<vmem>>) offsets(%dma_start3A_2022 : memref<16xi32, #tpu.memory_space<vmem>>) semaphore(%arg12 : memref<!tpu.dma_semaphore, #tpu.memory_space<semaphore_mem>>)
      %sub3A_2026 = arith.constant 4 : i32
      %sub3A_2027 = arith.subi %mul3A_1420, %sub3A_2026 : i32
      %add3A_2028 = arith.constant 3 : i32
      %add3A_2029 = arith.addi %sub3A_2027, %add3A_2028 : i32
      %mul3A_2030 = arith.constant 8 : i32
      %mul3A_2031 = arith.muli %add3A_2029, %mul3A_2030 : i32
      %add3A_2032 = arith.addi %mul3A_4, %mul3A_2031 : i32
      %add3A_2033 = arith.constant 0 : i32
      %add3A_2034 = arith.addi %add3A_2032, %add3A_2033 : i32
      %dma_wait3A_2035 = arith.constant 0 : i32
      %dma_wait3A_2036 = arith.constant 0 : i32
      %dma_wait3A_2037 = tpu.memref_slice %arg9[%dma_wait3A_2035, %dma_wait3A_2036] : memref<400x64xf32, #tpu.memory_space<vmem>> -> memref<50x64xf32, #tpu.memory_space<vmem>>
      %dma_wait3A_2038 = arith.constant 0 : i32
      %dma_wait3A_2039 = arith.constant 0 : i32
      %dma_wait3A_2040 = tpu.memref_slice %arg4[%add3A_2034, %dma_wait3A_2038, %dma_wait3A_2039] : memref<16384x50x64xf32, #tpu.memory_space<hbm>> -> memref<1x50x64xf32, #tpu.memory_space<hbm>>
      %dma_wait3A_2041 = tpu.memref_squeeze %dma_wait3A_2040 : memref<1x50x64xf32, #tpu.memory_space<hbm>> -> memref<50x64xf32, #tpu.memory_space<hbm>>
      %dma_wait3A_2042 = arith.constant 0 : i32
      %dma_wait3A_2043 = arith.constant 0 : i32
      %dma_wait3A_2044 = tpu.memref_slice %arg4[%add3A_2034, %dma_wait3A_2042, %dma_wait3A_2043] : memref<16384x50x64xf32, #tpu.memory_space<hbm>> -> memref<1x50x64xf32, #tpu.memory_space<hbm>>
      %dma_wait3A_2045 = tpu.memref_squeeze %dma_wait3A_2044 : memref<1x50x64xf32, #tpu.memory_space<hbm>> -> memref<50x64xf32, #tpu.memory_space<hbm>>
      %dma_wait3A_2046 = arith.constant 0 : i32
      %dma_wait3A_2047 = arith.constant 0 : i32
      %dma_wait3A_2048 = tpu.memref_slice %arg9[%dma_wait3A_2046, %dma_wait3A_2047] : memref<400x64xf32, #tpu.memory_space<vmem>> -> memref<50x64xf32, #tpu.memory_space<vmem>>
      tpu.wait_dma2 semaphore(%arg17 : memref<!tpu.dma_semaphore, #tpu.memory_space<semaphore_mem>>) src(%dma_wait3A_2048 : memref<50x64xf32, #tpu.memory_space<vmem>>) dst(%dma_wait3A_2045 : memref<50x64xf32, #tpu.memory_space<hbm>>)
      %mul3A_2049 = arith.constant 8 : i32
      %mul3A_2050 = arith.muli %add3A_2029, %mul3A_2049 : i32
      %add3A_2051 = arith.addi %mul3A_4, %mul3A_2050 : i32
      %add3A_2052 = arith.constant 1 : i32
      %add3A_2053 = arith.addi %add3A_2051, %add3A_2052 : i32
      %dma_wait3A_2054 = arith.constant 50 : i32
      %dma_wait3A_2055 = arith.constant 0 : i32
      %dma_wait3A_2056 = tpu.memref_slice %arg9[%dma_wait3A_2054, %dma_wait3A_2055] : memref<400x64xf32, #tpu.memory_space<vmem>> -> memref<50x64xf32, #tpu.memory_space<vmem>>
      %dma_wait3A_2057 = arith.constant 0 : i32
      %dma_wait3A_2058 = arith.constant 0 : i32
      %dma_wait3A_2059 = tpu.memref_slice %arg4[%add3A_2053, %dma_wait3A_2057, %dma_wait3A_2058] : memref<16384x50x64xf32, #tpu.memory_space<hbm>> -> memref<1x50x64xf32, #tpu.memory_space<hbm>>
      %dma_wait3A_2060 = tpu.memref_squeeze %dma_wait3A_2059 : memref<1x50x64xf32, #tpu.memory_space<hbm>> -> memref<50x64xf32, #tpu.memory_space<hbm>>
      %dma_wait3A_2061 = arith.constant 0 : i32
      %dma_wait3A_2062 = arith.constant 0 : i32
      %dma_wait3A_2063 = tpu.memref_slice %arg4[%add3A_2053, %dma_wait3A_2061, %dma_wait3A_2062] : memref<16384x50x64xf32, #tpu.memory_space<hbm>> -> memref<1x50x64xf32, #tpu.memory_space<hbm>>
      %dma_wait3A_2064 = tpu.memref_squeeze %dma_wait3A_2063 : memref<1x50x64xf32, #tpu.memory_space<hbm>> -> memref<50x64xf32, #tpu.memory_space<hbm>>
      %dma_wait3A_2065 = arith.constant 50 : i32
      %dma_wait3A_2066 = arith.constant 0 : i32
      %dma_wait3A_2067 = tpu.memref_slice %arg9[%dma_wait3A_2065, %dma_wait3A_2066] : memref<400x64xf32, #tpu.memory_space<vmem>> -> memref<50x64xf32, #tpu.memory_space<vmem>>
      tpu.wait_dma2 semaphore(%arg17 : memref<!tpu.dma_semaphore, #tpu.memory_space<semaphore_mem>>) src(%dma_wait3A_2067 : memref<50x64xf32, #tpu.memory_space<vmem>>) dst(%dma_wait3A_2064 : memref<50x64xf32, #tpu.memory_space<hbm>>)
      %mul3A_2068 = arith.constant 8 : i32
      %mul3A_2069 = arith.muli %add3A_2029, %mul3A_2068 : i32
      %add3A_2070 = arith.addi %mul3A_4, %mul3A_2069 : i32
      %add3A_2071 = arith.constant 2 : i32
      %add3A_2072 = arith.addi %add3A_2070, %add3A_2071 : i32
      %dma_wait3A_2073 = arith.constant 100 : i32
      %dma_wait3A_2074 = arith.constant 0 : i32
      %dma_wait3A_2075 = tpu.memref_slice %arg9[%dma_wait3A_2073, %dma_wait3A_2074] : memref<400x64xf32, #tpu.memory_space<vmem>> -> memref<50x64xf32, #tpu.memory_space<vmem>>
      %dma_wait3A_2076 = arith.constant 0 : i32
      %dma_wait3A_2077 = arith.constant 0 : i32
      %dma_wait3A_2078 = tpu.memref_slice %arg4[%add3A_2072, %dma_wait3A_2076, %dma_wait3A_2077] : memref<16384x50x64xf32, #tpu.memory_space<hbm>> -> memref<1x50x64xf32, #tpu.memory_space<hbm>>
      %dma_wait3A_2079 = tpu.memref_squeeze %dma_wait3A_2078 : memref<1x50x64xf32, #tpu.memory_space<hbm>> -> memref<50x64xf32, #tpu.memory_space<hbm>>
      %dma_wait3A_2080 = arith.constant 0 : i32
      %dma_wait3A_2081 = arith.constant 0 : i32
      %dma_wait3A_2082 = tpu.memref_slice %arg4[%add3A_2072, %dma_wait3A_2080, %dma_wait3A_2081] : memref<16384x50x64xf32, #tpu.memory_space<hbm>> -> memref<1x50x64xf32, #tpu.memory_space<hbm>>
      %dma_wait3A_2083 = tpu.memref_squeeze %dma_wait3A_2082 : memref<1x50x64xf32, #tpu.memory_space<hbm>> -> memref<50x64xf32, #tpu.memory_space<hbm>>
      %dma_wait3A_2084 = arith.constant 100 : i32
      %dma_wait3A_2085 = arith.constant 0 : i32
      %dma_wait3A_2086 = tpu.memref_slice %arg9[%dma_wait3A_2084, %dma_wait3A_2085] : memref<400x64xf32, #tpu.memory_space<vmem>> -> memref<50x64xf32, #tpu.memory_space<vmem>>
      tpu.wait_dma2 semaphore(%arg17 : memref<!tpu.dma_semaphore, #tpu.memory_space<semaphore_mem>>) src(%dma_wait3A_2086 : memref<50x64xf32, #tpu.memory_space<vmem>>) dst(%dma_wait3A_2083 : memref<50x64xf32, #tpu.memory_space<hbm>>)
      %mul3A_2087 = arith.constant 8 : i32
      %mul3A_2088 = arith.muli %add3A_2029, %mul3A_2087 : i32
      %add3A_2089 = arith.addi %mul3A_4, %mul3A_2088 : i32
      %add3A_2090 = arith.constant 3 : i32
      %add3A_2091 = arith.addi %add3A_2089, %add3A_2090 : i32
      %dma_wait3A_2092 = arith.constant 150 : i32
      %dma_wait3A_2093 = arith.constant 0 : i32
      %dma_wait3A_2094 = tpu.memref_slice %arg9[%dma_wait3A_2092, %dma_wait3A_2093] : memref<400x64xf32, #tpu.memory_space<vmem>> -> memref<50x64xf32, #tpu.memory_space<vmem>>
      %dma_wait3A_2095 = arith.constant 0 : i32
      %dma_wait3A_2096 = arith.constant 0 : i32
      %dma_wait3A_2097 = tpu.memref_slice %arg4[%add3A_2091, %dma_wait3A_2095, %dma_wait3A_2096] : memref<16384x50x64xf32, #tpu.memory_space<hbm>> -> memref<1x50x64xf32, #tpu.memory_space<hbm>>
      %dma_wait3A_2098 = tpu.memref_squeeze %dma_wait3A_2097 : memref<1x50x64xf32, #tpu.memory_space<hbm>> -> memref<50x64xf32, #tpu.memory_space<hbm>>
      %dma_wait3A_2099 = arith.constant 0 : i32
      %dma_wait3A_2100 = arith.constant 0 : i32
      %dma_wait3A_2101 = tpu.memref_slice %arg4[%add3A_2091, %dma_wait3A_2099, %dma_wait3A_2100] : memref<16384x50x64xf32, #tpu.memory_space<hbm>> -> memref<1x50x64xf32, #tpu.memory_space<hbm>>
      %dma_wait3A_2102 = tpu.memref_squeeze %dma_wait3A_2101 : memref<1x50x64xf32, #tpu.memory_space<hbm>> -> memref<50x64xf32, #tpu.memory_space<hbm>>
      %dma_wait3A_2103 = arith.constant 150 : i32
      %dma_wait3A_2104 = arith.constant 0 : i32
      %dma_wait3A_2105 = tpu.memref_slice %arg9[%dma_wait3A_2103, %dma_wait3A_2104] : memref<400x64xf32, #tpu.memory_space<vmem>> -> memref<50x64xf32, #tpu.memory_space<vmem>>
      tpu.wait_dma2 semaphore(%arg17 : memref<!tpu.dma_semaphore, #tpu.memory_space<semaphore_mem>>) src(%dma_wait3A_2105 : memref<50x64xf32, #tpu.memory_space<vmem>>) dst(%dma_wait3A_2102 : memref<50x64xf32, #tpu.memory_space<hbm>>)
      %mul3A_2106 = arith.constant 8 : i32
      %mul3A_2107 = arith.muli %add3A_2029, %mul3A_2106 : i32
      %add3A_2108 = arith.addi %mul3A_4, %mul3A_2107 : i32
      %add3A_2109 = arith.constant 4 : i32
      %add3A_2110 = arith.addi %add3A_2108, %add3A_2109 : i32
      %dma_wait3A_2111 = arith.constant 200 : i32
      %dma_wait3A_2112 = arith.constant 0 : i32
      %dma_wait3A_2113 = tpu.memref_slice %arg9[%dma_wait3A_2111, %dma_wait3A_2112] : memref<400x64xf32, #tpu.memory_space<vmem>> -> memref<50x64xf32, #tpu.memory_space<vmem>>
      %dma_wait3A_2114 = arith.constant 0 : i32
      %dma_wait3A_2115 = arith.constant 0 : i32
      %dma_wait3A_2116 = tpu.memref_slice %arg4[%add3A_2110, %dma_wait3A_2114, %dma_wait3A_2115] : memref<16384x50x64xf32, #tpu.memory_space<hbm>> -> memref<1x50x64xf32, #tpu.memory_space<hbm>>
      %dma_wait3A_2117 = tpu.memref_squeeze %dma_wait3A_2116 : memref<1x50x64xf32, #tpu.memory_space<hbm>> -> memref<50x64xf32, #tpu.memory_space<hbm>>
      %dma_wait3A_2118 = arith.constant 0 : i32
      %dma_wait3A_2119 = arith.constant 0 : i32
      %dma_wait3A_2120 = tpu.memref_slice %arg4[%add3A_2110, %dma_wait3A_2118, %dma_wait3A_2119] : memref<16384x50x64xf32, #tpu.memory_space<hbm>> -> memref<1x50x64xf32, #tpu.memory_space<hbm>>
      %dma_wait3A_2121 = tpu.memref_squeeze %dma_wait3A_2120 : memref<1x50x64xf32, #tpu.memory_space<hbm>> -> memref<50x64xf32, #tpu.memory_space<hbm>>
      %dma_wait3A_2122 = arith.constant 200 : i32
      %dma_wait3A_2123 = arith.constant 0 : i32
      %dma_wait3A_2124 = tpu.memref_slice %arg9[%dma_wait3A_2122, %dma_wait3A_2123] : memref<400x64xf32, #tpu.memory_space<vmem>> -> memref<50x64xf32, #tpu.memory_space<vmem>>
      tpu.wait_dma2 semaphore(%arg17 : memref<!tpu.dma_semaphore, #tpu.memory_space<semaphore_mem>>) src(%dma_wait3A_2124 : memref<50x64xf32, #tpu.memory_space<vmem>>) dst(%dma_wait3A_2121 : memref<50x64xf32, #tpu.memory_space<hbm>>)
      %mul3A_2125 = arith.constant 8 : i32
      %mul3A_2126 = arith.muli %add3A_2029, %mul3A_2125 : i32
      %add3A_2127 = arith.addi %mul3A_4, %mul3A_2126 : i32
      %add3A_2128 = arith.constant 5 : i32
      %add3A_2129 = arith.addi %add3A_2127, %add3A_2128 : i32
      %dma_wait3A_2130 = arith.constant 250 : i32
      %dma_wait3A_2131 = arith.constant 0 : i32
      %dma_wait3A_2132 = tpu.memref_slice %arg9[%dma_wait3A_2130, %dma_wait3A_2131] : memref<400x64xf32, #tpu.memory_space<vmem>> -> memref<50x64xf32, #tpu.memory_space<vmem>>
      %dma_wait3A_2133 = arith.constant 0 : i32
      %dma_wait3A_2134 = arith.constant 0 : i32
      %dma_wait3A_2135 = tpu.memref_slice %arg4[%add3A_2129, %dma_wait3A_2133, %dma_wait3A_2134] : memref<16384x50x64xf32, #tpu.memory_space<hbm>> -> memref<1x50x64xf32, #tpu.memory_space<hbm>>
      %dma_wait3A_2136 = tpu.memref_squeeze %dma_wait3A_2135 : memref<1x50x64xf32, #tpu.memory_space<hbm>> -> memref<50x64xf32, #tpu.memory_space<hbm>>
      %dma_wait3A_2137 = arith.constant 0 : i32
      %dma_wait3A_2138 = arith.constant 0 : i32
      %dma_wait3A_2139 = tpu.memref_slice %arg4[%add3A_2129, %dma_wait3A_2137, %dma_wait3A_2138] : memref<16384x50x64xf32, #tpu.memory_space<hbm>> -> memref<1x50x64xf32, #tpu.memory_space<hbm>>
      %dma_wait3A_2140 = tpu.memref_squeeze %dma_wait3A_2139 : memref<1x50x64xf32, #tpu.memory_space<hbm>> -> memref<50x64xf32, #tpu.memory_space<hbm>>
      %dma_wait3A_2141 = arith.constant 250 : i32
      %dma_wait3A_2142 = arith.constant 0 : i32
      %dma_wait3A_2143 = tpu.memref_slice %arg9[%dma_wait3A_2141, %dma_wait3A_2142] : memref<400x64xf32, #tpu.memory_space<vmem>> -> memref<50x64xf32, #tpu.memory_space<vmem>>
      tpu.wait_dma2 semaphore(%arg17 : memref<!tpu.dma_semaphore, #tpu.memory_space<semaphore_mem>>) src(%dma_wait3A_2143 : memref<50x64xf32, #tpu.memory_space<vmem>>) dst(%dma_wait3A_2140 : memref<50x64xf32, #tpu.memory_space<hbm>>)
      %mul3A_2144 = arith.constant 8 : i32
      %mul3A_2145 = arith.muli %add3A_2029, %mul3A_2144 : i32
      %add3A_2146 = arith.addi %mul3A_4, %mul3A_2145 : i32
      %add3A_2147 = arith.constant 6 : i32
      %add3A_2148 = arith.addi %add3A_2146, %add3A_2147 : i32
      %dma_wait3A_2149 = arith.constant 300 : i32
      %dma_wait3A_2150 = arith.constant 0 : i32
      %dma_wait3A_2151 = tpu.memref_slice %arg9[%dma_wait3A_2149, %dma_wait3A_2150] : memref<400x64xf32, #tpu.memory_space<vmem>> -> memref<50x64xf32, #tpu.memory_space<vmem>>
      %dma_wait3A_2152 = arith.constant 0 : i32
      %dma_wait3A_2153 = arith.constant 0 : i32
      %dma_wait3A_2154 = tpu.memref_slice %arg4[%add3A_2148, %dma_wait3A_2152, %dma_wait3A_2153] : memref<16384x50x64xf32, #tpu.memory_space<hbm>> -> memref<1x50x64xf32, #tpu.memory_space<hbm>>
      %dma_wait3A_2155 = tpu.memref_squeeze %dma_wait3A_2154 : memref<1x50x64xf32, #tpu.memory_space<hbm>> -> memref<50x64xf32, #tpu.memory_space<hbm>>
      %dma_wait3A_2156 = arith.constant 0 : i32
      %dma_wait3A_2157 = arith.constant 0 : i32
      %dma_wait3A_2158 = tpu.memref_slice %arg4[%add3A_2148, %dma_wait3A_2156, %dma_wait3A_2157] : memref<16384x50x64xf32, #tpu.memory_space<hbm>> -> memref<1x50x64xf32, #tpu.memory_space<hbm>>
      %dma_wait3A_2159 = tpu.memref_squeeze %dma_wait3A_2158 : memref<1x50x64xf32, #tpu.memory_space<hbm>> -> memref<50x64xf32, #tpu.memory_space<hbm>>
      %dma_wait3A_2160 = arith.constant 300 : i32
      %dma_wait3A_2161 = arith.constant 0 : i32
      %dma_wait3A_2162 = tpu.memref_slice %arg9[%dma_wait3A_2160, %dma_wait3A_2161] : memref<400x64xf32, #tpu.memory_space<vmem>> -> memref<50x64xf32, #tpu.memory_space<vmem>>
      tpu.wait_dma2 semaphore(%arg17 : memref<!tpu.dma_semaphore, #tpu.memory_space<semaphore_mem>>) src(%dma_wait3A_2162 : memref<50x64xf32, #tpu.memory_space<vmem>>) dst(%dma_wait3A_2159 : memref<50x64xf32, #tpu.memory_space<hbm>>)
      %mul3A_2163 = arith.constant 8 : i32
      %mul3A_2164 = arith.muli %add3A_2029, %mul3A_2163 : i32
      %add3A_2165 = arith.addi %mul3A_4, %mul3A_2164 : i32
      %add3A_2166 = arith.constant 7 : i32
      %add3A_2167 = arith.addi %add3A_2165, %add3A_2166 : i32
      %dma_wait3A_2168 = arith.constant 350 : i32
      %dma_wait3A_2169 = arith.constant 0 : i32
      %dma_wait3A_2170 = tpu.memref_slice %arg9[%dma_wait3A_2168, %dma_wait3A_2169] : memref<400x64xf32, #tpu.memory_space<vmem>> -> memref<50x64xf32, #tpu.memory_space<vmem>>
      %dma_wait3A_2171 = arith.constant 0 : i32
      %dma_wait3A_2172 = arith.constant 0 : i32
      %dma_wait3A_2173 = tpu.memref_slice %arg4[%add3A_2167, %dma_wait3A_2171, %dma_wait3A_2172] : memref<16384x50x64xf32, #tpu.memory_space<hbm>> -> memref<1x50x64xf32, #tpu.memory_space<hbm>>
      %dma_wait3A_2174 = tpu.memref_squeeze %dma_wait3A_2173 : memref<1x50x64xf32, #tpu.memory_space<hbm>> -> memref<50x64xf32, #tpu.memory_space<hbm>>
      %dma_wait3A_2175 = arith.constant 0 : i32
      %dma_wait3A_2176 = arith.constant 0 : i32
      %dma_wait3A_2177 = tpu.memref_slice %arg4[%add3A_2167, %dma_wait3A_2175, %dma_wait3A_2176] : memref<16384x50x64xf32, #tpu.memory_space<hbm>> -> memref<1x50x64xf32, #tpu.memory_space<hbm>>
      %dma_wait3A_2178 = tpu.memref_squeeze %dma_wait3A_2177 : memref<1x50x64xf32, #tpu.memory_space<hbm>> -> memref<50x64xf32, #tpu.memory_space<hbm>>
      %dma_wait3A_2179 = arith.constant 350 : i32
      %dma_wait3A_2180 = arith.constant 0 : i32
      %dma_wait3A_2181 = tpu.memref_slice %arg9[%dma_wait3A_2179, %dma_wait3A_2180] : memref<400x64xf32, #tpu.memory_space<vmem>> -> memref<50x64xf32, #tpu.memory_space<vmem>>
      tpu.wait_dma2 semaphore(%arg17 : memref<!tpu.dma_semaphore, #tpu.memory_space<semaphore_mem>>) src(%dma_wait3A_2181 : memref<50x64xf32, #tpu.memory_space<vmem>>) dst(%dma_wait3A_2178 : memref<50x64xf32, #tpu.memory_space<hbm>>)
      %add3A_2182 = arith.constant 3 : i32
      %add3A_2183 = arith.addi %mul3A_1420, %add3A_2182 : i32
      %mul3A_2184 = arith.constant 400 : i32
      %mul3A_2185 = arith.muli %add3A_2183, %mul3A_2184 : i32
      %add3A_2186 = arith.constant 0 : i32
      %add3A_2187 = arith.addi %mul3A_2185, %add3A_2186 : i32
      %dma_start3A_2188 = arith.constant 0 : i32
      %dma_start3A_2189 = arith.constant 0 : i32
      %dma_start3A_2190 = tpu.memref_slice %arg9[%dma_start3A_2188, %dma_start3A_2189] : memref<400x64xf32, #tpu.memory_space<vmem>> -> memref<128x64xf32, #tpu.memory_space<vmem>>
      %dma_start3A_2191 = tpu.memref_slice %arg5[%add3A_2187] : memref<25600xi32, #tpu.memory_space<vmem>> -> memref<128xi32, #tpu.memory_space<vmem>>
      %dma_start3A_2192 = arith.constant 0 : i32
      %dma_start3A_2193 = arith.constant 0 : i32
      %dma_start3A_2194 = tpu.memref_slice %arg3[%dma_start3A_2192, %dma_start3A_2193] : memref<1000000x64xf32, #tpu.memory_space<hbm>> -> memref<1000000x64xf32, #tpu.memory_space<hbm>>
      tpu.enqueue_indirect_dma source(%dma_start3A_2194 : memref<1000000x64xf32, #tpu.memory_space<hbm>>) target(%dma_start3A_2190 : memref<128x64xf32, #tpu.memory_space<vmem>>) offsets(%dma_start3A_2191 : memref<128xi32, #tpu.memory_space<vmem>>) semaphore(%arg13 : memref<!tpu.dma_semaphore, #tpu.memory_space<semaphore_mem>>)
      %mul3A_2195 = arith.constant 400 : i32
      %mul3A_2196 = arith.muli %add3A_2183, %mul3A_2195 : i32
      %add3A_2197 = arith.constant 128 : i32
      %add3A_2198 = arith.addi %mul3A_2196, %add3A_2197 : i32
      %dma_start3A_2199 = arith.constant 128 : i32
      %dma_start3A_2200 = arith.constant 0 : i32
      %dma_start3A_2201 = tpu.memref_slice %arg9[%dma_start3A_2199, %dma_start3A_2200] : memref<400x64xf32, #tpu.memory_space<vmem>> -> memref<128x64xf32, #tpu.memory_space<vmem>>
      %dma_start3A_2202 = tpu.memref_slice %arg5[%add3A_2198] : memref<25600xi32, #tpu.memory_space<vmem>> -> memref<128xi32, #tpu.memory_space<vmem>>
      %dma_start3A_2203 = arith.constant 0 : i32
      %dma_start3A_2204 = arith.constant 0 : i32
      %dma_start3A_2205 = tpu.memref_slice %arg3[%dma_start3A_2203, %dma_start3A_2204] : memref<1000000x64xf32, #tpu.memory_space<hbm>> -> memref<1000000x64xf32, #tpu.memory_space<hbm>>
      tpu.enqueue_indirect_dma source(%dma_start3A_2205 : memref<1000000x64xf32, #tpu.memory_space<hbm>>) target(%dma_start3A_2201 : memref<128x64xf32, #tpu.memory_space<vmem>>) offsets(%dma_start3A_2202 : memref<128xi32, #tpu.memory_space<vmem>>) semaphore(%arg13 : memref<!tpu.dma_semaphore, #tpu.memory_space<semaphore_mem>>)
      %mul3A_2206 = arith.constant 400 : i32
      %mul3A_2207 = arith.muli %add3A_2183, %mul3A_2206 : i32
      %add3A_2208 = arith.constant 256 : i32
      %add3A_2209 = arith.addi %mul3A_2207, %add3A_2208 : i32
      %dma_start3A_2210 = arith.constant 256 : i32
      %dma_start3A_2211 = arith.constant 0 : i32
      %dma_start3A_2212 = tpu.memref_slice %arg9[%dma_start3A_2210, %dma_start3A_2211] : memref<400x64xf32, #tpu.memory_space<vmem>> -> memref<128x64xf32, #tpu.memory_space<vmem>>
      %dma_start3A_2213 = tpu.memref_slice %arg5[%add3A_2209] : memref<25600xi32, #tpu.memory_space<vmem>> -> memref<128xi32, #tpu.memory_space<vmem>>
      %dma_start3A_2214 = arith.constant 0 : i32
      %dma_start3A_2215 = arith.constant 0 : i32
      %dma_start3A_2216 = tpu.memref_slice %arg3[%dma_start3A_2214, %dma_start3A_2215] : memref<1000000x64xf32, #tpu.memory_space<hbm>> -> memref<1000000x64xf32, #tpu.memory_space<hbm>>
      tpu.enqueue_indirect_dma source(%dma_start3A_2216 : memref<1000000x64xf32, #tpu.memory_space<hbm>>) target(%dma_start3A_2212 : memref<128x64xf32, #tpu.memory_space<vmem>>) offsets(%dma_start3A_2213 : memref<128xi32, #tpu.memory_space<vmem>>) semaphore(%arg13 : memref<!tpu.dma_semaphore, #tpu.memory_space<semaphore_mem>>)
      %mul3A_2217 = arith.constant 400 : i32
      %mul3A_2218 = arith.muli %add3A_2183, %mul3A_2217 : i32
      %add3A_2219 = arith.constant 384 : i32
      %add3A_2220 = arith.addi %mul3A_2218, %add3A_2219 : i32
      %dma_start3A_2221 = arith.constant 384 : i32
      %dma_start3A_2222 = arith.constant 0 : i32
      %dma_start3A_2223 = tpu.memref_slice %arg9[%dma_start3A_2221, %dma_start3A_2222] : memref<400x64xf32, #tpu.memory_space<vmem>> -> memref<16x64xf32, #tpu.memory_space<vmem>>
      %dma_start3A_2224 = tpu.memref_slice %arg5[%add3A_2220] : memref<25600xi32, #tpu.memory_space<vmem>> -> memref<16xi32, #tpu.memory_space<vmem>>
      %dma_start3A_2225 = arith.constant 0 : i32
      %dma_start3A_2226 = arith.constant 0 : i32
      %dma_start3A_2227 = tpu.memref_slice %arg3[%dma_start3A_2225, %dma_start3A_2226] : memref<1000000x64xf32, #tpu.memory_space<hbm>> -> memref<1000000x64xf32, #tpu.memory_space<hbm>>
      tpu.enqueue_indirect_dma source(%dma_start3A_2227 : memref<1000000x64xf32, #tpu.memory_space<hbm>>) target(%dma_start3A_2223 : memref<16x64xf32, #tpu.memory_space<vmem>>) offsets(%dma_start3A_2224 : memref<16xi32, #tpu.memory_space<vmem>>) semaphore(%arg13 : memref<!tpu.dma_semaphore, #tpu.memory_space<semaphore_mem>>)
      %dma_wait3A_2228 = arith.constant 0 : i32
      %dma_wait3A_2229 = arith.constant 0 : i32
      %dma_wait3A_2230 = tpu.memref_slice %arg6[%dma_wait3A_2228, %dma_wait3A_2229] : memref<400x64xf32, #tpu.memory_space<vmem>> -> memref<128x64xf32, #tpu.memory_space<vmem>>
      %dma_wait3A_2231 = tpu.memref_slice %arg5[%add3A_1581] : memref<25600xi32, #tpu.memory_space<vmem>> -> memref<128xi32, #tpu.memory_space<vmem>>
      %dma_wait3A_2232 = arith.constant 0 : i32
      %dma_wait3A_2233 = arith.constant 0 : i32
      %dma_wait3A_2234 = tpu.memref_slice %arg3[%dma_wait3A_2232, %dma_wait3A_2233] : memref<1000000x64xf32, #tpu.memory_space<hbm>> -> memref<1000000x64xf32, #tpu.memory_space<hbm>>
      tpu.wait_indirect_dma semaphore(%arg10 : memref<!tpu.dma_semaphore, #tpu.memory_space<semaphore_mem>>) src(%dma_wait3A_2234 : memref<1000000x64xf32, #tpu.memory_space<hbm>>) dst(%dma_wait3A_2230 : memref<128x64xf32, #tpu.memory_space<vmem>>)
      %dma_wait3A_2235 = arith.constant 128 : i32
      %dma_wait3A_2236 = arith.constant 0 : i32
      %dma_wait3A_2237 = tpu.memref_slice %arg6[%dma_wait3A_2235, %dma_wait3A_2236] : memref<400x64xf32, #tpu.memory_space<vmem>> -> memref<128x64xf32, #tpu.memory_space<vmem>>
      %dma_wait3A_2238 = tpu.memref_slice %arg5[%add3A_1592] : memref<25600xi32, #tpu.memory_space<vmem>> -> memref<128xi32, #tpu.memory_space<vmem>>
      %dma_wait3A_2239 = arith.constant 0 : i32
      %dma_wait3A_2240 = arith.constant 0 : i32
      %dma_wait3A_2241 = tpu.memref_slice %arg3[%dma_wait3A_2239, %dma_wait3A_2240] : memref<1000000x64xf32, #tpu.memory_space<hbm>> -> memref<1000000x64xf32, #tpu.memory_space<hbm>>
      tpu.wait_indirect_dma semaphore(%arg10 : memref<!tpu.dma_semaphore, #tpu.memory_space<semaphore_mem>>) src(%dma_wait3A_2241 : memref<1000000x64xf32, #tpu.memory_space<hbm>>) dst(%dma_wait3A_2237 : memref<128x64xf32, #tpu.memory_space<vmem>>)
      %dma_wait3A_2242 = arith.constant 256 : i32
      %dma_wait3A_2243 = arith.constant 0 : i32
      %dma_wait3A_2244 = tpu.memref_slice %arg6[%dma_wait3A_2242, %dma_wait3A_2243] : memref<400x64xf32, #tpu.memory_space<vmem>> -> memref<128x64xf32, #tpu.memory_space<vmem>>
      %dma_wait3A_2245 = tpu.memref_slice %arg5[%add3A_1603] : memref<25600xi32, #tpu.memory_space<vmem>> -> memref<128xi32, #tpu.memory_space<vmem>>
      %dma_wait3A_2246 = arith.constant 0 : i32
      %dma_wait3A_2247 = arith.constant 0 : i32
      %dma_wait3A_2248 = tpu.memref_slice %arg3[%dma_wait3A_2246, %dma_wait3A_2247] : memref<1000000x64xf32, #tpu.memory_space<hbm>> -> memref<1000000x64xf32, #tpu.memory_space<hbm>>
      tpu.wait_indirect_dma semaphore(%arg10 : memref<!tpu.dma_semaphore, #tpu.memory_space<semaphore_mem>>) src(%dma_wait3A_2248 : memref<1000000x64xf32, #tpu.memory_space<hbm>>) dst(%dma_wait3A_2244 : memref<128x64xf32, #tpu.memory_space<vmem>>)
      %dma_wait3A_2249 = arith.constant 384 : i32
      %dma_wait3A_2250 = arith.constant 0 : i32
      %dma_wait3A_2251 = tpu.memref_slice %arg6[%dma_wait3A_2249, %dma_wait3A_2250] : memref<400x64xf32, #tpu.memory_space<vmem>> -> memref<16x64xf32, #tpu.memory_space<vmem>>
      %dma_wait3A_2252 = tpu.memref_slice %arg5[%add3A_1614] : memref<25600xi32, #tpu.memory_space<vmem>> -> memref<16xi32, #tpu.memory_space<vmem>>
      %dma_wait3A_2253 = arith.constant 0 : i32
      %dma_wait3A_2254 = arith.constant 0 : i32
      %dma_wait3A_2255 = tpu.memref_slice %arg3[%dma_wait3A_2253, %dma_wait3A_2254] : memref<1000000x64xf32, #tpu.memory_space<hbm>> -> memref<1000000x64xf32, #tpu.memory_space<hbm>>
      tpu.wait_indirect_dma semaphore(%arg10 : memref<!tpu.dma_semaphore, #tpu.memory_space<semaphore_mem>>) src(%dma_wait3A_2255 : memref<1000000x64xf32, #tpu.memory_space<hbm>>) dst(%dma_wait3A_2251 : memref<16x64xf32, #tpu.memory_space<vmem>>)
      %add3A_2256 = arith.constant 0 : i32
      %add3A_2257 = arith.addi %mul3A_1420, %add3A_2256 : i32
      %mul3A_2258 = arith.constant 8 : i32
      %mul3A_2259 = arith.muli %add3A_2257, %mul3A_2258 : i32
      %add3A_2260 = arith.addi %mul3A_4, %mul3A_2259 : i32
      %add3A_2261 = arith.constant 0 : i32
      %add3A_2262 = arith.addi %add3A_2260, %add3A_2261 : i32
      %dma_start3A_2263 = arith.constant 0 : i32
      %dma_start3A_2264 = arith.constant 0 : i32
      %dma_start3A_2265 = tpu.memref_slice %arg6[%dma_start3A_2263, %dma_start3A_2264] : memref<400x64xf32, #tpu.memory_space<vmem>> -> memref<50x64xf32, #tpu.memory_space<vmem>>
      %dma_start3A_2266 = arith.constant 0 : i32
      %dma_start3A_2267 = arith.constant 0 : i32
      %dma_start3A_2268 = tpu.memref_slice %arg4[%add3A_2262, %dma_start3A_2266, %dma_start3A_2267] : memref<16384x50x64xf32, #tpu.memory_space<hbm>> -> memref<1x50x64xf32, #tpu.memory_space<hbm>>
      %dma_start3A_2269 = tpu.memref_squeeze %dma_start3A_2268 : memref<1x50x64xf32, #tpu.memory_space<hbm>> -> memref<50x64xf32, #tpu.memory_space<hbm>>
      %dma_start3A_2270 = arith.constant 0 : i32
      %dma_start3A_2271 = arith.constant 0 : i32
      %dma_start3A_2272 = tpu.memref_slice %arg4[%add3A_2262, %dma_start3A_2270, %dma_start3A_2271] : memref<16384x50x64xf32, #tpu.memory_space<hbm>> -> memref<1x50x64xf32, #tpu.memory_space<hbm>>
      %dma_start3A_2273 = tpu.memref_squeeze %dma_start3A_2272 : memref<1x50x64xf32, #tpu.memory_space<hbm>> -> memref<50x64xf32, #tpu.memory_space<hbm>>
      %dma_start3A_2274 = arith.constant 0 : i32
      %dma_start3A_2275 = arith.constant 0 : i32
      %dma_start3A_2276 = tpu.memref_slice %arg6[%dma_start3A_2274, %dma_start3A_2275] : memref<400x64xf32, #tpu.memory_space<vmem>> -> memref<50x64xf32, #tpu.memory_space<vmem>>
      tpu.enqueue_dma source(%dma_start3A_2276 : memref<50x64xf32, #tpu.memory_space<vmem>>) target(%dma_start3A_2273 : memref<50x64xf32, #tpu.memory_space<hbm>>) target_semaphore(%arg14 : memref<!tpu.dma_semaphore, #tpu.memory_space<semaphore_mem>>)
      %mul3A_2277 = arith.constant 8 : i32
      %mul3A_2278 = arith.muli %add3A_2257, %mul3A_2277 : i32
      %add3A_2279 = arith.addi %mul3A_4, %mul3A_2278 : i32
      %add3A_2280 = arith.constant 1 : i32
      %add3A_2281 = arith.addi %add3A_2279, %add3A_2280 : i32
      %dma_start3A_2282 = arith.constant 50 : i32
      %dma_start3A_2283 = arith.constant 0 : i32
      %dma_start3A_2284 = tpu.memref_slice %arg6[%dma_start3A_2282, %dma_start3A_2283] : memref<400x64xf32, #tpu.memory_space<vmem>> -> memref<50x64xf32, #tpu.memory_space<vmem>>
      %dma_start3A_2285 = arith.constant 0 : i32
      %dma_start3A_2286 = arith.constant 0 : i32
      %dma_start3A_2287 = tpu.memref_slice %arg4[%add3A_2281, %dma_start3A_2285, %dma_start3A_2286] : memref<16384x50x64xf32, #tpu.memory_space<hbm>> -> memref<1x50x64xf32, #tpu.memory_space<hbm>>
      %dma_start3A_2288 = tpu.memref_squeeze %dma_start3A_2287 : memref<1x50x64xf32, #tpu.memory_space<hbm>> -> memref<50x64xf32, #tpu.memory_space<hbm>>
      %dma_start3A_2289 = arith.constant 0 : i32
      %dma_start3A_2290 = arith.constant 0 : i32
      %dma_start3A_2291 = tpu.memref_slice %arg4[%add3A_2281, %dma_start3A_2289, %dma_start3A_2290] : memref<16384x50x64xf32, #tpu.memory_space<hbm>> -> memref<1x50x64xf32, #tpu.memory_space<hbm>>
      %dma_start3A_2292 = tpu.memref_squeeze %dma_start3A_2291 : memref<1x50x64xf32, #tpu.memory_space<hbm>> -> memref<50x64xf32, #tpu.memory_space<hbm>>
      %dma_start3A_2293 = arith.constant 50 : i32
      %dma_start3A_2294 = arith.constant 0 : i32
      %dma_start3A_2295 = tpu.memref_slice %arg6[%dma_start3A_2293, %dma_start3A_2294] : memref<400x64xf32, #tpu.memory_space<vmem>> -> memref<50x64xf32, #tpu.memory_space<vmem>>
      tpu.enqueue_dma source(%dma_start3A_2295 : memref<50x64xf32, #tpu.memory_space<vmem>>) target(%dma_start3A_2292 : memref<50x64xf32, #tpu.memory_space<hbm>>) target_semaphore(%arg14 : memref<!tpu.dma_semaphore, #tpu.memory_space<semaphore_mem>>)
      %mul3A_2296 = arith.constant 8 : i32
      %mul3A_2297 = arith.muli %add3A_2257, %mul3A_2296 : i32
      %add3A_2298 = arith.addi %mul3A_4, %mul3A_2297 : i32
      %add3A_2299 = arith.constant 2 : i32
      %add3A_2300 = arith.addi %add3A_2298, %add3A_2299 : i32
      %dma_start3A_2301 = arith.constant 100 : i32
      %dma_start3A_2302 = arith.constant 0 : i32
      %dma_start3A_2303 = tpu.memref_slice %arg6[%dma_start3A_2301, %dma_start3A_2302] : memref<400x64xf32, #tpu.memory_space<vmem>> -> memref<50x64xf32, #tpu.memory_space<vmem>>
      %dma_start3A_2304 = arith.constant 0 : i32
      %dma_start3A_2305 = arith.constant 0 : i32
      %dma_start3A_2306 = tpu.memref_slice %arg4[%add3A_2300, %dma_start3A_2304, %dma_start3A_2305] : memref<16384x50x64xf32, #tpu.memory_space<hbm>> -> memref<1x50x64xf32, #tpu.memory_space<hbm>>
      %dma_start3A_2307 = tpu.memref_squeeze %dma_start3A_2306 : memref<1x50x64xf32, #tpu.memory_space<hbm>> -> memref<50x64xf32, #tpu.memory_space<hbm>>
      %dma_start3A_2308 = arith.constant 0 : i32
      %dma_start3A_2309 = arith.constant 0 : i32
      %dma_start3A_2310 = tpu.memref_slice %arg4[%add3A_2300, %dma_start3A_2308, %dma_start3A_2309] : memref<16384x50x64xf32, #tpu.memory_space<hbm>> -> memref<1x50x64xf32, #tpu.memory_space<hbm>>
      %dma_start3A_2311 = tpu.memref_squeeze %dma_start3A_2310 : memref<1x50x64xf32, #tpu.memory_space<hbm>> -> memref<50x64xf32, #tpu.memory_space<hbm>>
      %dma_start3A_2312 = arith.constant 100 : i32
      %dma_start3A_2313 = arith.constant 0 : i32
      %dma_start3A_2314 = tpu.memref_slice %arg6[%dma_start3A_2312, %dma_start3A_2313] : memref<400x64xf32, #tpu.memory_space<vmem>> -> memref<50x64xf32, #tpu.memory_space<vmem>>
      tpu.enqueue_dma source(%dma_start3A_2314 : memref<50x64xf32, #tpu.memory_space<vmem>>) target(%dma_start3A_2311 : memref<50x64xf32, #tpu.memory_space<hbm>>) target_semaphore(%arg14 : memref<!tpu.dma_semaphore, #tpu.memory_space<semaphore_mem>>)
      %mul3A_2315 = arith.constant 8 : i32
      %mul3A_2316 = arith.muli %add3A_2257, %mul3A_2315 : i32
      %add3A_2317 = arith.addi %mul3A_4, %mul3A_2316 : i32
      %add3A_2318 = arith.constant 3 : i32
      %add3A_2319 = arith.addi %add3A_2317, %add3A_2318 : i32
      %dma_start3A_2320 = arith.constant 150 : i32
      %dma_start3A_2321 = arith.constant 0 : i32
      %dma_start3A_2322 = tpu.memref_slice %arg6[%dma_start3A_2320, %dma_start3A_2321] : memref<400x64xf32, #tpu.memory_space<vmem>> -> memref<50x64xf32, #tpu.memory_space<vmem>>
      %dma_start3A_2323 = arith.constant 0 : i32
      %dma_start3A_2324 = arith.constant 0 : i32
      %dma_start3A_2325 = tpu.memref_slice %arg4[%add3A_2319, %dma_start3A_2323, %dma_start3A_2324] : memref<16384x50x64xf32, #tpu.memory_space<hbm>> -> memref<1x50x64xf32, #tpu.memory_space<hbm>>
      %dma_start3A_2326 = tpu.memref_squeeze %dma_start3A_2325 : memref<1x50x64xf32, #tpu.memory_space<hbm>> -> memref<50x64xf32, #tpu.memory_space<hbm>>
      %dma_start3A_2327 = arith.constant 0 : i32
      %dma_start3A_2328 = arith.constant 0 : i32
      %dma_start3A_2329 = tpu.memref_slice %arg4[%add3A_2319, %dma_start3A_2327, %dma_start3A_2328] : memref<16384x50x64xf32, #tpu.memory_space<hbm>> -> memref<1x50x64xf32, #tpu.memory_space<hbm>>
      %dma_start3A_2330 = tpu.memref_squeeze %dma_start3A_2329 : memref<1x50x64xf32, #tpu.memory_space<hbm>> -> memref<50x64xf32, #tpu.memory_space<hbm>>
      %dma_start3A_2331 = arith.constant 150 : i32
      %dma_start3A_2332 = arith.constant 0 : i32
      %dma_start3A_2333 = tpu.memref_slice %arg6[%dma_start3A_2331, %dma_start3A_2332] : memref<400x64xf32, #tpu.memory_space<vmem>> -> memref<50x64xf32, #tpu.memory_space<vmem>>
      tpu.enqueue_dma source(%dma_start3A_2333 : memref<50x64xf32, #tpu.memory_space<vmem>>) target(%dma_start3A_2330 : memref<50x64xf32, #tpu.memory_space<hbm>>) target_semaphore(%arg14 : memref<!tpu.dma_semaphore, #tpu.memory_space<semaphore_mem>>)
      %mul3A_2334 = arith.constant 8 : i32
      %mul3A_2335 = arith.muli %add3A_2257, %mul3A_2334 : i32
      %add3A_2336 = arith.addi %mul3A_4, %mul3A_2335 : i32
      %add3A_2337 = arith.constant 4 : i32
      %add3A_2338 = arith.addi %add3A_2336, %add3A_2337 : i32
      %dma_start3A_2339 = arith.constant 200 : i32
      %dma_start3A_2340 = arith.constant 0 : i32
      %dma_start3A_2341 = tpu.memref_slice %arg6[%dma_start3A_2339, %dma_start3A_2340] : memref<400x64xf32, #tpu.memory_space<vmem>> -> memref<50x64xf32, #tpu.memory_space<vmem>>
      %dma_start3A_2342 = arith.constant 0 : i32
      %dma_start3A_2343 = arith.constant 0 : i32
      %dma_start3A_2344 = tpu.memref_slice %arg4[%add3A_2338, %dma_start3A_2342, %dma_start3A_2343] : memref<16384x50x64xf32, #tpu.memory_space<hbm>> -> memref<1x50x64xf32, #tpu.memory_space<hbm>>
      %dma_start3A_2345 = tpu.memref_squeeze %dma_start3A_2344 : memref<1x50x64xf32, #tpu.memory_space<hbm>> -> memref<50x64xf32, #tpu.memory_space<hbm>>
      %dma_start3A_2346 = arith.constant 0 : i32
      %dma_start3A_2347 = arith.constant 0 : i32
      %dma_start3A_2348 = tpu.memref_slice %arg4[%add3A_2338, %dma_start3A_2346, %dma_start3A_2347] : memref<16384x50x64xf32, #tpu.memory_space<hbm>> -> memref<1x50x64xf32, #tpu.memory_space<hbm>>
      %dma_start3A_2349 = tpu.memref_squeeze %dma_start3A_2348 : memref<1x50x64xf32, #tpu.memory_space<hbm>> -> memref<50x64xf32, #tpu.memory_space<hbm>>
      %dma_start3A_2350 = arith.constant 200 : i32
      %dma_start3A_2351 = arith.constant 0 : i32
      %dma_start3A_2352 = tpu.memref_slice %arg6[%dma_start3A_2350, %dma_start3A_2351] : memref<400x64xf32, #tpu.memory_space<vmem>> -> memref<50x64xf32, #tpu.memory_space<vmem>>
      tpu.enqueue_dma source(%dma_start3A_2352 : memref<50x64xf32, #tpu.memory_space<vmem>>) target(%dma_start3A_2349 : memref<50x64xf32, #tpu.memory_space<hbm>>) target_semaphore(%arg14 : memref<!tpu.dma_semaphore, #tpu.memory_space<semaphore_mem>>)
      %mul3A_2353 = arith.constant 8 : i32
      %mul3A_2354 = arith.muli %add3A_2257, %mul3A_2353 : i32
      %add3A_2355 = arith.addi %mul3A_4, %mul3A_2354 : i32
      %add3A_2356 = arith.constant 5 : i32
      %add3A_2357 = arith.addi %add3A_2355, %add3A_2356 : i32
      %dma_start3A_2358 = arith.constant 250 : i32
      %dma_start3A_2359 = arith.constant 0 : i32
      %dma_start3A_2360 = tpu.memref_slice %arg6[%dma_start3A_2358, %dma_start3A_2359] : memref<400x64xf32, #tpu.memory_space<vmem>> -> memref<50x64xf32, #tpu.memory_space<vmem>>
      %dma_start3A_2361 = arith.constant 0 : i32
      %dma_start3A_2362 = arith.constant 0 : i32
      %dma_start3A_2363 = tpu.memref_slice %arg4[%add3A_2357, %dma_start3A_2361, %dma_start3A_2362] : memref<16384x50x64xf32, #tpu.memory_space<hbm>> -> memref<1x50x64xf32, #tpu.memory_space<hbm>>
      %dma_start3A_2364 = tpu.memref_squeeze %dma_start3A_2363 : memref<1x50x64xf32, #tpu.memory_space<hbm>> -> memref<50x64xf32, #tpu.memory_space<hbm>>
      %dma_start3A_2365 = arith.constant 0 : i32
      %dma_start3A_2366 = arith.constant 0 : i32
      %dma_start3A_2367 = tpu.memref_slice %arg4[%add3A_2357, %dma_start3A_2365, %dma_start3A_2366] : memref<16384x50x64xf32, #tpu.memory_space<hbm>> -> memref<1x50x64xf32, #tpu.memory_space<hbm>>
      %dma_start3A_2368 = tpu.memref_squeeze %dma_start3A_2367 : memref<1x50x64xf32, #tpu.memory_space<hbm>> -> memref<50x64xf32, #tpu.memory_space<hbm>>
      %dma_start3A_2369 = arith.constant 250 : i32
      %dma_start3A_2370 = arith.constant 0 : i32
      %dma_start3A_2371 = tpu.memref_slice %arg6[%dma_start3A_2369, %dma_start3A_2370] : memref<400x64xf32, #tpu.memory_space<vmem>> -> memref<50x64xf32, #tpu.memory_space<vmem>>
      tpu.enqueue_dma source(%dma_start3A_2371 : memref<50x64xf32, #tpu.memory_space<vmem>>) target(%dma_start3A_2368 : memref<50x64xf32, #tpu.memory_space<hbm>>) target_semaphore(%arg14 : memref<!tpu.dma_semaphore, #tpu.memory_space<semaphore_mem>>)
      %mul3A_2372 = arith.constant 8 : i32
      %mul3A_2373 = arith.muli %add3A_2257, %mul3A_2372 : i32
      %add3A_2374 = arith.addi %mul3A_4, %mul3A_2373 : i32
      %add3A_2375 = arith.constant 6 : i32
      %add3A_2376 = arith.addi %add3A_2374, %add3A_2375 : i32
      %dma_start3A_2377 = arith.constant 300 : i32
      %dma_start3A_2378 = arith.constant 0 : i32
      %dma_start3A_2379 = tpu.memref_slice %arg6[%dma_start3A_2377, %dma_start3A_2378] : memref<400x64xf32, #tpu.memory_space<vmem>> -> memref<50x64xf32, #tpu.memory_space<vmem>>
      %dma_start3A_2380 = arith.constant 0 : i32
      %dma_start3A_2381 = arith.constant 0 : i32
      %dma_start3A_2382 = tpu.memref_slice %arg4[%add3A_2376, %dma_start3A_2380, %dma_start3A_2381] : memref<16384x50x64xf32, #tpu.memory_space<hbm>> -> memref<1x50x64xf32, #tpu.memory_space<hbm>>
      %dma_start3A_2383 = tpu.memref_squeeze %dma_start3A_2382 : memref<1x50x64xf32, #tpu.memory_space<hbm>> -> memref<50x64xf32, #tpu.memory_space<hbm>>
      %dma_start3A_2384 = arith.constant 0 : i32
      %dma_start3A_2385 = arith.constant 0 : i32
      %dma_start3A_2386 = tpu.memref_slice %arg4[%add3A_2376, %dma_start3A_2384, %dma_start3A_2385] : memref<16384x50x64xf32, #tpu.memory_space<hbm>> -> memref<1x50x64xf32, #tpu.memory_space<hbm>>
      %dma_start3A_2387 = tpu.memref_squeeze %dma_start3A_2386 : memref<1x50x64xf32, #tpu.memory_space<hbm>> -> memref<50x64xf32, #tpu.memory_space<hbm>>
      %dma_start3A_2388 = arith.constant 300 : i32
      %dma_start3A_2389 = arith.constant 0 : i32
      %dma_start3A_2390 = tpu.memref_slice %arg6[%dma_start3A_2388, %dma_start3A_2389] : memref<400x64xf32, #tpu.memory_space<vmem>> -> memref<50x64xf32, #tpu.memory_space<vmem>>
      tpu.enqueue_dma source(%dma_start3A_2390 : memref<50x64xf32, #tpu.memory_space<vmem>>) target(%dma_start3A_2387 : memref<50x64xf32, #tpu.memory_space<hbm>>) target_semaphore(%arg14 : memref<!tpu.dma_semaphore, #tpu.memory_space<semaphore_mem>>)
      %mul3A_2391 = arith.constant 8 : i32
      %mul3A_2392 = arith.muli %add3A_2257, %mul3A_2391 : i32
      %add3A_2393 = arith.addi %mul3A_4, %mul3A_2392 : i32
      %add3A_2394 = arith.constant 7 : i32
      %add3A_2395 = arith.addi %add3A_2393, %add3A_2394 : i32
      %dma_start3A_2396 = arith.constant 350 : i32
      %dma_start3A_2397 = arith.constant 0 : i32
      %dma_start3A_2398 = tpu.memref_slice %arg6[%dma_start3A_2396, %dma_start3A_2397] : memref<400x64xf32, #tpu.memory_space<vmem>> -> memref<50x64xf32, #tpu.memory_space<vmem>>
      %dma_start3A_2399 = arith.constant 0 : i32
      %dma_start3A_2400 = arith.constant 0 : i32
      %dma_start3A_2401 = tpu.memref_slice %arg4[%add3A_2395, %dma_start3A_2399, %dma_start3A_2400] : memref<16384x50x64xf32, #tpu.memory_space<hbm>> -> memref<1x50x64xf32, #tpu.memory_space<hbm>>
      %dma_start3A_2402 = tpu.memref_squeeze %dma_start3A_2401 : memref<1x50x64xf32, #tpu.memory_space<hbm>> -> memref<50x64xf32, #tpu.memory_space<hbm>>
      %dma_start3A_2403 = arith.constant 0 : i32
      %dma_start3A_2404 = arith.constant 0 : i32
      %dma_start3A_2405 = tpu.memref_slice %arg4[%add3A_2395, %dma_start3A_2403, %dma_start3A_2404] : memref<16384x50x64xf32, #tpu.memory_space<hbm>> -> memref<1x50x64xf32, #tpu.memory_space<hbm>>
      %dma_start3A_2406 = tpu.memref_squeeze %dma_start3A_2405 : memref<1x50x64xf32, #tpu.memory_space<hbm>> -> memref<50x64xf32, #tpu.memory_space<hbm>>
      %dma_start3A_2407 = arith.constant 350 : i32
      %dma_start3A_2408 = arith.constant 0 : i32
      %dma_start3A_2409 = tpu.memref_slice %arg6[%dma_start3A_2407, %dma_start3A_2408] : memref<400x64xf32, #tpu.memory_space<vmem>> -> memref<50x64xf32, #tpu.memory_space<vmem>>
      tpu.enqueue_dma source(%dma_start3A_2409 : memref<50x64xf32, #tpu.memory_space<vmem>>) target(%dma_start3A_2406 : memref<50x64xf32, #tpu.memory_space<hbm>>) target_semaphore(%arg14 : memref<!tpu.dma_semaphore, #tpu.memory_space<semaphore_mem>>)
      %dma_wait3A_2410 = arith.constant 0 : i32
      %dma_wait3A_2411 = arith.constant 0 : i32
      %dma_wait3A_2412 = tpu.memref_slice %arg7[%dma_wait3A_2410, %dma_wait3A_2411] : memref<400x64xf32, #tpu.memory_space<vmem>> -> memref<128x64xf32, #tpu.memory_space<vmem>>
      %dma_wait3A_2413 = tpu.memref_slice %arg5[%add3A_1783] : memref<25600xi32, #tpu.memory_space<vmem>> -> memref<128xi32, #tpu.memory_space<vmem>>
      %dma_wait3A_2414 = arith.constant 0 : i32
      %dma_wait3A_2415 = arith.constant 0 : i32
      %dma_wait3A_2416 = tpu.memref_slice %arg3[%dma_wait3A_2414, %dma_wait3A_2415] : memref<1000000x64xf32, #tpu.memory_space<hbm>> -> memref<1000000x64xf32, #tpu.memory_space<hbm>>
      tpu.wait_indirect_dma semaphore(%arg11 : memref<!tpu.dma_semaphore, #tpu.memory_space<semaphore_mem>>) src(%dma_wait3A_2416 : memref<1000000x64xf32, #tpu.memory_space<hbm>>) dst(%dma_wait3A_2412 : memref<128x64xf32, #tpu.memory_space<vmem>>)
      %dma_wait3A_2417 = arith.constant 128 : i32
      %dma_wait3A_2418 = arith.constant 0 : i32
      %dma_wait3A_2419 = tpu.memref_slice %arg7[%dma_wait3A_2417, %dma_wait3A_2418] : memref<400x64xf32, #tpu.memory_space<vmem>> -> memref<128x64xf32, #tpu.memory_space<vmem>>
      %dma_wait3A_2420 = tpu.memref_slice %arg5[%add3A_1794] : memref<25600xi32, #tpu.memory_space<vmem>> -> memref<128xi32, #tpu.memory_space<vmem>>
      %dma_wait3A_2421 = arith.constant 0 : i32
      %dma_wait3A_2422 = arith.constant 0 : i32
      %dma_wait3A_2423 = tpu.memref_slice %arg3[%dma_wait3A_2421, %dma_wait3A_2422] : memref<1000000x64xf32, #tpu.memory_space<hbm>> -> memref<1000000x64xf32, #tpu.memory_space<hbm>>
      tpu.wait_indirect_dma semaphore(%arg11 : memref<!tpu.dma_semaphore, #tpu.memory_space<semaphore_mem>>) src(%dma_wait3A_2423 : memref<1000000x64xf32, #tpu.memory_space<hbm>>) dst(%dma_wait3A_2419 : memref<128x64xf32, #tpu.memory_space<vmem>>)
      %dma_wait3A_2424 = arith.constant 256 : i32
      %dma_wait3A_2425 = arith.constant 0 : i32
      %dma_wait3A_2426 = tpu.memref_slice %arg7[%dma_wait3A_2424, %dma_wait3A_2425] : memref<400x64xf32, #tpu.memory_space<vmem>> -> memref<128x64xf32, #tpu.memory_space<vmem>>
      %dma_wait3A_2427 = tpu.memref_slice %arg5[%add3A_1805] : memref<25600xi32, #tpu.memory_space<vmem>> -> memref<128xi32, #tpu.memory_space<vmem>>
      %dma_wait3A_2428 = arith.constant 0 : i32
      %dma_wait3A_2429 = arith.constant 0 : i32
      %dma_wait3A_2430 = tpu.memref_slice %arg3[%dma_wait3A_2428, %dma_wait3A_2429] : memref<1000000x64xf32, #tpu.memory_space<hbm>> -> memref<1000000x64xf32, #tpu.memory_space<hbm>>
      tpu.wait_indirect_dma semaphore(%arg11 : memref<!tpu.dma_semaphore, #tpu.memory_space<semaphore_mem>>) src(%dma_wait3A_2430 : memref<1000000x64xf32, #tpu.memory_space<hbm>>) dst(%dma_wait3A_2426 : memref<128x64xf32, #tpu.memory_space<vmem>>)
      %dma_wait3A_2431 = arith.constant 384 : i32
      %dma_wait3A_2432 = arith.constant 0 : i32
      %dma_wait3A_2433 = tpu.memref_slice %arg7[%dma_wait3A_2431, %dma_wait3A_2432] : memref<400x64xf32, #tpu.memory_space<vmem>> -> memref<16x64xf32, #tpu.memory_space<vmem>>
      %dma_wait3A_2434 = tpu.memref_slice %arg5[%add3A_1816] : memref<25600xi32, #tpu.memory_space<vmem>> -> memref<16xi32, #tpu.memory_space<vmem>>
      %dma_wait3A_2435 = arith.constant 0 : i32
      %dma_wait3A_2436 = arith.constant 0 : i32
      %dma_wait3A_2437 = tpu.memref_slice %arg3[%dma_wait3A_2435, %dma_wait3A_2436] : memref<1000000x64xf32, #tpu.memory_space<hbm>> -> memref<1000000x64xf32, #tpu.memory_space<hbm>>
      tpu.wait_indirect_dma semaphore(%arg11 : memref<!tpu.dma_semaphore, #tpu.memory_space<semaphore_mem>>) src(%dma_wait3A_2437 : memref<1000000x64xf32, #tpu.memory_space<hbm>>) dst(%dma_wait3A_2433 : memref<16x64xf32, #tpu.memory_space<vmem>>)
      %add3A_2438 = arith.constant 1 : i32
      %add3A_2439 = arith.addi %mul3A_1420, %add3A_2438 : i32
      %mul3A_2440 = arith.constant 8 : i32
      %mul3A_2441 = arith.muli %add3A_2439, %mul3A_2440 : i32
      %add3A_2442 = arith.addi %mul3A_4, %mul3A_2441 : i32
      %add3A_2443 = arith.constant 0 : i32
      %add3A_2444 = arith.addi %add3A_2442, %add3A_2443 : i32
      %dma_start3A_2445 = arith.constant 0 : i32
      %dma_start3A_2446 = arith.constant 0 : i32
      %dma_start3A_2447 = tpu.memref_slice %arg7[%dma_start3A_2445, %dma_start3A_2446] : memref<400x64xf32, #tpu.memory_space<vmem>> -> memref<50x64xf32, #tpu.memory_space<vmem>>
      %dma_start3A_2448 = arith.constant 0 : i32
      %dma_start3A_2449 = arith.constant 0 : i32
      %dma_start3A_2450 = tpu.memref_slice %arg4[%add3A_2444, %dma_start3A_2448, %dma_start3A_2449] : memref<16384x50x64xf32, #tpu.memory_space<hbm>> -> memref<1x50x64xf32, #tpu.memory_space<hbm>>
      %dma_start3A_2451 = tpu.memref_squeeze %dma_start3A_2450 : memref<1x50x64xf32, #tpu.memory_space<hbm>> -> memref<50x64xf32, #tpu.memory_space<hbm>>
      %dma_start3A_2452 = arith.constant 0 : i32
      %dma_start3A_2453 = arith.constant 0 : i32
      %dma_start3A_2454 = tpu.memref_slice %arg4[%add3A_2444, %dma_start3A_2452, %dma_start3A_2453] : memref<16384x50x64xf32, #tpu.memory_space<hbm>> -> memref<1x50x64xf32, #tpu.memory_space<hbm>>
      %dma_start3A_2455 = tpu.memref_squeeze %dma_start3A_2454 : memref<1x50x64xf32, #tpu.memory_space<hbm>> -> memref<50x64xf32, #tpu.memory_space<hbm>>
      %dma_start3A_2456 = arith.constant 0 : i32
      %dma_start3A_2457 = arith.constant 0 : i32
      %dma_start3A_2458 = tpu.memref_slice %arg7[%dma_start3A_2456, %dma_start3A_2457] : memref<400x64xf32, #tpu.memory_space<vmem>> -> memref<50x64xf32, #tpu.memory_space<vmem>>
      tpu.enqueue_dma source(%dma_start3A_2458 : memref<50x64xf32, #tpu.memory_space<vmem>>) target(%dma_start3A_2455 : memref<50x64xf32, #tpu.memory_space<hbm>>) target_semaphore(%arg15 : memref<!tpu.dma_semaphore, #tpu.memory_space<semaphore_mem>>)
      %mul3A_2459 = arith.constant 8 : i32
      %mul3A_2460 = arith.muli %add3A_2439, %mul3A_2459 : i32
      %add3A_2461 = arith.addi %mul3A_4, %mul3A_2460 : i32
      %add3A_2462 = arith.constant 1 : i32
      %add3A_2463 = arith.addi %add3A_2461, %add3A_2462 : i32
      %dma_start3A_2464 = arith.constant 50 : i32
      %dma_start3A_2465 = arith.constant 0 : i32
      %dma_start3A_2466 = tpu.memref_slice %arg7[%dma_start3A_2464, %dma_start3A_2465] : memref<400x64xf32, #tpu.memory_space<vmem>> -> memref<50x64xf32, #tpu.memory_space<vmem>>
      %dma_start3A_2467 = arith.constant 0 : i32
      %dma_start3A_2468 = arith.constant 0 : i32
      %dma_start3A_2469 = tpu.memref_slice %arg4[%add3A_2463, %dma_start3A_2467, %dma_start3A_2468] : memref<16384x50x64xf32, #tpu.memory_space<hbm>> -> memref<1x50x64xf32, #tpu.memory_space<hbm>>
      %dma_start3A_2470 = tpu.memref_squeeze %dma_start3A_2469 : memref<1x50x64xf32, #tpu.memory_space<hbm>> -> memref<50x64xf32, #tpu.memory_space<hbm>>
      %dma_start3A_2471 = arith.constant 0 : i32
      %dma_start3A_2472 = arith.constant 0 : i32
      %dma_start3A_2473 = tpu.memref_slice %arg4[%add3A_2463, %dma_start3A_2471, %dma_start3A_2472] : memref<16384x50x64xf32, #tpu.memory_space<hbm>> -> memref<1x50x64xf32, #tpu.memory_space<hbm>>
      %dma_start3A_2474 = tpu.memref_squeeze %dma_start3A_2473 : memref<1x50x64xf32, #tpu.memory_space<hbm>> -> memref<50x64xf32, #tpu.memory_space<hbm>>
      %dma_start3A_2475 = arith.constant 50 : i32
      %dma_start3A_2476 = arith.constant 0 : i32
      %dma_start3A_2477 = tpu.memref_slice %arg7[%dma_start3A_2475, %dma_start3A_2476] : memref<400x64xf32, #tpu.memory_space<vmem>> -> memref<50x64xf32, #tpu.memory_space<vmem>>
      tpu.enqueue_dma source(%dma_start3A_2477 : memref<50x64xf32, #tpu.memory_space<vmem>>) target(%dma_start3A_2474 : memref<50x64xf32, #tpu.memory_space<hbm>>) target_semaphore(%arg15 : memref<!tpu.dma_semaphore, #tpu.memory_space<semaphore_mem>>)
      %mul3A_2478 = arith.constant 8 : i32
      %mul3A_2479 = arith.muli %add3A_2439, %mul3A_2478 : i32
      %add3A_2480 = arith.addi %mul3A_4, %mul3A_2479 : i32
      %add3A_2481 = arith.constant 2 : i32
      %add3A_2482 = arith.addi %add3A_2480, %add3A_2481 : i32
      %dma_start3A_2483 = arith.constant 100 : i32
      %dma_start3A_2484 = arith.constant 0 : i32
      %dma_start3A_2485 = tpu.memref_slice %arg7[%dma_start3A_2483, %dma_start3A_2484] : memref<400x64xf32, #tpu.memory_space<vmem>> -> memref<50x64xf32, #tpu.memory_space<vmem>>
      %dma_start3A_2486 = arith.constant 0 : i32
      %dma_start3A_2487 = arith.constant 0 : i32
      %dma_start3A_2488 = tpu.memref_slice %arg4[%add3A_2482, %dma_start3A_2486, %dma_start3A_2487] : memref<16384x50x64xf32, #tpu.memory_space<hbm>> -> memref<1x50x64xf32, #tpu.memory_space<hbm>>
      %dma_start3A_2489 = tpu.memref_squeeze %dma_start3A_2488 : memref<1x50x64xf32, #tpu.memory_space<hbm>> -> memref<50x64xf32, #tpu.memory_space<hbm>>
      %dma_start3A_2490 = arith.constant 0 : i32
      %dma_start3A_2491 = arith.constant 0 : i32
      %dma_start3A_2492 = tpu.memref_slice %arg4[%add3A_2482, %dma_start3A_2490, %dma_start3A_2491] : memref<16384x50x64xf32, #tpu.memory_space<hbm>> -> memref<1x50x64xf32, #tpu.memory_space<hbm>>
      %dma_start3A_2493 = tpu.memref_squeeze %dma_start3A_2492 : memref<1x50x64xf32, #tpu.memory_space<hbm>> -> memref<50x64xf32, #tpu.memory_space<hbm>>
      %dma_start3A_2494 = arith.constant 100 : i32
      %dma_start3A_2495 = arith.constant 0 : i32
      %dma_start3A_2496 = tpu.memref_slice %arg7[%dma_start3A_2494, %dma_start3A_2495] : memref<400x64xf32, #tpu.memory_space<vmem>> -> memref<50x64xf32, #tpu.memory_space<vmem>>
      tpu.enqueue_dma source(%dma_start3A_2496 : memref<50x64xf32, #tpu.memory_space<vmem>>) target(%dma_start3A_2493 : memref<50x64xf32, #tpu.memory_space<hbm>>) target_semaphore(%arg15 : memref<!tpu.dma_semaphore, #tpu.memory_space<semaphore_mem>>)
      %mul3A_2497 = arith.constant 8 : i32
      %mul3A_2498 = arith.muli %add3A_2439, %mul3A_2497 : i32
      %add3A_2499 = arith.addi %mul3A_4, %mul3A_2498 : i32
      %add3A_2500 = arith.constant 3 : i32
      %add3A_2501 = arith.addi %add3A_2499, %add3A_2500 : i32
      %dma_start3A_2502 = arith.constant 150 : i32
      %dma_start3A_2503 = arith.constant 0 : i32
      %dma_start3A_2504 = tpu.memref_slice %arg7[%dma_start3A_2502, %dma_start3A_2503] : memref<400x64xf32, #tpu.memory_space<vmem>> -> memref<50x64xf32, #tpu.memory_space<vmem>>
      %dma_start3A_2505 = arith.constant 0 : i32
      %dma_start3A_2506 = arith.constant 0 : i32
      %dma_start3A_2507 = tpu.memref_slice %arg4[%add3A_2501, %dma_start3A_2505, %dma_start3A_2506] : memref<16384x50x64xf32, #tpu.memory_space<hbm>> -> memref<1x50x64xf32, #tpu.memory_space<hbm>>
      %dma_start3A_2508 = tpu.memref_squeeze %dma_start3A_2507 : memref<1x50x64xf32, #tpu.memory_space<hbm>> -> memref<50x64xf32, #tpu.memory_space<hbm>>
      %dma_start3A_2509 = arith.constant 0 : i32
      %dma_start3A_2510 = arith.constant 0 : i32
      %dma_start3A_2511 = tpu.memref_slice %arg4[%add3A_2501, %dma_start3A_2509, %dma_start3A_2510] : memref<16384x50x64xf32, #tpu.memory_space<hbm>> -> memref<1x50x64xf32, #tpu.memory_space<hbm>>
      %dma_start3A_2512 = tpu.memref_squeeze %dma_start3A_2511 : memref<1x50x64xf32, #tpu.memory_space<hbm>> -> memref<50x64xf32, #tpu.memory_space<hbm>>
      %dma_start3A_2513 = arith.constant 150 : i32
      %dma_start3A_2514 = arith.constant 0 : i32
      %dma_start3A_2515 = tpu.memref_slice %arg7[%dma_start3A_2513, %dma_start3A_2514] : memref<400x64xf32, #tpu.memory_space<vmem>> -> memref<50x64xf32, #tpu.memory_space<vmem>>
      tpu.enqueue_dma source(%dma_start3A_2515 : memref<50x64xf32, #tpu.memory_space<vmem>>) target(%dma_start3A_2512 : memref<50x64xf32, #tpu.memory_space<hbm>>) target_semaphore(%arg15 : memref<!tpu.dma_semaphore, #tpu.memory_space<semaphore_mem>>)
      %mul3A_2516 = arith.constant 8 : i32
      %mul3A_2517 = arith.muli %add3A_2439, %mul3A_2516 : i32
      %add3A_2518 = arith.addi %mul3A_4, %mul3A_2517 : i32
      %add3A_2519 = arith.constant 4 : i32
      %add3A_2520 = arith.addi %add3A_2518, %add3A_2519 : i32
      %dma_start3A_2521 = arith.constant 200 : i32
      %dma_start3A_2522 = arith.constant 0 : i32
      %dma_start3A_2523 = tpu.memref_slice %arg7[%dma_start3A_2521, %dma_start3A_2522] : memref<400x64xf32, #tpu.memory_space<vmem>> -> memref<50x64xf32, #tpu.memory_space<vmem>>
      %dma_start3A_2524 = arith.constant 0 : i32
      %dma_start3A_2525 = arith.constant 0 : i32
      %dma_start3A_2526 = tpu.memref_slice %arg4[%add3A_2520, %dma_start3A_2524, %dma_start3A_2525] : memref<16384x50x64xf32, #tpu.memory_space<hbm>> -> memref<1x50x64xf32, #tpu.memory_space<hbm>>
      %dma_start3A_2527 = tpu.memref_squeeze %dma_start3A_2526 : memref<1x50x64xf32, #tpu.memory_space<hbm>> -> memref<50x64xf32, #tpu.memory_space<hbm>>
      %dma_start3A_2528 = arith.constant 0 : i32
      %dma_start3A_2529 = arith.constant 0 : i32
      %dma_start3A_2530 = tpu.memref_slice %arg4[%add3A_2520, %dma_start3A_2528, %dma_start3A_2529] : memref<16384x50x64xf32, #tpu.memory_space<hbm>> -> memref<1x50x64xf32, #tpu.memory_space<hbm>>
      %dma_start3A_2531 = tpu.memref_squeeze %dma_start3A_2530 : memref<1x50x64xf32, #tpu.memory_space<hbm>> -> memref<50x64xf32, #tpu.memory_space<hbm>>
      %dma_start3A_2532 = arith.constant 200 : i32
      %dma_start3A_2533 = arith.constant 0 : i32
      %dma_start3A_2534 = tpu.memref_slice %arg7[%dma_start3A_2532, %dma_start3A_2533] : memref<400x64xf32, #tpu.memory_space<vmem>> -> memref<50x64xf32, #tpu.memory_space<vmem>>
      tpu.enqueue_dma source(%dma_start3A_2534 : memref<50x64xf32, #tpu.memory_space<vmem>>) target(%dma_start3A_2531 : memref<50x64xf32, #tpu.memory_space<hbm>>) target_semaphore(%arg15 : memref<!tpu.dma_semaphore, #tpu.memory_space<semaphore_mem>>)
      %mul3A_2535 = arith.constant 8 : i32
      %mul3A_2536 = arith.muli %add3A_2439, %mul3A_2535 : i32
      %add3A_2537 = arith.addi %mul3A_4, %mul3A_2536 : i32
      %add3A_2538 = arith.constant 5 : i32
      %add3A_2539 = arith.addi %add3A_2537, %add3A_2538 : i32
      %dma_start3A_2540 = arith.constant 250 : i32
      %dma_start3A_2541 = arith.constant 0 : i32
      %dma_start3A_2542 = tpu.memref_slice %arg7[%dma_start3A_2540, %dma_start3A_2541] : memref<400x64xf32, #tpu.memory_space<vmem>> -> memref<50x64xf32, #tpu.memory_space<vmem>>
      %dma_start3A_2543 = arith.constant 0 : i32
      %dma_start3A_2544 = arith.constant 0 : i32
      %dma_start3A_2545 = tpu.memref_slice %arg4[%add3A_2539, %dma_start3A_2543, %dma_start3A_2544] : memref<16384x50x64xf32, #tpu.memory_space<hbm>> -> memref<1x50x64xf32, #tpu.memory_space<hbm>>
      %dma_start3A_2546 = tpu.memref_squeeze %dma_start3A_2545 : memref<1x50x64xf32, #tpu.memory_space<hbm>> -> memref<50x64xf32, #tpu.memory_space<hbm>>
      %dma_start3A_2547 = arith.constant 0 : i32
      %dma_start3A_2548 = arith.constant 0 : i32
      %dma_start3A_2549 = tpu.memref_slice %arg4[%add3A_2539, %dma_start3A_2547, %dma_start3A_2548] : memref<16384x50x64xf32, #tpu.memory_space<hbm>> -> memref<1x50x64xf32, #tpu.memory_space<hbm>>
      %dma_start3A_2550 = tpu.memref_squeeze %dma_start3A_2549 : memref<1x50x64xf32, #tpu.memory_space<hbm>> -> memref<50x64xf32, #tpu.memory_space<hbm>>
      %dma_start3A_2551 = arith.constant 250 : i32
      %dma_start3A_2552 = arith.constant 0 : i32
      %dma_start3A_2553 = tpu.memref_slice %arg7[%dma_start3A_2551, %dma_start3A_2552] : memref<400x64xf32, #tpu.memory_space<vmem>> -> memref<50x64xf32, #tpu.memory_space<vmem>>
      tpu.enqueue_dma source(%dma_start3A_2553 : memref<50x64xf32, #tpu.memory_space<vmem>>) target(%dma_start3A_2550 : memref<50x64xf32, #tpu.memory_space<hbm>>) target_semaphore(%arg15 : memref<!tpu.dma_semaphore, #tpu.memory_space<semaphore_mem>>)
      %mul3A_2554 = arith.constant 8 : i32
      %mul3A_2555 = arith.muli %add3A_2439, %mul3A_2554 : i32
      %add3A_2556 = arith.addi %mul3A_4, %mul3A_2555 : i32
      %add3A_2557 = arith.constant 6 : i32
      %add3A_2558 = arith.addi %add3A_2556, %add3A_2557 : i32
      %dma_start3A_2559 = arith.constant 300 : i32
      %dma_start3A_2560 = arith.constant 0 : i32
      %dma_start3A_2561 = tpu.memref_slice %arg7[%dma_start3A_2559, %dma_start3A_2560] : memref<400x64xf32, #tpu.memory_space<vmem>> -> memref<50x64xf32, #tpu.memory_space<vmem>>
      %dma_start3A_2562 = arith.constant 0 : i32
      %dma_start3A_2563 = arith.constant 0 : i32
      %dma_start3A_2564 = tpu.memref_slice %arg4[%add3A_2558, %dma_start3A_2562, %dma_start3A_2563] : memref<16384x50x64xf32, #tpu.memory_space<hbm>> -> memref<1x50x64xf32, #tpu.memory_space<hbm>>
      %dma_start3A_2565 = tpu.memref_squeeze %dma_start3A_2564 : memref<1x50x64xf32, #tpu.memory_space<hbm>> -> memref<50x64xf32, #tpu.memory_space<hbm>>
      %dma_start3A_2566 = arith.constant 0 : i32
      %dma_start3A_2567 = arith.constant 0 : i32
      %dma_start3A_2568 = tpu.memref_slice %arg4[%add3A_2558, %dma_start3A_2566, %dma_start3A_2567] : memref<16384x50x64xf32, #tpu.memory_space<hbm>> -> memref<1x50x64xf32, #tpu.memory_space<hbm>>
      %dma_start3A_2569 = tpu.memref_squeeze %dma_start3A_2568 : memref<1x50x64xf32, #tpu.memory_space<hbm>> -> memref<50x64xf32, #tpu.memory_space<hbm>>
      %dma_start3A_2570 = arith.constant 300 : i32
      %dma_start3A_2571 = arith.constant 0 : i32
      %dma_start3A_2572 = tpu.memref_slice %arg7[%dma_start3A_2570, %dma_start3A_2571] : memref<400x64xf32, #tpu.memory_space<vmem>> -> memref<50x64xf32, #tpu.memory_space<vmem>>
      tpu.enqueue_dma source(%dma_start3A_2572 : memref<50x64xf32, #tpu.memory_space<vmem>>) target(%dma_start3A_2569 : memref<50x64xf32, #tpu.memory_space<hbm>>) target_semaphore(%arg15 : memref<!tpu.dma_semaphore, #tpu.memory_space<semaphore_mem>>)
      %mul3A_2573 = arith.constant 8 : i32
      %mul3A_2574 = arith.muli %add3A_2439, %mul3A_2573 : i32
      %add3A_2575 = arith.addi %mul3A_4, %mul3A_2574 : i32
      %add3A_2576 = arith.constant 7 : i32
      %add3A_2577 = arith.addi %add3A_2575, %add3A_2576 : i32
      %dma_start3A_2578 = arith.constant 350 : i32
      %dma_start3A_2579 = arith.constant 0 : i32
      %dma_start3A_2580 = tpu.memref_slice %arg7[%dma_start3A_2578, %dma_start3A_2579] : memref<400x64xf32, #tpu.memory_space<vmem>> -> memref<50x64xf32, #tpu.memory_space<vmem>>
      %dma_start3A_2581 = arith.constant 0 : i32
      %dma_start3A_2582 = arith.constant 0 : i32
      %dma_start3A_2583 = tpu.memref_slice %arg4[%add3A_2577, %dma_start3A_2581, %dma_start3A_2582] : memref<16384x50x64xf32, #tpu.memory_space<hbm>> -> memref<1x50x64xf32, #tpu.memory_space<hbm>>
      %dma_start3A_2584 = tpu.memref_squeeze %dma_start3A_2583 : memref<1x50x64xf32, #tpu.memory_space<hbm>> -> memref<50x64xf32, #tpu.memory_space<hbm>>
      %dma_start3A_2585 = arith.constant 0 : i32
      %dma_start3A_2586 = arith.constant 0 : i32
      %dma_start3A_2587 = tpu.memref_slice %arg4[%add3A_2577, %dma_start3A_2585, %dma_start3A_2586] : memref<16384x50x64xf32, #tpu.memory_space<hbm>> -> memref<1x50x64xf32, #tpu.memory_space<hbm>>
      %dma_start3A_2588 = tpu.memref_squeeze %dma_start3A_2587 : memref<1x50x64xf32, #tpu.memory_space<hbm>> -> memref<50x64xf32, #tpu.memory_space<hbm>>
      %dma_start3A_2589 = arith.constant 350 : i32
      %dma_start3A_2590 = arith.constant 0 : i32
      %dma_start3A_2591 = tpu.memref_slice %arg7[%dma_start3A_2589, %dma_start3A_2590] : memref<400x64xf32, #tpu.memory_space<vmem>> -> memref<50x64xf32, #tpu.memory_space<vmem>>
      tpu.enqueue_dma source(%dma_start3A_2591 : memref<50x64xf32, #tpu.memory_space<vmem>>) target(%dma_start3A_2588 : memref<50x64xf32, #tpu.memory_space<hbm>>) target_semaphore(%arg15 : memref<!tpu.dma_semaphore, #tpu.memory_space<semaphore_mem>>)
      %dma_wait3A_2592 = arith.constant 0 : i32
      %dma_wait3A_2593 = arith.constant 0 : i32
      %dma_wait3A_2594 = tpu.memref_slice %arg8[%dma_wait3A_2592, %dma_wait3A_2593] : memref<400x64xf32, #tpu.memory_space<vmem>> -> memref<128x64xf32, #tpu.memory_space<vmem>>
      %dma_wait3A_2595 = tpu.memref_slice %arg5[%add3A_1985] : memref<25600xi32, #tpu.memory_space<vmem>> -> memref<128xi32, #tpu.memory_space<vmem>>
      %dma_wait3A_2596 = arith.constant 0 : i32
      %dma_wait3A_2597 = arith.constant 0 : i32
      %dma_wait3A_2598 = tpu.memref_slice %arg3[%dma_wait3A_2596, %dma_wait3A_2597] : memref<1000000x64xf32, #tpu.memory_space<hbm>> -> memref<1000000x64xf32, #tpu.memory_space<hbm>>
      tpu.wait_indirect_dma semaphore(%arg12 : memref<!tpu.dma_semaphore, #tpu.memory_space<semaphore_mem>>) src(%dma_wait3A_2598 : memref<1000000x64xf32, #tpu.memory_space<hbm>>) dst(%dma_wait3A_2594 : memref<128x64xf32, #tpu.memory_space<vmem>>)
      %dma_wait3A_2599 = arith.constant 128 : i32
      %dma_wait3A_2600 = arith.constant 0 : i32
      %dma_wait3A_2601 = tpu.memref_slice %arg8[%dma_wait3A_2599, %dma_wait3A_2600] : memref<400x64xf32, #tpu.memory_space<vmem>> -> memref<128x64xf32, #tpu.memory_space<vmem>>
      %dma_wait3A_2602 = tpu.memref_slice %arg5[%add3A_1996] : memref<25600xi32, #tpu.memory_space<vmem>> -> memref<128xi32, #tpu.memory_space<vmem>>
      %dma_wait3A_2603 = arith.constant 0 : i32
      %dma_wait3A_2604 = arith.constant 0 : i32
      %dma_wait3A_2605 = tpu.memref_slice %arg3[%dma_wait3A_2603, %dma_wait3A_2604] : memref<1000000x64xf32, #tpu.memory_space<hbm>> -> memref<1000000x64xf32, #tpu.memory_space<hbm>>
      tpu.wait_indirect_dma semaphore(%arg12 : memref<!tpu.dma_semaphore, #tpu.memory_space<semaphore_mem>>) src(%dma_wait3A_2605 : memref<1000000x64xf32, #tpu.memory_space<hbm>>) dst(%dma_wait3A_2601 : memref<128x64xf32, #tpu.memory_space<vmem>>)
      %dma_wait3A_2606 = arith.constant 256 : i32
      %dma_wait3A_2607 = arith.constant 0 : i32
      %dma_wait3A_2608 = tpu.memref_slice %arg8[%dma_wait3A_2606, %dma_wait3A_2607] : memref<400x64xf32, #tpu.memory_space<vmem>> -> memref<128x64xf32, #tpu.memory_space<vmem>>
      %dma_wait3A_2609 = tpu.memref_slice %arg5[%add3A_2007] : memref<25600xi32, #tpu.memory_space<vmem>> -> memref<128xi32, #tpu.memory_space<vmem>>
      %dma_wait3A_2610 = arith.constant 0 : i32
      %dma_wait3A_2611 = arith.constant 0 : i32
      %dma_wait3A_2612 = tpu.memref_slice %arg3[%dma_wait3A_2610, %dma_wait3A_2611] : memref<1000000x64xf32, #tpu.memory_space<hbm>> -> memref<1000000x64xf32, #tpu.memory_space<hbm>>
      tpu.wait_indirect_dma semaphore(%arg12 : memref<!tpu.dma_semaphore, #tpu.memory_space<semaphore_mem>>) src(%dma_wait3A_2612 : memref<1000000x64xf32, #tpu.memory_space<hbm>>) dst(%dma_wait3A_2608 : memref<128x64xf32, #tpu.memory_space<vmem>>)
      %dma_wait3A_2613 = arith.constant 384 : i32
      %dma_wait3A_2614 = arith.constant 0 : i32
      %dma_wait3A_2615 = tpu.memref_slice %arg8[%dma_wait3A_2613, %dma_wait3A_2614] : memref<400x64xf32, #tpu.memory_space<vmem>> -> memref<16x64xf32, #tpu.memory_space<vmem>>
      %dma_wait3A_2616 = tpu.memref_slice %arg5[%add3A_2018] : memref<25600xi32, #tpu.memory_space<vmem>> -> memref<16xi32, #tpu.memory_space<vmem>>
      %dma_wait3A_2617 = arith.constant 0 : i32
      %dma_wait3A_2618 = arith.constant 0 : i32
      %dma_wait3A_2619 = tpu.memref_slice %arg3[%dma_wait3A_2617, %dma_wait3A_2618] : memref<1000000x64xf32, #tpu.memory_space<hbm>> -> memref<1000000x64xf32, #tpu.memory_space<hbm>>
      tpu.wait_indirect_dma semaphore(%arg12 : memref<!tpu.dma_semaphore, #tpu.memory_space<semaphore_mem>>) src(%dma_wait3A_2619 : memref<1000000x64xf32, #tpu.memory_space<hbm>>) dst(%dma_wait3A_2615 : memref<16x64xf32, #tpu.memory_space<vmem>>)
      %add3A_2620 = arith.constant 2 : i32
      %add3A_2621 = arith.addi %mul3A_1420, %add3A_2620 : i32
      %mul3A_2622 = arith.constant 8 : i32
      %mul3A_2623 = arith.muli %add3A_2621, %mul3A_2622 : i32
      %add3A_2624 = arith.addi %mul3A_4, %mul3A_2623 : i32
      %add3A_2625 = arith.constant 0 : i32
      %add3A_2626 = arith.addi %add3A_2624, %add3A_2625 : i32
      %dma_start3A_2627 = arith.constant 0 : i32
      %dma_start3A_2628 = arith.constant 0 : i32
      %dma_start3A_2629 = tpu.memref_slice %arg8[%dma_start3A_2627, %dma_start3A_2628] : memref<400x64xf32, #tpu.memory_space<vmem>> -> memref<50x64xf32, #tpu.memory_space<vmem>>
      %dma_start3A_2630 = arith.constant 0 : i32
      %dma_start3A_2631 = arith.constant 0 : i32
      %dma_start3A_2632 = tpu.memref_slice %arg4[%add3A_2626, %dma_start3A_2630, %dma_start3A_2631] : memref<16384x50x64xf32, #tpu.memory_space<hbm>> -> memref<1x50x64xf32, #tpu.memory_space<hbm>>
      %dma_start3A_2633 = tpu.memref_squeeze %dma_start3A_2632 : memref<1x50x64xf32, #tpu.memory_space<hbm>> -> memref<50x64xf32, #tpu.memory_space<hbm>>
      %dma_start3A_2634 = arith.constant 0 : i32
      %dma_start3A_2635 = arith.constant 0 : i32
      %dma_start3A_2636 = tpu.memref_slice %arg4[%add3A_2626, %dma_start3A_2634, %dma_start3A_2635] : memref<16384x50x64xf32, #tpu.memory_space<hbm>> -> memref<1x50x64xf32, #tpu.memory_space<hbm>>
      %dma_start3A_2637 = tpu.memref_squeeze %dma_start3A_2636 : memref<1x50x64xf32, #tpu.memory_space<hbm>> -> memref<50x64xf32, #tpu.memory_space<hbm>>
      %dma_start3A_2638 = arith.constant 0 : i32
      %dma_start3A_2639 = arith.constant 0 : i32
      %dma_start3A_2640 = tpu.memref_slice %arg8[%dma_start3A_2638, %dma_start3A_2639] : memref<400x64xf32, #tpu.memory_space<vmem>> -> memref<50x64xf32, #tpu.memory_space<vmem>>
      tpu.enqueue_dma source(%dma_start3A_2640 : memref<50x64xf32, #tpu.memory_space<vmem>>) target(%dma_start3A_2637 : memref<50x64xf32, #tpu.memory_space<hbm>>) target_semaphore(%arg16 : memref<!tpu.dma_semaphore, #tpu.memory_space<semaphore_mem>>)
      %mul3A_2641 = arith.constant 8 : i32
      %mul3A_2642 = arith.muli %add3A_2621, %mul3A_2641 : i32
      %add3A_2643 = arith.addi %mul3A_4, %mul3A_2642 : i32
      %add3A_2644 = arith.constant 1 : i32
      %add3A_2645 = arith.addi %add3A_2643, %add3A_2644 : i32
      %dma_start3A_2646 = arith.constant 50 : i32
      %dma_start3A_2647 = arith.constant 0 : i32
      %dma_start3A_2648 = tpu.memref_slice %arg8[%dma_start3A_2646, %dma_start3A_2647] : memref<400x64xf32, #tpu.memory_space<vmem>> -> memref<50x64xf32, #tpu.memory_space<vmem>>
      %dma_start3A_2649 = arith.constant 0 : i32
      %dma_start3A_2650 = arith.constant 0 : i32
      %dma_start3A_2651 = tpu.memref_slice %arg4[%add3A_2645, %dma_start3A_2649, %dma_start3A_2650] : memref<16384x50x64xf32, #tpu.memory_space<hbm>> -> memref<1x50x64xf32, #tpu.memory_space<hbm>>
      %dma_start3A_2652 = tpu.memref_squeeze %dma_start3A_2651 : memref<1x50x64xf32, #tpu.memory_space<hbm>> -> memref<50x64xf32, #tpu.memory_space<hbm>>
      %dma_start3A_2653 = arith.constant 0 : i32
      %dma_start3A_2654 = arith.constant 0 : i32
      %dma_start3A_2655 = tpu.memref_slice %arg4[%add3A_2645, %dma_start3A_2653, %dma_start3A_2654] : memref<16384x50x64xf32, #tpu.memory_space<hbm>> -> memref<1x50x64xf32, #tpu.memory_space<hbm>>
      %dma_start3A_2656 = tpu.memref_squeeze %dma_start3A_2655 : memref<1x50x64xf32, #tpu.memory_space<hbm>> -> memref<50x64xf32, #tpu.memory_space<hbm>>
      %dma_start3A_2657 = arith.constant 50 : i32
      %dma_start3A_2658 = arith.constant 0 : i32
      %dma_start3A_2659 = tpu.memref_slice %arg8[%dma_start3A_2657, %dma_start3A_2658] : memref<400x64xf32, #tpu.memory_space<vmem>> -> memref<50x64xf32, #tpu.memory_space<vmem>>
      tpu.enqueue_dma source(%dma_start3A_2659 : memref<50x64xf32, #tpu.memory_space<vmem>>) target(%dma_start3A_2656 : memref<50x64xf32, #tpu.memory_space<hbm>>) target_semaphore(%arg16 : memref<!tpu.dma_semaphore, #tpu.memory_space<semaphore_mem>>)
      %mul3A_2660 = arith.constant 8 : i32
      %mul3A_2661 = arith.muli %add3A_2621, %mul3A_2660 : i32
      %add3A_2662 = arith.addi %mul3A_4, %mul3A_2661 : i32
      %add3A_2663 = arith.constant 2 : i32
      %add3A_2664 = arith.addi %add3A_2662, %add3A_2663 : i32
      %dma_start3A_2665 = arith.constant 100 : i32
      %dma_start3A_2666 = arith.constant 0 : i32
      %dma_start3A_2667 = tpu.memref_slice %arg8[%dma_start3A_2665, %dma_start3A_2666] : memref<400x64xf32, #tpu.memory_space<vmem>> -> memref<50x64xf32, #tpu.memory_space<vmem>>
      %dma_start3A_2668 = arith.constant 0 : i32
      %dma_start3A_2669 = arith.constant 0 : i32
      %dma_start3A_2670 = tpu.memref_slice %arg4[%add3A_2664, %dma_start3A_2668, %dma_start3A_2669] : memref<16384x50x64xf32, #tpu.memory_space<hbm>> -> memref<1x50x64xf32, #tpu.memory_space<hbm>>
      %dma_start3A_2671 = tpu.memref_squeeze %dma_start3A_2670 : memref<1x50x64xf32, #tpu.memory_space<hbm>> -> memref<50x64xf32, #tpu.memory_space<hbm>>
      %dma_start3A_2672 = arith.constant 0 : i32
      %dma_start3A_2673 = arith.constant 0 : i32
      %dma_start3A_2674 = tpu.memref_slice %arg4[%add3A_2664, %dma_start3A_2672, %dma_start3A_2673] : memref<16384x50x64xf32, #tpu.memory_space<hbm>> -> memref<1x50x64xf32, #tpu.memory_space<hbm>>
      %dma_start3A_2675 = tpu.memref_squeeze %dma_start3A_2674 : memref<1x50x64xf32, #tpu.memory_space<hbm>> -> memref<50x64xf32, #tpu.memory_space<hbm>>
      %dma_start3A_2676 = arith.constant 100 : i32
      %dma_start3A_2677 = arith.constant 0 : i32
      %dma_start3A_2678 = tpu.memref_slice %arg8[%dma_start3A_2676, %dma_start3A_2677] : memref<400x64xf32, #tpu.memory_space<vmem>> -> memref<50x64xf32, #tpu.memory_space<vmem>>
      tpu.enqueue_dma source(%dma_start3A_2678 : memref<50x64xf32, #tpu.memory_space<vmem>>) target(%dma_start3A_2675 : memref<50x64xf32, #tpu.memory_space<hbm>>) target_semaphore(%arg16 : memref<!tpu.dma_semaphore, #tpu.memory_space<semaphore_mem>>)
      %mul3A_2679 = arith.constant 8 : i32
      %mul3A_2680 = arith.muli %add3A_2621, %mul3A_2679 : i32
      %add3A_2681 = arith.addi %mul3A_4, %mul3A_2680 : i32
      %add3A_2682 = arith.constant 3 : i32
      %add3A_2683 = arith.addi %add3A_2681, %add3A_2682 : i32
      %dma_start3A_2684 = arith.constant 150 : i32
      %dma_start3A_2685 = arith.constant 0 : i32
      %dma_start3A_2686 = tpu.memref_slice %arg8[%dma_start3A_2684, %dma_start3A_2685] : memref<400x64xf32, #tpu.memory_space<vmem>> -> memref<50x64xf32, #tpu.memory_space<vmem>>
      %dma_start3A_2687 = arith.constant 0 : i32
      %dma_start3A_2688 = arith.constant 0 : i32
      %dma_start3A_2689 = tpu.memref_slice %arg4[%add3A_2683, %dma_start3A_2687, %dma_start3A_2688] : memref<16384x50x64xf32, #tpu.memory_space<hbm>> -> memref<1x50x64xf32, #tpu.memory_space<hbm>>
      %dma_start3A_2690 = tpu.memref_squeeze %dma_start3A_2689 : memref<1x50x64xf32, #tpu.memory_space<hbm>> -> memref<50x64xf32, #tpu.memory_space<hbm>>
      %dma_start3A_2691 = arith.constant 0 : i32
      %dma_start3A_2692 = arith.constant 0 : i32
      %dma_start3A_2693 = tpu.memref_slice %arg4[%add3A_2683, %dma_start3A_2691, %dma_start3A_2692] : memref<16384x50x64xf32, #tpu.memory_space<hbm>> -> memref<1x50x64xf32, #tpu.memory_space<hbm>>
      %dma_start3A_2694 = tpu.memref_squeeze %dma_start3A_2693 : memref<1x50x64xf32, #tpu.memory_space<hbm>> -> memref<50x64xf32, #tpu.memory_space<hbm>>
      %dma_start3A_2695 = arith.constant 150 : i32
      %dma_start3A_2696 = arith.constant 0 : i32
      %dma_start3A_2697 = tpu.memref_slice %arg8[%dma_start3A_2695, %dma_start3A_2696] : memref<400x64xf32, #tpu.memory_space<vmem>> -> memref<50x64xf32, #tpu.memory_space<vmem>>
      tpu.enqueue_dma source(%dma_start3A_2697 : memref<50x64xf32, #tpu.memory_space<vmem>>) target(%dma_start3A_2694 : memref<50x64xf32, #tpu.memory_space<hbm>>) target_semaphore(%arg16 : memref<!tpu.dma_semaphore, #tpu.memory_space<semaphore_mem>>)
      %mul3A_2698 = arith.constant 8 : i32
      %mul3A_2699 = arith.muli %add3A_2621, %mul3A_2698 : i32
      %add3A_2700 = arith.addi %mul3A_4, %mul3A_2699 : i32
      %add3A_2701 = arith.constant 4 : i32
      %add3A_2702 = arith.addi %add3A_2700, %add3A_2701 : i32
      %dma_start3A_2703 = arith.constant 200 : i32
      %dma_start3A_2704 = arith.constant 0 : i32
      %dma_start3A_2705 = tpu.memref_slice %arg8[%dma_start3A_2703, %dma_start3A_2704] : memref<400x64xf32, #tpu.memory_space<vmem>> -> memref<50x64xf32, #tpu.memory_space<vmem>>
      %dma_start3A_2706 = arith.constant 0 : i32
      %dma_start3A_2707 = arith.constant 0 : i32
      %dma_start3A_2708 = tpu.memref_slice %arg4[%add3A_2702, %dma_start3A_2706, %dma_start3A_2707] : memref<16384x50x64xf32, #tpu.memory_space<hbm>> -> memref<1x50x64xf32, #tpu.memory_space<hbm>>
      %dma_start3A_2709 = tpu.memref_squeeze %dma_start3A_2708 : memref<1x50x64xf32, #tpu.memory_space<hbm>> -> memref<50x64xf32, #tpu.memory_space<hbm>>
      %dma_start3A_2710 = arith.constant 0 : i32
      %dma_start3A_2711 = arith.constant 0 : i32
      %dma_start3A_2712 = tpu.memref_slice %arg4[%add3A_2702, %dma_start3A_2710, %dma_start3A_2711] : memref<16384x50x64xf32, #tpu.memory_space<hbm>> -> memref<1x50x64xf32, #tpu.memory_space<hbm>>
      %dma_start3A_2713 = tpu.memref_squeeze %dma_start3A_2712 : memref<1x50x64xf32, #tpu.memory_space<hbm>> -> memref<50x64xf32, #tpu.memory_space<hbm>>
      %dma_start3A_2714 = arith.constant 200 : i32
      %dma_start3A_2715 = arith.constant 0 : i32
      %dma_start3A_2716 = tpu.memref_slice %arg8[%dma_start3A_2714, %dma_start3A_2715] : memref<400x64xf32, #tpu.memory_space<vmem>> -> memref<50x64xf32, #tpu.memory_space<vmem>>
      tpu.enqueue_dma source(%dma_start3A_2716 : memref<50x64xf32, #tpu.memory_space<vmem>>) target(%dma_start3A_2713 : memref<50x64xf32, #tpu.memory_space<hbm>>) target_semaphore(%arg16 : memref<!tpu.dma_semaphore, #tpu.memory_space<semaphore_mem>>)
      %mul3A_2717 = arith.constant 8 : i32
      %mul3A_2718 = arith.muli %add3A_2621, %mul3A_2717 : i32
      %add3A_2719 = arith.addi %mul3A_4, %mul3A_2718 : i32
      %add3A_2720 = arith.constant 5 : i32
      %add3A_2721 = arith.addi %add3A_2719, %add3A_2720 : i32
      %dma_start3A_2722 = arith.constant 250 : i32
      %dma_start3A_2723 = arith.constant 0 : i32
      %dma_start3A_2724 = tpu.memref_slice %arg8[%dma_start3A_2722, %dma_start3A_2723] : memref<400x64xf32, #tpu.memory_space<vmem>> -> memref<50x64xf32, #tpu.memory_space<vmem>>
      %dma_start3A_2725 = arith.constant 0 : i32
      %dma_start3A_2726 = arith.constant 0 : i32
      %dma_start3A_2727 = tpu.memref_slice %arg4[%add3A_2721, %dma_start3A_2725, %dma_start3A_2726] : memref<16384x50x64xf32, #tpu.memory_space<hbm>> -> memref<1x50x64xf32, #tpu.memory_space<hbm>>
      %dma_start3A_2728 = tpu.memref_squeeze %dma_start3A_2727 : memref<1x50x64xf32, #tpu.memory_space<hbm>> -> memref<50x64xf32, #tpu.memory_space<hbm>>
      %dma_start3A_2729 = arith.constant 0 : i32
      %dma_start3A_2730 = arith.constant 0 : i32
      %dma_start3A_2731 = tpu.memref_slice %arg4[%add3A_2721, %dma_start3A_2729, %dma_start3A_2730] : memref<16384x50x64xf32, #tpu.memory_space<hbm>> -> memref<1x50x64xf32, #tpu.memory_space<hbm>>
      %dma_start3A_2732 = tpu.memref_squeeze %dma_start3A_2731 : memref<1x50x64xf32, #tpu.memory_space<hbm>> -> memref<50x64xf32, #tpu.memory_space<hbm>>
      %dma_start3A_2733 = arith.constant 250 : i32
      %dma_start3A_2734 = arith.constant 0 : i32
      %dma_start3A_2735 = tpu.memref_slice %arg8[%dma_start3A_2733, %dma_start3A_2734] : memref<400x64xf32, #tpu.memory_space<vmem>> -> memref<50x64xf32, #tpu.memory_space<vmem>>
      tpu.enqueue_dma source(%dma_start3A_2735 : memref<50x64xf32, #tpu.memory_space<vmem>>) target(%dma_start3A_2732 : memref<50x64xf32, #tpu.memory_space<hbm>>) target_semaphore(%arg16 : memref<!tpu.dma_semaphore, #tpu.memory_space<semaphore_mem>>)
      %mul3A_2736 = arith.constant 8 : i32
      %mul3A_2737 = arith.muli %add3A_2621, %mul3A_2736 : i32
      %add3A_2738 = arith.addi %mul3A_4, %mul3A_2737 : i32
      %add3A_2739 = arith.constant 6 : i32
      %add3A_2740 = arith.addi %add3A_2738, %add3A_2739 : i32
      %dma_start3A_2741 = arith.constant 300 : i32
      %dma_start3A_2742 = arith.constant 0 : i32
      %dma_start3A_2743 = tpu.memref_slice %arg8[%dma_start3A_2741, %dma_start3A_2742] : memref<400x64xf32, #tpu.memory_space<vmem>> -> memref<50x64xf32, #tpu.memory_space<vmem>>
      %dma_start3A_2744 = arith.constant 0 : i32
      %dma_start3A_2745 = arith.constant 0 : i32
      %dma_start3A_2746 = tpu.memref_slice %arg4[%add3A_2740, %dma_start3A_2744, %dma_start3A_2745] : memref<16384x50x64xf32, #tpu.memory_space<hbm>> -> memref<1x50x64xf32, #tpu.memory_space<hbm>>
      %dma_start3A_2747 = tpu.memref_squeeze %dma_start3A_2746 : memref<1x50x64xf32, #tpu.memory_space<hbm>> -> memref<50x64xf32, #tpu.memory_space<hbm>>
      %dma_start3A_2748 = arith.constant 0 : i32
      %dma_start3A_2749 = arith.constant 0 : i32
      %dma_start3A_2750 = tpu.memref_slice %arg4[%add3A_2740, %dma_start3A_2748, %dma_start3A_2749] : memref<16384x50x64xf32, #tpu.memory_space<hbm>> -> memref<1x50x64xf32, #tpu.memory_space<hbm>>
      %dma_start3A_2751 = tpu.memref_squeeze %dma_start3A_2750 : memref<1x50x64xf32, #tpu.memory_space<hbm>> -> memref<50x64xf32, #tpu.memory_space<hbm>>
      %dma_start3A_2752 = arith.constant 300 : i32
      %dma_start3A_2753 = arith.constant 0 : i32
      %dma_start3A_2754 = tpu.memref_slice %arg8[%dma_start3A_2752, %dma_start3A_2753] : memref<400x64xf32, #tpu.memory_space<vmem>> -> memref<50x64xf32, #tpu.memory_space<vmem>>
      tpu.enqueue_dma source(%dma_start3A_2754 : memref<50x64xf32, #tpu.memory_space<vmem>>) target(%dma_start3A_2751 : memref<50x64xf32, #tpu.memory_space<hbm>>) target_semaphore(%arg16 : memref<!tpu.dma_semaphore, #tpu.memory_space<semaphore_mem>>)
      %mul3A_2755 = arith.constant 8 : i32
      %mul3A_2756 = arith.muli %add3A_2621, %mul3A_2755 : i32
      %add3A_2757 = arith.addi %mul3A_4, %mul3A_2756 : i32
      %add3A_2758 = arith.constant 7 : i32
      %add3A_2759 = arith.addi %add3A_2757, %add3A_2758 : i32
      %dma_start3A_2760 = arith.constant 350 : i32
      %dma_start3A_2761 = arith.constant 0 : i32
      %dma_start3A_2762 = tpu.memref_slice %arg8[%dma_start3A_2760, %dma_start3A_2761] : memref<400x64xf32, #tpu.memory_space<vmem>> -> memref<50x64xf32, #tpu.memory_space<vmem>>
      %dma_start3A_2763 = arith.constant 0 : i32
      %dma_start3A_2764 = arith.constant 0 : i32
      %dma_start3A_2765 = tpu.memref_slice %arg4[%add3A_2759, %dma_start3A_2763, %dma_start3A_2764] : memref<16384x50x64xf32, #tpu.memory_space<hbm>> -> memref<1x50x64xf32, #tpu.memory_space<hbm>>
      %dma_start3A_2766 = tpu.memref_squeeze %dma_start3A_2765 : memref<1x50x64xf32, #tpu.memory_space<hbm>> -> memref<50x64xf32, #tpu.memory_space<hbm>>
      %dma_start3A_2767 = arith.constant 0 : i32
      %dma_start3A_2768 = arith.constant 0 : i32
      %dma_start3A_2769 = tpu.memref_slice %arg4[%add3A_2759, %dma_start3A_2767, %dma_start3A_2768] : memref<16384x50x64xf32, #tpu.memory_space<hbm>> -> memref<1x50x64xf32, #tpu.memory_space<hbm>>
      %dma_start3A_2770 = tpu.memref_squeeze %dma_start3A_2769 : memref<1x50x64xf32, #tpu.memory_space<hbm>> -> memref<50x64xf32, #tpu.memory_space<hbm>>
      %dma_start3A_2771 = arith.constant 350 : i32
      %dma_start3A_2772 = arith.constant 0 : i32
      %dma_start3A_2773 = tpu.memref_slice %arg8[%dma_start3A_2771, %dma_start3A_2772] : memref<400x64xf32, #tpu.memory_space<vmem>> -> memref<50x64xf32, #tpu.memory_space<vmem>>
      tpu.enqueue_dma source(%dma_start3A_2773 : memref<50x64xf32, #tpu.memory_space<vmem>>) target(%dma_start3A_2770 : memref<50x64xf32, #tpu.memory_space<hbm>>) target_semaphore(%arg16 : memref<!tpu.dma_semaphore, #tpu.memory_space<semaphore_mem>>)
      %dma_wait3A_2774 = arith.constant 0 : i32
      %dma_wait3A_2775 = arith.constant 0 : i32
      %dma_wait3A_2776 = tpu.memref_slice %arg9[%dma_wait3A_2774, %dma_wait3A_2775] : memref<400x64xf32, #tpu.memory_space<vmem>> -> memref<128x64xf32, #tpu.memory_space<vmem>>
      %dma_wait3A_2777 = tpu.memref_slice %arg5[%add3A_2187] : memref<25600xi32, #tpu.memory_space<vmem>> -> memref<128xi32, #tpu.memory_space<vmem>>
      %dma_wait3A_2778 = arith.constant 0 : i32
      %dma_wait3A_2779 = arith.constant 0 : i32
      %dma_wait3A_2780 = tpu.memref_slice %arg3[%dma_wait3A_2778, %dma_wait3A_2779] : memref<1000000x64xf32, #tpu.memory_space<hbm>> -> memref<1000000x64xf32, #tpu.memory_space<hbm>>
      tpu.wait_indirect_dma semaphore(%arg13 : memref<!tpu.dma_semaphore, #tpu.memory_space<semaphore_mem>>) src(%dma_wait3A_2780 : memref<1000000x64xf32, #tpu.memory_space<hbm>>) dst(%dma_wait3A_2776 : memref<128x64xf32, #tpu.memory_space<vmem>>)
      %dma_wait3A_2781 = arith.constant 128 : i32
      %dma_wait3A_2782 = arith.constant 0 : i32
      %dma_wait3A_2783 = tpu.memref_slice %arg9[%dma_wait3A_2781, %dma_wait3A_2782] : memref<400x64xf32, #tpu.memory_space<vmem>> -> memref<128x64xf32, #tpu.memory_space<vmem>>
      %dma_wait3A_2784 = tpu.memref_slice %arg5[%add3A_2198] : memref<25600xi32, #tpu.memory_space<vmem>> -> memref<128xi32, #tpu.memory_space<vmem>>
      %dma_wait3A_2785 = arith.constant 0 : i32
      %dma_wait3A_2786 = arith.constant 0 : i32
      %dma_wait3A_2787 = tpu.memref_slice %arg3[%dma_wait3A_2785, %dma_wait3A_2786] : memref<1000000x64xf32, #tpu.memory_space<hbm>> -> memref<1000000x64xf32, #tpu.memory_space<hbm>>
      tpu.wait_indirect_dma semaphore(%arg13 : memref<!tpu.dma_semaphore, #tpu.memory_space<semaphore_mem>>) src(%dma_wait3A_2787 : memref<1000000x64xf32, #tpu.memory_space<hbm>>) dst(%dma_wait3A_2783 : memref<128x64xf32, #tpu.memory_space<vmem>>)
      %dma_wait3A_2788 = arith.constant 256 : i32
      %dma_wait3A_2789 = arith.constant 0 : i32
      %dma_wait3A_2790 = tpu.memref_slice %arg9[%dma_wait3A_2788, %dma_wait3A_2789] : memref<400x64xf32, #tpu.memory_space<vmem>> -> memref<128x64xf32, #tpu.memory_space<vmem>>
      %dma_wait3A_2791 = tpu.memref_slice %arg5[%add3A_2209] : memref<25600xi32, #tpu.memory_space<vmem>> -> memref<128xi32, #tpu.memory_space<vmem>>
      %dma_wait3A_2792 = arith.constant 0 : i32
      %dma_wait3A_2793 = arith.constant 0 : i32
      %dma_wait3A_2794 = tpu.memref_slice %arg3[%dma_wait3A_2792, %dma_wait3A_2793] : memref<1000000x64xf32, #tpu.memory_space<hbm>> -> memref<1000000x64xf32, #tpu.memory_space<hbm>>
      tpu.wait_indirect_dma semaphore(%arg13 : memref<!tpu.dma_semaphore, #tpu.memory_space<semaphore_mem>>) src(%dma_wait3A_2794 : memref<1000000x64xf32, #tpu.memory_space<hbm>>) dst(%dma_wait3A_2790 : memref<128x64xf32, #tpu.memory_space<vmem>>)
      %dma_wait3A_2795 = arith.constant 384 : i32
      %dma_wait3A_2796 = arith.constant 0 : i32
      %dma_wait3A_2797 = tpu.memref_slice %arg9[%dma_wait3A_2795, %dma_wait3A_2796] : memref<400x64xf32, #tpu.memory_space<vmem>> -> memref<16x64xf32, #tpu.memory_space<vmem>>
      %dma_wait3A_2798 = tpu.memref_slice %arg5[%add3A_2220] : memref<25600xi32, #tpu.memory_space<vmem>> -> memref<16xi32, #tpu.memory_space<vmem>>
      %dma_wait3A_2799 = arith.constant 0 : i32
      %dma_wait3A_2800 = arith.constant 0 : i32
      %dma_wait3A_2801 = tpu.memref_slice %arg3[%dma_wait3A_2799, %dma_wait3A_2800] : memref<1000000x64xf32, #tpu.memory_space<hbm>> -> memref<1000000x64xf32, #tpu.memory_space<hbm>>
      tpu.wait_indirect_dma semaphore(%arg13 : memref<!tpu.dma_semaphore, #tpu.memory_space<semaphore_mem>>) src(%dma_wait3A_2801 : memref<1000000x64xf32, #tpu.memory_space<hbm>>) dst(%dma_wait3A_2797 : memref<16x64xf32, #tpu.memory_space<vmem>>)
      %add3A_2802 = arith.constant 3 : i32
      %add3A_2803 = arith.addi %mul3A_1420, %add3A_2802 : i32
      %mul3A_2804 = arith.constant 8 : i32
      %mul3A_2805 = arith.muli %add3A_2803, %mul3A_2804 : i32
      %add3A_2806 = arith.addi %mul3A_4, %mul3A_2805 : i32
      %add3A_2807 = arith.constant 0 : i32
      %add3A_2808 = arith.addi %add3A_2806, %add3A_2807 : i32
      %dma_start3A_2809 = arith.constant 0 : i32
      %dma_start3A_2810 = arith.constant 0 : i32
      %dma_start3A_2811 = tpu.memref_slice %arg9[%dma_start3A_2809, %dma_start3A_2810] : memref<400x64xf32, #tpu.memory_space<vmem>> -> memref<50x64xf32, #tpu.memory_space<vmem>>
      %dma_start3A_2812 = arith.constant 0 : i32
      %dma_start3A_2813 = arith.constant 0 : i32
      %dma_start3A_2814 = tpu.memref_slice %arg4[%add3A_2808, %dma_start3A_2812, %dma_start3A_2813] : memref<16384x50x64xf32, #tpu.memory_space<hbm>> -> memref<1x50x64xf32, #tpu.memory_space<hbm>>
      %dma_start3A_2815 = tpu.memref_squeeze %dma_start3A_2814 : memref<1x50x64xf32, #tpu.memory_space<hbm>> -> memref<50x64xf32, #tpu.memory_space<hbm>>
      %dma_start3A_2816 = arith.constant 0 : i32
      %dma_start3A_2817 = arith.constant 0 : i32
      %dma_start3A_2818 = tpu.memref_slice %arg4[%add3A_2808, %dma_start3A_2816, %dma_start3A_2817] : memref<16384x50x64xf32, #tpu.memory_space<hbm>> -> memref<1x50x64xf32, #tpu.memory_space<hbm>>
      %dma_start3A_2819 = tpu.memref_squeeze %dma_start3A_2818 : memref<1x50x64xf32, #tpu.memory_space<hbm>> -> memref<50x64xf32, #tpu.memory_space<hbm>>
      %dma_start3A_2820 = arith.constant 0 : i32
      %dma_start3A_2821 = arith.constant 0 : i32
      %dma_start3A_2822 = tpu.memref_slice %arg9[%dma_start3A_2820, %dma_start3A_2821] : memref<400x64xf32, #tpu.memory_space<vmem>> -> memref<50x64xf32, #tpu.memory_space<vmem>>
      tpu.enqueue_dma source(%dma_start3A_2822 : memref<50x64xf32, #tpu.memory_space<vmem>>) target(%dma_start3A_2819 : memref<50x64xf32, #tpu.memory_space<hbm>>) target_semaphore(%arg17 : memref<!tpu.dma_semaphore, #tpu.memory_space<semaphore_mem>>)
      %mul3A_2823 = arith.constant 8 : i32
      %mul3A_2824 = arith.muli %add3A_2803, %mul3A_2823 : i32
      %add3A_2825 = arith.addi %mul3A_4, %mul3A_2824 : i32
      %add3A_2826 = arith.constant 1 : i32
      %add3A_2827 = arith.addi %add3A_2825, %add3A_2826 : i32
      %dma_start3A_2828 = arith.constant 50 : i32
      %dma_start3A_2829 = arith.constant 0 : i32
      %dma_start3A_2830 = tpu.memref_slice %arg9[%dma_start3A_2828, %dma_start3A_2829] : memref<400x64xf32, #tpu.memory_space<vmem>> -> memref<50x64xf32, #tpu.memory_space<vmem>>
      %dma_start3A_2831 = arith.constant 0 : i32
      %dma_start3A_2832 = arith.constant 0 : i32
      %dma_start3A_2833 = tpu.memref_slice %arg4[%add3A_2827, %dma_start3A_2831, %dma_start3A_2832] : memref<16384x50x64xf32, #tpu.memory_space<hbm>> -> memref<1x50x64xf32, #tpu.memory_space<hbm>>
      %dma_start3A_2834 = tpu.memref_squeeze %dma_start3A_2833 : memref<1x50x64xf32, #tpu.memory_space<hbm>> -> memref<50x64xf32, #tpu.memory_space<hbm>>
      %dma_start3A_2835 = arith.constant 0 : i32
      %dma_start3A_2836 = arith.constant 0 : i32
      %dma_start3A_2837 = tpu.memref_slice %arg4[%add3A_2827, %dma_start3A_2835, %dma_start3A_2836] : memref<16384x50x64xf32, #tpu.memory_space<hbm>> -> memref<1x50x64xf32, #tpu.memory_space<hbm>>
      %dma_start3A_2838 = tpu.memref_squeeze %dma_start3A_2837 : memref<1x50x64xf32, #tpu.memory_space<hbm>> -> memref<50x64xf32, #tpu.memory_space<hbm>>
      %dma_start3A_2839 = arith.constant 50 : i32
      %dma_start3A_2840 = arith.constant 0 : i32
      %dma_start3A_2841 = tpu.memref_slice %arg9[%dma_start3A_2839, %dma_start3A_2840] : memref<400x64xf32, #tpu.memory_space<vmem>> -> memref<50x64xf32, #tpu.memory_space<vmem>>
      tpu.enqueue_dma source(%dma_start3A_2841 : memref<50x64xf32, #tpu.memory_space<vmem>>) target(%dma_start3A_2838 : memref<50x64xf32, #tpu.memory_space<hbm>>) target_semaphore(%arg17 : memref<!tpu.dma_semaphore, #tpu.memory_space<semaphore_mem>>)
      %mul3A_2842 = arith.constant 8 : i32
      %mul3A_2843 = arith.muli %add3A_2803, %mul3A_2842 : i32
      %add3A_2844 = arith.addi %mul3A_4, %mul3A_2843 : i32
      %add3A_2845 = arith.constant 2 : i32
      %add3A_2846 = arith.addi %add3A_2844, %add3A_2845 : i32
      %dma_start3A_2847 = arith.constant 100 : i32
      %dma_start3A_2848 = arith.constant 0 : i32
      %dma_start3A_2849 = tpu.memref_slice %arg9[%dma_start3A_2847, %dma_start3A_2848] : memref<400x64xf32, #tpu.memory_space<vmem>> -> memref<50x64xf32, #tpu.memory_space<vmem>>
      %dma_start3A_2850 = arith.constant 0 : i32
      %dma_start3A_2851 = arith.constant 0 : i32
      %dma_start3A_2852 = tpu.memref_slice %arg4[%add3A_2846, %dma_start3A_2850, %dma_start3A_2851] : memref<16384x50x64xf32, #tpu.memory_space<hbm>> -> memref<1x50x64xf32, #tpu.memory_space<hbm>>
      %dma_start3A_2853 = tpu.memref_squeeze %dma_start3A_2852 : memref<1x50x64xf32, #tpu.memory_space<hbm>> -> memref<50x64xf32, #tpu.memory_space<hbm>>
      %dma_start3A_2854 = arith.constant 0 : i32
      %dma_start3A_2855 = arith.constant 0 : i32
      %dma_start3A_2856 = tpu.memref_slice %arg4[%add3A_2846, %dma_start3A_2854, %dma_start3A_2855] : memref<16384x50x64xf32, #tpu.memory_space<hbm>> -> memref<1x50x64xf32, #tpu.memory_space<hbm>>
      %dma_start3A_2857 = tpu.memref_squeeze %dma_start3A_2856 : memref<1x50x64xf32, #tpu.memory_space<hbm>> -> memref<50x64xf32, #tpu.memory_space<hbm>>
      %dma_start3A_2858 = arith.constant 100 : i32
      %dma_start3A_2859 = arith.constant 0 : i32
      %dma_start3A_2860 = tpu.memref_slice %arg9[%dma_start3A_2858, %dma_start3A_2859] : memref<400x64xf32, #tpu.memory_space<vmem>> -> memref<50x64xf32, #tpu.memory_space<vmem>>
      tpu.enqueue_dma source(%dma_start3A_2860 : memref<50x64xf32, #tpu.memory_space<vmem>>) target(%dma_start3A_2857 : memref<50x64xf32, #tpu.memory_space<hbm>>) target_semaphore(%arg17 : memref<!tpu.dma_semaphore, #tpu.memory_space<semaphore_mem>>)
      %mul3A_2861 = arith.constant 8 : i32
      %mul3A_2862 = arith.muli %add3A_2803, %mul3A_2861 : i32
      %add3A_2863 = arith.addi %mul3A_4, %mul3A_2862 : i32
      %add3A_2864 = arith.constant 3 : i32
      %add3A_2865 = arith.addi %add3A_2863, %add3A_2864 : i32
      %dma_start3A_2866 = arith.constant 150 : i32
      %dma_start3A_2867 = arith.constant 0 : i32
      %dma_start3A_2868 = tpu.memref_slice %arg9[%dma_start3A_2866, %dma_start3A_2867] : memref<400x64xf32, #tpu.memory_space<vmem>> -> memref<50x64xf32, #tpu.memory_space<vmem>>
      %dma_start3A_2869 = arith.constant 0 : i32
      %dma_start3A_2870 = arith.constant 0 : i32
      %dma_start3A_2871 = tpu.memref_slice %arg4[%add3A_2865, %dma_start3A_2869, %dma_start3A_2870] : memref<16384x50x64xf32, #tpu.memory_space<hbm>> -> memref<1x50x64xf32, #tpu.memory_space<hbm>>
      %dma_start3A_2872 = tpu.memref_squeeze %dma_start3A_2871 : memref<1x50x64xf32, #tpu.memory_space<hbm>> -> memref<50x64xf32, #tpu.memory_space<hbm>>
      %dma_start3A_2873 = arith.constant 0 : i32
      %dma_start3A_2874 = arith.constant 0 : i32
      %dma_start3A_2875 = tpu.memref_slice %arg4[%add3A_2865, %dma_start3A_2873, %dma_start3A_2874] : memref<16384x50x64xf32, #tpu.memory_space<hbm>> -> memref<1x50x64xf32, #tpu.memory_space<hbm>>
      %dma_start3A_2876 = tpu.memref_squeeze %dma_start3A_2875 : memref<1x50x64xf32, #tpu.memory_space<hbm>> -> memref<50x64xf32, #tpu.memory_space<hbm>>
      %dma_start3A_2877 = arith.constant 150 : i32
      %dma_start3A_2878 = arith.constant 0 : i32
      %dma_start3A_2879 = tpu.memref_slice %arg9[%dma_start3A_2877, %dma_start3A_2878] : memref<400x64xf32, #tpu.memory_space<vmem>> -> memref<50x64xf32, #tpu.memory_space<vmem>>
      tpu.enqueue_dma source(%dma_start3A_2879 : memref<50x64xf32, #tpu.memory_space<vmem>>) target(%dma_start3A_2876 : memref<50x64xf32, #tpu.memory_space<hbm>>) target_semaphore(%arg17 : memref<!tpu.dma_semaphore, #tpu.memory_space<semaphore_mem>>)
      %mul3A_2880 = arith.constant 8 : i32
      %mul3A_2881 = arith.muli %add3A_2803, %mul3A_2880 : i32
      %add3A_2882 = arith.addi %mul3A_4, %mul3A_2881 : i32
      %add3A_2883 = arith.constant 4 : i32
      %add3A_2884 = arith.addi %add3A_2882, %add3A_2883 : i32
      %dma_start3A_2885 = arith.constant 200 : i32
      %dma_start3A_2886 = arith.constant 0 : i32
      %dma_start3A_2887 = tpu.memref_slice %arg9[%dma_start3A_2885, %dma_start3A_2886] : memref<400x64xf32, #tpu.memory_space<vmem>> -> memref<50x64xf32, #tpu.memory_space<vmem>>
      %dma_start3A_2888 = arith.constant 0 : i32
      %dma_start3A_2889 = arith.constant 0 : i32
      %dma_start3A_2890 = tpu.memref_slice %arg4[%add3A_2884, %dma_start3A_2888, %dma_start3A_2889] : memref<16384x50x64xf32, #tpu.memory_space<hbm>> -> memref<1x50x64xf32, #tpu.memory_space<hbm>>
      %dma_start3A_2891 = tpu.memref_squeeze %dma_start3A_2890 : memref<1x50x64xf32, #tpu.memory_space<hbm>> -> memref<50x64xf32, #tpu.memory_space<hbm>>
      %dma_start3A_2892 = arith.constant 0 : i32
      %dma_start3A_2893 = arith.constant 0 : i32
      %dma_start3A_2894 = tpu.memref_slice %arg4[%add3A_2884, %dma_start3A_2892, %dma_start3A_2893] : memref<16384x50x64xf32, #tpu.memory_space<hbm>> -> memref<1x50x64xf32, #tpu.memory_space<hbm>>
      %dma_start3A_2895 = tpu.memref_squeeze %dma_start3A_2894 : memref<1x50x64xf32, #tpu.memory_space<hbm>> -> memref<50x64xf32, #tpu.memory_space<hbm>>
      %dma_start3A_2896 = arith.constant 200 : i32
      %dma_start3A_2897 = arith.constant 0 : i32
      %dma_start3A_2898 = tpu.memref_slice %arg9[%dma_start3A_2896, %dma_start3A_2897] : memref<400x64xf32, #tpu.memory_space<vmem>> -> memref<50x64xf32, #tpu.memory_space<vmem>>
      tpu.enqueue_dma source(%dma_start3A_2898 : memref<50x64xf32, #tpu.memory_space<vmem>>) target(%dma_start3A_2895 : memref<50x64xf32, #tpu.memory_space<hbm>>) target_semaphore(%arg17 : memref<!tpu.dma_semaphore, #tpu.memory_space<semaphore_mem>>)
      %mul3A_2899 = arith.constant 8 : i32
      %mul3A_2900 = arith.muli %add3A_2803, %mul3A_2899 : i32
      %add3A_2901 = arith.addi %mul3A_4, %mul3A_2900 : i32
      %add3A_2902 = arith.constant 5 : i32
      %add3A_2903 = arith.addi %add3A_2901, %add3A_2902 : i32
      %dma_start3A_2904 = arith.constant 250 : i32
      %dma_start3A_2905 = arith.constant 0 : i32
      %dma_start3A_2906 = tpu.memref_slice %arg9[%dma_start3A_2904, %dma_start3A_2905] : memref<400x64xf32, #tpu.memory_space<vmem>> -> memref<50x64xf32, #tpu.memory_space<vmem>>
      %dma_start3A_2907 = arith.constant 0 : i32
      %dma_start3A_2908 = arith.constant 0 : i32
      %dma_start3A_2909 = tpu.memref_slice %arg4[%add3A_2903, %dma_start3A_2907, %dma_start3A_2908] : memref<16384x50x64xf32, #tpu.memory_space<hbm>> -> memref<1x50x64xf32, #tpu.memory_space<hbm>>
      %dma_start3A_2910 = tpu.memref_squeeze %dma_start3A_2909 : memref<1x50x64xf32, #tpu.memory_space<hbm>> -> memref<50x64xf32, #tpu.memory_space<hbm>>
      %dma_start3A_2911 = arith.constant 0 : i32
      %dma_start3A_2912 = arith.constant 0 : i32
      %dma_start3A_2913 = tpu.memref_slice %arg4[%add3A_2903, %dma_start3A_2911, %dma_start3A_2912] : memref<16384x50x64xf32, #tpu.memory_space<hbm>> -> memref<1x50x64xf32, #tpu.memory_space<hbm>>
      %dma_start3A_2914 = tpu.memref_squeeze %dma_start3A_2913 : memref<1x50x64xf32, #tpu.memory_space<hbm>> -> memref<50x64xf32, #tpu.memory_space<hbm>>
      %dma_start3A_2915 = arith.constant 250 : i32
      %dma_start3A_2916 = arith.constant 0 : i32
      %dma_start3A_2917 = tpu.memref_slice %arg9[%dma_start3A_2915, %dma_start3A_2916] : memref<400x64xf32, #tpu.memory_space<vmem>> -> memref<50x64xf32, #tpu.memory_space<vmem>>
      tpu.enqueue_dma source(%dma_start3A_2917 : memref<50x64xf32, #tpu.memory_space<vmem>>) target(%dma_start3A_2914 : memref<50x64xf32, #tpu.memory_space<hbm>>) target_semaphore(%arg17 : memref<!tpu.dma_semaphore, #tpu.memory_space<semaphore_mem>>)
      %mul3A_2918 = arith.constant 8 : i32
      %mul3A_2919 = arith.muli %add3A_2803, %mul3A_2918 : i32
      %add3A_2920 = arith.addi %mul3A_4, %mul3A_2919 : i32
      %add3A_2921 = arith.constant 6 : i32
      %add3A_2922 = arith.addi %add3A_2920, %add3A_2921 : i32
      %dma_start3A_2923 = arith.constant 300 : i32
      %dma_start3A_2924 = arith.constant 0 : i32
      %dma_start3A_2925 = tpu.memref_slice %arg9[%dma_start3A_2923, %dma_start3A_2924] : memref<400x64xf32, #tpu.memory_space<vmem>> -> memref<50x64xf32, #tpu.memory_space<vmem>>
      %dma_start3A_2926 = arith.constant 0 : i32
      %dma_start3A_2927 = arith.constant 0 : i32
      %dma_start3A_2928 = tpu.memref_slice %arg4[%add3A_2922, %dma_start3A_2926, %dma_start3A_2927] : memref<16384x50x64xf32, #tpu.memory_space<hbm>> -> memref<1x50x64xf32, #tpu.memory_space<hbm>>
      %dma_start3A_2929 = tpu.memref_squeeze %dma_start3A_2928 : memref<1x50x64xf32, #tpu.memory_space<hbm>> -> memref<50x64xf32, #tpu.memory_space<hbm>>
      %dma_start3A_2930 = arith.constant 0 : i32
      %dma_start3A_2931 = arith.constant 0 : i32
      %dma_start3A_2932 = tpu.memref_slice %arg4[%add3A_2922, %dma_start3A_2930, %dma_start3A_2931] : memref<16384x50x64xf32, #tpu.memory_space<hbm>> -> memref<1x50x64xf32, #tpu.memory_space<hbm>>
      %dma_start3A_2933 = tpu.memref_squeeze %dma_start3A_2932 : memref<1x50x64xf32, #tpu.memory_space<hbm>> -> memref<50x64xf32, #tpu.memory_space<hbm>>
      %dma_start3A_2934 = arith.constant 300 : i32
      %dma_start3A_2935 = arith.constant 0 : i32
      %dma_start3A_2936 = tpu.memref_slice %arg9[%dma_start3A_2934, %dma_start3A_2935] : memref<400x64xf32, #tpu.memory_space<vmem>> -> memref<50x64xf32, #tpu.memory_space<vmem>>
      tpu.enqueue_dma source(%dma_start3A_2936 : memref<50x64xf32, #tpu.memory_space<vmem>>) target(%dma_start3A_2933 : memref<50x64xf32, #tpu.memory_space<hbm>>) target_semaphore(%arg17 : memref<!tpu.dma_semaphore, #tpu.memory_space<semaphore_mem>>)
      %mul3A_2937 = arith.constant 8 : i32
      %mul3A_2938 = arith.muli %add3A_2803, %mul3A_2937 : i32
      %add3A_2939 = arith.addi %mul3A_4, %mul3A_2938 : i32
      %add3A_2940 = arith.constant 7 : i32
      %add3A_2941 = arith.addi %add3A_2939, %add3A_2940 : i32
      %dma_start3A_2942 = arith.constant 350 : i32
      %dma_start3A_2943 = arith.constant 0 : i32
      %dma_start3A_2944 = tpu.memref_slice %arg9[%dma_start3A_2942, %dma_start3A_2943] : memref<400x64xf32, #tpu.memory_space<vmem>> -> memref<50x64xf32, #tpu.memory_space<vmem>>
      %dma_start3A_2945 = arith.constant 0 : i32
      %dma_start3A_2946 = arith.constant 0 : i32
      %dma_start3A_2947 = tpu.memref_slice %arg4[%add3A_2941, %dma_start3A_2945, %dma_start3A_2946] : memref<16384x50x64xf32, #tpu.memory_space<hbm>> -> memref<1x50x64xf32, #tpu.memory_space<hbm>>
      %dma_start3A_2948 = tpu.memref_squeeze %dma_start3A_2947 : memref<1x50x64xf32, #tpu.memory_space<hbm>> -> memref<50x64xf32, #tpu.memory_space<hbm>>
      %dma_start3A_2949 = arith.constant 0 : i32
      %dma_start3A_2950 = arith.constant 0 : i32
      %dma_start3A_2951 = tpu.memref_slice %arg4[%add3A_2941, %dma_start3A_2949, %dma_start3A_2950] : memref<16384x50x64xf32, #tpu.memory_space<hbm>> -> memref<1x50x64xf32, #tpu.memory_space<hbm>>
      %dma_start3A_2952 = tpu.memref_squeeze %dma_start3A_2951 : memref<1x50x64xf32, #tpu.memory_space<hbm>> -> memref<50x64xf32, #tpu.memory_space<hbm>>
      %dma_start3A_2953 = arith.constant 350 : i32
      %dma_start3A_2954 = arith.constant 0 : i32
      %dma_start3A_2955 = tpu.memref_slice %arg9[%dma_start3A_2953, %dma_start3A_2954] : memref<400x64xf32, #tpu.memory_space<vmem>> -> memref<50x64xf32, #tpu.memory_space<vmem>>
      tpu.enqueue_dma source(%dma_start3A_2955 : memref<50x64xf32, #tpu.memory_space<vmem>>) target(%dma_start3A_2952 : memref<50x64xf32, #tpu.memory_space<hbm>>) target_semaphore(%arg17 : memref<!tpu.dma_semaphore, #tpu.memory_space<semaphore_mem>>)
      %scan3A_2956 = arith.constant 0 : i32
      scf.yield %scan3A_2956 : i32
    }
    %scan3A_840 = arith.constant 15 : i32
    %add3A_841 = arith.constant 480 : i32
    %add3A_842 = arith.addi %mul3A_4, %add3A_841 : i32
    %add3A_843 = arith.constant 0 : i32
    %add3A_844 = arith.addi %add3A_842, %add3A_843 : i32
    %dma_wait3A_845 = arith.constant 0 : i32
    %dma_wait3A_846 = arith.constant 0 : i32
    %dma_wait3A_847 = tpu.memref_slice %arg6[%dma_wait3A_845, %dma_wait3A_846] : memref<400x64xf32, #tpu.memory_space<vmem>> -> memref<50x64xf32, #tpu.memory_space<vmem>>
    %dma_wait3A_848 = arith.constant 0 : i32
    %dma_wait3A_849 = arith.constant 0 : i32
    %dma_wait3A_850 = tpu.memref_slice %arg4[%add3A_844, %dma_wait3A_848, %dma_wait3A_849] : memref<16384x50x64xf32, #tpu.memory_space<hbm>> -> memref<1x50x64xf32, #tpu.memory_space<hbm>>
    %dma_wait3A_851 = tpu.memref_squeeze %dma_wait3A_850 : memref<1x50x64xf32, #tpu.memory_space<hbm>> -> memref<50x64xf32, #tpu.memory_space<hbm>>
    %dma_wait3A_852 = arith.constant 0 : i32
    %dma_wait3A_853 = arith.constant 0 : i32
    %dma_wait3A_854 = tpu.memref_slice %arg4[%add3A_844, %dma_wait3A_852, %dma_wait3A_853] : memref<16384x50x64xf32, #tpu.memory_space<hbm>> -> memref<1x50x64xf32, #tpu.memory_space<hbm>>
    %dma_wait3A_855 = tpu.memref_squeeze %dma_wait3A_854 : memref<1x50x64xf32, #tpu.memory_space<hbm>> -> memref<50x64xf32, #tpu.memory_space<hbm>>
    %dma_wait3A_856 = arith.constant 0 : i32
    %dma_wait3A_857 = arith.constant 0 : i32
    %dma_wait3A_858 = tpu.memref_slice %arg6[%dma_wait3A_856, %dma_wait3A_857] : memref<400x64xf32, #tpu.memory_space<vmem>> -> memref<50x64xf32, #tpu.memory_space<vmem>>
    tpu.wait_dma2 semaphore(%arg14 : memref<!tpu.dma_semaphore, #tpu.memory_space<semaphore_mem>>) src(%dma_wait3A_858 : memref<50x64xf32, #tpu.memory_space<vmem>>) dst(%dma_wait3A_855 : memref<50x64xf32, #tpu.memory_space<hbm>>)
    %add3A_859 = arith.constant 480 : i32
    %add3A_860 = arith.addi %mul3A_4, %add3A_859 : i32
    %add3A_861 = arith.constant 1 : i32
    %add3A_862 = arith.addi %add3A_860, %add3A_861 : i32
    %dma_wait3A_863 = arith.constant 50 : i32
    %dma_wait3A_864 = arith.constant 0 : i32
    %dma_wait3A_865 = tpu.memref_slice %arg6[%dma_wait3A_863, %dma_wait3A_864] : memref<400x64xf32, #tpu.memory_space<vmem>> -> memref<50x64xf32, #tpu.memory_space<vmem>>
    %dma_wait3A_866 = arith.constant 0 : i32
    %dma_wait3A_867 = arith.constant 0 : i32
    %dma_wait3A_868 = tpu.memref_slice %arg4[%add3A_862, %dma_wait3A_866, %dma_wait3A_867] : memref<16384x50x64xf32, #tpu.memory_space<hbm>> -> memref<1x50x64xf32, #tpu.memory_space<hbm>>
    %dma_wait3A_869 = tpu.memref_squeeze %dma_wait3A_868 : memref<1x50x64xf32, #tpu.memory_space<hbm>> -> memref<50x64xf32, #tpu.memory_space<hbm>>
    %dma_wait3A_870 = arith.constant 0 : i32
    %dma_wait3A_871 = arith.constant 0 : i32
    %dma_wait3A_872 = tpu.memref_slice %arg4[%add3A_862, %dma_wait3A_870, %dma_wait3A_871] : memref<16384x50x64xf32, #tpu.memory_space<hbm>> -> memref<1x50x64xf32, #tpu.memory_space<hbm>>
    %dma_wait3A_873 = tpu.memref_squeeze %dma_wait3A_872 : memref<1x50x64xf32, #tpu.memory_space<hbm>> -> memref<50x64xf32, #tpu.memory_space<hbm>>
    %dma_wait3A_874 = arith.constant 50 : i32
    %dma_wait3A_875 = arith.constant 0 : i32
    %dma_wait3A_876 = tpu.memref_slice %arg6[%dma_wait3A_874, %dma_wait3A_875] : memref<400x64xf32, #tpu.memory_space<vmem>> -> memref<50x64xf32, #tpu.memory_space<vmem>>
    tpu.wait_dma2 semaphore(%arg14 : memref<!tpu.dma_semaphore, #tpu.memory_space<semaphore_mem>>) src(%dma_wait3A_876 : memref<50x64xf32, #tpu.memory_space<vmem>>) dst(%dma_wait3A_873 : memref<50x64xf32, #tpu.memory_space<hbm>>)
    %add3A_877 = arith.constant 480 : i32
    %add3A_878 = arith.addi %mul3A_4, %add3A_877 : i32
    %add3A_879 = arith.constant 2 : i32
    %add3A_880 = arith.addi %add3A_878, %add3A_879 : i32
    %dma_wait3A_881 = arith.constant 100 : i32
    %dma_wait3A_882 = arith.constant 0 : i32
    %dma_wait3A_883 = tpu.memref_slice %arg6[%dma_wait3A_881, %dma_wait3A_882] : memref<400x64xf32, #tpu.memory_space<vmem>> -> memref<50x64xf32, #tpu.memory_space<vmem>>
    %dma_wait3A_884 = arith.constant 0 : i32
    %dma_wait3A_885 = arith.constant 0 : i32
    %dma_wait3A_886 = tpu.memref_slice %arg4[%add3A_880, %dma_wait3A_884, %dma_wait3A_885] : memref<16384x50x64xf32, #tpu.memory_space<hbm>> -> memref<1x50x64xf32, #tpu.memory_space<hbm>>
    %dma_wait3A_887 = tpu.memref_squeeze %dma_wait3A_886 : memref<1x50x64xf32, #tpu.memory_space<hbm>> -> memref<50x64xf32, #tpu.memory_space<hbm>>
    %dma_wait3A_888 = arith.constant 0 : i32
    %dma_wait3A_889 = arith.constant 0 : i32
    %dma_wait3A_890 = tpu.memref_slice %arg4[%add3A_880, %dma_wait3A_888, %dma_wait3A_889] : memref<16384x50x64xf32, #tpu.memory_space<hbm>> -> memref<1x50x64xf32, #tpu.memory_space<hbm>>
    %dma_wait3A_891 = tpu.memref_squeeze %dma_wait3A_890 : memref<1x50x64xf32, #tpu.memory_space<hbm>> -> memref<50x64xf32, #tpu.memory_space<hbm>>
    %dma_wait3A_892 = arith.constant 100 : i32
    %dma_wait3A_893 = arith.constant 0 : i32
    %dma_wait3A_894 = tpu.memref_slice %arg6[%dma_wait3A_892, %dma_wait3A_893] : memref<400x64xf32, #tpu.memory_space<vmem>> -> memref<50x64xf32, #tpu.memory_space<vmem>>
    tpu.wait_dma2 semaphore(%arg14 : memref<!tpu.dma_semaphore, #tpu.memory_space<semaphore_mem>>) src(%dma_wait3A_894 : memref<50x64xf32, #tpu.memory_space<vmem>>) dst(%dma_wait3A_891 : memref<50x64xf32, #tpu.memory_space<hbm>>)
    %add3A_895 = arith.constant 480 : i32
    %add3A_896 = arith.addi %mul3A_4, %add3A_895 : i32
    %add3A_897 = arith.constant 3 : i32
    %add3A_898 = arith.addi %add3A_896, %add3A_897 : i32
    %dma_wait3A_899 = arith.constant 150 : i32
    %dma_wait3A_900 = arith.constant 0 : i32
    %dma_wait3A_901 = tpu.memref_slice %arg6[%dma_wait3A_899, %dma_wait3A_900] : memref<400x64xf32, #tpu.memory_space<vmem>> -> memref<50x64xf32, #tpu.memory_space<vmem>>
    %dma_wait3A_902 = arith.constant 0 : i32
    %dma_wait3A_903 = arith.constant 0 : i32
    %dma_wait3A_904 = tpu.memref_slice %arg4[%add3A_898, %dma_wait3A_902, %dma_wait3A_903] : memref<16384x50x64xf32, #tpu.memory_space<hbm>> -> memref<1x50x64xf32, #tpu.memory_space<hbm>>
    %dma_wait3A_905 = tpu.memref_squeeze %dma_wait3A_904 : memref<1x50x64xf32, #tpu.memory_space<hbm>> -> memref<50x64xf32, #tpu.memory_space<hbm>>
    %dma_wait3A_906 = arith.constant 0 : i32
    %dma_wait3A_907 = arith.constant 0 : i32
    %dma_wait3A_908 = tpu.memref_slice %arg4[%add3A_898, %dma_wait3A_906, %dma_wait3A_907] : memref<16384x50x64xf32, #tpu.memory_space<hbm>> -> memref<1x50x64xf32, #tpu.memory_space<hbm>>
    %dma_wait3A_909 = tpu.memref_squeeze %dma_wait3A_908 : memref<1x50x64xf32, #tpu.memory_space<hbm>> -> memref<50x64xf32, #tpu.memory_space<hbm>>
    %dma_wait3A_910 = arith.constant 150 : i32
    %dma_wait3A_911 = arith.constant 0 : i32
    %dma_wait3A_912 = tpu.memref_slice %arg6[%dma_wait3A_910, %dma_wait3A_911] : memref<400x64xf32, #tpu.memory_space<vmem>> -> memref<50x64xf32, #tpu.memory_space<vmem>>
    tpu.wait_dma2 semaphore(%arg14 : memref<!tpu.dma_semaphore, #tpu.memory_space<semaphore_mem>>) src(%dma_wait3A_912 : memref<50x64xf32, #tpu.memory_space<vmem>>) dst(%dma_wait3A_909 : memref<50x64xf32, #tpu.memory_space<hbm>>)
    %add3A_913 = arith.constant 480 : i32
    %add3A_914 = arith.addi %mul3A_4, %add3A_913 : i32
    %add3A_915 = arith.constant 4 : i32
    %add3A_916 = arith.addi %add3A_914, %add3A_915 : i32
    %dma_wait3A_917 = arith.constant 200 : i32
    %dma_wait3A_918 = arith.constant 0 : i32
    %dma_wait3A_919 = tpu.memref_slice %arg6[%dma_wait3A_917, %dma_wait3A_918] : memref<400x64xf32, #tpu.memory_space<vmem>> -> memref<50x64xf32, #tpu.memory_space<vmem>>
    %dma_wait3A_920 = arith.constant 0 : i32
    %dma_wait3A_921 = arith.constant 0 : i32
    %dma_wait3A_922 = tpu.memref_slice %arg4[%add3A_916, %dma_wait3A_920, %dma_wait3A_921] : memref<16384x50x64xf32, #tpu.memory_space<hbm>> -> memref<1x50x64xf32, #tpu.memory_space<hbm>>
    %dma_wait3A_923 = tpu.memref_squeeze %dma_wait3A_922 : memref<1x50x64xf32, #tpu.memory_space<hbm>> -> memref<50x64xf32, #tpu.memory_space<hbm>>
    %dma_wait3A_924 = arith.constant 0 : i32
    %dma_wait3A_925 = arith.constant 0 : i32
    %dma_wait3A_926 = tpu.memref_slice %arg4[%add3A_916, %dma_wait3A_924, %dma_wait3A_925] : memref<16384x50x64xf32, #tpu.memory_space<hbm>> -> memref<1x50x64xf32, #tpu.memory_space<hbm>>
    %dma_wait3A_927 = tpu.memref_squeeze %dma_wait3A_926 : memref<1x50x64xf32, #tpu.memory_space<hbm>> -> memref<50x64xf32, #tpu.memory_space<hbm>>
    %dma_wait3A_928 = arith.constant 200 : i32
    %dma_wait3A_929 = arith.constant 0 : i32
    %dma_wait3A_930 = tpu.memref_slice %arg6[%dma_wait3A_928, %dma_wait3A_929] : memref<400x64xf32, #tpu.memory_space<vmem>> -> memref<50x64xf32, #tpu.memory_space<vmem>>
    tpu.wait_dma2 semaphore(%arg14 : memref<!tpu.dma_semaphore, #tpu.memory_space<semaphore_mem>>) src(%dma_wait3A_930 : memref<50x64xf32, #tpu.memory_space<vmem>>) dst(%dma_wait3A_927 : memref<50x64xf32, #tpu.memory_space<hbm>>)
    %add3A_931 = arith.constant 480 : i32
    %add3A_932 = arith.addi %mul3A_4, %add3A_931 : i32
    %add3A_933 = arith.constant 5 : i32
    %add3A_934 = arith.addi %add3A_932, %add3A_933 : i32
    %dma_wait3A_935 = arith.constant 250 : i32
    %dma_wait3A_936 = arith.constant 0 : i32
    %dma_wait3A_937 = tpu.memref_slice %arg6[%dma_wait3A_935, %dma_wait3A_936] : memref<400x64xf32, #tpu.memory_space<vmem>> -> memref<50x64xf32, #tpu.memory_space<vmem>>
    %dma_wait3A_938 = arith.constant 0 : i32
    %dma_wait3A_939 = arith.constant 0 : i32
    %dma_wait3A_940 = tpu.memref_slice %arg4[%add3A_934, %dma_wait3A_938, %dma_wait3A_939] : memref<16384x50x64xf32, #tpu.memory_space<hbm>> -> memref<1x50x64xf32, #tpu.memory_space<hbm>>
    %dma_wait3A_941 = tpu.memref_squeeze %dma_wait3A_940 : memref<1x50x64xf32, #tpu.memory_space<hbm>> -> memref<50x64xf32, #tpu.memory_space<hbm>>
    %dma_wait3A_942 = arith.constant 0 : i32
    %dma_wait3A_943 = arith.constant 0 : i32
    %dma_wait3A_944 = tpu.memref_slice %arg4[%add3A_934, %dma_wait3A_942, %dma_wait3A_943] : memref<16384x50x64xf32, #tpu.memory_space<hbm>> -> memref<1x50x64xf32, #tpu.memory_space<hbm>>
    %dma_wait3A_945 = tpu.memref_squeeze %dma_wait3A_944 : memref<1x50x64xf32, #tpu.memory_space<hbm>> -> memref<50x64xf32, #tpu.memory_space<hbm>>
    %dma_wait3A_946 = arith.constant 250 : i32
    %dma_wait3A_947 = arith.constant 0 : i32
    %dma_wait3A_948 = tpu.memref_slice %arg6[%dma_wait3A_946, %dma_wait3A_947] : memref<400x64xf32, #tpu.memory_space<vmem>> -> memref<50x64xf32, #tpu.memory_space<vmem>>
    tpu.wait_dma2 semaphore(%arg14 : memref<!tpu.dma_semaphore, #tpu.memory_space<semaphore_mem>>) src(%dma_wait3A_948 : memref<50x64xf32, #tpu.memory_space<vmem>>) dst(%dma_wait3A_945 : memref<50x64xf32, #tpu.memory_space<hbm>>)
    %add3A_949 = arith.constant 480 : i32
    %add3A_950 = arith.addi %mul3A_4, %add3A_949 : i32
    %add3A_951 = arith.constant 6 : i32
    %add3A_952 = arith.addi %add3A_950, %add3A_951 : i32
    %dma_wait3A_953 = arith.constant 300 : i32
    %dma_wait3A_954 = arith.constant 0 : i32
    %dma_wait3A_955 = tpu.memref_slice %arg6[%dma_wait3A_953, %dma_wait3A_954] : memref<400x64xf32, #tpu.memory_space<vmem>> -> memref<50x64xf32, #tpu.memory_space<vmem>>
    %dma_wait3A_956 = arith.constant 0 : i32
    %dma_wait3A_957 = arith.constant 0 : i32
    %dma_wait3A_958 = tpu.memref_slice %arg4[%add3A_952, %dma_wait3A_956, %dma_wait3A_957] : memref<16384x50x64xf32, #tpu.memory_space<hbm>> -> memref<1x50x64xf32, #tpu.memory_space<hbm>>
    %dma_wait3A_959 = tpu.memref_squeeze %dma_wait3A_958 : memref<1x50x64xf32, #tpu.memory_space<hbm>> -> memref<50x64xf32, #tpu.memory_space<hbm>>
    %dma_wait3A_960 = arith.constant 0 : i32
    %dma_wait3A_961 = arith.constant 0 : i32
    %dma_wait3A_962 = tpu.memref_slice %arg4[%add3A_952, %dma_wait3A_960, %dma_wait3A_961] : memref<16384x50x64xf32, #tpu.memory_space<hbm>> -> memref<1x50x64xf32, #tpu.memory_space<hbm>>
    %dma_wait3A_963 = tpu.memref_squeeze %dma_wait3A_962 : memref<1x50x64xf32, #tpu.memory_space<hbm>> -> memref<50x64xf32, #tpu.memory_space<hbm>>
    %dma_wait3A_964 = arith.constant 300 : i32
    %dma_wait3A_965 = arith.constant 0 : i32
    %dma_wait3A_966 = tpu.memref_slice %arg6[%dma_wait3A_964, %dma_wait3A_965] : memref<400x64xf32, #tpu.memory_space<vmem>> -> memref<50x64xf32, #tpu.memory_space<vmem>>
    tpu.wait_dma2 semaphore(%arg14 : memref<!tpu.dma_semaphore, #tpu.memory_space<semaphore_mem>>) src(%dma_wait3A_966 : memref<50x64xf32, #tpu.memory_space<vmem>>) dst(%dma_wait3A_963 : memref<50x64xf32, #tpu.memory_space<hbm>>)
    %add3A_967 = arith.constant 480 : i32
    %add3A_968 = arith.addi %mul3A_4, %add3A_967 : i32
    %add3A_969 = arith.constant 7 : i32
    %add3A_970 = arith.addi %add3A_968, %add3A_969 : i32
    %dma_wait3A_971 = arith.constant 350 : i32
    %dma_wait3A_972 = arith.constant 0 : i32
    %dma_wait3A_973 = tpu.memref_slice %arg6[%dma_wait3A_971, %dma_wait3A_972] : memref<400x64xf32, #tpu.memory_space<vmem>> -> memref<50x64xf32, #tpu.memory_space<vmem>>
    %dma_wait3A_974 = arith.constant 0 : i32
    %dma_wait3A_975 = arith.constant 0 : i32
    %dma_wait3A_976 = tpu.memref_slice %arg4[%add3A_970, %dma_wait3A_974, %dma_wait3A_975] : memref<16384x50x64xf32, #tpu.memory_space<hbm>> -> memref<1x50x64xf32, #tpu.memory_space<hbm>>
    %dma_wait3A_977 = tpu.memref_squeeze %dma_wait3A_976 : memref<1x50x64xf32, #tpu.memory_space<hbm>> -> memref<50x64xf32, #tpu.memory_space<hbm>>
    %dma_wait3A_978 = arith.constant 0 : i32
    %dma_wait3A_979 = arith.constant 0 : i32
    %dma_wait3A_980 = tpu.memref_slice %arg4[%add3A_970, %dma_wait3A_978, %dma_wait3A_979] : memref<16384x50x64xf32, #tpu.memory_space<hbm>> -> memref<1x50x64xf32, #tpu.memory_space<hbm>>
    %dma_wait3A_981 = tpu.memref_squeeze %dma_wait3A_980 : memref<1x50x64xf32, #tpu.memory_space<hbm>> -> memref<50x64xf32, #tpu.memory_space<hbm>>
    %dma_wait3A_982 = arith.constant 350 : i32
    %dma_wait3A_983 = arith.constant 0 : i32
    %dma_wait3A_984 = tpu.memref_slice %arg6[%dma_wait3A_982, %dma_wait3A_983] : memref<400x64xf32, #tpu.memory_space<vmem>> -> memref<50x64xf32, #tpu.memory_space<vmem>>
    tpu.wait_dma2 semaphore(%arg14 : memref<!tpu.dma_semaphore, #tpu.memory_space<semaphore_mem>>) src(%dma_wait3A_984 : memref<50x64xf32, #tpu.memory_space<vmem>>) dst(%dma_wait3A_981 : memref<50x64xf32, #tpu.memory_space<hbm>>)
    %add3A_985 = arith.constant 488 : i32
    %add3A_986 = arith.addi %mul3A_4, %add3A_985 : i32
    %add3A_987 = arith.constant 0 : i32
    %add3A_988 = arith.addi %add3A_986, %add3A_987 : i32
    %dma_wait3A_989 = arith.constant 0 : i32
    %dma_wait3A_990 = arith.constant 0 : i32
    %dma_wait3A_991 = tpu.memref_slice %arg7[%dma_wait3A_989, %dma_wait3A_990] : memref<400x64xf32, #tpu.memory_space<vmem>> -> memref<50x64xf32, #tpu.memory_space<vmem>>
    %dma_wait3A_992 = arith.constant 0 : i32
    %dma_wait3A_993 = arith.constant 0 : i32
    %dma_wait3A_994 = tpu.memref_slice %arg4[%add3A_988, %dma_wait3A_992, %dma_wait3A_993] : memref<16384x50x64xf32, #tpu.memory_space<hbm>> -> memref<1x50x64xf32, #tpu.memory_space<hbm>>
    %dma_wait3A_995 = tpu.memref_squeeze %dma_wait3A_994 : memref<1x50x64xf32, #tpu.memory_space<hbm>> -> memref<50x64xf32, #tpu.memory_space<hbm>>
    %dma_wait3A_996 = arith.constant 0 : i32
    %dma_wait3A_997 = arith.constant 0 : i32
    %dma_wait3A_998 = tpu.memref_slice %arg4[%add3A_988, %dma_wait3A_996, %dma_wait3A_997] : memref<16384x50x64xf32, #tpu.memory_space<hbm>> -> memref<1x50x64xf32, #tpu.memory_space<hbm>>
    %dma_wait3A_999 = tpu.memref_squeeze %dma_wait3A_998 : memref<1x50x64xf32, #tpu.memory_space<hbm>> -> memref<50x64xf32, #tpu.memory_space<hbm>>
    %dma_wait3A_1000 = arith.constant 0 : i32
    %dma_wait3A_1001 = arith.constant 0 : i32
    %dma_wait3A_1002 = tpu.memref_slice %arg7[%dma_wait3A_1000, %dma_wait3A_1001] : memref<400x64xf32, #tpu.memory_space<vmem>> -> memref<50x64xf32, #tpu.memory_space<vmem>>
    tpu.wait_dma2 semaphore(%arg15 : memref<!tpu.dma_semaphore, #tpu.memory_space<semaphore_mem>>) src(%dma_wait3A_1002 : memref<50x64xf32, #tpu.memory_space<vmem>>) dst(%dma_wait3A_999 : memref<50x64xf32, #tpu.memory_space<hbm>>)
    %add3A_1003 = arith.constant 488 : i32
    %add3A_1004 = arith.addi %mul3A_4, %add3A_1003 : i32
    %add3A_1005 = arith.constant 1 : i32
    %add3A_1006 = arith.addi %add3A_1004, %add3A_1005 : i32
    %dma_wait3A_1007 = arith.constant 50 : i32
    %dma_wait3A_1008 = arith.constant 0 : i32
    %dma_wait3A_1009 = tpu.memref_slice %arg7[%dma_wait3A_1007, %dma_wait3A_1008] : memref<400x64xf32, #tpu.memory_space<vmem>> -> memref<50x64xf32, #tpu.memory_space<vmem>>
    %dma_wait3A_1010 = arith.constant 0 : i32
    %dma_wait3A_1011 = arith.constant 0 : i32
    %dma_wait3A_1012 = tpu.memref_slice %arg4[%add3A_1006, %dma_wait3A_1010, %dma_wait3A_1011] : memref<16384x50x64xf32, #tpu.memory_space<hbm>> -> memref<1x50x64xf32, #tpu.memory_space<hbm>>
    %dma_wait3A_1013 = tpu.memref_squeeze %dma_wait3A_1012 : memref<1x50x64xf32, #tpu.memory_space<hbm>> -> memref<50x64xf32, #tpu.memory_space<hbm>>
    %dma_wait3A_1014 = arith.constant 0 : i32
    %dma_wait3A_1015 = arith.constant 0 : i32
    %dma_wait3A_1016 = tpu.memref_slice %arg4[%add3A_1006, %dma_wait3A_1014, %dma_wait3A_1015] : memref<16384x50x64xf32, #tpu.memory_space<hbm>> -> memref<1x50x64xf32, #tpu.memory_space<hbm>>
    %dma_wait3A_1017 = tpu.memref_squeeze %dma_wait3A_1016 : memref<1x50x64xf32, #tpu.memory_space<hbm>> -> memref<50x64xf32, #tpu.memory_space<hbm>>
    %dma_wait3A_1018 = arith.constant 50 : i32
    %dma_wait3A_1019 = arith.constant 0 : i32
    %dma_wait3A_1020 = tpu.memref_slice %arg7[%dma_wait3A_1018, %dma_wait3A_1019] : memref<400x64xf32, #tpu.memory_space<vmem>> -> memref<50x64xf32, #tpu.memory_space<vmem>>
    tpu.wait_dma2 semaphore(%arg15 : memref<!tpu.dma_semaphore, #tpu.memory_space<semaphore_mem>>) src(%dma_wait3A_1020 : memref<50x64xf32, #tpu.memory_space<vmem>>) dst(%dma_wait3A_1017 : memref<50x64xf32, #tpu.memory_space<hbm>>)
    %add3A_1021 = arith.constant 488 : i32
    %add3A_1022 = arith.addi %mul3A_4, %add3A_1021 : i32
    %add3A_1023 = arith.constant 2 : i32
    %add3A_1024 = arith.addi %add3A_1022, %add3A_1023 : i32
    %dma_wait3A_1025 = arith.constant 100 : i32
    %dma_wait3A_1026 = arith.constant 0 : i32
    %dma_wait3A_1027 = tpu.memref_slice %arg7[%dma_wait3A_1025, %dma_wait3A_1026] : memref<400x64xf32, #tpu.memory_space<vmem>> -> memref<50x64xf32, #tpu.memory_space<vmem>>
    %dma_wait3A_1028 = arith.constant 0 : i32
    %dma_wait3A_1029 = arith.constant 0 : i32
    %dma_wait3A_1030 = tpu.memref_slice %arg4[%add3A_1024, %dma_wait3A_1028, %dma_wait3A_1029] : memref<16384x50x64xf32, #tpu.memory_space<hbm>> -> memref<1x50x64xf32, #tpu.memory_space<hbm>>
    %dma_wait3A_1031 = tpu.memref_squeeze %dma_wait3A_1030 : memref<1x50x64xf32, #tpu.memory_space<hbm>> -> memref<50x64xf32, #tpu.memory_space<hbm>>
    %dma_wait3A_1032 = arith.constant 0 : i32
    %dma_wait3A_1033 = arith.constant 0 : i32
    %dma_wait3A_1034 = tpu.memref_slice %arg4[%add3A_1024, %dma_wait3A_1032, %dma_wait3A_1033] : memref<16384x50x64xf32, #tpu.memory_space<hbm>> -> memref<1x50x64xf32, #tpu.memory_space<hbm>>
    %dma_wait3A_1035 = tpu.memref_squeeze %dma_wait3A_1034 : memref<1x50x64xf32, #tpu.memory_space<hbm>> -> memref<50x64xf32, #tpu.memory_space<hbm>>
    %dma_wait3A_1036 = arith.constant 100 : i32
    %dma_wait3A_1037 = arith.constant 0 : i32
    %dma_wait3A_1038 = tpu.memref_slice %arg7[%dma_wait3A_1036, %dma_wait3A_1037] : memref<400x64xf32, #tpu.memory_space<vmem>> -> memref<50x64xf32, #tpu.memory_space<vmem>>
    tpu.wait_dma2 semaphore(%arg15 : memref<!tpu.dma_semaphore, #tpu.memory_space<semaphore_mem>>) src(%dma_wait3A_1038 : memref<50x64xf32, #tpu.memory_space<vmem>>) dst(%dma_wait3A_1035 : memref<50x64xf32, #tpu.memory_space<hbm>>)
    %add3A_1039 = arith.constant 488 : i32
    %add3A_1040 = arith.addi %mul3A_4, %add3A_1039 : i32
    %add3A_1041 = arith.constant 3 : i32
    %add3A_1042 = arith.addi %add3A_1040, %add3A_1041 : i32
    %dma_wait3A_1043 = arith.constant 150 : i32
    %dma_wait3A_1044 = arith.constant 0 : i32
    %dma_wait3A_1045 = tpu.memref_slice %arg7[%dma_wait3A_1043, %dma_wait3A_1044] : memref<400x64xf32, #tpu.memory_space<vmem>> -> memref<50x64xf32, #tpu.memory_space<vmem>>
    %dma_wait3A_1046 = arith.constant 0 : i32
    %dma_wait3A_1047 = arith.constant 0 : i32
    %dma_wait3A_1048 = tpu.memref_slice %arg4[%add3A_1042, %dma_wait3A_1046, %dma_wait3A_1047] : memref<16384x50x64xf32, #tpu.memory_space<hbm>> -> memref<1x50x64xf32, #tpu.memory_space<hbm>>
    %dma_wait3A_1049 = tpu.memref_squeeze %dma_wait3A_1048 : memref<1x50x64xf32, #tpu.memory_space<hbm>> -> memref<50x64xf32, #tpu.memory_space<hbm>>
    %dma_wait3A_1050 = arith.constant 0 : i32
    %dma_wait3A_1051 = arith.constant 0 : i32
    %dma_wait3A_1052 = tpu.memref_slice %arg4[%add3A_1042, %dma_wait3A_1050, %dma_wait3A_1051] : memref<16384x50x64xf32, #tpu.memory_space<hbm>> -> memref<1x50x64xf32, #tpu.memory_space<hbm>>
    %dma_wait3A_1053 = tpu.memref_squeeze %dma_wait3A_1052 : memref<1x50x64xf32, #tpu.memory_space<hbm>> -> memref<50x64xf32, #tpu.memory_space<hbm>>
    %dma_wait3A_1054 = arith.constant 150 : i32
    %dma_wait3A_1055 = arith.constant 0 : i32
    %dma_wait3A_1056 = tpu.memref_slice %arg7[%dma_wait3A_1054, %dma_wait3A_1055] : memref<400x64xf32, #tpu.memory_space<vmem>> -> memref<50x64xf32, #tpu.memory_space<vmem>>
    tpu.wait_dma2 semaphore(%arg15 : memref<!tpu.dma_semaphore, #tpu.memory_space<semaphore_mem>>) src(%dma_wait3A_1056 : memref<50x64xf32, #tpu.memory_space<vmem>>) dst(%dma_wait3A_1053 : memref<50x64xf32, #tpu.memory_space<hbm>>)
    %add3A_1057 = arith.constant 488 : i32
    %add3A_1058 = arith.addi %mul3A_4, %add3A_1057 : i32
    %add3A_1059 = arith.constant 4 : i32
    %add3A_1060 = arith.addi %add3A_1058, %add3A_1059 : i32
    %dma_wait3A_1061 = arith.constant 200 : i32
    %dma_wait3A_1062 = arith.constant 0 : i32
    %dma_wait3A_1063 = tpu.memref_slice %arg7[%dma_wait3A_1061, %dma_wait3A_1062] : memref<400x64xf32, #tpu.memory_space<vmem>> -> memref<50x64xf32, #tpu.memory_space<vmem>>
    %dma_wait3A_1064 = arith.constant 0 : i32
    %dma_wait3A_1065 = arith.constant 0 : i32
    %dma_wait3A_1066 = tpu.memref_slice %arg4[%add3A_1060, %dma_wait3A_1064, %dma_wait3A_1065] : memref<16384x50x64xf32, #tpu.memory_space<hbm>> -> memref<1x50x64xf32, #tpu.memory_space<hbm>>
    %dma_wait3A_1067 = tpu.memref_squeeze %dma_wait3A_1066 : memref<1x50x64xf32, #tpu.memory_space<hbm>> -> memref<50x64xf32, #tpu.memory_space<hbm>>
    %dma_wait3A_1068 = arith.constant 0 : i32
    %dma_wait3A_1069 = arith.constant 0 : i32
    %dma_wait3A_1070 = tpu.memref_slice %arg4[%add3A_1060, %dma_wait3A_1068, %dma_wait3A_1069] : memref<16384x50x64xf32, #tpu.memory_space<hbm>> -> memref<1x50x64xf32, #tpu.memory_space<hbm>>
    %dma_wait3A_1071 = tpu.memref_squeeze %dma_wait3A_1070 : memref<1x50x64xf32, #tpu.memory_space<hbm>> -> memref<50x64xf32, #tpu.memory_space<hbm>>
    %dma_wait3A_1072 = arith.constant 200 : i32
    %dma_wait3A_1073 = arith.constant 0 : i32
    %dma_wait3A_1074 = tpu.memref_slice %arg7[%dma_wait3A_1072, %dma_wait3A_1073] : memref<400x64xf32, #tpu.memory_space<vmem>> -> memref<50x64xf32, #tpu.memory_space<vmem>>
    tpu.wait_dma2 semaphore(%arg15 : memref<!tpu.dma_semaphore, #tpu.memory_space<semaphore_mem>>) src(%dma_wait3A_1074 : memref<50x64xf32, #tpu.memory_space<vmem>>) dst(%dma_wait3A_1071 : memref<50x64xf32, #tpu.memory_space<hbm>>)
    %add3A_1075 = arith.constant 488 : i32
    %add3A_1076 = arith.addi %mul3A_4, %add3A_1075 : i32
    %add3A_1077 = arith.constant 5 : i32
    %add3A_1078 = arith.addi %add3A_1076, %add3A_1077 : i32
    %dma_wait3A_1079 = arith.constant 250 : i32
    %dma_wait3A_1080 = arith.constant 0 : i32
    %dma_wait3A_1081 = tpu.memref_slice %arg7[%dma_wait3A_1079, %dma_wait3A_1080] : memref<400x64xf32, #tpu.memory_space<vmem>> -> memref<50x64xf32, #tpu.memory_space<vmem>>
    %dma_wait3A_1082 = arith.constant 0 : i32
    %dma_wait3A_1083 = arith.constant 0 : i32
    %dma_wait3A_1084 = tpu.memref_slice %arg4[%add3A_1078, %dma_wait3A_1082, %dma_wait3A_1083] : memref<16384x50x64xf32, #tpu.memory_space<hbm>> -> memref<1x50x64xf32, #tpu.memory_space<hbm>>
    %dma_wait3A_1085 = tpu.memref_squeeze %dma_wait3A_1084 : memref<1x50x64xf32, #tpu.memory_space<hbm>> -> memref<50x64xf32, #tpu.memory_space<hbm>>
    %dma_wait3A_1086 = arith.constant 0 : i32
    %dma_wait3A_1087 = arith.constant 0 : i32
    %dma_wait3A_1088 = tpu.memref_slice %arg4[%add3A_1078, %dma_wait3A_1086, %dma_wait3A_1087] : memref<16384x50x64xf32, #tpu.memory_space<hbm>> -> memref<1x50x64xf32, #tpu.memory_space<hbm>>
    %dma_wait3A_1089 = tpu.memref_squeeze %dma_wait3A_1088 : memref<1x50x64xf32, #tpu.memory_space<hbm>> -> memref<50x64xf32, #tpu.memory_space<hbm>>
    %dma_wait3A_1090 = arith.constant 250 : i32
    %dma_wait3A_1091 = arith.constant 0 : i32
    %dma_wait3A_1092 = tpu.memref_slice %arg7[%dma_wait3A_1090, %dma_wait3A_1091] : memref<400x64xf32, #tpu.memory_space<vmem>> -> memref<50x64xf32, #tpu.memory_space<vmem>>
    tpu.wait_dma2 semaphore(%arg15 : memref<!tpu.dma_semaphore, #tpu.memory_space<semaphore_mem>>) src(%dma_wait3A_1092 : memref<50x64xf32, #tpu.memory_space<vmem>>) dst(%dma_wait3A_1089 : memref<50x64xf32, #tpu.memory_space<hbm>>)
    %add3A_1093 = arith.constant 488 : i32
    %add3A_1094 = arith.addi %mul3A_4, %add3A_1093 : i32
    %add3A_1095 = arith.constant 6 : i32
    %add3A_1096 = arith.addi %add3A_1094, %add3A_1095 : i32
    %dma_wait3A_1097 = arith.constant 300 : i32
    %dma_wait3A_1098 = arith.constant 0 : i32
    %dma_wait3A_1099 = tpu.memref_slice %arg7[%dma_wait3A_1097, %dma_wait3A_1098] : memref<400x64xf32, #tpu.memory_space<vmem>> -> memref<50x64xf32, #tpu.memory_space<vmem>>
    %dma_wait3A_1100 = arith.constant 0 : i32
    %dma_wait3A_1101 = arith.constant 0 : i32
    %dma_wait3A_1102 = tpu.memref_slice %arg4[%add3A_1096, %dma_wait3A_1100, %dma_wait3A_1101] : memref<16384x50x64xf32, #tpu.memory_space<hbm>> -> memref<1x50x64xf32, #tpu.memory_space<hbm>>
    %dma_wait3A_1103 = tpu.memref_squeeze %dma_wait3A_1102 : memref<1x50x64xf32, #tpu.memory_space<hbm>> -> memref<50x64xf32, #tpu.memory_space<hbm>>
    %dma_wait3A_1104 = arith.constant 0 : i32
    %dma_wait3A_1105 = arith.constant 0 : i32
    %dma_wait3A_1106 = tpu.memref_slice %arg4[%add3A_1096, %dma_wait3A_1104, %dma_wait3A_1105] : memref<16384x50x64xf32, #tpu.memory_space<hbm>> -> memref<1x50x64xf32, #tpu.memory_space<hbm>>
    %dma_wait3A_1107 = tpu.memref_squeeze %dma_wait3A_1106 : memref<1x50x64xf32, #tpu.memory_space<hbm>> -> memref<50x64xf32, #tpu.memory_space<hbm>>
    %dma_wait3A_1108 = arith.constant 300 : i32
    %dma_wait3A_1109 = arith.constant 0 : i32
    %dma_wait3A_1110 = tpu.memref_slice %arg7[%dma_wait3A_1108, %dma_wait3A_1109] : memref<400x64xf32, #tpu.memory_space<vmem>> -> memref<50x64xf32, #tpu.memory_space<vmem>>
    tpu.wait_dma2 semaphore(%arg15 : memref<!tpu.dma_semaphore, #tpu.memory_space<semaphore_mem>>) src(%dma_wait3A_1110 : memref<50x64xf32, #tpu.memory_space<vmem>>) dst(%dma_wait3A_1107 : memref<50x64xf32, #tpu.memory_space<hbm>>)
    %add3A_1111 = arith.constant 488 : i32
    %add3A_1112 = arith.addi %mul3A_4, %add3A_1111 : i32
    %add3A_1113 = arith.constant 7 : i32
    %add3A_1114 = arith.addi %add3A_1112, %add3A_1113 : i32
    %dma_wait3A_1115 = arith.constant 350 : i32
    %dma_wait3A_1116 = arith.constant 0 : i32
    %dma_wait3A_1117 = tpu.memref_slice %arg7[%dma_wait3A_1115, %dma_wait3A_1116] : memref<400x64xf32, #tpu.memory_space<vmem>> -> memref<50x64xf32, #tpu.memory_space<vmem>>
    %dma_wait3A_1118 = arith.constant 0 : i32
    %dma_wait3A_1119 = arith.constant 0 : i32
    %dma_wait3A_1120 = tpu.memref_slice %arg4[%add3A_1114, %dma_wait3A_1118, %dma_wait3A_1119] : memref<16384x50x64xf32, #tpu.memory_space<hbm>> -> memref<1x50x64xf32, #tpu.memory_space<hbm>>
    %dma_wait3A_1121 = tpu.memref_squeeze %dma_wait3A_1120 : memref<1x50x64xf32, #tpu.memory_space<hbm>> -> memref<50x64xf32, #tpu.memory_space<hbm>>
    %dma_wait3A_1122 = arith.constant 0 : i32
    %dma_wait3A_1123 = arith.constant 0 : i32
    %dma_wait3A_1124 = tpu.memref_slice %arg4[%add3A_1114, %dma_wait3A_1122, %dma_wait3A_1123] : memref<16384x50x64xf32, #tpu.memory_space<hbm>> -> memref<1x50x64xf32, #tpu.memory_space<hbm>>
    %dma_wait3A_1125 = tpu.memref_squeeze %dma_wait3A_1124 : memref<1x50x64xf32, #tpu.memory_space<hbm>> -> memref<50x64xf32, #tpu.memory_space<hbm>>
    %dma_wait3A_1126 = arith.constant 350 : i32
    %dma_wait3A_1127 = arith.constant 0 : i32
    %dma_wait3A_1128 = tpu.memref_slice %arg7[%dma_wait3A_1126, %dma_wait3A_1127] : memref<400x64xf32, #tpu.memory_space<vmem>> -> memref<50x64xf32, #tpu.memory_space<vmem>>
    tpu.wait_dma2 semaphore(%arg15 : memref<!tpu.dma_semaphore, #tpu.memory_space<semaphore_mem>>) src(%dma_wait3A_1128 : memref<50x64xf32, #tpu.memory_space<vmem>>) dst(%dma_wait3A_1125 : memref<50x64xf32, #tpu.memory_space<hbm>>)
    %add3A_1129 = arith.constant 496 : i32
    %add3A_1130 = arith.addi %mul3A_4, %add3A_1129 : i32
    %add3A_1131 = arith.constant 0 : i32
    %add3A_1132 = arith.addi %add3A_1130, %add3A_1131 : i32
    %dma_wait3A_1133 = arith.constant 0 : i32
    %dma_wait3A_1134 = arith.constant 0 : i32
    %dma_wait3A_1135 = tpu.memref_slice %arg8[%dma_wait3A_1133, %dma_wait3A_1134] : memref<400x64xf32, #tpu.memory_space<vmem>> -> memref<50x64xf32, #tpu.memory_space<vmem>>
    %dma_wait3A_1136 = arith.constant 0 : i32
    %dma_wait3A_1137 = arith.constant 0 : i32
    %dma_wait3A_1138 = tpu.memref_slice %arg4[%add3A_1132, %dma_wait3A_1136, %dma_wait3A_1137] : memref<16384x50x64xf32, #tpu.memory_space<hbm>> -> memref<1x50x64xf32, #tpu.memory_space<hbm>>
    %dma_wait3A_1139 = tpu.memref_squeeze %dma_wait3A_1138 : memref<1x50x64xf32, #tpu.memory_space<hbm>> -> memref<50x64xf32, #tpu.memory_space<hbm>>
    %dma_wait3A_1140 = arith.constant 0 : i32
    %dma_wait3A_1141 = arith.constant 0 : i32
    %dma_wait3A_1142 = tpu.memref_slice %arg4[%add3A_1132, %dma_wait3A_1140, %dma_wait3A_1141] : memref<16384x50x64xf32, #tpu.memory_space<hbm>> -> memref<1x50x64xf32, #tpu.memory_space<hbm>>
    %dma_wait3A_1143 = tpu.memref_squeeze %dma_wait3A_1142 : memref<1x50x64xf32, #tpu.memory_space<hbm>> -> memref<50x64xf32, #tpu.memory_space<hbm>>
    %dma_wait3A_1144 = arith.constant 0 : i32
    %dma_wait3A_1145 = arith.constant 0 : i32
    %dma_wait3A_1146 = tpu.memref_slice %arg8[%dma_wait3A_1144, %dma_wait3A_1145] : memref<400x64xf32, #tpu.memory_space<vmem>> -> memref<50x64xf32, #tpu.memory_space<vmem>>
    tpu.wait_dma2 semaphore(%arg16 : memref<!tpu.dma_semaphore, #tpu.memory_space<semaphore_mem>>) src(%dma_wait3A_1146 : memref<50x64xf32, #tpu.memory_space<vmem>>) dst(%dma_wait3A_1143 : memref<50x64xf32, #tpu.memory_space<hbm>>)
    %add3A_1147 = arith.constant 496 : i32
    %add3A_1148 = arith.addi %mul3A_4, %add3A_1147 : i32
    %add3A_1149 = arith.constant 1 : i32
    %add3A_1150 = arith.addi %add3A_1148, %add3A_1149 : i32
    %dma_wait3A_1151 = arith.constant 50 : i32
    %dma_wait3A_1152 = arith.constant 0 : i32
    %dma_wait3A_1153 = tpu.memref_slice %arg8[%dma_wait3A_1151, %dma_wait3A_1152] : memref<400x64xf32, #tpu.memory_space<vmem>> -> memref<50x64xf32, #tpu.memory_space<vmem>>
    %dma_wait3A_1154 = arith.constant 0 : i32
    %dma_wait3A_1155 = arith.constant 0 : i32
    %dma_wait3A_1156 = tpu.memref_slice %arg4[%add3A_1150, %dma_wait3A_1154, %dma_wait3A_1155] : memref<16384x50x64xf32, #tpu.memory_space<hbm>> -> memref<1x50x64xf32, #tpu.memory_space<hbm>>
    %dma_wait3A_1157 = tpu.memref_squeeze %dma_wait3A_1156 : memref<1x50x64xf32, #tpu.memory_space<hbm>> -> memref<50x64xf32, #tpu.memory_space<hbm>>
    %dma_wait3A_1158 = arith.constant 0 : i32
    %dma_wait3A_1159 = arith.constant 0 : i32
    %dma_wait3A_1160 = tpu.memref_slice %arg4[%add3A_1150, %dma_wait3A_1158, %dma_wait3A_1159] : memref<16384x50x64xf32, #tpu.memory_space<hbm>> -> memref<1x50x64xf32, #tpu.memory_space<hbm>>
    %dma_wait3A_1161 = tpu.memref_squeeze %dma_wait3A_1160 : memref<1x50x64xf32, #tpu.memory_space<hbm>> -> memref<50x64xf32, #tpu.memory_space<hbm>>
    %dma_wait3A_1162 = arith.constant 50 : i32
    %dma_wait3A_1163 = arith.constant 0 : i32
    %dma_wait3A_1164 = tpu.memref_slice %arg8[%dma_wait3A_1162, %dma_wait3A_1163] : memref<400x64xf32, #tpu.memory_space<vmem>> -> memref<50x64xf32, #tpu.memory_space<vmem>>
    tpu.wait_dma2 semaphore(%arg16 : memref<!tpu.dma_semaphore, #tpu.memory_space<semaphore_mem>>) src(%dma_wait3A_1164 : memref<50x64xf32, #tpu.memory_space<vmem>>) dst(%dma_wait3A_1161 : memref<50x64xf32, #tpu.memory_space<hbm>>)
    %add3A_1165 = arith.constant 496 : i32
    %add3A_1166 = arith.addi %mul3A_4, %add3A_1165 : i32
    %add3A_1167 = arith.constant 2 : i32
    %add3A_1168 = arith.addi %add3A_1166, %add3A_1167 : i32
    %dma_wait3A_1169 = arith.constant 100 : i32
    %dma_wait3A_1170 = arith.constant 0 : i32
    %dma_wait3A_1171 = tpu.memref_slice %arg8[%dma_wait3A_1169, %dma_wait3A_1170] : memref<400x64xf32, #tpu.memory_space<vmem>> -> memref<50x64xf32, #tpu.memory_space<vmem>>
    %dma_wait3A_1172 = arith.constant 0 : i32
    %dma_wait3A_1173 = arith.constant 0 : i32
    %dma_wait3A_1174 = tpu.memref_slice %arg4[%add3A_1168, %dma_wait3A_1172, %dma_wait3A_1173] : memref<16384x50x64xf32, #tpu.memory_space<hbm>> -> memref<1x50x64xf32, #tpu.memory_space<hbm>>
    %dma_wait3A_1175 = tpu.memref_squeeze %dma_wait3A_1174 : memref<1x50x64xf32, #tpu.memory_space<hbm>> -> memref<50x64xf32, #tpu.memory_space<hbm>>
    %dma_wait3A_1176 = arith.constant 0 : i32
    %dma_wait3A_1177 = arith.constant 0 : i32
    %dma_wait3A_1178 = tpu.memref_slice %arg4[%add3A_1168, %dma_wait3A_1176, %dma_wait3A_1177] : memref<16384x50x64xf32, #tpu.memory_space<hbm>> -> memref<1x50x64xf32, #tpu.memory_space<hbm>>
    %dma_wait3A_1179 = tpu.memref_squeeze %dma_wait3A_1178 : memref<1x50x64xf32, #tpu.memory_space<hbm>> -> memref<50x64xf32, #tpu.memory_space<hbm>>
    %dma_wait3A_1180 = arith.constant 100 : i32
    %dma_wait3A_1181 = arith.constant 0 : i32
    %dma_wait3A_1182 = tpu.memref_slice %arg8[%dma_wait3A_1180, %dma_wait3A_1181] : memref<400x64xf32, #tpu.memory_space<vmem>> -> memref<50x64xf32, #tpu.memory_space<vmem>>
    tpu.wait_dma2 semaphore(%arg16 : memref<!tpu.dma_semaphore, #tpu.memory_space<semaphore_mem>>) src(%dma_wait3A_1182 : memref<50x64xf32, #tpu.memory_space<vmem>>) dst(%dma_wait3A_1179 : memref<50x64xf32, #tpu.memory_space<hbm>>)
    %add3A_1183 = arith.constant 496 : i32
    %add3A_1184 = arith.addi %mul3A_4, %add3A_1183 : i32
    %add3A_1185 = arith.constant 3 : i32
    %add3A_1186 = arith.addi %add3A_1184, %add3A_1185 : i32
    %dma_wait3A_1187 = arith.constant 150 : i32
    %dma_wait3A_1188 = arith.constant 0 : i32
    %dma_wait3A_1189 = tpu.memref_slice %arg8[%dma_wait3A_1187, %dma_wait3A_1188] : memref<400x64xf32, #tpu.memory_space<vmem>> -> memref<50x64xf32, #tpu.memory_space<vmem>>
    %dma_wait3A_1190 = arith.constant 0 : i32
    %dma_wait3A_1191 = arith.constant 0 : i32
    %dma_wait3A_1192 = tpu.memref_slice %arg4[%add3A_1186, %dma_wait3A_1190, %dma_wait3A_1191] : memref<16384x50x64xf32, #tpu.memory_space<hbm>> -> memref<1x50x64xf32, #tpu.memory_space<hbm>>
    %dma_wait3A_1193 = tpu.memref_squeeze %dma_wait3A_1192 : memref<1x50x64xf32, #tpu.memory_space<hbm>> -> memref<50x64xf32, #tpu.memory_space<hbm>>
    %dma_wait3A_1194 = arith.constant 0 : i32
    %dma_wait3A_1195 = arith.constant 0 : i32
    %dma_wait3A_1196 = tpu.memref_slice %arg4[%add3A_1186, %dma_wait3A_1194, %dma_wait3A_1195] : memref<16384x50x64xf32, #tpu.memory_space<hbm>> -> memref<1x50x64xf32, #tpu.memory_space<hbm>>
    %dma_wait3A_1197 = tpu.memref_squeeze %dma_wait3A_1196 : memref<1x50x64xf32, #tpu.memory_space<hbm>> -> memref<50x64xf32, #tpu.memory_space<hbm>>
    %dma_wait3A_1198 = arith.constant 150 : i32
    %dma_wait3A_1199 = arith.constant 0 : i32
    %dma_wait3A_1200 = tpu.memref_slice %arg8[%dma_wait3A_1198, %dma_wait3A_1199] : memref<400x64xf32, #tpu.memory_space<vmem>> -> memref<50x64xf32, #tpu.memory_space<vmem>>
    tpu.wait_dma2 semaphore(%arg16 : memref<!tpu.dma_semaphore, #tpu.memory_space<semaphore_mem>>) src(%dma_wait3A_1200 : memref<50x64xf32, #tpu.memory_space<vmem>>) dst(%dma_wait3A_1197 : memref<50x64xf32, #tpu.memory_space<hbm>>)
    %add3A_1201 = arith.constant 496 : i32
    %add3A_1202 = arith.addi %mul3A_4, %add3A_1201 : i32
    %add3A_1203 = arith.constant 4 : i32
    %add3A_1204 = arith.addi %add3A_1202, %add3A_1203 : i32
    %dma_wait3A_1205 = arith.constant 200 : i32
    %dma_wait3A_1206 = arith.constant 0 : i32
    %dma_wait3A_1207 = tpu.memref_slice %arg8[%dma_wait3A_1205, %dma_wait3A_1206] : memref<400x64xf32, #tpu.memory_space<vmem>> -> memref<50x64xf32, #tpu.memory_space<vmem>>
    %dma_wait3A_1208 = arith.constant 0 : i32
    %dma_wait3A_1209 = arith.constant 0 : i32
    %dma_wait3A_1210 = tpu.memref_slice %arg4[%add3A_1204, %dma_wait3A_1208, %dma_wait3A_1209] : memref<16384x50x64xf32, #tpu.memory_space<hbm>> -> memref<1x50x64xf32, #tpu.memory_space<hbm>>
    %dma_wait3A_1211 = tpu.memref_squeeze %dma_wait3A_1210 : memref<1x50x64xf32, #tpu.memory_space<hbm>> -> memref<50x64xf32, #tpu.memory_space<hbm>>
    %dma_wait3A_1212 = arith.constant 0 : i32
    %dma_wait3A_1213 = arith.constant 0 : i32
    %dma_wait3A_1214 = tpu.memref_slice %arg4[%add3A_1204, %dma_wait3A_1212, %dma_wait3A_1213] : memref<16384x50x64xf32, #tpu.memory_space<hbm>> -> memref<1x50x64xf32, #tpu.memory_space<hbm>>
    %dma_wait3A_1215 = tpu.memref_squeeze %dma_wait3A_1214 : memref<1x50x64xf32, #tpu.memory_space<hbm>> -> memref<50x64xf32, #tpu.memory_space<hbm>>
    %dma_wait3A_1216 = arith.constant 200 : i32
    %dma_wait3A_1217 = arith.constant 0 : i32
    %dma_wait3A_1218 = tpu.memref_slice %arg8[%dma_wait3A_1216, %dma_wait3A_1217] : memref<400x64xf32, #tpu.memory_space<vmem>> -> memref<50x64xf32, #tpu.memory_space<vmem>>
    tpu.wait_dma2 semaphore(%arg16 : memref<!tpu.dma_semaphore, #tpu.memory_space<semaphore_mem>>) src(%dma_wait3A_1218 : memref<50x64xf32, #tpu.memory_space<vmem>>) dst(%dma_wait3A_1215 : memref<50x64xf32, #tpu.memory_space<hbm>>)
    %add3A_1219 = arith.constant 496 : i32
    %add3A_1220 = arith.addi %mul3A_4, %add3A_1219 : i32
    %add3A_1221 = arith.constant 5 : i32
    %add3A_1222 = arith.addi %add3A_1220, %add3A_1221 : i32
    %dma_wait3A_1223 = arith.constant 250 : i32
    %dma_wait3A_1224 = arith.constant 0 : i32
    %dma_wait3A_1225 = tpu.memref_slice %arg8[%dma_wait3A_1223, %dma_wait3A_1224] : memref<400x64xf32, #tpu.memory_space<vmem>> -> memref<50x64xf32, #tpu.memory_space<vmem>>
    %dma_wait3A_1226 = arith.constant 0 : i32
    %dma_wait3A_1227 = arith.constant 0 : i32
    %dma_wait3A_1228 = tpu.memref_slice %arg4[%add3A_1222, %dma_wait3A_1226, %dma_wait3A_1227] : memref<16384x50x64xf32, #tpu.memory_space<hbm>> -> memref<1x50x64xf32, #tpu.memory_space<hbm>>
    %dma_wait3A_1229 = tpu.memref_squeeze %dma_wait3A_1228 : memref<1x50x64xf32, #tpu.memory_space<hbm>> -> memref<50x64xf32, #tpu.memory_space<hbm>>
    %dma_wait3A_1230 = arith.constant 0 : i32
    %dma_wait3A_1231 = arith.constant 0 : i32
    %dma_wait3A_1232 = tpu.memref_slice %arg4[%add3A_1222, %dma_wait3A_1230, %dma_wait3A_1231] : memref<16384x50x64xf32, #tpu.memory_space<hbm>> -> memref<1x50x64xf32, #tpu.memory_space<hbm>>
    %dma_wait3A_1233 = tpu.memref_squeeze %dma_wait3A_1232 : memref<1x50x64xf32, #tpu.memory_space<hbm>> -> memref<50x64xf32, #tpu.memory_space<hbm>>
    %dma_wait3A_1234 = arith.constant 250 : i32
    %dma_wait3A_1235 = arith.constant 0 : i32
    %dma_wait3A_1236 = tpu.memref_slice %arg8[%dma_wait3A_1234, %dma_wait3A_1235] : memref<400x64xf32, #tpu.memory_space<vmem>> -> memref<50x64xf32, #tpu.memory_space<vmem>>
    tpu.wait_dma2 semaphore(%arg16 : memref<!tpu.dma_semaphore, #tpu.memory_space<semaphore_mem>>) src(%dma_wait3A_1236 : memref<50x64xf32, #tpu.memory_space<vmem>>) dst(%dma_wait3A_1233 : memref<50x64xf32, #tpu.memory_space<hbm>>)
    %add3A_1237 = arith.constant 496 : i32
    %add3A_1238 = arith.addi %mul3A_4, %add3A_1237 : i32
    %add3A_1239 = arith.constant 6 : i32
    %add3A_1240 = arith.addi %add3A_1238, %add3A_1239 : i32
    %dma_wait3A_1241 = arith.constant 300 : i32
    %dma_wait3A_1242 = arith.constant 0 : i32
    %dma_wait3A_1243 = tpu.memref_slice %arg8[%dma_wait3A_1241, %dma_wait3A_1242] : memref<400x64xf32, #tpu.memory_space<vmem>> -> memref<50x64xf32, #tpu.memory_space<vmem>>
    %dma_wait3A_1244 = arith.constant 0 : i32
    %dma_wait3A_1245 = arith.constant 0 : i32
    %dma_wait3A_1246 = tpu.memref_slice %arg4[%add3A_1240, %dma_wait3A_1244, %dma_wait3A_1245] : memref<16384x50x64xf32, #tpu.memory_space<hbm>> -> memref<1x50x64xf32, #tpu.memory_space<hbm>>
    %dma_wait3A_1247 = tpu.memref_squeeze %dma_wait3A_1246 : memref<1x50x64xf32, #tpu.memory_space<hbm>> -> memref<50x64xf32, #tpu.memory_space<hbm>>
    %dma_wait3A_1248 = arith.constant 0 : i32
    %dma_wait3A_1249 = arith.constant 0 : i32
    %dma_wait3A_1250 = tpu.memref_slice %arg4[%add3A_1240, %dma_wait3A_1248, %dma_wait3A_1249] : memref<16384x50x64xf32, #tpu.memory_space<hbm>> -> memref<1x50x64xf32, #tpu.memory_space<hbm>>
    %dma_wait3A_1251 = tpu.memref_squeeze %dma_wait3A_1250 : memref<1x50x64xf32, #tpu.memory_space<hbm>> -> memref<50x64xf32, #tpu.memory_space<hbm>>
    %dma_wait3A_1252 = arith.constant 300 : i32
    %dma_wait3A_1253 = arith.constant 0 : i32
    %dma_wait3A_1254 = tpu.memref_slice %arg8[%dma_wait3A_1252, %dma_wait3A_1253] : memref<400x64xf32, #tpu.memory_space<vmem>> -> memref<50x64xf32, #tpu.memory_space<vmem>>
    tpu.wait_dma2 semaphore(%arg16 : memref<!tpu.dma_semaphore, #tpu.memory_space<semaphore_mem>>) src(%dma_wait3A_1254 : memref<50x64xf32, #tpu.memory_space<vmem>>) dst(%dma_wait3A_1251 : memref<50x64xf32, #tpu.memory_space<hbm>>)
    %add3A_1255 = arith.constant 496 : i32
    %add3A_1256 = arith.addi %mul3A_4, %add3A_1255 : i32
    %add3A_1257 = arith.constant 7 : i32
    %add3A_1258 = arith.addi %add3A_1256, %add3A_1257 : i32
    %dma_wait3A_1259 = arith.constant 350 : i32
    %dma_wait3A_1260 = arith.constant 0 : i32
    %dma_wait3A_1261 = tpu.memref_slice %arg8[%dma_wait3A_1259, %dma_wait3A_1260] : memref<400x64xf32, #tpu.memory_space<vmem>> -> memref<50x64xf32, #tpu.memory_space<vmem>>
    %dma_wait3A_1262 = arith.constant 0 : i32
    %dma_wait3A_1263 = arith.constant 0 : i32
    %dma_wait3A_1264 = tpu.memref_slice %arg4[%add3A_1258, %dma_wait3A_1262, %dma_wait3A_1263] : memref<16384x50x64xf32, #tpu.memory_space<hbm>> -> memref<1x50x64xf32, #tpu.memory_space<hbm>>
    %dma_wait3A_1265 = tpu.memref_squeeze %dma_wait3A_1264 : memref<1x50x64xf32, #tpu.memory_space<hbm>> -> memref<50x64xf32, #tpu.memory_space<hbm>>
    %dma_wait3A_1266 = arith.constant 0 : i32
    %dma_wait3A_1267 = arith.constant 0 : i32
    %dma_wait3A_1268 = tpu.memref_slice %arg4[%add3A_1258, %dma_wait3A_1266, %dma_wait3A_1267] : memref<16384x50x64xf32, #tpu.memory_space<hbm>> -> memref<1x50x64xf32, #tpu.memory_space<hbm>>
    %dma_wait3A_1269 = tpu.memref_squeeze %dma_wait3A_1268 : memref<1x50x64xf32, #tpu.memory_space<hbm>> -> memref<50x64xf32, #tpu.memory_space<hbm>>
    %dma_wait3A_1270 = arith.constant 350 : i32
    %dma_wait3A_1271 = arith.constant 0 : i32
    %dma_wait3A_1272 = tpu.memref_slice %arg8[%dma_wait3A_1270, %dma_wait3A_1271] : memref<400x64xf32, #tpu.memory_space<vmem>> -> memref<50x64xf32, #tpu.memory_space<vmem>>
    tpu.wait_dma2 semaphore(%arg16 : memref<!tpu.dma_semaphore, #tpu.memory_space<semaphore_mem>>) src(%dma_wait3A_1272 : memref<50x64xf32, #tpu.memory_space<vmem>>) dst(%dma_wait3A_1269 : memref<50x64xf32, #tpu.memory_space<hbm>>)
    %add3A_1273 = arith.constant 504 : i32
    %add3A_1274 = arith.addi %mul3A_4, %add3A_1273 : i32
    %add3A_1275 = arith.constant 0 : i32
    %add3A_1276 = arith.addi %add3A_1274, %add3A_1275 : i32
    %dma_wait3A_1277 = arith.constant 0 : i32
    %dma_wait3A_1278 = arith.constant 0 : i32
    %dma_wait3A_1279 = tpu.memref_slice %arg9[%dma_wait3A_1277, %dma_wait3A_1278] : memref<400x64xf32, #tpu.memory_space<vmem>> -> memref<50x64xf32, #tpu.memory_space<vmem>>
    %dma_wait3A_1280 = arith.constant 0 : i32
    %dma_wait3A_1281 = arith.constant 0 : i32
    %dma_wait3A_1282 = tpu.memref_slice %arg4[%add3A_1276, %dma_wait3A_1280, %dma_wait3A_1281] : memref<16384x50x64xf32, #tpu.memory_space<hbm>> -> memref<1x50x64xf32, #tpu.memory_space<hbm>>
    %dma_wait3A_1283 = tpu.memref_squeeze %dma_wait3A_1282 : memref<1x50x64xf32, #tpu.memory_space<hbm>> -> memref<50x64xf32, #tpu.memory_space<hbm>>
    %dma_wait3A_1284 = arith.constant 0 : i32
    %dma_wait3A_1285 = arith.constant 0 : i32
    %dma_wait3A_1286 = tpu.memref_slice %arg4[%add3A_1276, %dma_wait3A_1284, %dma_wait3A_1285] : memref<16384x50x64xf32, #tpu.memory_space<hbm>> -> memref<1x50x64xf32, #tpu.memory_space<hbm>>
    %dma_wait3A_1287 = tpu.memref_squeeze %dma_wait3A_1286 : memref<1x50x64xf32, #tpu.memory_space<hbm>> -> memref<50x64xf32, #tpu.memory_space<hbm>>
    %dma_wait3A_1288 = arith.constant 0 : i32
    %dma_wait3A_1289 = arith.constant 0 : i32
    %dma_wait3A_1290 = tpu.memref_slice %arg9[%dma_wait3A_1288, %dma_wait3A_1289] : memref<400x64xf32, #tpu.memory_space<vmem>> -> memref<50x64xf32, #tpu.memory_space<vmem>>
    tpu.wait_dma2 semaphore(%arg17 : memref<!tpu.dma_semaphore, #tpu.memory_space<semaphore_mem>>) src(%dma_wait3A_1290 : memref<50x64xf32, #tpu.memory_space<vmem>>) dst(%dma_wait3A_1287 : memref<50x64xf32, #tpu.memory_space<hbm>>)
    %add3A_1291 = arith.constant 504 : i32
    %add3A_1292 = arith.addi %mul3A_4, %add3A_1291 : i32
    %add3A_1293 = arith.constant 1 : i32
    %add3A_1294 = arith.addi %add3A_1292, %add3A_1293 : i32
    %dma_wait3A_1295 = arith.constant 50 : i32
    %dma_wait3A_1296 = arith.constant 0 : i32
    %dma_wait3A_1297 = tpu.memref_slice %arg9[%dma_wait3A_1295, %dma_wait3A_1296] : memref<400x64xf32, #tpu.memory_space<vmem>> -> memref<50x64xf32, #tpu.memory_space<vmem>>
    %dma_wait3A_1298 = arith.constant 0 : i32
    %dma_wait3A_1299 = arith.constant 0 : i32
    %dma_wait3A_1300 = tpu.memref_slice %arg4[%add3A_1294, %dma_wait3A_1298, %dma_wait3A_1299] : memref<16384x50x64xf32, #tpu.memory_space<hbm>> -> memref<1x50x64xf32, #tpu.memory_space<hbm>>
    %dma_wait3A_1301 = tpu.memref_squeeze %dma_wait3A_1300 : memref<1x50x64xf32, #tpu.memory_space<hbm>> -> memref<50x64xf32, #tpu.memory_space<hbm>>
    %dma_wait3A_1302 = arith.constant 0 : i32
    %dma_wait3A_1303 = arith.constant 0 : i32
    %dma_wait3A_1304 = tpu.memref_slice %arg4[%add3A_1294, %dma_wait3A_1302, %dma_wait3A_1303] : memref<16384x50x64xf32, #tpu.memory_space<hbm>> -> memref<1x50x64xf32, #tpu.memory_space<hbm>>
    %dma_wait3A_1305 = tpu.memref_squeeze %dma_wait3A_1304 : memref<1x50x64xf32, #tpu.memory_space<hbm>> -> memref<50x64xf32, #tpu.memory_space<hbm>>
    %dma_wait3A_1306 = arith.constant 50 : i32
    %dma_wait3A_1307 = arith.constant 0 : i32
    %dma_wait3A_1308 = tpu.memref_slice %arg9[%dma_wait3A_1306, %dma_wait3A_1307] : memref<400x64xf32, #tpu.memory_space<vmem>> -> memref<50x64xf32, #tpu.memory_space<vmem>>
    tpu.wait_dma2 semaphore(%arg17 : memref<!tpu.dma_semaphore, #tpu.memory_space<semaphore_mem>>) src(%dma_wait3A_1308 : memref<50x64xf32, #tpu.memory_space<vmem>>) dst(%dma_wait3A_1305 : memref<50x64xf32, #tpu.memory_space<hbm>>)
    %add3A_1309 = arith.constant 504 : i32
    %add3A_1310 = arith.addi %mul3A_4, %add3A_1309 : i32
    %add3A_1311 = arith.constant 2 : i32
    %add3A_1312 = arith.addi %add3A_1310, %add3A_1311 : i32
    %dma_wait3A_1313 = arith.constant 100 : i32
    %dma_wait3A_1314 = arith.constant 0 : i32
    %dma_wait3A_1315 = tpu.memref_slice %arg9[%dma_wait3A_1313, %dma_wait3A_1314] : memref<400x64xf32, #tpu.memory_space<vmem>> -> memref<50x64xf32, #tpu.memory_space<vmem>>
    %dma_wait3A_1316 = arith.constant 0 : i32
    %dma_wait3A_1317 = arith.constant 0 : i32
    %dma_wait3A_1318 = tpu.memref_slice %arg4[%add3A_1312, %dma_wait3A_1316, %dma_wait3A_1317] : memref<16384x50x64xf32, #tpu.memory_space<hbm>> -> memref<1x50x64xf32, #tpu.memory_space<hbm>>
    %dma_wait3A_1319 = tpu.memref_squeeze %dma_wait3A_1318 : memref<1x50x64xf32, #tpu.memory_space<hbm>> -> memref<50x64xf32, #tpu.memory_space<hbm>>
    %dma_wait3A_1320 = arith.constant 0 : i32
    %dma_wait3A_1321 = arith.constant 0 : i32
    %dma_wait3A_1322 = tpu.memref_slice %arg4[%add3A_1312, %dma_wait3A_1320, %dma_wait3A_1321] : memref<16384x50x64xf32, #tpu.memory_space<hbm>> -> memref<1x50x64xf32, #tpu.memory_space<hbm>>
    %dma_wait3A_1323 = tpu.memref_squeeze %dma_wait3A_1322 : memref<1x50x64xf32, #tpu.memory_space<hbm>> -> memref<50x64xf32, #tpu.memory_space<hbm>>
    %dma_wait3A_1324 = arith.constant 100 : i32
    %dma_wait3A_1325 = arith.constant 0 : i32
    %dma_wait3A_1326 = tpu.memref_slice %arg9[%dma_wait3A_1324, %dma_wait3A_1325] : memref<400x64xf32, #tpu.memory_space<vmem>> -> memref<50x64xf32, #tpu.memory_space<vmem>>
    tpu.wait_dma2 semaphore(%arg17 : memref<!tpu.dma_semaphore, #tpu.memory_space<semaphore_mem>>) src(%dma_wait3A_1326 : memref<50x64xf32, #tpu.memory_space<vmem>>) dst(%dma_wait3A_1323 : memref<50x64xf32, #tpu.memory_space<hbm>>)
    %add3A_1327 = arith.constant 504 : i32
    %add3A_1328 = arith.addi %mul3A_4, %add3A_1327 : i32
    %add3A_1329 = arith.constant 3 : i32
    %add3A_1330 = arith.addi %add3A_1328, %add3A_1329 : i32
    %dma_wait3A_1331 = arith.constant 150 : i32
    %dma_wait3A_1332 = arith.constant 0 : i32
    %dma_wait3A_1333 = tpu.memref_slice %arg9[%dma_wait3A_1331, %dma_wait3A_1332] : memref<400x64xf32, #tpu.memory_space<vmem>> -> memref<50x64xf32, #tpu.memory_space<vmem>>
    %dma_wait3A_1334 = arith.constant 0 : i32
    %dma_wait3A_1335 = arith.constant 0 : i32
    %dma_wait3A_1336 = tpu.memref_slice %arg4[%add3A_1330, %dma_wait3A_1334, %dma_wait3A_1335] : memref<16384x50x64xf32, #tpu.memory_space<hbm>> -> memref<1x50x64xf32, #tpu.memory_space<hbm>>
    %dma_wait3A_1337 = tpu.memref_squeeze %dma_wait3A_1336 : memref<1x50x64xf32, #tpu.memory_space<hbm>> -> memref<50x64xf32, #tpu.memory_space<hbm>>
    %dma_wait3A_1338 = arith.constant 0 : i32
    %dma_wait3A_1339 = arith.constant 0 : i32
    %dma_wait3A_1340 = tpu.memref_slice %arg4[%add3A_1330, %dma_wait3A_1338, %dma_wait3A_1339] : memref<16384x50x64xf32, #tpu.memory_space<hbm>> -> memref<1x50x64xf32, #tpu.memory_space<hbm>>
    %dma_wait3A_1341 = tpu.memref_squeeze %dma_wait3A_1340 : memref<1x50x64xf32, #tpu.memory_space<hbm>> -> memref<50x64xf32, #tpu.memory_space<hbm>>
    %dma_wait3A_1342 = arith.constant 150 : i32
    %dma_wait3A_1343 = arith.constant 0 : i32
    %dma_wait3A_1344 = tpu.memref_slice %arg9[%dma_wait3A_1342, %dma_wait3A_1343] : memref<400x64xf32, #tpu.memory_space<vmem>> -> memref<50x64xf32, #tpu.memory_space<vmem>>
    tpu.wait_dma2 semaphore(%arg17 : memref<!tpu.dma_semaphore, #tpu.memory_space<semaphore_mem>>) src(%dma_wait3A_1344 : memref<50x64xf32, #tpu.memory_space<vmem>>) dst(%dma_wait3A_1341 : memref<50x64xf32, #tpu.memory_space<hbm>>)
    %add3A_1345 = arith.constant 504 : i32
    %add3A_1346 = arith.addi %mul3A_4, %add3A_1345 : i32
    %add3A_1347 = arith.constant 4 : i32
    %add3A_1348 = arith.addi %add3A_1346, %add3A_1347 : i32
    %dma_wait3A_1349 = arith.constant 200 : i32
    %dma_wait3A_1350 = arith.constant 0 : i32
    %dma_wait3A_1351 = tpu.memref_slice %arg9[%dma_wait3A_1349, %dma_wait3A_1350] : memref<400x64xf32, #tpu.memory_space<vmem>> -> memref<50x64xf32, #tpu.memory_space<vmem>>
    %dma_wait3A_1352 = arith.constant 0 : i32
    %dma_wait3A_1353 = arith.constant 0 : i32
    %dma_wait3A_1354 = tpu.memref_slice %arg4[%add3A_1348, %dma_wait3A_1352, %dma_wait3A_1353] : memref<16384x50x64xf32, #tpu.memory_space<hbm>> -> memref<1x50x64xf32, #tpu.memory_space<hbm>>
    %dma_wait3A_1355 = tpu.memref_squeeze %dma_wait3A_1354 : memref<1x50x64xf32, #tpu.memory_space<hbm>> -> memref<50x64xf32, #tpu.memory_space<hbm>>
    %dma_wait3A_1356 = arith.constant 0 : i32
    %dma_wait3A_1357 = arith.constant 0 : i32
    %dma_wait3A_1358 = tpu.memref_slice %arg4[%add3A_1348, %dma_wait3A_1356, %dma_wait3A_1357] : memref<16384x50x64xf32, #tpu.memory_space<hbm>> -> memref<1x50x64xf32, #tpu.memory_space<hbm>>
    %dma_wait3A_1359 = tpu.memref_squeeze %dma_wait3A_1358 : memref<1x50x64xf32, #tpu.memory_space<hbm>> -> memref<50x64xf32, #tpu.memory_space<hbm>>
    %dma_wait3A_1360 = arith.constant 200 : i32
    %dma_wait3A_1361 = arith.constant 0 : i32
    %dma_wait3A_1362 = tpu.memref_slice %arg9[%dma_wait3A_1360, %dma_wait3A_1361] : memref<400x64xf32, #tpu.memory_space<vmem>> -> memref<50x64xf32, #tpu.memory_space<vmem>>
    tpu.wait_dma2 semaphore(%arg17 : memref<!tpu.dma_semaphore, #tpu.memory_space<semaphore_mem>>) src(%dma_wait3A_1362 : memref<50x64xf32, #tpu.memory_space<vmem>>) dst(%dma_wait3A_1359 : memref<50x64xf32, #tpu.memory_space<hbm>>)
    %add3A_1363 = arith.constant 504 : i32
    %add3A_1364 = arith.addi %mul3A_4, %add3A_1363 : i32
    %add3A_1365 = arith.constant 5 : i32
    %add3A_1366 = arith.addi %add3A_1364, %add3A_1365 : i32
    %dma_wait3A_1367 = arith.constant 250 : i32
    %dma_wait3A_1368 = arith.constant 0 : i32
    %dma_wait3A_1369 = tpu.memref_slice %arg9[%dma_wait3A_1367, %dma_wait3A_1368] : memref<400x64xf32, #tpu.memory_space<vmem>> -> memref<50x64xf32, #tpu.memory_space<vmem>>
    %dma_wait3A_1370 = arith.constant 0 : i32
    %dma_wait3A_1371 = arith.constant 0 : i32
    %dma_wait3A_1372 = tpu.memref_slice %arg4[%add3A_1366, %dma_wait3A_1370, %dma_wait3A_1371] : memref<16384x50x64xf32, #tpu.memory_space<hbm>> -> memref<1x50x64xf32, #tpu.memory_space<hbm>>
    %dma_wait3A_1373 = tpu.memref_squeeze %dma_wait3A_1372 : memref<1x50x64xf32, #tpu.memory_space<hbm>> -> memref<50x64xf32, #tpu.memory_space<hbm>>
    %dma_wait3A_1374 = arith.constant 0 : i32
    %dma_wait3A_1375 = arith.constant 0 : i32
    %dma_wait3A_1376 = tpu.memref_slice %arg4[%add3A_1366, %dma_wait3A_1374, %dma_wait3A_1375] : memref<16384x50x64xf32, #tpu.memory_space<hbm>> -> memref<1x50x64xf32, #tpu.memory_space<hbm>>
    %dma_wait3A_1377 = tpu.memref_squeeze %dma_wait3A_1376 : memref<1x50x64xf32, #tpu.memory_space<hbm>> -> memref<50x64xf32, #tpu.memory_space<hbm>>
    %dma_wait3A_1378 = arith.constant 250 : i32
    %dma_wait3A_1379 = arith.constant 0 : i32
    %dma_wait3A_1380 = tpu.memref_slice %arg9[%dma_wait3A_1378, %dma_wait3A_1379] : memref<400x64xf32, #tpu.memory_space<vmem>> -> memref<50x64xf32, #tpu.memory_space<vmem>>
    tpu.wait_dma2 semaphore(%arg17 : memref<!tpu.dma_semaphore, #tpu.memory_space<semaphore_mem>>) src(%dma_wait3A_1380 : memref<50x64xf32, #tpu.memory_space<vmem>>) dst(%dma_wait3A_1377 : memref<50x64xf32, #tpu.memory_space<hbm>>)
    %add3A_1381 = arith.constant 504 : i32
    %add3A_1382 = arith.addi %mul3A_4, %add3A_1381 : i32
    %add3A_1383 = arith.constant 6 : i32
    %add3A_1384 = arith.addi %add3A_1382, %add3A_1383 : i32
    %dma_wait3A_1385 = arith.constant 300 : i32
    %dma_wait3A_1386 = arith.constant 0 : i32
    %dma_wait3A_1387 = tpu.memref_slice %arg9[%dma_wait3A_1385, %dma_wait3A_1386] : memref<400x64xf32, #tpu.memory_space<vmem>> -> memref<50x64xf32, #tpu.memory_space<vmem>>
    %dma_wait3A_1388 = arith.constant 0 : i32
    %dma_wait3A_1389 = arith.constant 0 : i32
    %dma_wait3A_1390 = tpu.memref_slice %arg4[%add3A_1384, %dma_wait3A_1388, %dma_wait3A_1389] : memref<16384x50x64xf32, #tpu.memory_space<hbm>> -> memref<1x50x64xf32, #tpu.memory_space<hbm>>
    %dma_wait3A_1391 = tpu.memref_squeeze %dma_wait3A_1390 : memref<1x50x64xf32, #tpu.memory_space<hbm>> -> memref<50x64xf32, #tpu.memory_space<hbm>>
    %dma_wait3A_1392 = arith.constant 0 : i32
    %dma_wait3A_1393 = arith.constant 0 : i32
    %dma_wait3A_1394 = tpu.memref_slice %arg4[%add3A_1384, %dma_wait3A_1392, %dma_wait3A_1393] : memref<16384x50x64xf32, #tpu.memory_space<hbm>> -> memref<1x50x64xf32, #tpu.memory_space<hbm>>
    %dma_wait3A_1395 = tpu.memref_squeeze %dma_wait3A_1394 : memref<1x50x64xf32, #tpu.memory_space<hbm>> -> memref<50x64xf32, #tpu.memory_space<hbm>>
    %dma_wait3A_1396 = arith.constant 300 : i32
    %dma_wait3A_1397 = arith.constant 0 : i32
    %dma_wait3A_1398 = tpu.memref_slice %arg9[%dma_wait3A_1396, %dma_wait3A_1397] : memref<400x64xf32, #tpu.memory_space<vmem>> -> memref<50x64xf32, #tpu.memory_space<vmem>>
    tpu.wait_dma2 semaphore(%arg17 : memref<!tpu.dma_semaphore, #tpu.memory_space<semaphore_mem>>) src(%dma_wait3A_1398 : memref<50x64xf32, #tpu.memory_space<vmem>>) dst(%dma_wait3A_1395 : memref<50x64xf32, #tpu.memory_space<hbm>>)
    %add3A_1399 = arith.constant 504 : i32
    %add3A_1400 = arith.addi %mul3A_4, %add3A_1399 : i32
    %add3A_1401 = arith.constant 7 : i32
    %add3A_1402 = arith.addi %add3A_1400, %add3A_1401 : i32
    %dma_wait3A_1403 = arith.constant 350 : i32
    %dma_wait3A_1404 = arith.constant 0 : i32
    %dma_wait3A_1405 = tpu.memref_slice %arg9[%dma_wait3A_1403, %dma_wait3A_1404] : memref<400x64xf32, #tpu.memory_space<vmem>> -> memref<50x64xf32, #tpu.memory_space<vmem>>
    %dma_wait3A_1406 = arith.constant 0 : i32
    %dma_wait3A_1407 = arith.constant 0 : i32
    %dma_wait3A_1408 = tpu.memref_slice %arg4[%add3A_1402, %dma_wait3A_1406, %dma_wait3A_1407] : memref<16384x50x64xf32, #tpu.memory_space<hbm>> -> memref<1x50x64xf32, #tpu.memory_space<hbm>>
    %dma_wait3A_1409 = tpu.memref_squeeze %dma_wait3A_1408 : memref<1x50x64xf32, #tpu.memory_space<hbm>> -> memref<50x64xf32, #tpu.memory_space<hbm>>
    %dma_wait3A_1410 = arith.constant 0 : i32
    %dma_wait3A_1411 = arith.constant 0 : i32
    %dma_wait3A_1412 = tpu.memref_slice %arg4[%add3A_1402, %dma_wait3A_1410, %dma_wait3A_1411] : memref<16384x50x64xf32, #tpu.memory_space<hbm>> -> memref<1x50x64xf32, #tpu.memory_space<hbm>>
    %dma_wait3A_1413 = tpu.memref_squeeze %dma_wait3A_1412 : memref<1x50x64xf32, #tpu.memory_space<hbm>> -> memref<50x64xf32, #tpu.memory_space<hbm>>
    %dma_wait3A_1414 = arith.constant 350 : i32
    %dma_wait3A_1415 = arith.constant 0 : i32
    %dma_wait3A_1416 = tpu.memref_slice %arg9[%dma_wait3A_1414, %dma_wait3A_1415] : memref<400x64xf32, #tpu.memory_space<vmem>> -> memref<50x64xf32, #tpu.memory_space<vmem>>
    tpu.wait_dma2 semaphore(%arg17 : memref<!tpu.dma_semaphore, #tpu.memory_space<semaphore_mem>>) src(%dma_wait3A_1416 : memref<50x64xf32, #tpu.memory_space<vmem>>) dst(%dma_wait3A_1413 : memref<50x64xf32, #tpu.memory_space<hbm>>)
    return
  }
}

</mosaic_0001>

<sc_bundles>
// kernel: kernel.4.cloned.1.call-start
scs
__scs_entry_jumppad:
0x0: {  	(pc) =	sbr.rel $0x88, $3  }
0x1: {  	(tag) =	ssettag $0x0;
	lr =	simm.s32 $0x1  }
0x2: {  	[smem:$0x3F9F] =	sst lr;
	_ =	strace $0xD0000000  }
0x3: {  	_ = 	snop  }
0x4: {  	_ = 	snop  }
0x5: {  	_ = 	snop  }
0x6: {  	_ = 	snop  }
0x7: {  	_ = 	snop  }
__scs_overlays_trampoline_lowered:
0x8: {  	[smem:$0x3FAE] =	sst s0  }
0x9: {  	[smem:$0x3FAF] =	sst s1  }
0xa: {  	[smem:$0x3FB0] =	sst s2  }
0xb: {  	[smem:$0x3FB1] =	sst s3  }
0xc: {  	[smem:$0x3FB2] =	sst s4  }
0xd: {  	[smem:$0x3FB3] =	sst s5  }
0xe: {  	[smem:$0x3FB4] =	sst s6  }
0xf: {  	[smem:$0x3FB5] =	sst s7  }
0x10: {  	[smem:$0x3FB6] =	sst s8  }
0x11: {  	[smem:$0x3FB7] =	sst s9;
	s0 =	simm.s32 @!p0 $0x0  }
0x12: {  	s1 =	sld [smem:$0x3F9D];
	s0 =	simm.s32 @p0 $0x1  }
0x13: {  	[smem:$0x3FB8] =	sst s0;
	s0 =	simm.s32 @!p1 $0x0  }
0x14: {  	s2 =	sld [smem:$0x3F9C];
	s0 =	simm.s32 @p1 $0x1  }
0x15: {  	[smem:$0x3FB9] =	sst s0;
	s0 =	simm.s32 @!p2 $0x0  }
0x16: {  	s3 =	sld [smem:$0x3FDB];
	s0 =	simm.s32 @p2 $0x1  }
0x17: {  	s4 =	simm.s32 $0x1BF5;
	[smem:$0x3FBB] =	sst s0  }
0x18: {  	s0 =	sld [smem:$0x3F9E];
	_ =	swait.ge [sflag:s4], $0x0  }
0x19: {  	s7 =	sld [smem:$0x3F9F]  }
0x1a: {  	s8 =	sadd.s32 $0xFFFFE003, lr  }
0x1b: {  	s9 =	sadd.s32 $0xFFFFFEF7, lr;
	s5 =	simm.s32 $0xFFFFFFFF;
	p2 =	slt.u32 s8, $0xFFFFF086  }
0x1c: {  	p1 =	slt.u32 s9, $0xF7A;
	s5 =	simm.s32 @!p2 $0x0  }
0x1d: {  	s5 =	simm.s32 @p1 $0x1;
	p0 =	seq.s32 s7, s2  }
0x1e: {  	s7 =	smul.u32 @!p0 $0xF7A, s2;
	p2 =	seq.s32 @!p0 s5, $0x0  }
0x1f: {  	s9 =	smul.u32 $0xF7A, s1;
	s8 =	simm.s32 @!p0 $0x1BF5;
	p2 =	por !p2, p0  }
0x20: {  	[sflag:s8] =	ssyncset.s32 @!p0 $0xFFFFF086;
	s6 =	sadd.s32 @!p0 s3, s7;
	s7 =	simm.s32 @!p0 $0x108  }
0x21: {  	s3 =	sadd.s32 s3, s9;
	s6 =	sadd.s32 @!p0 $0x88, s6;
	s7 =	simm.s32 @p2 $0x1082  }
0x22: {  	[simem:s7], [sflag:s8] =	dma.local @!p0 [hbm:s6], $0xF7A  }
0x23: {  	s9 =	sor.u32 $0xD0000000, s2;
	s6 =	simm.s32 $0x108;
	_ =	swait.ge @!p0 [sflag:s8], $0x0  }
0x24: {  	s3 =	sadd.s32 $0x88, s3;
	s6 =	simm.s32 @!p1 $0x1082;
	[sflag:s4] =	ssyncset.s32 $0xFFFFF086  }
0x25: {  	[simem:s6], [sflag:s4] =	dma.local [hbm:s3], $0xF7A  }
0x26: {  	[smem:$0x3F9F] =	sst s1;
	(tag) =	ssettag s2;
	_ =	strace s9  }
0x27: {  	s1 =	sld [smem:$0x3FAF]  }
0x28: {  	s2 =	sld [smem:$0x3FB0]  }
0x29: {  	s4 =	sld [smem:$0x3FB2]  }
0x2a: {  	p0 =	seq.s32 s5, $0x0;
	s5 =	sld [smem:$0x3FB3]  }
0x2b: {  	s6 =	sld [smem:$0x3FB4]  }
0x2c: {  	s7 =	sld [smem:$0x3FB5]  }
0x2d: {  	s3 =	simm.s32 $0x108;
	s8 =	sld [smem:$0x3FB6]  }
0x2e: {  	s3 =	simm.s32 @!p0 $0x1082;
	s9 =	sld [smem:$0x3FB7]  }
0x2f: {  	lr =	sadd.s32 s0, s3;
	s0 =	sld [smem:$0x3FAE]  }
0x30: {  	s3 =	sld [smem:$0x3FB1]  }
0x31: {  	[smem:$0x3FBA] =	sst s10  }
0x32: {  	s10 =	sld [smem:$0x3FB8];
	_ =	sdelay $0x3  }
0x33: {  	p0 =	seq.s32 s10, $0x1;
	s10 =	sld [smem:$0x3FBA];
	_ =	sdelay $0x3  }
0x34: {  	[smem:$0x3FBA] =	sst s10  }
0x35: {  	s10 =	sld [smem:$0x3FB9];
	_ =	sdelay $0x3  }
0x36: {  	p1 =	seq.s32 s10, $0x1;
	s10 =	sld [smem:$0x3FBA];
	_ =	sdelay $0x3  }
0x37: {  	[smem:$0x3FBA] =	sst s10  }
0x38: {  	s10 =	sld [smem:$0x3FBB]  }
0x39: {  	_ = 	snop;
	(pc) =	sbr.ind lr, $3  }
0x3a: {  	_ = 	snop  }
0x3b: {  	_ = 	snop  }
0x3c: {  	p2 =	seq.s32 s10, $0x1;
	s10 =	sld [smem:$0x3FBA]  }
0x3d: {  	_ =	shalt  }
0x3e: {  	_ =	shalt  }
0x3f: {  	_ =	shalt  }
0x40: {  	_ =	shalt  }
0x41: {  	_ =	shalt  }
0x42: {  	_ =	shalt  }
0x43: {  	_ =	shalt  }
0x44: {  	_ =	shalt  }
0x45: {  	_ =	shalt  }
0x46: {  	_ =	shalt  }
0x47: {  	_ =	shalt  }
0x48: {  	_ =	shalt  }
0x49: {  	_ =	shalt  }
0x4a: {  	_ =	shalt  }
0x4b: {  	_ =	shalt  }
0x4c: {  	_ =	shalt  }
0x4d: {  	_ =	shalt  }
0x4e: {  	_ =	shalt  }
0x4f: {  	_ =	shalt  }
0x50: {  	_ =	shalt  }
0x51: {  	_ =	shalt  }
0x52: {  	_ =	shalt  }
0x53: {  	_ =	shalt  }
0x54: {  	_ =	shalt  }
0x55: {  	_ =	shalt  }
0x56: {  	_ =	shalt  }
0x57: {  	_ =	shalt  }
0x58: {  	_ =	shalt  }
0x59: {  	_ =	shalt  }
0x5a: {  	_ =	shalt  }
0x5b: {  	_ =	shalt  }
0x5c: {  	_ =	shalt  }
0x5d: {  	_ =	shalt  }
0x5e: {  	_ =	shalt  }
0x5f: {  	_ =	shalt  }
0x60: {  	_ =	shalt  }
0x61: {  	_ =	shalt  }
0x62: {  	_ =	shalt  }
0x63: {  	_ =	shalt  }
0x64: {  	_ =	shalt  }
0x65: {  	_ =	shalt  }
0x66: {  	_ =	shalt  }
0x67: {  	_ =	shalt  }
0x68: {  	_ =	shalt  }
0x69: {  	_ =	shalt  }
0x6a: {  	_ =	shalt  }
0x6b: {  	_ =	shalt  }
0x6c: {  	_ =	shalt  }
0x6d: {  	_ =	shalt  }
0x6e: {  	_ =	shalt  }
0x6f: {  	_ =	shalt  }
0x70: {  	_ =	shalt  }
0x71: {  	_ =	shalt  }
0x72: {  	_ =	shalt  }
0x73: {  	_ =	shalt  }
0x74: {  	_ =	shalt  }
0x75: {  	_ =	shalt  }
0x76: {  	_ =	shalt  }
0x77: {  	_ =	shalt  }
0x78: {  	_ =	shalt  }
0x79: {  	_ =	shalt  }
0x7a: {  	_ =	shalt  }
0x7b: {  	_ =	shalt  }
0x7c: {  	_ =	shalt  }
0x7d: {  	_ =	shalt  }
0x7e: {  	_ =	shalt  }
0x7f: {  	_ =	shalt  }
0x80: {  	_ =	shalt  }
0x81: {  	_ =	shalt  }
0x82: {  	_ =	shalt  }
0x83: {  	_ =	shalt  }
0x84: {  	_ =	shalt  }
0x85: {  	_ =	shalt  }
0x86: {  	_ =	shalt  }
0x87: {  	_ =	shalt  }
.Lfunc_end0:
.L_simem_size_0:
called_computation.1_lowered:
.L_overlay_start_0:
0x88: {  	s2 =	sld [smem:$0x3FD9]  }
0x89: {  	s3 =	sld [smem:$0x3FFE];
	_ =	sdelay $0x1  }
0x8a: {  	s1 =	srdreg.scid  }
0x8b: {  	s0 =	sand.u32 $0x1, s1  }
0x8c: {  	s17 =	sshll.u32 s0, $0xA;
	s2 =	sadd.s32 s3, s2  }
0x8d: {  	s2 =	sadd.s32 s2, s17  }
0x8e: {  	[smem:$0x3FC6] =	sst s2  }
0x8f: {  	_ = 	snop  }
0x90: {  	s2 =	sld [smem:$0x3FC8];
	(tm) =	ssettm $0x1  }
0x91: {  	s18 =	sld [smem:$0x3FFB];
	_ =	sdelay $0x3  }
0x92: {  	_ =	strace s18  }
0x93: {  	s3 =	sld [smem:$0x3FFC];
	_ =	sdelay $0x3  }
0x94: {  	_ =	strace s3  }
0x95: {  	s3 =	sld [smem:$0x3FFD];
	_ =	sdelay $0x3  }
0x96: {  	_ =	strace s3  }
0x97: {  	_ =	strace $0x8FFFFFFF  }
0x98: {  	s19 =	sld [smem:$0x3FDB];
	_ =	sdelay $0x1  }
0x99: {  	s4 =	simm.s32 $_scs_section_size  }
0x9a: {  	s5 =	simm.s32 $_size__tile_overlayer_lowered;
	s6 =	simm.s32 $_tile_overlayer_lowered  }
0x9b: {  	s22 =	simm.s32 $0x1BFF;
	s21 =	sshll.u32 s6, $0x1;
	s3 =	sadd.s32 s4, s19  }
0x9c: {  	s7 =	simm.s32 $0x0;
	s20 =	sshll.u32 s5, $0x1;
	s5 =	sadd.s32 s21, s3  }
0x9d: {  	[timem:s7], [sflag:s22] =	dma.local [hbm:s5], s20  }
0x9e: {  	_ =	swait.ge [sflag:s22], s20  }
0x9f: {  	s4 =	ssub.s32 $0x0, s20;
	[sflag:s22] =	ssyncset.done $0x0  }
0xa0: {  	[sflag:s22] =	ssyncadd.s32 s4;
	_ =	sdelay $0x1  }
0xa1: {  	s23 =	simm.s32 $0x1B8B  }
0xa2: {  	_ =	swait.ge [sflag:s23], $0x1  }
0xa3: {  	[sflag:s23] =	ssyncset.done $0x0  }
0xa4: {  	s25 =	simm.s32 $0x1B8E;
	s24 =	sld [smem:$0x3FFE];
	[sflag:s23] =	ssyncadd.s32 $0xFFFFFFFF  }
0xa5: {  	s26 =	simm.s32 $execute0_lowered;
	[smem:$0x3FD2] =	sst s25  }
0xa6: {  	s5 =	sshll.u32 s26, $0x1;
	_ =	strace $0x80000046;
	[dreg:$0x1] =	wrdreg $0xFFFFFFFF  }
0xa7: {  	s28 =	simm.s32 $_size_execute0_lowered;
	s3 =	sadd.s32 s3, s5;
	[dreg:$0x0] =	wrdreg $0x0  }
0xa8: {  	s5 =	sshll.u32 s28, $0x1;
	[dreg:$0x2] =	wrdreg s3  }
0xa9: {  	[dreg:$0x3] =	wrdreg s5  }
0xaa: {  	[dreg:$0x4] =	wrdreg $0xC0  }
0xab: {  	_ =	task [dreg:s7], $0x5FFFF  }
0xac: {  	[dreg:$0x1] =	wrdreg $0xFFFFFFFF  }
0xad: {  	[dreg:$0x0] =	wrdreg $0x60  }
0xae: {  	[dreg:$0x2] =	wrdreg s2  }
0xaf: {  	[dreg:$0x3] =	wrdreg s24  }
0xb0: {  	[dreg:$0x4] =	wrdreg $0x9  }
0xb1: {  	_ =	task.clear_ibuf [dreg:s7], $0x5FFFF;
	_ =	strace $0x90000046  }
0xb2: {  	s29 =	simm.s32 $0x9;
	_ =	strace $0x80000048  }
0xb3: {  	_ =	swait.ge [sflag:s29], $0x1  }
0xb4: {  	[sflag:s29] =	ssyncadd.s32 $0xFFFFFFFF  }
0xb5: {  	_ =	strace $0x90000048  }
0xb6: {  	_ =	sfence  }
0xb7: {  	s30 =	sld [smem:$0x0];
	_ =	sdelay $0x2  }
0xb8: {  	s31 =	sshll.u32 s1, $0xD;
	s1 =	sshrl.u32 s1, $0x2  }
0xb9: {  	s3 =	sand.u32 $0x4000, s31;
	s1 =	sadd.s32 s1, s30  }
0xba: {  	s0 =	sor.u32 s3, s0;
	s1 =	sshll.u32 s1, $0x11  }
0xbb: {  	s0 =	sor.u32 s1, s0  }
0xbc: {  	s0 =	sadd.s32 $0x8F2B, s0  }
0xbd: {  	[sflag:s0] =	ssyncadd.remote.s32 $0x1  }
0xbe: {  	_ =	sfence.sel $0xFFFF  }
0xbf: {  	[dreg:$0x0] =	wrdreg $0xFFFFFFFF;
	(pc) =	sbr.abs _section_cstart, $3  }
0xc0: {  	[dreg:$0x1] =	wrdreg $0xFFFFFFFF  }
0xc1: {  	_ =	task.clear_ibuf [dreg:s7], $0x2FFFF;
	_ =	strace $0x9FFFFFFF  }
0xc2: {  	(tm) =	ssettm $0x7FFFFFFF  }
0xc3: {  	_ =	shalt  }
tec
execute0_lowered:
.L_overlay_start_1:
0x0: {  	(tag) =	ssettag $0x1  }
0x1: {  	s8 =	rddreg [dreg:$0x0]  }
0x2: {  	s1 =	srdreg.scid;
	s0 =	stileid.u32  }
0x3: {  	s3 =	rddreg [dreg:$0x1];
	s2 =	simm.s32 $0x0;
	s12 =	simm.s32 $0x7A1400  }
0x4: {  	s13 =	simm.s32 $0x2000;
	s14 =	simm.s32 $0x1;
	s15 =	simm.s32 $0x4000  }
0x5: {  	s16 =	simm.s32 $0x2;
	s17 =	simm.s32 $0x6000;
	s18 =	simm.s32 $0x3  }
0x6: {  	s19 =	simm.s32 $0x4;
	s20 =	simm.s32 $0x5;
	s21 =	simm.s32 $0x0  }
0x7: {  	s4 =	sand.u32 $0x1, s1;
	s5 =	sshll.u32 s0, $0x1;
	s1 =	rddreg [dreg:$0x2]  }
0x8: {  	[smem:$0x7FF] =	sst s2;
	s3 =	sadd.s32 $0xE00, s3;
	s7 =	sor.u32 s4, s5  }
0x9: {  	p0 =	sgt.u32 s0, $0x1;
	s4 =	ssub.s32 $0x2, s4;
	s5 =	smul.u32 $0x7A00, s7  }
.Ltmp0:
0xa: {  	s6 =	sshrl.u32 s4, $0x1;
	s9 =	sor.u32 $0x1E80, s7;
	(pc) =	sbr.rel .LBB2_1-.Ltmp0, $4  }
0xb: {  	v0 =	vlaneseq.u32;
	_ =	strace $0x80000047;
	s10 =	ssub.s32 s4, s6;
	s11 =	sshll.u32 s9, $0x7  }
0xc: {  	v0 =	vmul.u32 $0x80, v0;
	s9 =	sshll.u32 s9, $0xA;
	s4 =	sadd.s32 s8, s5;
	s5 =	smul.u32 $0xF4, s7  }
0xd: {  	s7 =	sadd.s32 $0x100, s8;
	s8 =	sadd.s32 s8, s11;
	s9 =	sadd.s32 s3, s9  }
0xe: {  	v1 =	vor.u32 $0x800, v0;
	v2 =	vor.u32 $0x1000, v0;
	v3 =	vor.u32 $0x1800, v0;
	s10 =	smax.u32 s10, $0x1;
	s11 =	simm.s32 $0x400;
	s6 =	sadd.s32 $0x80, s4  }
.LBB2_12:
0xf: {  	s21 =	sadd.s32 $0x1, s21  }
0x10: {  	p1 =	sne.s32 s21, s10  }
.Ltmp1:
0x11: {  	_ = 	snop;
	(pc) =	sbr.rel @!p1 .LBB2_13-.Ltmp1, $1  }
0x12: {  	_ =	sdelay $0x3  }
.LBB2_1:
0x13: {  	[tilespmem:s2], [sflag:$0x1] =	stream.strided.gather [hbm4b:s4+s11], $0x2000, s12, s11, $0x38;
	[tilespmem:$0x8000] =	vst v63  }
0x14: {  	s22 =	simm.s32 $0x0  }
0x15: {  	[tilespmem:s13], [sflag:$0x2] =	stream.strided.gather [hbm4b:s6+s11], $0x2000, s12, s11, $0x38;
	[tilespmem:$0x8000] =	vst v63  }
.LBB2_2:
0x16: {  	s24 =	simm.s32 $0x0  }
0x17: {  	v4 =	vmov s24  }
0x18: {  	v4 =	vand.u32 $0x7F, v4  }
0x19: {  	v4 =	vbroadcast v4, $0x0  }
0x1a: {  	_ =	swait.ge [sflag:s14], $0x2000  }
0x1b: {  	p1 =	seq.s32 s22, $0x0;
	[sflag:s14] =	ssyncset.done $0x0;
	v5 =	vor.u32 v0, v4  }
0x1c: {  	s23 =	simm.s32 @!p1 $0x3;
	[sflag:s14] =	ssyncadd.s32 $0xFFFFE000  }
0x1d: {  	_ =	swait.ge @!p1 [sflag:s23], $0x2000  }
0x1e: {  	[sflag:s23] =	ssyncset.done @!p1 $0x0  }
0x1f: {  	[sflag:s23] =	ssyncadd.s32 @!p1 $0xFFFFE000  }
0x20: {  	v5 =	vld.idx.msk [tilespmem:v5+s2+$0x0], $0xffff  }
0x21: {  	v6 =	vor.u32 v1, v4;
	_ =	sdelay $0x2  }
0x22: {  	s26 =	sand.u32 $0x1FC0, s24  }
0x23: {  	[tilespmem:s26+$0x4000] =	vst v5  }
0x24: {  	v5 =	vld.idx.msk [tilespmem:v6+s2+$0x0], $0xffff  }
0x25: {  	v6 =	vor.u32 v2, v4;
	_ =	sdelay $0x3  }
0x26: {  	[tilespmem:s26+$0x4010] =	vst v5  }
0x27: {  	v5 =	vld.idx.msk [tilespmem:v6+s2+$0x0], $0xffff  }
0x28: {  	v4 =	vor.u32 v3, v4;
	_ =	sdelay $0x1  }
0x29: {  	s28 =	simm.s32 $0x1;
	s23 =	sshll.u32 s22, $0x1  }
0x2a: {  	s25 =	sadd.s32 s5, s23;
	v6 =	vmov s28;
	s28 =	simm.s32 $0x2  }
.LBB2_3:
0x2b: {  	p2 =	sne.s32 s28, $0x7F;
	v6 =	vand.u32 $0x7F, v6;
	[tilespmem:s26+$0x4020] =	vst v5  }
0x2c: {  	v6 =	vbroadcast v6, $0x0;
	v4 =	vld.idx.msk [tilespmem:v4+s2+$0x0], $0xffff;
	_ =	sdelay $0x1  }
0x2d: {  	v5 =	vor.u32 v0, v6;
	_ =	sdelay $0x3  }
0x2e: {  	[tilespmem:s26+$0x4030] =	vst v4  }
0x2f: {  	v4 =	vld.idx.msk [tilespmem:v5+s2+$0x0], $0xffff;
	_ =	sdelay $0x1  }
0x30: {  	v5 =	vor.u32 v1, v6;
	_ =	sdelay $0x1  }
0x31: {  	s24 =	sadd.s32 $0x40, s24  }
0x32: {  	s26 =	sand.u32 $0x1FC0, s24  }
0x33: {  	[tilespmem:s26+$0x4000] =	vst v4  }
0x34: {  	v4 =	vld.idx.msk [tilespmem:v5+s2+$0x0], $0xffff;
	_ =	sdelay $0x1  }
0x35: {  	v5 =	vor.u32 v2, v6;
	_ =	sdelay $0x3  }
0x36: {  	[tilespmem:s26+$0x4010] =	vst v4  }
0x37: {  	v5 =	vld.idx.msk [tilespmem:v5+s2+$0x0], $0xffff  }
.Ltmp2:
0x38: {  	(pc) =	sbr.rel @p2 .LBB2_3-.Ltmp2, $2  }
0x39: {  	v4 =	vor.u32 v3, v6;
	_ =	sdelay $0x2  }
0x3a: {  	v6 =	vmov s28;
	s28 =	sadd.s32 $0x1, s28  }
0x3b: {  	_ =	sdelay $0x1  }
0x3c: {  	v6 =	vand.u32 $0x7F, v6  }
0x3d: {  	[tilespmem:s26+$0x4020] =	vst v5;
	v5 =	vbroadcast v6, $0x0  }
0x3e: {  	v4 =	vld.idx.msk [tilespmem:v4+s2+$0x0], $0xffff  }
0x3f: {  	v6 =	vor.u32 v0, v5;
	_ =	sdelay $0x3  }
0x40: {  	[tilespmem:s26+$0x4030] =	vst v4  }
0x41: {  	v4 =	vld.idx.msk [tilespmem:v6+s2+$0x0], $0xffff  }
0x42: {  	v6 =	vor.u32 v1, v5;
	_ =	sdelay $0x1  }
0x43: {  	s24 =	sadd.s32 $0x40, s24  }
0x44: {  	s24 =	sand.u32 $0x1FC0, s24  }
0x45: {  	[tilespmem:s24+$0x4000] =	vst v4  }
0x46: {  	v4 =	vld.idx.msk [tilespmem:v6+s2+$0x0], $0xffff  }
0x47: {  	v6 =	vor.u32 v2, v5;
	_ =	sdelay $0x3  }
0x48: {  	[tilespmem:s24+$0x4010] =	vst v4  }
0x49: {  	v4 =	vld.idx.msk [tilespmem:v6+s2+$0x0], $0xffff  }
0x4a: {  	v5 =	vor.u32 v3, v5;
	_ =	sdelay $0x3  }
0x4b: {  	[tilespmem:s24+$0x4020] =	vst v4  }
0x4c: {  	v4 =	vld.idx.msk [tilespmem:v5+s2+$0x0], $0xffff;
	_ =	sdelay $0x2  }
0x4d: {  	s29 =	sshll.u32 s25, $0xA  }
0x4e: {  	p2 =	seq.s32 s22, $0x79;
	s30 =	sadd.s32 s3, s29  }
0x4f: {  	s25 =	sshll.u32 @!p2 s25, $0x7;
	s28 =	simm.s32 @!p2 $0x7A1400;
	[tilespmem:s24+$0x4030] =	vst v4;
	s24 =	simm.s32 $0x0  }
0x50: {  	[hbm4b:s30+s2] =	stream.linear.scatter [tilespmem:s15], [sflag:$0x3], $0x2000, $0x38;
	v4 =	vmov s24;
	[tilespmem:$0x8000] =	vst v63  }
0x51: {  	s29 =	simm.s32 @!p2 $0x0;
	s25 =	sadd.s32 @!p2 s25, s7;
	s26 =	simm.s32 @!p2 $0x400;
	v4 =	vand.u32 $0x7F, v4  }
0x52: {  	[tilespmem:s29], [sflag:$0x1] =	stream.strided.gather @!p2 [hbm4b:s25+s26], $0x2000, s28, s26, $0x38;
	v4 =	vbroadcast v4, $0x0;
	[tilespmem:$0x8000] =	vst v63  }
0x53: {  	_ =	swait.ge [sflag:s16], $0x2000  }
0x54: {  	[sflag:s16] =	ssyncset.done $0x0;
	v5 =	vor.u32 v0, v4  }
0x55: {  	s25 =	simm.s32 @!p1 $0x4;
	[sflag:s16] =	ssyncadd.s32 $0xFFFFE000  }
0x56: {  	_ =	swait.ge @!p1 [sflag:s25], $0x2000  }
0x57: {  	[sflag:s25] =	ssyncset.done @!p1 $0x0  }
0x58: {  	[sflag:s25] =	ssyncadd.s32 @!p1 $0xFFFFE000  }
0x59: {  	v5 =	vld.idx.msk [tilespmem:v5+s13+$0x0], $0xffff  }
0x5a: {  	v6 =	vor.u32 v1, v4;
	_ =	sdelay $0x2  }
0x5b: {  	s25 =	sand.u32 $0x1FC0, s24  }
0x5c: {  	[tilespmem:s25+$0x6000] =	vst v5  }
0x5d: {  	v5 =	vld.idx.msk [tilespmem:v6+s13+$0x0], $0xffff  }
0x5e: {  	v6 =	vor.u32 v2, v4;
	_ =	sdelay $0x3  }
0x5f: {  	[tilespmem:s25+$0x6010] =	vst v5  }
0x60: {  	v5 =	vld.idx.msk [tilespmem:v6+s13+$0x0], $0xffff  }
0x61: {  	v4 =	vor.u32 v3, v4;
	_ =	sdelay $0x1  }
0x62: {  	s23 =	sadd.s32 s23, s5;
	s31 =	simm.s32 $0x1  }
0x63: {  	s23 =	sadd.s32 $0x1, s23;
	s26 =	simm.s32 $0x2;
	v6 =	vmov s31  }
.LBB2_5:
0x64: {  	p1 =	sne.s32 s26, $0x7F;
	v6 =	vand.u32 $0x7F, v6;
	[tilespmem:s25+$0x6020] =	vst v5  }
0x65: {  	v6 =	vbroadcast v6, $0x0;
	v4 =	vld.idx.msk [tilespmem:v4+s13+$0x0], $0xffff;
	_ =	sdelay $0x1  }
0x66: {  	v5 =	vor.u32 v0, v6;
	_ =	sdelay $0x3  }
0x67: {  	[tilespmem:s25+$0x6030] =	vst v4  }
0x68: {  	v4 =	vld.idx.msk [tilespmem:v5+s13+$0x0], $0xffff;
	_ =	sdelay $0x1  }
0x69: {  	v5 =	vor.u32 v1, v6;
	_ =	sdelay $0x1  }
0x6a: {  	s24 =	sadd.s32 $0x40, s24  }
0x6b: {  	s25 =	sand.u32 $0x1FC0, s24  }
0x6c: {  	[tilespmem:s25+$0x6000] =	vst v4  }
0x6d: {  	v4 =	vld.idx.msk [tilespmem:v5+s13+$0x0], $0xffff;
	_ =	sdelay $0x1  }
0x6e: {  	v5 =	vor.u32 v2, v6;
	_ =	sdelay $0x3  }
0x6f: {  	[tilespmem:s25+$0x6010] =	vst v4  }
0x70: {  	v5 =	vld.idx.msk [tilespmem:v5+s13+$0x0], $0xffff  }
.Ltmp3:
0x71: {  	(pc) =	sbr.rel @p1 .LBB2_5-.Ltmp3, $2  }
0x72: {  	v4 =	vor.u32 v3, v6;
	_ =	sdelay $0x2  }
0x73: {  	v6 =	vmov s26;
	s26 =	sadd.s32 $0x1, s26  }
0x74: {  	_ =	sdelay $0x1  }
0x75: {  	v6 =	vand.u32 $0x7F, v6  }
0x76: {  	[tilespmem:s25+$0x6020] =	vst v5;
	v5 =	vbroadcast v6, $0x0  }
0x77: {  	v4 =	vld.idx.msk [tilespmem:v4+s13+$0x0], $0xffff  }
0x78: {  	v6 =	vor.u32 v0, v5;
	_ =	sdelay $0x3  }
0x79: {  	[tilespmem:s25+$0x6030] =	vst v4  }
0x7a: {  	v4 =	vld.idx.msk [tilespmem:v6+s13+$0x0], $0xffff  }
0x7b: {  	v62 =	vor.u32 v1, v5;
	_ =	sdelay $0x1  }
0x7c: {  	s24 =	sadd.s32 $0x40, s24  }
0x7d: {  	s24 =	sand.u32 $0x1FC0, s24  }
0x7e: {  	[tilespmem:s24+$0x6000] =	vst v4  }
0x7f: {  	v4 =	vld.idx.msk [tilespmem:v62+s13+$0x0], $0xffff  }
0x80: {  	v63 =	vor.u32 v2, v5;
	_ =	sdelay $0x3  }
0x81: {  	[tilespmem:s24+$0x6010] =	vst v4  }
0x82: {  	v4 =	vld.idx.msk [tilespmem:v63+s13+$0x0], $0xffff  }
0x83: {  	v5 =	vor.u32 v3, v5;
	_ =	sdelay $0x3  }
0x84: {  	[tilespmem:s24+$0x6020] =	vst v4  }
0x85: {  	v4 =	vld.idx.msk [tilespmem:v5+s13+$0x0], $0xffff;
	_ =	sdelay $0x1  }
.Ltmp4:
0x86: {  	_ = 	snop;
	(pc) =	sbr.rel @p2 .LBB2_8-.Ltmp4, $4  }
0x87: {  	s30 =	sshll.u32 s23, $0xA  }
0x88: {  	s25 =	sand.u32 $0x1FFFFC00, s30  }
0x89: {  	s31 =	sadd.s32 s3, s25;
	[tilespmem:s24+$0x6030] =	vst v4  }
0x8a: {  	[hbm4b:s31+s2] =	stream.linear.scatter [tilespmem:s17], [sflag:$0x4], $0x2000, $0x38;
	[tilespmem:$0x8000] =	vst v63  }
.Ltmp5:
0x8b: {  	(pc) =	sbr.rel .LBB2_2-.Ltmp5, $4  }
0x8c: {  	_ = 	snop  }
0x8d: {  	s23 =	sshll.u32 s23, $0x7  }
0x8e: {  	s22 =	sadd.s32 $0x1, s22;
	s23 =	sadd.s32 s23, s7  }
0x8f: {  	[tilespmem:s13], [sflag:$0x2] =	stream.strided.gather [hbm4b:s23+s11], $0x2000, s12, s11, $0x38;
	[tilespmem:$0x8000] =	vst v63  }
.LBB2_8:
0x90: {  	_ =	swait.ge [sflag:s18], $0x2000  }
.Ltmp6:
0x91: {  	[sflag:s18] =	ssyncset.done $0x0;
	(pc) =	sbr.rel @p0 .LBB2_12-.Ltmp6, $4  }
0x92: {  	[sflag:s18] =	ssyncadd.s32 $0xFFFFE000  }
0x93: {  	_ =	swait.ge [sflag:s19], $0x2000  }
0x94: {  	[sflag:s19] =	ssyncset.done $0x0  }
0x95: {  	[sflag:s19] =	ssyncadd.s32 $0xFFFFE000  }
0x96: {  	s22 =	simm.s32 $0x0  }
0x97: {  	v4 =	vmov s22  }
0x98: {  	v4 =	vand.u32 $0x7F, v4  }
0x99: {  	v4 =	vbroadcast v4, $0x0;
	_ =	sdelay $0x1  }
0x9a: {  	v5 =	vor.u32 v0, v4  }
0x9b: {  	[tilespmem:s22], [sflag:$0x5] =	stream.strided.gather [hbm4b:s8+s11], $0x2000, s12, s11, $0x38;
	[tilespmem:$0x8000] =	vst v63  }
0x9c: {  	_ =	swait.ge [sflag:s20], $0x2000  }
0x9d: {  	[sflag:s20] =	ssyncset.done $0x0  }
0x9e: {  	[sflag:s20] =	ssyncadd.s32 $0xFFFFE000  }
0x9f: {  	v5 =	vld.idx.msk [tilespmem:v5+s2+$0x0], $0xffff  }
0xa0: {  	v6 =	vor.u32 v1, v4;
	_ =	sdelay $0x2  }
0xa1: {  	s23 =	sand.u32 $0x1FC0, s22  }
0xa2: {  	[tilespmem:s23+$0x4000] =	vst v5  }
0xa3: {  	v5 =	vld.idx.msk [tilespmem:v6+s2+$0x0], $0xffff  }
0xa4: {  	v6 =	vor.u32 v2, v4;
	_ =	sdelay $0x3  }
0xa5: {  	[tilespmem:s23+$0x4010] =	vst v5  }
0xa6: {  	v5 =	vld.idx.msk [tilespmem:v6+s2+$0x0], $0xffff  }
0xa7: {  	v4 =	vor.u32 v3, v4;
	_ =	sdelay $0x1  }
0xa8: {  	s24 =	simm.s32 $0x1  }
0xa9: {  	v6 =	vmov s24;
	s24 =	simm.s32 $0x2  }
.LBB2_10:
0xaa: {  	p1 =	sne.s32 s24, $0x7F;
	v6 =	vand.u32 $0x7F, v6;
	[tilespmem:s23+$0x4020] =	vst v5  }
0xab: {  	v6 =	vbroadcast v6, $0x0;
	v4 =	vld.idx.msk [tilespmem:v4+s2+$0x0], $0xffff;
	_ =	sdelay $0x1  }
0xac: {  	v5 =	vor.u32 v0, v6;
	_ =	sdelay $0x3  }
0xad: {  	[tilespmem:s23+$0x4030] =	vst v4  }
0xae: {  	v4 =	vld.idx.msk [tilespmem:v5+s2+$0x0], $0xffff;
	_ =	sdelay $0x1  }
0xaf: {  	v5 =	vor.u32 v1, v6;
	_ =	sdelay $0x1  }
0xb0: {  	s22 =	sadd.s32 $0x40, s22  }
0xb1: {  	s23 =	sand.u32 $0x1FC0, s22  }
0xb2: {  	[tilespmem:s23+$0x4000] =	vst v4  }
0xb3: {  	v4 =	vld.idx.msk [tilespmem:v5+s2+$0x0], $0xffff;
	_ =	sdelay $0x1  }
0xb4: {  	v5 =	vor.u32 v2, v6;
	_ =	sdelay $0x3  }
0xb5: {  	[tilespmem:s23+$0x4010] =	vst v4  }
0xb6: {  	v5 =	vld.idx.msk [tilespmem:v5+s2+$0x0], $0xffff  }
.Ltmp7:
0xb7: {  	(pc) =	sbr.rel @p1 .LBB2_10-.Ltmp7, $2  }
0xb8: {  	v4 =	vor.u32 v3, v6;
	_ =	sdelay $0x2  }
0xb9: {  	v6 =	vmov s24;
	s24 =	sadd.s32 $0x1, s24  }
0xba: {  	_ =	sdelay $0x1  }
0xbb: {  	v6 =	vand.u32 $0x7F, v6  }
0xbc: {  	[tilespmem:s23+$0x4020] =	vst v5;
	v5 =	vbroadcast v6, $0x0  }
0xbd: {  	v4 =	vld.idx.msk [tilespmem:v4+s2+$0x0], $0xffff  }
0xbe: {  	v6 =	vor.u32 v0, v5;
	_ =	sdelay $0x3  }
0xbf: {  	[tilespmem:s23+$0x4030] =	vst v4  }
0xc0: {  	v4 =	vld.idx.msk [tilespmem:v6+s2+$0x0], $0xffff  }
0xc1: {  	v62 =	vor.u32 v1, v5;
	_ =	sdelay $0x1  }
0xc2: {  	s22 =	sadd.s32 $0x40, s22  }
0xc3: {  	s22 =	sand.u32 $0x1FC0, s22  }
0xc4: {  	[tilespmem:s22+$0x4000] =	vst v4  }
0xc5: {  	v4 =	vld.idx.msk [tilespmem:v62+s2+$0x0], $0xffff  }
0xc6: {  	v63 =	vor.u32 v2, v5;
	_ =	sdelay $0x3  }
0xc7: {  	[tilespmem:s22+$0x4010] =	vst v4  }
0xc8: {  	v4 =	vld.idx.msk [tilespmem:v63+s2+$0x0], $0xffff  }
0xc9: {  	v5 =	vor.u32 v3, v5;
	_ =	sdelay $0x3  }
0xca: {  	[tilespmem:s22+$0x4020] =	vst v4  }
0xcb: {  	v4 =	vld.idx.msk [tilespmem:v5+s2+$0x0], $0xffff;
	_ =	sdelay $0x4  }
.Ltmp8:
0xcc: {  	[tilespmem:s22+$0x4030] =	vst v4;
	(pc) =	sbr.rel .LBB2_12-.Ltmp8, $4  }
0xcd: {  	[hbm4b:s9+s2] =	stream.linear.scatter [tilespmem:s15], [sflag:$0x5], $0x2000, $0x38;
	[tilespmem:$0x8000] =	vst v63  }
0xce: {  	_ =	swait.ge [sflag:s20], $0x2000  }
0xcf: {  	[sflag:s20] =	ssyncset.done $0x0  }
0xd0: {  	[sflag:s20] =	ssyncadd.s32 $0xFFFFE000  }
.LBB2_13:
0xd1: {  	_ =	sfence.sel $0x180000  }
0xd2: {  	[bflag:$0x0] =	sbarrier.arrive $0xFFFF  }
0xd3: {  	p0 =	sne.s32 s0, $0x0;
	_ =	strace $0x90000047  }
0xd4: {  	s0 =	sadd.s32 @!p0 $0x100000, s1;
	[bflag:$0x2] =	sbarrier.arrive $0xFFFF  }
0xd5: {  	[sflag:s0] =	ssyncadd.tile.s32 @!p0 $0x1;
	_ =	shalt  }
.Lfunc_end2:
_tile_overlayer_lowered:
.L_overlay_start_2:
0xd6: {  	(tag) =	ssettag $0x2  }
0xd7: {  	s0 =	rddreg [dreg:$0x0];
	s2 =	stileid.u32  }
0xd8: {  	s1 =	rddreg [dreg:$0x1];
	p0 =	sne.s32 s2, $0x0  }
0xd9: {  	s3 =	rddreg [dreg:$0x2];
	[bflag:$0x3] =	sbarrier.arrive $0xFFFF;
	s2 =	simm.s32 @!p0 $0x1C05  }
0xda: {  	[timem:s3], [sflag:s2] =	dma.local @!p0 [hbm:s0], s1  }
0xdb: {  	s0 =	simm.s32 @!p0 $0x5  }
0xdc: {  	_ =	swait.ge @!p0 [sflag:s0], s1  }
0xdd: {  	s1 =	ssub.s32 @!p0 $0x0, s1;
	[sflag:s0] =	ssyncset.done @!p0 $0x0  }
0xde: {  	[sflag:s0] =	ssyncadd.s32 @!p0 s1  }
0xdf: {  	[bflag:$0x3] =	sbarrier.arrive $0xFFFF  }
0xe0: {  	_ =	shalt  }

// kernel: kernel.7.cloned.1.call-start
scs
__scs_entry_jumppad:
0x0: {  	(pc) =	sbr.rel $0x88, $3  }
0x1: {  	(tag) =	ssettag $0x0;
	lr =	simm.s32 $0x1  }
0x2: {  	[smem:$0x3F9F] =	sst lr;
	_ =	strace $0xD0000000  }
0x3: {  	_ = 	snop  }
0x4: {  	_ = 	snop  }
0x5: {  	_ = 	snop  }
0x6: {  	_ = 	snop  }
0x7: {  	_ = 	snop  }
__scs_overlays_trampoline_lowered:
0x8: {  	[smem:$0x3FAE] =	sst s0  }
0x9: {  	[smem:$0x3FAF] =	sst s1  }
0xa: {  	[smem:$0x3FB0] =	sst s2  }
0xb: {  	[smem:$0x3FB1] =	sst s3  }
0xc: {  	[smem:$0x3FB2] =	sst s4  }
0xd: {  	[smem:$0x3FB3] =	sst s5  }
0xe: {  	[smem:$0x3FB4] =	sst s6  }
0xf: {  	[smem:$0x3FB5] =	sst s7  }
0x10: {  	[smem:$0x3FB6] =	sst s8  }
0x11: {  	[smem:$0x3FB7] =	sst s9;
	s0 =	simm.s32 @!p0 $0x0  }
0x12: {  	s1 =	sld [smem:$0x3F9D];
	s0 =	simm.s32 @p0 $0x1  }
0x13: {  	[smem:$0x3FB8] =	sst s0;
	s0 =	simm.s32 @!p1 $0x0  }
0x14: {  	s2 =	sld [smem:$0x3F9C];
	s0 =	simm.s32 @p1 $0x1  }
0x15: {  	[smem:$0x3FB9] =	sst s0;
	s0 =	simm.s32 @!p2 $0x0  }
0x16: {  	s3 =	sld [smem:$0x3FDB];
	s0 =	simm.s32 @p2 $0x1  }
0x17: {  	s4 =	simm.s32 $0x1BF5;
	[smem:$0x3FBB] =	sst s0  }
0x18: {  	s0 =	sld [smem:$0x3F9E];
	_ =	swait.ge [sflag:s4], $0x0  }
0x19: {  	s7 =	sld [smem:$0x3F9F]  }
0x1a: {  	s8 =	sadd.s32 $0xFFFFE003, lr  }
0x1b: {  	s9 =	sadd.s32 $0xFFFFFEF7, lr;
	s5 =	simm.s32 $0xFFFFFFFF;
	p2 =	slt.u32 s8, $0xFFFFF086  }
0x1c: {  	p1 =	slt.u32 s9, $0xF7A;
	s5 =	simm.s32 @!p2 $0x0  }
0x1d: {  	s5 =	simm.s32 @p1 $0x1;
	p0 =	seq.s32 s7, s2  }
0x1e: {  	s7 =	smul.u32 @!p0 $0xF7A, s2;
	p2 =	seq.s32 @!p0 s5, $0x0  }
0x1f: {  	s9 =	smul.u32 $0xF7A, s1;
	s8 =	simm.s32 @!p0 $0x1BF5;
	p2 =	por !p2, p0  }
0x20: {  	[sflag:s8] =	ssyncset.s32 @!p0 $0xFFFFF086;
	s6 =	sadd.s32 @!p0 s3, s7;
	s7 =	simm.s32 @!p0 $0x108  }
0x21: {  	s3 =	sadd.s32 s3, s9;
	s6 =	sadd.s32 @!p0 $0x88, s6;
	s7 =	simm.s32 @p2 $0x1082  }
0x22: {  	[simem:s7], [sflag:s8] =	dma.local @!p0 [hbm:s6], $0xF7A  }
0x23: {  	s9 =	sor.u32 $0xD0000000, s2;
	s6 =	simm.s32 $0x108;
	_ =	swait.ge @!p0 [sflag:s8], $0x0  }
0x24: {  	s3 =	sadd.s32 $0x88, s3;
	s6 =	simm.s32 @!p1 $0x1082;
	[sflag:s4] =	ssyncset.s32 $0xFFFFF086  }
0x25: {  	[simem:s6], [sflag:s4] =	dma.local [hbm:s3], $0xF7A  }
0x26: {  	[smem:$0x3F9F] =	sst s1;
	(tag) =	ssettag s2;
	_ =	strace s9  }
0x27: {  	s1 =	sld [smem:$0x3FAF]  }
0x28: {  	s2 =	sld [smem:$0x3FB0]  }
0x29: {  	s4 =	sld [smem:$0x3FB2]  }
0x2a: {  	p0 =	seq.s32 s5, $0x0;
	s5 =	sld [smem:$0x3FB3]  }
0x2b: {  	s6 =	sld [smem:$0x3FB4]  }
0x2c: {  	s7 =	sld [smem:$0x3FB5]  }
0x2d: {  	s3 =	simm.s32 $0x108;
	s8 =	sld [smem:$0x3FB6]  }
0x2e: {  	s3 =	simm.s32 @!p0 $0x1082;
	s9 =	sld [smem:$0x3FB7]  }
0x2f: {  	lr =	sadd.s32 s0, s3;
	s0 =	sld [smem:$0x3FAE]  }
0x30: {  	s3 =	sld [smem:$0x3FB1]  }
0x31: {  	[smem:$0x3FBA] =	sst s10  }
0x32: {  	s10 =	sld [smem:$0x3FB8];
	_ =	sdelay $0x3  }
0x33: {  	p0 =	seq.s32 s10, $0x1;
	s10 =	sld [smem:$0x3FBA];
	_ =	sdelay $0x3  }
0x34: {  	[smem:$0x3FBA] =	sst s10  }
0x35: {  	s10 =	sld [smem:$0x3FB9];
	_ =	sdelay $0x3  }
0x36: {  	p1 =	seq.s32 s10, $0x1;
	s10 =	sld [smem:$0x3FBA];
	_ =	sdelay $0x3  }
0x37: {  	[smem:$0x3FBA] =	sst s10  }
0x38: {  	s10 =	sld [smem:$0x3FBB]  }
0x39: {  	_ = 	snop;
	(pc) =	sbr.ind lr, $3  }
0x3a: {  	_ = 	snop  }
0x3b: {  	_ = 	snop  }
0x3c: {  	p2 =	seq.s32 s10, $0x1;
	s10 =	sld [smem:$0x3FBA]  }
0x3d: {  	_ =	shalt  }
0x3e: {  	_ =	shalt  }
0x3f: {  	_ =	shalt  }
0x40: {  	_ =	shalt  }
0x41: {  	_ =	shalt  }
0x42: {  	_ =	shalt  }
0x43: {  	_ =	shalt  }
0x44: {  	_ =	shalt  }
0x45: {  	_ =	shalt  }
0x46: {  	_ =	shalt  }
0x47: {  	_ =	shalt  }
0x48: {  	_ =	shalt  }
0x49: {  	_ =	shalt  }
0x4a: {  	_ =	shalt  }
0x4b: {  	_ =	shalt  }
0x4c: {  	_ =	shalt  }
0x4d: {  	_ =	shalt  }
0x4e: {  	_ =	shalt  }
0x4f: {  	_ =	shalt  }
0x50: {  	_ =	shalt  }
0x51: {  	_ =	shalt  }
0x52: {  	_ =	shalt  }
0x53: {  	_ =	shalt  }
0x54: {  	_ =	shalt  }
0x55: {  	_ =	shalt  }
0x56: {  	_ =	shalt  }
0x57: {  	_ =	shalt  }
0x58: {  	_ =	shalt  }
0x59: {  	_ =	shalt  }
0x5a: {  	_ =	shalt  }
0x5b: {  	_ =	shalt  }
0x5c: {  	_ =	shalt  }
0x5d: {  	_ =	shalt  }
0x5e: {  	_ =	shalt  }
0x5f: {  	_ =	shalt  }
0x60: {  	_ =	shalt  }
0x61: {  	_ =	shalt  }
0x62: {  	_ =	shalt  }
0x63: {  	_ =	shalt  }
0x64: {  	_ =	shalt  }
0x65: {  	_ =	shalt  }
0x66: {  	_ =	shalt  }
0x67: {  	_ =	shalt  }
0x68: {  	_ =	shalt  }
0x69: {  	_ =	shalt  }
0x6a: {  	_ =	shalt  }
0x6b: {  	_ =	shalt  }
0x6c: {  	_ =	shalt  }
0x6d: {  	_ =	shalt  }
0x6e: {  	_ =	shalt  }
0x6f: {  	_ =	shalt  }
0x70: {  	_ =	shalt  }
0x71: {  	_ =	shalt  }
0x72: {  	_ =	shalt  }
0x73: {  	_ =	shalt  }
0x74: {  	_ =	shalt  }
0x75: {  	_ =	shalt  }
0x76: {  	_ =	shalt  }
0x77: {  	_ =	shalt  }
0x78: {  	_ =	shalt  }
0x79: {  	_ =	shalt  }
0x7a: {  	_ =	shalt  }
0x7b: {  	_ =	shalt  }
0x7c: {  	_ =	shalt  }
0x7d: {  	_ =	shalt  }
0x7e: {  	_ =	shalt  }
0x7f: {  	_ =	shalt  }
0x80: {  	_ =	shalt  }
0x81: {  	_ =	shalt  }
0x82: {  	_ =	shalt  }
0x83: {  	_ =	shalt  }
0x84: {  	_ =	shalt  }
0x85: {  	_ =	shalt  }
0x86: {  	_ =	shalt  }
0x87: {  	_ =	shalt  }
.Lfunc_end0:
.L_simem_size_0:
called_computation.2_lowered:
.L_overlay_start_0:
0x88: {  	s2 =	sld [smem:$0x3FD9]  }
0x89: {  	s3 =	sld [smem:$0x3FFE];
	_ =	sdelay $0x1  }
0x8a: {  	s1 =	srdreg.scid  }
0x8b: {  	s0 =	sand.u32 $0x1, s1  }
0x8c: {  	s17 =	sshll.u32 s0, $0xA;
	s2 =	sadd.s32 s3, s2  }
0x8d: {  	s2 =	sadd.s32 s2, s17  }
0x8e: {  	[smem:$0x3FC6] =	sst s2  }
0x8f: {  	_ = 	snop  }
0x90: {  	s2 =	sld [smem:$0x3FD0];
	(tm) =	ssettm $0x1  }
0x91: {  	s18 =	sld [smem:$0x3FFB];
	_ =	sdelay $0x3  }
0x92: {  	_ =	strace s18  }
0x93: {  	s3 =	sld [smem:$0x3FFC];
	_ =	sdelay $0x3  }
0x94: {  	_ =	strace s3  }
0x95: {  	s3 =	sld [smem:$0x3FFD];
	_ =	sdelay $0x3  }
0x96: {  	_ =	strace s3  }
0x97: {  	_ =	strace $0x8FFFFFFF  }
0x98: {  	s19 =	sld [smem:$0x3FDB];
	_ =	sdelay $0x1  }
0x99: {  	s4 =	simm.s32 $_scs_section_size  }
0x9a: {  	s5 =	simm.s32 $_size__tile_overlayer_lowered;
	s6 =	simm.s32 $_tile_overlayer_lowered  }
0x9b: {  	s22 =	simm.s32 $0x1BFF;
	s21 =	sshll.u32 s6, $0x1;
	s3 =	sadd.s32 s4, s19  }
0x9c: {  	s7 =	simm.s32 $0x0;
	s20 =	sshll.u32 s5, $0x1;
	s5 =	sadd.s32 s21, s3  }
0x9d: {  	[timem:s7], [sflag:s22] =	dma.local [hbm:s5], s20  }
0x9e: {  	_ =	swait.ge [sflag:s22], s20  }
0x9f: {  	s4 =	ssub.s32 $0x0, s20;
	[sflag:s22] =	ssyncset.done $0x0  }
0xa0: {  	[sflag:s22] =	ssyncadd.s32 s4;
	_ =	sdelay $0x1  }
0xa1: {  	s23 =	simm.s32 $0x1B8B  }
0xa2: {  	_ =	swait.ge [sflag:s23], $0x1  }
0xa3: {  	[sflag:s23] =	ssyncset.done $0x0  }
0xa4: {  	s25 =	simm.s32 $0x1B8E;
	s24 =	sld [smem:$0x3FFE];
	[sflag:s23] =	ssyncadd.s32 $0xFFFFFFFF  }
0xa5: {  	s26 =	simm.s32 $execute0_lowered;
	[smem:$0x3FD2] =	sst s25  }
0xa6: {  	s5 =	sshll.u32 s26, $0x1;
	_ =	strace $0x80000049;
	[dreg:$0x1] =	wrdreg $0xFFFFFFFF  }
0xa7: {  	s28 =	simm.s32 $_size_execute0_lowered;
	s3 =	sadd.s32 s3, s5;
	[dreg:$0x0] =	wrdreg $0x0  }
0xa8: {  	s5 =	sshll.u32 s28, $0x1;
	[dreg:$0x2] =	wrdreg s3  }
0xa9: {  	[dreg:$0x3] =	wrdreg s5  }
0xaa: {  	[dreg:$0x4] =	wrdreg $0xC0  }
0xab: {  	_ =	task [dreg:s7], $0x5FFFF  }
0xac: {  	[dreg:$0x1] =	wrdreg $0xFFFFFFFF  }
0xad: {  	[dreg:$0x0] =	wrdreg $0x60  }
0xae: {  	[dreg:$0x2] =	wrdreg s24  }
0xaf: {  	[dreg:$0x3] =	wrdreg s2  }
0xb0: {  	[dreg:$0x4] =	wrdreg $0x9  }
0xb1: {  	_ =	task.clear_ibuf [dreg:s7], $0x5FFFF;
	_ =	strace $0x90000049  }
0xb2: {  	s29 =	simm.s32 $0x9;
	_ =	strace $0x8000004B  }
0xb3: {  	_ =	swait.ge [sflag:s29], $0x1  }
0xb4: {  	[sflag:s29] =	ssyncadd.s32 $0xFFFFFFFF  }
0xb5: {  	_ =	strace $0x9000004B  }
0xb6: {  	_ =	sfence  }
0xb7: {  	s30 =	sld [smem:$0x0];
	_ =	sdelay $0x2  }
0xb8: {  	s31 =	sshll.u32 s1, $0xD;
	s1 =	sshrl.u32 s1, $0x2  }
0xb9: {  	s3 =	sand.u32 $0x4000, s31;
	s1 =	sadd.s32 s1, s30  }
0xba: {  	s0 =	sor.u32 s3, s0;
	s1 =	sshll.u32 s1, $0x11  }
0xbb: {  	s0 =	sor.u32 s1, s0  }
0xbc: {  	s0 =	sadd.s32 $0x8F2B, s0  }
0xbd: {  	[sflag:s0] =	ssyncadd.remote.s32 $0x1  }
0xbe: {  	_ =	sfence.sel $0xFFFF  }
0xbf: {  	[dreg:$0x0] =	wrdreg $0xFFFFFFFF;
	(pc) =	sbr.abs _section_cstart, $3  }
0xc0: {  	[dreg:$0x1] =	wrdreg $0xFFFFFFFF  }
0xc1: {  	_ =	task.clear_ibuf [dreg:s7], $0x2FFFF;
	_ =	strace $0x9FFFFFFF  }
0xc2: {  	(tm) =	ssettm $0x7FFFFFFF  }
0xc3: {  	_ =	shalt  }
tec
execute0_lowered:
.L_overlay_start_1:
0x0: {  	(tag) =	ssettag $0x1  }
0x1: {  	s0 =	srdreg.scid  }
0x2: {  	s10 =	stileid.u32;
	s1 =	rddreg [dreg:$0x0]  }
0x3: {  	s6 =	sand.u32 $0x1, s0;
	s2 =	sshll.u32 s10, $0x1;
	s22 =	smul.u32 $0x320000, s10  }
0x4: {  	s28 =	simm.s32 $0xA400;
	s4 =	sor.u32 s6, s2;
	s24 =	smul.u32 $0x190000, s6  }
0x5: {  	s29 =	simm.s32 $0xC400;
	s30 =	simm.s32 $0x1;
	s3 =	smul.u32 $0xC80, s4  }
0x6: {  	s31 =	simm.s32 $0x7D00;
	s0 =	rddreg [dreg:$0x1];
	s7 =	smul.u32 $0x32000, s4  }
0x7: {  	s2 =	simm.s32 $0x0;
	s5 =	ssub.s32 $0x2, s6;
	s6 =	smul.u32 $0x32000, s6  }
0x8: {  	[smem:$0x7FF] =	sst s2;
	s8 =	sadd.s32 s3, s1;
	s11 =	sadd.s32 s0, s7  }
0x9: {  	_ =	strace $0x8000004A;
	s18 =	sadd.s32 $0x7A2000, s8;
	[dreg:$0x1f] =	wrdreg s11  }
0xa: {  	s9 =	sshrl.u32 s5, $0x1;
	s19 =	sadd.s32 $0x190, s11;
	[smem:$0x7DC] =	sst s18  }
0xb: {  	s4 =	smul.u32 $0x190000, s4;
	s20 =	sadd.s32 $0x320, s11;
	[smem:$0x7DD] =	sst s19  }
0xc: {  	s3 =	sadd.s32 $0xE00, s1;
	s21 =	sadd.s32 $0x4B0, s11;
	[smem:$0x7DE] =	sst s20  }
0xd: {  	s1 =	ssub.s32 s5, s9;
	s7 =	sadd.s32 $0x640, s11;
	[smem:$0x7DF] =	sst s21  }
0xe: {  	s4 =	sshrl.u32 s4, $0x3;
	s23 =	sadd.s32 $0x7D0, s11;
	[smem:$0x7E0] =	sst s7  }
0xf: {  	s5 =	sadd.s32 s24, s22;
	s25 =	sadd.s32 $0x960, s11;
	[smem:$0x7E1] =	sst s23  }
0x10: {  	s26 =	sadd.s32 $0xAF0, s11;
	s9 =	sadd.s32 $0xC80, s11;
	[smem:$0x7E2] =	sst s25  }
0x11: {  	s4 =	sadd.s32 s0, s4;
	s14 =	sadd.s32 $0x1E780, s5;
	[smem:$0x7E3] =	sst s26  }
0x12: {  	s16 =	sadd.s32 $0x1DB00, s5;
	s22 =	sadd.s32 $0x1B580, s5;
	[smem:$0x7E4] =	sst s9  }
0x13: {  	s12 =	sadd.s32 $0x20D0, s4;
	s13 =	sadd.s32 $0x2260, s4;
	s15 =	sadd.s32 $0x23F0, s4  }
0x14: {  	s7 =	sshrl.u32 s14, $0x3;
	s17 =	sadd.s32 $0x2580, s4;
	[smem:$0x7E5] =	sst s12  }
0x15: {  	s8 =	sshrl.u32 s16, $0x3;
	s19 =	sadd.s32 $0x1CE80, s5;
	[smem:$0x7E6] =	sst s13  }
0x16: {  	s21 =	sadd.s32 $0x1C200, s5;
	s24 =	sshrl.u32 s22, $0x3;
	[smem:$0x7E7] =	sst s15  }
0x17: {  	s26 =	sadd.s32 $0x1A900, s5;
	[smem:$0x7E8] =	sst s17;
	s7 =	sadd.s32 s7, s0  }
0x18: {  	s18 =	sadd.s32 s8, s0;
	s20 =	sshrl.u32 s19, $0x3;
	s8 =	sshrl.u32 s21, $0x3  }
0x19: {  	s25 =	sadd.s32 s24, s0;
	s12 =	smul.u32 $0x64000, s10;
	s13 =	sadd.s32 $0x2710, s4  }
0x1a: {  	s15 =	sadd.s32 $0x31380, s5;
	s17 =	sadd.s32 $0x30700, s5;
	[dreg:$0x3] =	wrdreg s7  }
0x1b: {  	s21 =	sadd.s32 $0x2FA80, s5;
	s24 =	sadd.s32 $0x2E180, s5;
	[dreg:$0x4] =	wrdreg s18  }
0x1c: {  	s10 =	sadd.s32 $0x2C880, s5;
	s7 =	sadd.s32 s20, s0;
	[dreg:$0x7] =	wrdreg s25  }
0x1d: {  	s23 =	sadd.s32 s8, s0;
	s8 =	sshrl.u32 s26, $0x3;
	[smem:$0x7E9] =	sst s13  }
0x1e: {  	s16 =	sshrl.u32 s15, $0x3;
	s19 =	sshrl.u32 s17, $0x3;
	[dreg:$0x5] =	wrdreg s7  }
0x1f: {  	s22 =	sshrl.u32 s21, $0x3;
	s26 =	sshrl.u32 s24, $0x3;
	[dreg:$0x6] =	wrdreg s23  }
0x20: {  	s7 =	sadd.s32 s8, s0;
	s14 =	sadd.s32 s12, s0;
	s18 =	sadd.s32 s16, s0  }
0x21: {  	s20 =	sadd.s32 s19, s0;
	s23 =	sadd.s32 $0x2EE00, s5;
	s8 =	sadd.s32 $0x2D500, s5  }
0x22: {  	s12 =	sadd.s32 $0x2AF80, s5;
	s16 =	sadd.s32 $0x2A300, s5;
	[dreg:$0x8] =	wrdreg s7  }
0x23: {  	s19 =	sadd.s32 $0x28A00, s5;
	s6 =	sadd.s32 s6, s14;
	[dreg:$0xa] =	wrdreg s18  }
0x24: {  	[dreg:$0xb] =	wrdreg s20;
	s7 =	sshrl.u32 s23, $0x3;
	s9 =	sshrl.u32 s8, $0x3  }
0x25: {  	s14 =	sshrl.u32 s12, $0x3;
	s17 =	sshrl.u32 s16, $0x3;
	s18 =	sadd.s32 $0x29680, s5  }
0x26: {  	s21 =	sshrl.u32 s19, $0x3;
	s23 =	sadd.s32 $0x27D80, s5;
	s16 =	sadd.s32 $0x23280, s5  }
0x27: {  	s8 =	sadd.s32 $0x2A30, s4;
	[dreg:$0x9] =	wrdreg s6;
	s6 =	sadd.s32 s22, s0  }
0x28: {  	s25 =	sadd.s32 s7, s0;
	s7 =	sadd.s32 s26, s0;
	[smem:$0x7EB] =	sst s8  }
0x29: {  	s15 =	sadd.s32 s14, s0;
	s22 =	sadd.s32 s21, s0;
	[dreg:$0xc] =	wrdreg s6  }
0x2a: {  	s24 =	sshrl.u32 s23, $0x3;
	s26 =	sadd.s32 $0x26480, s5;
	[dreg:$0xd] =	wrdreg s25  }
0x2b: {  	s23 =	sadd.s32 $0x28A0, s4;
	s8 =	simm.s32 $0x18C00;
	[dreg:$0xe] =	wrdreg s7  }
0x2c: {  	s6 =	sadd.s32 s9, s0;
	s7 =	sshrl.u32 s10, $0x3;
	[dreg:$0x11] =	wrdreg s15  }
0x2d: {  	[dreg:$0x14] =	wrdreg s22;
	s25 =	sadd.s32 $0x27100, s5;
	s10 =	sshrl.u32 s26, $0x3  }
0x2e: {  	s15 =	sadd.s32 $0x23F00, s5;
	s22 =	sadd.s32 $0x21980, s5;
	[smem:$0x7EA] =	sst s23  }
0x2f: {  	s23 =	sadd.s32 $0x1A90, s11;
	[dreg:$0xf] =	wrdreg s6;
	s13 =	sadd.s32 s7, s0  }
0x30: {  	s6 =	sadd.s32 s17, s0;
	s7 =	sshrl.u32 s18, $0x3;
	[smem:$0x7F9] =	sst s23  }
0x31: {  	s12 =	sadd.s32 s10, s0;
	s18 =	sshrl.u32 s16, $0x3;
	[dreg:$0x10] =	wrdreg s13  }
0x32: {  	s10 =	sadd.s32 $0x2D50, s4;
	s16 =	sadd.s32 $0xFA0, s11;
	[dreg:$0x12] =	wrdreg s6  }
0x33: {  	s23 =	simm.s32 $0x1F000;
	s20 =	sadd.s32 s7, s0;
	[dreg:$0x17] =	wrdreg s12  }
0x34: {  	s6 =	sadd.s32 s24, s0;
	s7 =	sshrl.u32 s25, $0x3;
	[smem:$0x7ED] =	sst s10  }
0x35: {  	s13 =	sadd.s32 $0x24B80, s5;
	s19 =	sadd.s32 s18, s0;
	[smem:$0x7F2] =	sst s16  }
0x36: {  	s25 =	sadd.s32 $0x20D00, s5;
	s12 =	sadd.s32 $0x2EE0, s4;
	[dreg:$0x13] =	wrdreg s20  }
0x37: {  	s18 =	sadd.s32 $0x12C0, s11;
	s10 =	simm.s32 $0x1D000;
	[dreg:$0x15] =	wrdreg s6  }
0x38: {  	s16 =	simm.s32 $0x7;
	s9 =	sadd.s32 s7, s0;
	[dreg:$0x1a] =	wrdreg s19  }
0x39: {  	s14 =	sshrl.u32 s13, $0x3;
	s7 =	sshrl.u32 s15, $0x3;
	[smem:$0x7EE] =	sst s12  }
0x3a: {  	s20 =	sadd.s32 $0x22600, s5;
	s26 =	sshrl.u32 s25, $0x3;
	[smem:$0x7F4] =	sst s18  }
0x3b: {  	s5 =	sadd.s32 $0x20080, s5;
	s13 =	sadd.s32 $0x3070, s4;
	[dreg:$0x16] =	wrdreg s9  }
0x3c: {  	s15 =	sadd.s32 $0xE10, s11;
	s19 =	sadd.s32 $0x1450, s11;
	[smem:$0x7EF] =	sst s13  }
0x3d: {  	s25 =	sadd.s32 $0x1DB0, s11;
	s12 =	simm.s32 $0x6400;
	[smem:$0x7F1] =	sst s15  }
0x3e: {  	s18 =	simm.s32 $0x8;
	s6 =	sadd.s32 s14, s0;
	[smem:$0x7F5] =	sst s19  }
0x3f: {  	s17 =	sadd.s32 s7, s0;
	s21 =	sshrl.u32 s20, $0x3;
	[smem:$0x7FB] =	sst s25  }
0x40: {  	s7 =	sshrl.u32 s22, $0x3;
	s5 =	sshrl.u32 s5, $0x3;
	[dreg:$0x18] =	wrdreg s6  }
0x41: {  	s9 =	sadd.s32 $0x2BC0, s4;
	s14 =	smax.u32 s1, $0x1;
	[dreg:$0x19] =	wrdreg s17  }
0x42: {  	s20 =	sadd.s32 $0x15E0, s11;
	s22 =	sadd.s32 $0x1900, s11;
	[smem:$0x7EC] =	sst s9  }
0x43: {  	s15 =	simm.s32 $0x10;
	s25 =	simm.s32 $0x19000;
	[smem:$0x7F0] =	sst s14  }
0x44: {  	s4 =	simm.s32 $0x1B000;
	s1 =	simm.s32 $0x4;
	[smem:$0x7F6] =	sst s20  }
0x45: {  	s13 =	simm.s32 $0x5;
	s19 =	simm.s32 $0x0;
	[smem:$0x7F8] =	sst s22  }
0x46: {  	s6 =	sadd.s32 s21, s0;
	s24 =	sadd.s32 s7, s0;
	[smem:$0x7FD] =	sst s19  }
0x47: {  	s17 =	sadd.s32 $0x1130, s11;
	s21 =	sadd.s32 $0x1770, s11;
	[dreg:$0x1b] =	wrdreg s6  }
0x48: {  	s22 =	simm.s32 $0xE800;
	s7 =	simm.s32 $0x16C00;
	[dreg:$0x1c] =	wrdreg s24  }
0x49: {  	s9 =	simm.s32 $0x2;
	s20 =	simm.s32 $0x3;
	[smem:$0x7F3] =	sst s17  }
0x4a: {  	s14 =	simm.s32 $0x6;
	s6 =	sadd.s32 s26, s0;
	[smem:$0x7F7] =	sst s21  }
0x4b: {  	s0 =	sadd.s32 s5, s0;
	s24 =	sadd.s32 $0x1C20, s11;
	[dreg:$0x1d] =	wrdreg s6  }
0x4c: {  	s26 =	sadd.s32 $0x1F40, s11;
	s11 =	simm.s32 $0x80;
	[dreg:$0x1e] =	wrdreg s0  }
0x4d: {  	s17 =	simm.s32 $0xC800;
	s5 =	simm.s32 $0x12800;
	[smem:$0x7FA] =	sst s24  }
0x4e: {  	s21 =	simm.s32 $0x12C00;
	[smem:$0x7FC] =	sst s26;
	s26 =	simm.s32 $0x8400  }
0x4f: {  	s0 =	simm.s32 $0x10800;
	s6 =	simm.s32 $0x14C00;
	s24 =	simm.s32 $0x7080  }
.LBB2_1:
0x50: {  	s19 =	sld [smem:$0x7DC];
	_ =	sdelay $0x2  }
0x51: {  	[tilespmem:s2], [sflag:$0x9] =	stream.linear.gather [hbm4b:s19+s2], $0x6400, $0x38;
	[tilespmem:$0x1F400] =	vst v63  }
0x52: {  	s19 =	simm.s32 $0x9  }
0x53: {  	_ =	swait.ge [sflag:s19], $0x6400  }
0x54: {  	[sflag:s19] =	ssyncset.done $0x0  }
0x55: {  	[sflag:s19] =	ssyncadd.s32 $0xFFFF9C00  }
0x56: {  	[tilespmem:s12], [sflag:$0x1] =	stream.indirect.gather [hbm4b:s3+s11], $0x40, s2, s11, $0xb8;
	[tilespmem:$0x1F400] =	vst v63  }
0x57: {  	_ = 	snop  }
0x58: {  	[tilespmem:s26], [sflag:$0x1] =	stream.indirect.gather [hbm4b:s3+s11], $0x40, s11, s11, $0xb8;
	[tilespmem:$0x1F400] =	vst v63  }
0x59: {  	s19 =	simm.s32 $0x100  }
0x5a: {  	[tilespmem:s28], [sflag:$0x1] =	stream.indirect.gather [hbm4b:s3+s11], $0x40, s19, s11, $0xb8;
	[tilespmem:$0x1F400] =	vst v63  }
0x5b: {  	s19 =	simm.s32 $0x180  }
0x5c: {  	[tilespmem:s29], [sflag:$0x1] =	stream.indirect.gather [hbm4b:s3+s15], $0x40, s19, s15, $0xb8;
	[tilespmem:$0x1F400] =	vst v63  }
0x5d: {  	s19 =	simm.s32 $0x190  }
0x5e: {  	[tilespmem:s17], [sflag:$0x2] =	stream.indirect.gather [hbm4b:s3+s11], $0x40, s19, s11, $0xb8;
	[tilespmem:$0x1F400] =	vst v63  }
0x5f: {  	s19 =	simm.s32 $0x210  }
0x60: {  	[tilespmem:s22], [sflag:$0x2] =	stream.indirect.gather [hbm4b:s3+s11], $0x40, s19, s11, $0xb8;
	[tilespmem:$0x1F400] =	vst v63  }
0x61: {  	s19 =	simm.s32 $0x290  }
0x62: {  	[tilespmem:s0], [sflag:$0x2] =	stream.indirect.gather [hbm4b:s3+s11], $0x40, s19, s11, $0xb8;
	[tilespmem:$0x1F400] =	vst v63  }
0x63: {  	s19 =	simm.s32 $0x310  }
0x64: {  	[tilespmem:s5], [sflag:$0x2] =	stream.indirect.gather [hbm4b:s3+s15], $0x40, s19, s15, $0xb8;
	[tilespmem:$0x1F400] =	vst v63  }
0x65: {  	s19 =	simm.s32 $0x320  }
0x66: {  	[tilespmem:s21], [sflag:$0x3] =	stream.indirect.gather [hbm4b:s3+s11], $0x40, s19, s11, $0xb8;
	[tilespmem:$0x1F400] =	vst v63  }
0x67: {  	s19 =	simm.s32 $0x3A0  }
0x68: {  	[tilespmem:s6], [sflag:$0x3] =	stream.indirect.gather [hbm4b:s3+s11], $0x40, s19, s11, $0xb8;
	[tilespmem:$0x1F400] =	vst v63  }
0x69: {  	s19 =	simm.s32 $0x420  }
0x6a: {  	[tilespmem:s7], [sflag:$0x3] =	stream.indirect.gather [hbm4b:s3+s11], $0x40, s19, s11, $0xb8;
	[tilespmem:$0x1F400] =	vst v63  }
0x6b: {  	s19 =	simm.s32 $0x4A0  }
0x6c: {  	[tilespmem:s8], [sflag:$0x3] =	stream.indirect.gather [hbm4b:s3+s15], $0x40, s19, s15, $0xb8;
	[tilespmem:$0x1F400] =	vst v63  }
0x6d: {  	s19 =	simm.s32 $0x4B0  }
0x6e: {  	[tilespmem:s25], [sflag:$0x4] =	stream.indirect.gather [hbm4b:s3+s11], $0x40, s19, s11, $0xb8;
	[tilespmem:$0x1F400] =	vst v63  }
0x6f: {  	s19 =	simm.s32 $0x530  }
0x70: {  	[tilespmem:s4], [sflag:$0x4] =	stream.indirect.gather [hbm4b:s3+s11], $0x40, s19, s11, $0xb8;
	[tilespmem:$0x1F400] =	vst v63  }
0x71: {  	s19 =	simm.s32 $0x5B0  }
0x72: {  	[tilespmem:s10], [sflag:$0x4] =	stream.indirect.gather [hbm4b:s3+s11], $0x40, s19, s11, $0xb8;
	[tilespmem:$0x1F400] =	vst v63  }
0x73: {  	s19 =	simm.s32 $0x630  }
0x74: {  	[tilespmem:s23], [sflag:$0x4] =	stream.indirect.gather [hbm4b:s3+s15], $0x40, s19, s15, $0xb8;
	[tilespmem:$0x1F400] =	vst v63  }
0x75: {  	_ =	swait.ge [sflag:s30], $0x2000  }
0x76: {  	[sflag:s30] =	ssyncset.done $0x0  }
0x77: {  	[sflag:s30] =	ssyncadd.s32 $0xFFFFE000  }
0x78: {  	_ =	swait.ge [sflag:s30], $0x2000  }
0x79: {  	[sflag:s30] =	ssyncset.done $0x0  }
0x7a: {  	[sflag:s30] =	ssyncadd.s32 $0xFFFFE000  }
0x7b: {  	_ =	swait.ge [sflag:s30], $0x2000  }
0x7c: {  	[sflag:s30] =	ssyncset.done $0x0  }
0x7d: {  	[sflag:s30] =	ssyncadd.s32 $0xFFFFE000  }
0x7e: {  	_ =	swait.ge [sflag:s30], $0x400  }
0x7f: {  	[sflag:s30] =	ssyncset.done $0x0  }
0x80: {  	s19 =	rddreg [dreg:$0x1f];
	[sflag:s30] =	ssyncadd.s32 $0xFFFFFC00  }
0x81: {  	[hbm4b:s19+s2] =	stream.linear.scatter [tilespmem:s12], [sflag:$0x5], $0xC80, $0x38;
	[tilespmem:$0x1F400] =	vst v63  }
0x82: {  	s19 =	sld [smem:$0x7DD];
	_ =	sdelay $0x2  }
0x83: {  	[hbm4b:s19+s2] =	stream.linear.scatter [tilespmem:s24], [sflag:$0x5], $0xC80, $0x38;
	[tilespmem:$0x1F400] =	vst v63  }
0x84: {  	s19 =	sld [smem:$0x7DE];
	_ =	sdelay $0x2  }
0x85: {  	[hbm4b:s19+s2] =	stream.linear.scatter [tilespmem:s31], [sflag:$0x5], $0xC80, $0x38;
	[tilespmem:$0x1F400] =	vst v63  }
0x86: {  	s19 =	sld [smem:$0x7DF];
	_ =	sdelay $0x1  }
0x87: {  	s31 =	simm.s32 $0x8980  }
0x88: {  	[hbm4b:s19+s2] =	stream.linear.scatter [tilespmem:s31], [sflag:$0x5], $0xC80, $0x38;
	[tilespmem:$0x1F400] =	vst v63  }
0x89: {  	s19 =	sld [smem:$0x7E0];
	_ =	sdelay $0x1  }
0x8a: {  	s31 =	simm.s32 $0x9600  }
0x8b: {  	[hbm4b:s19+s2] =	stream.linear.scatter [tilespmem:s31], [sflag:$0x5], $0xC80, $0x38;
	[tilespmem:$0x1F400] =	vst v63  }
0x8c: {  	s19 =	sld [smem:$0x7E1];
	_ =	sdelay $0x1  }
0x8d: {  	s31 =	simm.s32 $0xA280  }
0x8e: {  	[hbm4b:s19+s2] =	stream.linear.scatter [tilespmem:s31], [sflag:$0x5], $0xC80, $0x38;
	[tilespmem:$0x1F400] =	vst v63  }
0x8f: {  	s19 =	sld [smem:$0x7E2];
	_ =	sdelay $0x1  }
0x90: {  	s31 =	simm.s32 $0xAF00  }
0x91: {  	[hbm4b:s19+s2] =	stream.linear.scatter [tilespmem:s31], [sflag:$0x5], $0xC80, $0x38;
	[tilespmem:$0x1F400] =	vst v63  }
0x92: {  	s19 =	sld [smem:$0x7E3];
	_ =	sdelay $0x1  }
0x93: {  	s31 =	simm.s32 $0xBB80  }
0x94: {  	[hbm4b:s19+s2] =	stream.linear.scatter [tilespmem:s31], [sflag:$0x5], $0xC80, $0x38;
	[tilespmem:$0x1F400] =	vst v63  }
0x95: {  	_ =	swait.ge [sflag:s9], $0x2000  }
0x96: {  	[sflag:s9] =	ssyncset.done $0x0  }
0x97: {  	[sflag:s9] =	ssyncadd.s32 $0xFFFFE000  }
0x98: {  	_ =	swait.ge [sflag:s9], $0x2000  }
0x99: {  	[sflag:s9] =	ssyncset.done $0x0  }
0x9a: {  	[sflag:s9] =	ssyncadd.s32 $0xFFFFE000  }
0x9b: {  	_ =	swait.ge [sflag:s9], $0x2000  }
0x9c: {  	[sflag:s9] =	ssyncset.done $0x0  }
0x9d: {  	[sflag:s9] =	ssyncadd.s32 $0xFFFFE000  }
0x9e: {  	_ =	swait.ge [sflag:s9], $0x400  }
0x9f: {  	s19 =	sld [smem:$0x7E4]  }
0xa0: {  	[sflag:s9] =	ssyncset.done $0x0  }
0xa1: {  	[sflag:s9] =	ssyncadd.s32 $0xFFFFFC00  }
0xa2: {  	[hbm4b:s19+s2] =	stream.linear.scatter [tilespmem:s17], [sflag:$0x6], $0xC80, $0x38;
	[tilespmem:$0x1F400] =	vst v63  }
0xa3: {  	s19 =	sld [smem:$0x7F1];
	_ =	sdelay $0x1  }
0xa4: {  	s31 =	simm.s32 $0xD480  }
0xa5: {  	[hbm4b:s19+s2] =	stream.linear.scatter [tilespmem:s31], [sflag:$0x6], $0xC80, $0x38;
	[tilespmem:$0x1F400] =	vst v63  }
0xa6: {  	s19 =	sld [smem:$0x7F2];
	_ =	sdelay $0x1  }
0xa7: {  	s31 =	simm.s32 $0xE100  }
0xa8: {  	[hbm4b:s19+s2] =	stream.linear.scatter [tilespmem:s31], [sflag:$0x6], $0xC80, $0x38;
	[tilespmem:$0x1F400] =	vst v63  }
0xa9: {  	s19 =	sld [smem:$0x7F3];
	_ =	sdelay $0x1  }
0xaa: {  	s31 =	simm.s32 $0xED80  }
0xab: {  	[hbm4b:s19+s2] =	stream.linear.scatter [tilespmem:s31], [sflag:$0x6], $0xC80, $0x38;
	[tilespmem:$0x1F400] =	vst v63  }
0xac: {  	s19 =	sld [smem:$0x7F4];
	_ =	sdelay $0x1  }
0xad: {  	s31 =	simm.s32 $0xFA00  }
0xae: {  	[hbm4b:s19+s2] =	stream.linear.scatter [tilespmem:s31], [sflag:$0x6], $0xC80, $0x38;
	[tilespmem:$0x1F400] =	vst v63  }
0xaf: {  	s19 =	sld [smem:$0x7F5];
	_ =	sdelay $0x1  }
0xb0: {  	s31 =	simm.s32 $0x10680  }
0xb1: {  	[hbm4b:s19+s2] =	stream.linear.scatter [tilespmem:s31], [sflag:$0x6], $0xC80, $0x38;
	[tilespmem:$0x1F400] =	vst v63  }
0xb2: {  	s19 =	sld [smem:$0x7F6];
	_ =	sdelay $0x1  }
0xb3: {  	s31 =	simm.s32 $0x11300  }
0xb4: {  	[hbm4b:s19+s2] =	stream.linear.scatter [tilespmem:s31], [sflag:$0x6], $0xC80, $0x38;
	[tilespmem:$0x1F400] =	vst v63  }
0xb5: {  	s19 =	sld [smem:$0x7F7];
	_ =	sdelay $0x1  }
0xb6: {  	s31 =	simm.s32 $0x11F80  }
0xb7: {  	[hbm4b:s19+s2] =	stream.linear.scatter [tilespmem:s31], [sflag:$0x6], $0xC80, $0x38;
	[tilespmem:$0x1F400] =	vst v63  }
0xb8: {  	_ =	swait.ge [sflag:s20], $0x2000  }
0xb9: {  	[sflag:s20] =	ssyncset.done $0x0  }
0xba: {  	[sflag:s20] =	ssyncadd.s32 $0xFFFFE000  }
0xbb: {  	_ =	swait.ge [sflag:s20], $0x2000  }
0xbc: {  	[sflag:s20] =	ssyncset.done $0x0  }
0xbd: {  	[sflag:s20] =	ssyncadd.s32 $0xFFFFE000  }
0xbe: {  	_ =	swait.ge [sflag:s20], $0x2000  }
0xbf: {  	[sflag:s20] =	ssyncset.done $0x0  }
0xc0: {  	[sflag:s20] =	ssyncadd.s32 $0xFFFFE000  }
0xc1: {  	_ =	swait.ge [sflag:s20], $0x400  }
0xc2: {  	s19 =	sld [smem:$0x7F8]  }
0xc3: {  	[sflag:s20] =	ssyncset.done $0x0  }
0xc4: {  	[sflag:s20] =	ssyncadd.s32 $0xFFFFFC00  }
0xc5: {  	[hbm4b:s19+s2] =	stream.linear.scatter [tilespmem:s21], [sflag:$0x7], $0xC80, $0x38;
	[tilespmem:$0x1F400] =	vst v63  }
0xc6: {  	s19 =	sld [smem:$0x7F9];
	_ =	sdelay $0x1  }
0xc7: {  	s31 =	simm.s32 $0x13880  }
0xc8: {  	[hbm4b:s19+s2] =	stream.linear.scatter [tilespmem:s31], [sflag:$0x7], $0xC80, $0x38;
	[tilespmem:$0x1F400] =	vst v63  }
0xc9: {  	s19 =	sld [smem:$0x7FA];
	_ =	sdelay $0x1  }
0xca: {  	s31 =	simm.s32 $0x14500  }
0xcb: {  	[hbm4b:s19+s2] =	stream.linear.scatter [tilespmem:s31], [sflag:$0x7], $0xC80, $0x38;
	[tilespmem:$0x1F400] =	vst v63  }
0xcc: {  	s19 =	sld [smem:$0x7FB];
	_ =	sdelay $0x1  }
0xcd: {  	s31 =	simm.s32 $0x15180  }
0xce: {  	[hbm4b:s19+s2] =	stream.linear.scatter [tilespmem:s31], [sflag:$0x7], $0xC80, $0x38;
	[tilespmem:$0x1F400] =	vst v63  }
0xcf: {  	s19 =	sld [smem:$0x7FC];
	_ =	sdelay $0x1  }
0xd0: {  	s31 =	simm.s32 $0x15E00  }
0xd1: {  	[hbm4b:s19+s2] =	stream.linear.scatter [tilespmem:s31], [sflag:$0x7], $0xC80, $0x38;
	[tilespmem:$0x1F400] =	vst v63  }
0xd2: {  	s19 =	sld [smem:$0x7E5];
	_ =	sdelay $0x1  }
0xd3: {  	s31 =	simm.s32 $0x16A80  }
0xd4: {  	[hbm4b:s19+s2] =	stream.linear.scatter [tilespmem:s31], [sflag:$0x7], $0xC80, $0x38;
	[tilespmem:$0x1F400] =	vst v63  }
0xd5: {  	s19 =	sld [smem:$0x7E6];
	_ =	sdelay $0x1  }
0xd6: {  	s31 =	simm.s32 $0x17700  }
0xd7: {  	[hbm4b:s19+s2] =	stream.linear.scatter [tilespmem:s31], [sflag:$0x7], $0xC80, $0x38;
	[tilespmem:$0x1F400] =	vst v63  }
0xd8: {  	s19 =	sld [smem:$0x7E7];
	_ =	sdelay $0x1  }
0xd9: {  	s31 =	simm.s32 $0x18380  }
0xda: {  	[hbm4b:s19+s2] =	stream.linear.scatter [tilespmem:s31], [sflag:$0x7], $0xC80, $0x38;
	[tilespmem:$0x1F400] =	vst v63  }
0xdb: {  	_ =	swait.ge [sflag:s1], $0x2000  }
0xdc: {  	[sflag:s1] =	ssyncset.done $0x0  }
0xdd: {  	[sflag:s1] =	ssyncadd.s32 $0xFFFFE000  }
0xde: {  	_ =	swait.ge [sflag:s1], $0x2000  }
0xdf: {  	[sflag:s1] =	ssyncset.done $0x0  }
0xe0: {  	[sflag:s1] =	ssyncadd.s32 $0xFFFFE000  }
0xe1: {  	_ =	swait.ge [sflag:s1], $0x2000  }
0xe2: {  	[sflag:s1] =	ssyncset.done $0x0  }
0xe3: {  	[sflag:s1] =	ssyncadd.s32 $0xFFFFE000  }
0xe4: {  	_ =	swait.ge [sflag:s1], $0x400  }
0xe5: {  	s19 =	sld [smem:$0x7E8]  }
0xe6: {  	[sflag:s1] =	ssyncset.done $0x0  }
0xe7: {  	[sflag:s1] =	ssyncadd.s32 $0xFFFFFC00  }
0xe8: {  	[hbm4b:s19+s2] =	stream.linear.scatter [tilespmem:s25], [sflag:$0x8], $0xC80, $0x38;
	[tilespmem:$0x1F400] =	vst v63  }
0xe9: {  	s19 =	sld [smem:$0x7E9];
	_ =	sdelay $0x1  }
0xea: {  	s31 =	simm.s32 $0x19C80  }
0xeb: {  	[hbm4b:s19+s2] =	stream.linear.scatter [tilespmem:s31], [sflag:$0x8], $0xC80, $0x38;
	[tilespmem:$0x1F400] =	vst v63  }
0xec: {  	s19 =	sld [smem:$0x7EA];
	_ =	sdelay $0x1  }
0xed: {  	s31 =	simm.s32 $0x1A900  }
0xee: {  	[hbm4b:s19+s2] =	stream.linear.scatter [tilespmem:s31], [sflag:$0x8], $0xC80, $0x38;
	[tilespmem:$0x1F400] =	vst v63  }
0xef: {  	s19 =	sld [smem:$0x7EB];
	_ =	sdelay $0x1  }
0xf0: {  	s31 =	simm.s32 $0x1B580  }
0xf1: {  	[hbm4b:s19+s2] =	stream.linear.scatter [tilespmem:s31], [sflag:$0x8], $0xC80, $0x38;
	[tilespmem:$0x1F400] =	vst v63  }
0xf2: {  	s19 =	sld [smem:$0x7EC];
	_ =	sdelay $0x1  }
0xf3: {  	s31 =	simm.s32 $0x1C200  }
0xf4: {  	[hbm4b:s19+s2] =	stream.linear.scatter [tilespmem:s31], [sflag:$0x8], $0xC80, $0x38;
	[tilespmem:$0x1F400] =	vst v63  }
0xf5: {  	s19 =	sld [smem:$0x7ED];
	_ =	sdelay $0x1  }
0xf6: {  	s31 =	simm.s32 $0x1CE80  }
0xf7: {  	[hbm4b:s19+s2] =	stream.linear.scatter [tilespmem:s31], [sflag:$0x8], $0xC80, $0x38;
	[tilespmem:$0x1F400] =	vst v63  }
0xf8: {  	s19 =	sld [smem:$0x7EE];
	_ =	sdelay $0x1  }
0xf9: {  	s31 =	simm.s32 $0x1DB00  }
0xfa: {  	[hbm4b:s19+s2] =	stream.linear.scatter [tilespmem:s31], [sflag:$0x8], $0xC80, $0x38;
	[tilespmem:$0x1F400] =	vst v63  }
0xfb: {  	s19 =	sld [smem:$0x7EF];
	_ =	sdelay $0x1  }
0xfc: {  	s31 =	simm.s32 $0x1E780  }
0xfd: {  	[hbm4b:s19+s2] =	stream.linear.scatter [tilespmem:s31], [sflag:$0x8], $0xC80, $0x38;
	[tilespmem:$0x1F400] =	vst v63  }
0xfe: {  	_ =	swait.ge [sflag:s13], $0xC80  }
0xff: {  	[sflag:s13] =	ssyncset.done $0x0  }
0x100: {  	[sflag:s13] =	ssyncadd.s32 $0xFFFFF380  }
0x101: {  	_ =	swait.ge [sflag:s13], $0xC80  }
0x102: {  	[sflag:s13] =	ssyncset.done $0x0  }
0x103: {  	[sflag:s13] =	ssyncadd.s32 $0xFFFFF380  }
0x104: {  	_ =	swait.ge [sflag:s13], $0xC80  }
0x105: {  	[sflag:s13] =	ssyncset.done $0x0  }
0x106: {  	[sflag:s13] =	ssyncadd.s32 $0xFFFFF380  }
0x107: {  	_ =	swait.ge [sflag:s13], $0xC80  }
0x108: {  	[sflag:s13] =	ssyncset.done $0x0  }
0x109: {  	[sflag:s13] =	ssyncadd.s32 $0xFFFFF380  }
0x10a: {  	_ =	swait.ge [sflag:s13], $0xC80  }
0x10b: {  	[sflag:s13] =	ssyncset.done $0x0  }
0x10c: {  	[sflag:s13] =	ssyncadd.s32 $0xFFFFF380  }
0x10d: {  	_ =	swait.ge [sflag:s13], $0xC80  }
0x10e: {  	[sflag:s13] =	ssyncset.done $0x0  }
0x10f: {  	[sflag:s13] =	ssyncadd.s32 $0xFFFFF380  }
0x110: {  	_ =	swait.ge [sflag:s13], $0xC80  }
0x111: {  	[sflag:s13] =	ssyncset.done $0x0  }
0x112: {  	[sflag:s13] =	ssyncadd.s32 $0xFFFFF380  }
0x113: {  	_ =	swait.ge [sflag:s13], $0xC80  }
0x114: {  	[sflag:s13] =	ssyncset.done $0x0  }
0x115: {  	s19 =	simm.s32 $0x640;
	[sflag:s13] =	ssyncadd.s32 $0xFFFFF380  }
0x116: {  	[tilespmem:s12], [sflag:$0x1] =	stream.indirect.gather [hbm4b:s3+s11], $0x40, s19, s11, $0xb8;
	[tilespmem:$0x1F400] =	vst v63  }
0x117: {  	s19 =	simm.s32 $0x6C0  }
0x118: {  	[tilespmem:s26], [sflag:$0x1] =	stream.indirect.gather [hbm4b:s3+s11], $0x40, s19, s11, $0xb8;
	[tilespmem:$0x1F400] =	vst v63  }
0x119: {  	s19 =	simm.s32 $0x740  }
0x11a: {  	[tilespmem:s28], [sflag:$0x1] =	stream.indirect.gather [hbm4b:s3+s11], $0x40, s19, s11, $0xb8;
	[tilespmem:$0x1F400] =	vst v63  }
0x11b: {  	s19 =	simm.s32 $0x7C0  }
0x11c: {  	[tilespmem:s29], [sflag:$0x1] =	stream.indirect.gather [hbm4b:s3+s15], $0x40, s19, s15, $0xb8;
	[tilespmem:$0x1F400] =	vst v63  }
0x11d: {  	_ =	swait.ge [sflag:s14], $0xC80  }
0x11e: {  	[sflag:s14] =	ssyncset.done $0x0  }
0x11f: {  	[sflag:s14] =	ssyncadd.s32 $0xFFFFF380  }
0x120: {  	_ =	swait.ge [sflag:s14], $0xC80  }
0x121: {  	[sflag:s14] =	ssyncset.done $0x0  }
0x122: {  	[sflag:s14] =	ssyncadd.s32 $0xFFFFF380  }
0x123: {  	_ =	swait.ge [sflag:s14], $0xC80  }
0x124: {  	[sflag:s14] =	ssyncset.done $0x0  }
0x125: {  	[sflag:s14] =	ssyncadd.s32 $0xFFFFF380  }
0x126: {  	_ =	swait.ge [sflag:s14], $0xC80  }
0x127: {  	[sflag:s14] =	ssyncset.done $0x0  }
0x128: {  	[sflag:s14] =	ssyncadd.s32 $0xFFFFF380  }
0x129: {  	_ =	swait.ge [sflag:s14], $0xC80  }
0x12a: {  	[sflag:s14] =	ssyncset.done $0x0  }
0x12b: {  	[sflag:s14] =	ssyncadd.s32 $0xFFFFF380  }
0x12c: {  	_ =	swait.ge [sflag:s14], $0xC80  }
0x12d: {  	[sflag:s14] =	ssyncset.done $0x0  }
0x12e: {  	[sflag:s14] =	ssyncadd.s32 $0xFFFFF380  }
0x12f: {  	_ =	swait.ge [sflag:s14], $0xC80  }
0x130: {  	[sflag:s14] =	ssyncset.done $0x0  }
0x131: {  	[sflag:s14] =	ssyncadd.s32 $0xFFFFF380  }
0x132: {  	_ =	swait.ge [sflag:s14], $0xC80  }
0x133: {  	[sflag:s14] =	ssyncset.done $0x0  }
0x134: {  	s19 =	simm.s32 $0x7D0;
	[sflag:s14] =	ssyncadd.s32 $0xFFFFF380  }
0x135: {  	[tilespmem:s17], [sflag:$0x2] =	stream.indirect.gather [hbm4b:s3+s11], $0x40, s19, s11, $0xb8;
	[tilespmem:$0x1F400] =	vst v63  }
0x136: {  	s19 =	simm.s32 $0x850  }
0x137: {  	[tilespmem:s22], [sflag:$0x2] =	stream.indirect.gather [hbm4b:s3+s11], $0x40, s19, s11, $0xb8;
	[tilespmem:$0x1F400] =	vst v63  }
0x138: {  	s22 =	simm.s32 $0x8D0  }
0x139: {  	[tilespmem:s0], [sflag:$0x2] =	stream.indirect.gather [hbm4b:s3+s11], $0x40, s22, s11, $0xb8;
	[tilespmem:$0x1F400] =	vst v63  }
0x13a: {  	s0 =	simm.s32 $0x950  }
0x13b: {  	[tilespmem:s5], [sflag:$0x2] =	stream.indirect.gather [hbm4b:s3+s15], $0x40, s0, s15, $0xb8;
	[tilespmem:$0x1F400] =	vst v63  }
0x13c: {  	_ =	swait.ge [sflag:s16], $0xC80  }
0x13d: {  	[sflag:s16] =	ssyncset.done $0x0  }
0x13e: {  	[sflag:s16] =	ssyncadd.s32 $0xFFFFF380  }
0x13f: {  	_ =	swait.ge [sflag:s16], $0xC80  }
0x140: {  	[sflag:s16] =	ssyncset.done $0x0  }
0x141: {  	[sflag:s16] =	ssyncadd.s32 $0xFFFFF380  }
0x142: {  	_ =	swait.ge [sflag:s16], $0xC80  }
0x143: {  	[sflag:s16] =	ssyncset.done $0x0  }
0x144: {  	[sflag:s16] =	ssyncadd.s32 $0xFFFFF380  }
0x145: {  	_ =	swait.ge [sflag:s16], $0xC80  }
0x146: {  	[sflag:s16] =	ssyncset.done $0x0  }
0x147: {  	[sflag:s16] =	ssyncadd.s32 $0xFFFFF380  }
0x148: {  	_ =	swait.ge [sflag:s16], $0xC80  }
0x149: {  	[sflag:s16] =	ssyncset.done $0x0  }
0x14a: {  	[sflag:s16] =	ssyncadd.s32 $0xFFFFF380  }
0x14b: {  	_ =	swait.ge [sflag:s16], $0xC80  }
0x14c: {  	[sflag:s16] =	ssyncset.done $0x0  }
0x14d: {  	[sflag:s16] =	ssyncadd.s32 $0xFFFFF380  }
0x14e: {  	_ =	swait.ge [sflag:s16], $0xC80  }
0x14f: {  	[sflag:s16] =	ssyncset.done $0x0  }
0x150: {  	[sflag:s16] =	ssyncadd.s32 $0xFFFFF380  }
0x151: {  	_ =	swait.ge [sflag:s16], $0xC80  }
0x152: {  	[sflag:s16] =	ssyncset.done $0x0  }
0x153: {  	s5 =	simm.s32 $0x960;
	[sflag:s16] =	ssyncadd.s32 $0xFFFFF380  }
0x154: {  	[tilespmem:s21], [sflag:$0x3] =	stream.indirect.gather [hbm4b:s3+s11], $0x40, s5, s11, $0xb8;
	[tilespmem:$0x1F400] =	vst v63  }
0x155: {  	s22 =	simm.s32 $0x9E0  }
0x156: {  	[tilespmem:s6], [sflag:$0x3] =	stream.indirect.gather [hbm4b:s3+s11], $0x40, s22, s11, $0xb8;
	[tilespmem:$0x1F400] =	vst v63  }
0x157: {  	s0 =	simm.s32 $0xA60  }
0x158: {  	[tilespmem:s7], [sflag:$0x3] =	stream.indirect.gather [hbm4b:s3+s11], $0x40, s0, s11, $0xb8;
	[tilespmem:$0x1F400] =	vst v63  }
0x159: {  	s5 =	simm.s32 $0xAE0  }
0x15a: {  	[tilespmem:s8], [sflag:$0x3] =	stream.indirect.gather [hbm4b:s3+s15], $0x40, s5, s15, $0xb8;
	[tilespmem:$0x1F400] =	vst v63  }
0x15b: {  	_ =	swait.ge [sflag:s18], $0xC80  }
0x15c: {  	[sflag:s18] =	ssyncset.done $0x0  }
0x15d: {  	[sflag:s18] =	ssyncadd.s32 $0xFFFFF380  }
0x15e: {  	_ =	swait.ge [sflag:s18], $0xC80  }
0x15f: {  	[sflag:s18] =	ssyncset.done $0x0  }
0x160: {  	[sflag:s18] =	ssyncadd.s32 $0xFFFFF380  }
0x161: {  	_ =	swait.ge [sflag:s18], $0xC80  }
0x162: {  	[sflag:s18] =	ssyncset.done $0x0  }
0x163: {  	[sflag:s18] =	ssyncadd.s32 $0xFFFFF380  }
0x164: {  	_ =	swait.ge [sflag:s18], $0xC80  }
0x165: {  	[sflag:s18] =	ssyncset.done $0x0  }
0x166: {  	[sflag:s18] =	ssyncadd.s32 $0xFFFFF380  }
0x167: {  	_ =	swait.ge [sflag:s18], $0xC80  }
0x168: {  	[sflag:s18] =	ssyncset.done $0x0  }
0x169: {  	[sflag:s18] =	ssyncadd.s32 $0xFFFFF380  }
0x16a: {  	_ =	swait.ge [sflag:s18], $0xC80  }
0x16b: {  	[sflag:s18] =	ssyncset.done $0x0  }
0x16c: {  	[sflag:s18] =	ssyncadd.s32 $0xFFFFF380  }
0x16d: {  	_ =	swait.ge [sflag:s18], $0xC80  }
0x16e: {  	[sflag:s18] =	ssyncset.done $0x0  }
0x16f: {  	[sflag:s18] =	ssyncadd.s32 $0xFFFFF380  }
0x170: {  	_ =	swait.ge [sflag:s18], $0xC80  }
0x171: {  	[sflag:s18] =	ssyncset.done $0x0  }
0x172: {  	s6 =	simm.s32 $0xAF0;
	[sflag:s18] =	ssyncadd.s32 $0xFFFFF380  }
0x173: {  	[tilespmem:s25], [sflag:$0x4] =	stream.indirect.gather [hbm4b:s3+s11], $0x40, s6, s11, $0xb8;
	[tilespmem:$0x1F400] =	vst v63  }
0x174: {  	s7 =	simm.s32 $0xB70  }
0x175: {  	[tilespmem:s4], [sflag:$0x4] =	stream.indirect.gather [hbm4b:s3+s11], $0x40, s7, s11, $0xb8;
	[tilespmem:$0x1F400] =	vst v63  }
0x176: {  	s8 =	simm.s32 $0xBF0  }
0x177: {  	[tilespmem:s10], [sflag:$0x4] =	stream.indirect.gather [hbm4b:s3+s11], $0x40, s8, s11, $0xb8;
	[tilespmem:$0x1F400] =	vst v63  }
0x178: {  	s22 =	simm.s32 $0xC70  }
0x179: {  	[tilespmem:s23], [sflag:$0x4] =	stream.indirect.gather [hbm4b:s3+s15], $0x40, s22, s15, $0xb8;
	[tilespmem:$0x1F400] =	vst v63  }
0x17a: {  	_ =	swait.ge [sflag:s30], $0x2000  }
0x17b: {  	[sflag:s30] =	ssyncset.done $0x0  }
0x17c: {  	[sflag:s30] =	ssyncadd.s32 $0xFFFFE000  }
0x17d: {  	_ =	swait.ge [sflag:s30], $0x2000  }
0x17e: {  	[sflag:s30] =	ssyncset.done $0x0  }
0x17f: {  	[sflag:s30] =	ssyncadd.s32 $0xFFFFE000  }
0x180: {  	_ =	swait.ge [sflag:s30], $0x2000  }
0x181: {  	[sflag:s30] =	ssyncset.done $0x0  }
0x182: {  	[sflag:s30] =	ssyncadd.s32 $0xFFFFE000  }
0x183: {  	_ =	swait.ge [sflag:s30], $0x400  }
0x184: {  	s0 =	rddreg [dreg:$0x9]  }
0x185: {  	[sflag:s30] =	ssyncset.done $0x0;
	s19 =	sadd.s32 $0x0, s0  }
0x186: {  	[sflag:s30] =	ssyncadd.s32 $0xFFFFFC00;
	s4 =	sadd.s32 $0x3200, s19  }
0x187: {  	[hbm4b:s4+s2] =	stream.linear.scatter [tilespmem:s12], [sflag:$0x5], $0xC80, $0x38;
	[tilespmem:$0x1F400] =	vst v63  }
0x188: {  	s5 =	rddreg [dreg:$0x8];
	s7 =	sadd.s32 $0x3390, s19  }
0x189: {  	[hbm4b:s7+s2] =	stream.linear.scatter [tilespmem:s24], [sflag:$0x5], $0xC80, $0x38;
	[tilespmem:$0x1F400] =	vst v63  }
0x18a: {  	s6 =	simm.s32 $0x7D00;
	s8 =	rddreg [dreg:$0x7];
	s22 =	sadd.s32 $0x0, s5  }
0x18b: {  	[hbm4b:s22+s2] =	stream.linear.scatter [tilespmem:s6], [sflag:$0x5], $0xC80, $0x38;
	[tilespmem:$0x1F400] =	vst v63  }
0x18c: {  	s10 =	rddreg [dreg:$0x6];
	s23 =	sadd.s32 $0x0, s8;
	s24 =	simm.s32 $0x8980  }
0x18d: {  	[hbm4b:s23+s2] =	stream.linear.scatter [tilespmem:s24], [sflag:$0x5], $0xC80, $0x38;
	[tilespmem:$0x1F400] =	vst v63  }
0x18e: {  	s5 =	simm.s32 $0x9600;
	s4 =	rddreg [dreg:$0x5];
	s22 =	sadd.s32 $0x0, s10  }
0x18f: {  	[hbm4b:s22+s2] =	stream.linear.scatter [tilespmem:s5], [sflag:$0x5], $0xC80, $0x38;
	[tilespmem:$0x1F400] =	vst v63  }
0x190: {  	s7 =	simm.s32 $0xA280;
	s6 =	rddreg [dreg:$0x4];
	s23 =	sadd.s32 $0x0, s4  }
0x191: {  	[hbm4b:s23+s2] =	stream.linear.scatter [tilespmem:s7], [sflag:$0x5], $0xC80, $0x38;
	[tilespmem:$0x1F400] =	vst v63  }
0x192: {  	s8 =	rddreg [dreg:$0x3];
	s10 =	simm.s32 $0xAF00;
	s22 =	sadd.s32 $0x0, s6  }
0x193: {  	[hbm4b:s22+s2] =	stream.linear.scatter [tilespmem:s10], [sflag:$0x5], $0xC80, $0x38;
	[tilespmem:$0x1F400] =	vst v63  }
0x194: {  	s24 =	simm.s32 $0xBB80;
	s23 =	sadd.s32 $0x0, s8  }
0x195: {  	[hbm4b:s23+s2] =	stream.linear.scatter [tilespmem:s24], [sflag:$0x5], $0xC80, $0x38;
	[tilespmem:$0x1F400] =	vst v63  }
0x196: {  	_ =	swait.ge [sflag:s9], $0x2000  }
0x197: {  	[sflag:s9] =	ssyncset.done $0x0  }
0x198: {  	[sflag:s9] =	ssyncadd.s32 $0xFFFFE000  }
0x199: {  	_ =	swait.ge [sflag:s9], $0x2000  }
0x19a: {  	[sflag:s9] =	ssyncset.done $0x0  }
0x19b: {  	[sflag:s9] =	ssyncadd.s32 $0xFFFFE000  }
0x19c: {  	_ =	swait.ge [sflag:s9], $0x2000  }
0x19d: {  	[sflag:s9] =	ssyncset.done $0x0  }
0x19e: {  	[sflag:s9] =	ssyncadd.s32 $0xFFFFE000  }
0x19f: {  	_ =	swait.ge [sflag:s9], $0x400  }
0x1a0: {  	[sflag:s9] =	ssyncset.done $0x0  }
0x1a1: {  	s4 =	sadd.s32 $0x3E80, s19;
	s0 =	rddreg [dreg:$0x1e];
	[sflag:s9] =	ssyncadd.s32 $0xFFFFFC00  }
0x1a2: {  	[hbm4b:s4+s2] =	stream.linear.scatter [tilespmem:s17], [sflag:$0x6], $0xC80, $0x38;
	[tilespmem:$0x1F400] =	vst v63  }
0x1a3: {  	s6 =	simm.s32 $0xD480;
	s5 =	rddreg [dreg:$0x1d];
	s22 =	sadd.s32 $0x0, s0  }
0x1a4: {  	[hbm4b:s22+s2] =	stream.linear.scatter [tilespmem:s6], [sflag:$0x6], $0xC80, $0x38;
	[tilespmem:$0x1F400] =	vst v63  }
0x1a5: {  	s8 =	simm.s32 $0xE100;
	s7 =	rddreg [dreg:$0x1c];
	s23 =	sadd.s32 $0x0, s5  }
0x1a6: {  	[hbm4b:s23+s2] =	stream.linear.scatter [tilespmem:s8], [sflag:$0x6], $0xC80, $0x38;
	[tilespmem:$0x1F400] =	vst v63  }
0x1a7: {  	s24 =	simm.s32 $0xED80;
	s10 =	rddreg [dreg:$0x1b];
	s22 =	sadd.s32 $0x0, s7  }
0x1a8: {  	[hbm4b:s22+s2] =	stream.linear.scatter [tilespmem:s24], [sflag:$0x6], $0xC80, $0x38;
	[tilespmem:$0x1F400] =	vst v63  }
0x1a9: {  	s5 =	simm.s32 $0xFA00;
	s4 =	rddreg [dreg:$0x1a];
	s23 =	sadd.s32 $0x0, s10  }
0x1aa: {  	[hbm4b:s23+s2] =	stream.linear.scatter [tilespmem:s5], [sflag:$0x6], $0xC80, $0x38;
	[tilespmem:$0x1F400] =	vst v63  }
0x1ab: {  	s6 =	rddreg [dreg:$0x19];
	s7 =	simm.s32 $0x10680;
	s22 =	sadd.s32 $0x0, s4  }
0x1ac: {  	[hbm4b:s22+s2] =	stream.linear.scatter [tilespmem:s7], [sflag:$0x6], $0xC80, $0x38;
	[tilespmem:$0x1F400] =	vst v63  }
0x1ad: {  	s8 =	rddreg [dreg:$0x18];
	s10 =	simm.s32 $0x11300;
	s23 =	sadd.s32 $0x0, s6  }
0x1ae: {  	[hbm4b:s23+s2] =	stream.linear.scatter [tilespmem:s10], [sflag:$0x6], $0xC80, $0x38;
	[tilespmem:$0x1F400] =	vst v63  }
0x1af: {  	s22 =	sadd.s32 $0x0, s8;
	s23 =	simm.s32 $0x11F80  }
0x1b0: {  	[hbm4b:s22+s2] =	stream.linear.scatter [tilespmem:s23], [sflag:$0x6], $0xC80, $0x38;
	[tilespmem:$0x1F400] =	vst v63  }
0x1b1: {  	_ =	swait.ge [sflag:s20], $0x2000  }
0x1b2: {  	[sflag:s20] =	ssyncset.done $0x0  }
0x1b3: {  	[sflag:s20] =	ssyncadd.s32 $0xFFFFE000  }
0x1b4: {  	_ =	swait.ge [sflag:s20], $0x2000  }
0x1b5: {  	[sflag:s20] =	ssyncset.done $0x0  }
0x1b6: {  	[sflag:s20] =	ssyncadd.s32 $0xFFFFE000  }
0x1b7: {  	_ =	swait.ge [sflag:s20], $0x2000  }
0x1b8: {  	[sflag:s20] =	ssyncset.done $0x0  }
0x1b9: {  	[sflag:s20] =	ssyncadd.s32 $0xFFFFE000  }
0x1ba: {  	_ =	swait.ge [sflag:s20], $0x400  }
0x1bb: {  	[sflag:s20] =	ssyncset.done $0x0  }
0x1bc: {  	s0 =	sadd.s32 $0x4B00, s19;
	s24 =	rddreg [dreg:$0x17];
	[sflag:s20] =	ssyncadd.s32 $0xFFFFFC00  }
0x1bd: {  	[hbm4b:s0+s2] =	stream.linear.scatter [tilespmem:s21], [sflag:$0x7], $0xC80, $0x38;
	[tilespmem:$0x1F400] =	vst v63  }
0x1be: {  	s5 =	simm.s32 $0x13880;
	s4 =	rddreg [dreg:$0x16];
	s22 =	sadd.s32 $0x0, s24  }
0x1bf: {  	[hbm4b:s22+s2] =	stream.linear.scatter [tilespmem:s5], [sflag:$0x7], $0xC80, $0x38;
	[tilespmem:$0x1F400] =	vst v63  }
0x1c0: {  	s7 =	simm.s32 $0x14500;
	s6 =	rddreg [dreg:$0x15];
	s23 =	sadd.s32 $0x0, s4  }
0x1c1: {  	[hbm4b:s23+s2] =	stream.linear.scatter [tilespmem:s7], [sflag:$0x7], $0xC80, $0x38;
	[tilespmem:$0x1F400] =	vst v63  }
0x1c2: {  	s10 =	simm.s32 $0x15180;
	s8 =	rddreg [dreg:$0x14];
	s22 =	sadd.s32 $0x0, s6  }
0x1c3: {  	[hbm4b:s22+s2] =	stream.linear.scatter [tilespmem:s10], [sflag:$0x7], $0xC80, $0x38;
	[tilespmem:$0x1F400] =	vst v63  }
0x1c4: {  	s24 =	rddreg [dreg:$0x13];
	s4 =	simm.s32 $0x15E00;
	s23 =	sadd.s32 $0x0, s8  }
0x1c5: {  	[hbm4b:s23+s2] =	stream.linear.scatter [tilespmem:s4], [sflag:$0x7], $0xC80, $0x38;
	[tilespmem:$0x1F400] =	vst v63  }
0x1c6: {  	s5 =	rddreg [dreg:$0x12];
	s6 =	simm.s32 $0x16A80;
	s22 =	sadd.s32 $0x0, s24  }
0x1c7: {  	[hbm4b:s22+s2] =	stream.linear.scatter [tilespmem:s6], [sflag:$0x7], $0xC80, $0x38;
	[tilespmem:$0x1F400] =	vst v63  }
0x1c8: {  	s7 =	rddreg [dreg:$0x11];
	s8 =	simm.s32 $0x17700;
	s23 =	sadd.s32 $0x0, s5  }
0x1c9: {  	[hbm4b:s23+s2] =	stream.linear.scatter [tilespmem:s8], [sflag:$0x7], $0xC80, $0x38;
	[tilespmem:$0x1F400] =	vst v63  }
0x1ca: {  	s10 =	simm.s32 $0x18380;
	s22 =	sadd.s32 $0x0, s7  }
0x1cb: {  	[hbm4b:s22+s2] =	stream.linear.scatter [tilespmem:s10], [sflag:$0x7], $0xC80, $0x38;
	[tilespmem:$0x1F400] =	vst v63  }
0x1cc: {  	_ =	swait.ge [sflag:s1], $0x2000  }
0x1cd: {  	[sflag:s1] =	ssyncset.done $0x0  }
0x1ce: {  	[sflag:s1] =	ssyncadd.s32 $0xFFFFE000  }
0x1cf: {  	_ =	swait.ge [sflag:s1], $0x2000  }
0x1d0: {  	[sflag:s1] =	ssyncset.done $0x0  }
0x1d1: {  	[sflag:s1] =	ssyncadd.s32 $0xFFFFE000  }
0x1d2: {  	_ =	swait.ge [sflag:s1], $0x2000  }
0x1d3: {  	[sflag:s1] =	ssyncset.done $0x0  }
0x1d4: {  	[sflag:s1] =	ssyncadd.s32 $0xFFFFE000  }
0x1d5: {  	_ =	swait.ge [sflag:s1], $0x400  }
0x1d6: {  	s23 =	rddreg [dreg:$0x10]  }
0x1d7: {  	s24 =	rddreg [dreg:$0xf]  }
0x1d8: {  	s31 =	simm.s32 $0x1CE80;
	s19 =	sadd.s32 $0x5780, s19;
	s4 =	rddreg [dreg:$0xe]  }
0x1d9: {  	s5 =	simm.s32 $0x19C80;
	[sflag:s1] =	ssyncset.done $0x0;
	s10 =	rddreg [dreg:$0xd]  }
0x1da: {  	s6 =	simm.s32 $0x19C80;
	s22 =	rddreg [dreg:$0xc];
	[sflag:s1] =	ssyncadd.s32 $0xFFFFFC00  }
0x1db: {  	[hbm4b:s19+s2] =	stream.linear.scatter [tilespmem:s25], [sflag:$0x8], $0xC80, $0x38;
	[tilespmem:$0x1F400] =	vst v63  }
0x1dc: {  	s8 =	simm.s32 $0x1A900;
	s0 =	sadd.s32 $0x0, s23;
	s23 =	rddreg [dreg:$0xb]  }
0x1dd: {  	[hbm4b:s0+s2] =	stream.linear.scatter [tilespmem:s5], [sflag:$0x8], $0xC80, $0x38;
	[tilespmem:$0x1F400] =	vst v63  }
0x1de: {  	s7 =	sadd.s32 $0x0, s24;
	s24 =	simm.s32 $0x1A900;
	s23 =	sadd.s32 $0x0, s23  }
0x1df: {  	[hbm4b:s7+s2] =	stream.linear.scatter [tilespmem:s24], [sflag:$0x8], $0xC80, $0x38;
	[tilespmem:$0x1F400] =	vst v63  }
0x1e0: {  	s19 =	simm.s32 $0x3200;
	s0 =	sadd.s32 $0x0, s4;
	s5 =	simm.s32 $0x1B580  }
0x1e1: {  	[hbm4b:s0+s2] =	stream.linear.scatter [tilespmem:s5], [sflag:$0x8], $0xC80, $0x38;
	[tilespmem:$0x1F400] =	vst v63  }
0x1e2: {  	s4 =	simm.s32 $0x1B580;
	s7 =	sadd.s32 $0x0, s10;
	s24 =	simm.s32 $0x1C200  }
0x1e3: {  	[hbm4b:s7+s2] =	stream.linear.scatter [tilespmem:s24], [sflag:$0x8], $0xC80, $0x38;
	[tilespmem:$0x1F400] =	vst v63  }
0x1e4: {  	s10 =	simm.s32 $0x1C200;
	s0 =	sadd.s32 $0x0, s22;
	s5 =	simm.s32 $0x1CE80  }
0x1e5: {  	[hbm4b:s0+s2] =	stream.linear.scatter [tilespmem:s5], [sflag:$0x8], $0xC80, $0x38;
	[tilespmem:$0x1F400] =	vst v63  }
0x1e6: {  	s22 =	simm.s32 $0x12B0;
	s7 =	rddreg [dreg:$0xa];
	s24 =	simm.s32 $0x1DB00  }
0x1e7: {  	[hbm4b:s23+s2] =	stream.linear.scatter [tilespmem:s24], [sflag:$0x8], $0xC80, $0x38;
	[tilespmem:$0x1F400] =	vst v63  }
0x1e8: {  	s5 =	simm.s32 $0x1DB00;
	s0 =	simm.s32 $0x7080;
	s23 =	sadd.s32 $0x0, s7  }
.LBB2_2:
0x1e9: {  	s24 =	simm.s32 $0x1E780  }
0x1ea: {  	[hbm4b:s23+s2] =	stream.linear.scatter [tilespmem:s24], [sflag:$0x8], $0xC80, $0x38;
	[tilespmem:$0x1F400] =	vst v63  }
0x1eb: {  	_ =	swait.ge [sflag:s13], $0xC80  }
0x1ec: {  	[sflag:s13] =	ssyncset.done $0x0  }
0x1ed: {  	[sflag:s13] =	ssyncadd.s32 $0xFFFFF380  }
0x1ee: {  	_ =	swait.ge [sflag:s13], $0xC80  }
0x1ef: {  	[sflag:s13] =	ssyncset.done $0x0  }
0x1f0: {  	[sflag:s13] =	ssyncadd.s32 $0xFFFFF380  }
0x1f1: {  	_ =	swait.ge [sflag:s13], $0xC80  }
0x1f2: {  	[sflag:s13] =	ssyncset.done $0x0  }
0x1f3: {  	[sflag:s13] =	ssyncadd.s32 $0xFFFFF380  }
0x1f4: {  	_ =	swait.ge [sflag:s13], $0xC80  }
0x1f5: {  	[sflag:s13] =	ssyncset.done $0x0  }
0x1f6: {  	[sflag:s13] =	ssyncadd.s32 $0xFFFFF380  }
0x1f7: {  	_ =	swait.ge [sflag:s13], $0xC80  }
0x1f8: {  	[sflag:s13] =	ssyncset.done $0x0  }
0x1f9: {  	[sflag:s13] =	ssyncadd.s32 $0xFFFFF380  }
0x1fa: {  	_ =	swait.ge [sflag:s13], $0xC80  }
0x1fb: {  	[sflag:s13] =	ssyncset.done $0x0  }
0x1fc: {  	[sflag:s13] =	ssyncadd.s32 $0xFFFFF380  }
0x1fd: {  	_ =	swait.ge [sflag:s13], $0xC80  }
0x1fe: {  	[sflag:s13] =	ssyncset.done $0x0  }
0x1ff: {  	[sflag:s13] =	ssyncadd.s32 $0xFFFFF380  }
0x200: {  	_ =	swait.ge [sflag:s13], $0xC80  }
0x201: {  	[sflag:s13] =	ssyncset.done $0x0  }
0x202: {  	s7 =	sadd.s32 $0xFFFFF9D0, s22;
	[sflag:s13] =	ssyncadd.s32 $0xFFFFF380  }
0x203: {  	[tilespmem:s12], [sflag:$0x1] =	stream.indirect.gather [hbm4b:s3+s11], $0x40, s7, s11, $0xb8;
	[tilespmem:$0x1F400] =	vst v63  }
0x204: {  	s7 =	sadd.s32 $0xFFFFFA50, s22  }
0x205: {  	[tilespmem:s26], [sflag:$0x1] =	stream.indirect.gather [hbm4b:s3+s11], $0x40, s7, s11, $0xb8;
	[tilespmem:$0x1F400] =	vst v63  }
0x206: {  	s7 =	sadd.s32 $0xFFFFFAD0, s22  }
0x207: {  	[tilespmem:s28], [sflag:$0x1] =	stream.indirect.gather [hbm4b:s3+s11], $0x40, s7, s11, $0xb8;
	[tilespmem:$0x1F400] =	vst v63  }
0x208: {  	s26 =	sadd.s32 $0xFFFFFB50, s22  }
0x209: {  	[tilespmem:s29], [sflag:$0x1] =	stream.indirect.gather [hbm4b:s3+s15], $0x40, s26, s15, $0xb8;
	[tilespmem:$0x1F400] =	vst v63  }
0x20a: {  	_ =	swait.ge [sflag:s14], $0xC80  }
0x20b: {  	[sflag:s14] =	ssyncset.done $0x0  }
0x20c: {  	[sflag:s14] =	ssyncadd.s32 $0xFFFFF380  }
0x20d: {  	_ =	swait.ge [sflag:s14], $0xC80  }
0x20e: {  	[sflag:s14] =	ssyncset.done $0x0  }
0x20f: {  	[sflag:s14] =	ssyncadd.s32 $0xFFFFF380  }
0x210: {  	_ =	swait.ge [sflag:s14], $0xC80  }
0x211: {  	[sflag:s14] =	ssyncset.done $0x0  }
0x212: {  	[sflag:s14] =	ssyncadd.s32 $0xFFFFF380  }
0x213: {  	_ =	swait.ge [sflag:s14], $0xC80  }
0x214: {  	[sflag:s14] =	ssyncset.done $0x0  }
0x215: {  	[sflag:s14] =	ssyncadd.s32 $0xFFFFF380  }
0x216: {  	_ =	swait.ge [sflag:s14], $0xC80  }
0x217: {  	[sflag:s14] =	ssyncset.done $0x0  }
0x218: {  	[sflag:s14] =	ssyncadd.s32 $0xFFFFF380  }
0x219: {  	_ =	swait.ge [sflag:s14], $0xC80  }
0x21a: {  	[sflag:s14] =	ssyncset.done $0x0  }
0x21b: {  	[sflag:s14] =	ssyncadd.s32 $0xFFFFF380  }
0x21c: {  	_ =	swait.ge [sflag:s14], $0xC80  }
0x21d: {  	[sflag:s14] =	ssyncset.done $0x0  }
0x21e: {  	[sflag:s14] =	ssyncadd.s32 $0xFFFFF380  }
0x21f: {  	_ =	swait.ge [sflag:s14], $0xC80  }
0x220: {  	[sflag:s14] =	ssyncset.done $0x0  }
0x221: {  	s7 =	sadd.s32 $0xFFFFFB60, s22;
	[sflag:s14] =	ssyncadd.s32 $0xFFFFF380  }
0x222: {  	[tilespmem:s17], [sflag:$0x2] =	stream.indirect.gather [hbm4b:s3+s11], $0x40, s7, s11, $0xb8;
	[tilespmem:$0x1F400] =	vst v63  }
0x223: {  	s26 =	sadd.s32 $0xFFFFFBE0, s22;
	s7 =	simm.s32 $0xE800  }
0x224: {  	[tilespmem:s7], [sflag:$0x2] =	stream.indirect.gather [hbm4b:s3+s11], $0x40, s26, s11, $0xb8;
	[tilespmem:$0x1F400] =	vst v63  }
0x225: {  	s7 =	sadd.s32 $0xFFFFFC60, s22;
	s26 =	simm.s32 $0x10800  }
0x226: {  	[tilespmem:s26], [sflag:$0x2] =	stream.indirect.gather [hbm4b:s3+s11], $0x40, s7, s11, $0xb8;
	[tilespmem:$0x1F400] =	vst v63  }
0x227: {  	s7 =	sadd.s32 $0xFFFFFCE0, s22;
	s26 =	simm.s32 $0x12800  }
0x228: {  	[tilespmem:s26], [sflag:$0x2] =	stream.indirect.gather [hbm4b:s3+s15], $0x40, s7, s15, $0xb8;
	[tilespmem:$0x1F400] =	vst v63  }
0x229: {  	_ =	swait.ge [sflag:s16], $0xC80  }
0x22a: {  	[sflag:s16] =	ssyncset.done $0x0  }
0x22b: {  	[sflag:s16] =	ssyncadd.s32 $0xFFFFF380  }
0x22c: {  	_ =	swait.ge [sflag:s16], $0xC80  }
0x22d: {  	[sflag:s16] =	ssyncset.done $0x0  }
0x22e: {  	[sflag:s16] =	ssyncadd.s32 $0xFFFFF380  }
0x22f: {  	_ =	swait.ge [sflag:s16], $0xC80  }
0x230: {  	[sflag:s16] =	ssyncset.done $0x0  }
0x231: {  	[sflag:s16] =	ssyncadd.s32 $0xFFFFF380  }
0x232: {  	_ =	swait.ge [sflag:s16], $0xC80  }
0x233: {  	[sflag:s16] =	ssyncset.done $0x0  }
0x234: {  	[sflag:s16] =	ssyncadd.s32 $0xFFFFF380  }
0x235: {  	_ =	swait.ge [sflag:s16], $0xC80  }
0x236: {  	[sflag:s16] =	ssyncset.done $0x0  }
0x237: {  	[sflag:s16] =	ssyncadd.s32 $0xFFFFF380  }
0x238: {  	_ =	swait.ge [sflag:s16], $0xC80  }
0x239: {  	[sflag:s16] =	ssyncset.done $0x0  }
0x23a: {  	[sflag:s16] =	ssyncadd.s32 $0xFFFFF380  }
0x23b: {  	_ =	swait.ge [sflag:s16], $0xC80  }
0x23c: {  	[sflag:s16] =	ssyncset.done $0x0  }
0x23d: {  	[sflag:s16] =	ssyncadd.s32 $0xFFFFF380  }
0x23e: {  	_ =	swait.ge [sflag:s16], $0xC80  }
0x23f: {  	[sflag:s16] =	ssyncset.done $0x0  }
0x240: {  	s26 =	sadd.s32 $0xFFFFFCF0, s22;
	[sflag:s16] =	ssyncadd.s32 $0xFFFFF380  }
0x241: {  	[tilespmem:s21], [sflag:$0x3] =	stream.indirect.gather [hbm4b:s3+s11], $0x40, s26, s11, $0xb8;
	[tilespmem:$0x1F400] =	vst v63  }
0x242: {  	s7 =	sadd.s32 $0xFFFFFD70, s22;
	s26 =	simm.s32 $0x14C00  }
0x243: {  	[tilespmem:s26], [sflag:$0x3] =	stream.indirect.gather [hbm4b:s3+s11], $0x40, s7, s11, $0xb8;
	[tilespmem:$0x1F400] =	vst v63  }
0x244: {  	s7 =	sadd.s32 $0xFFFFFDF0, s22;
	s26 =	simm.s32 $0x16C00  }
0x245: {  	[tilespmem:s26], [sflag:$0x3] =	stream.indirect.gather [hbm4b:s3+s11], $0x40, s7, s11, $0xb8;
	[tilespmem:$0x1F400] =	vst v63  }
0x246: {  	s7 =	sadd.s32 $0xFFFFFE70, s22;
	s26 =	simm.s32 $0x18C00  }
0x247: {  	[tilespmem:s26], [sflag:$0x3] =	stream.indirect.gather [hbm4b:s3+s15], $0x40, s7, s15, $0xb8;
	[tilespmem:$0x1F400] =	vst v63  }
0x248: {  	_ =	swait.ge [sflag:s18], $0xC80  }
0x249: {  	[sflag:s18] =	ssyncset.done $0x0  }
0x24a: {  	[sflag:s18] =	ssyncadd.s32 $0xFFFFF380  }
0x24b: {  	_ =	swait.ge [sflag:s18], $0xC80  }
0x24c: {  	[sflag:s18] =	ssyncset.done $0x0  }
0x24d: {  	[sflag:s18] =	ssyncadd.s32 $0xFFFFF380  }
0x24e: {  	_ =	swait.ge [sflag:s18], $0xC80  }
0x24f: {  	[sflag:s18] =	ssyncset.done $0x0  }
0x250: {  	[sflag:s18] =	ssyncadd.s32 $0xFFFFF380  }
0x251: {  	_ =	swait.ge [sflag:s18], $0xC80  }
0x252: {  	[sflag:s18] =	ssyncset.done $0x0  }
0x253: {  	[sflag:s18] =	ssyncadd.s32 $0xFFFFF380  }
0x254: {  	_ =	swait.ge [sflag:s18], $0xC80  }
0x255: {  	[sflag:s18] =	ssyncset.done $0x0  }
0x256: {  	[sflag:s18] =	ssyncadd.s32 $0xFFFFF380  }
0x257: {  	_ =	swait.ge [sflag:s18], $0xC80  }
0x258: {  	[sflag:s18] =	ssyncset.done $0x0  }
0x259: {  	[sflag:s18] =	ssyncadd.s32 $0xFFFFF380  }
0x25a: {  	_ =	swait.ge [sflag:s18], $0xC80  }
0x25b: {  	[sflag:s18] =	ssyncset.done $0x0  }
0x25c: {  	[sflag:s18] =	ssyncadd.s32 $0xFFFFF380  }
0x25d: {  	_ =	swait.ge [sflag:s18], $0xC80  }
0x25e: {  	[sflag:s18] =	ssyncset.done $0x0  }
0x25f: {  	s26 =	sadd.s32 $0xFFFFFE80, s22;
	[sflag:s18] =	ssyncadd.s32 $0xFFFFF380  }
0x260: {  	[tilespmem:s25], [sflag:$0x4] =	stream.indirect.gather [hbm4b:s3+s11], $0x40, s26, s11, $0xb8;
	[tilespmem:$0x1F400] =	vst v63  }
0x261: {  	s7 =	sadd.s32 $0xFFFFFF00, s22;
	s26 =	simm.s32 $0x1B000  }
0x262: {  	[tilespmem:s26], [sflag:$0x4] =	stream.indirect.gather [hbm4b:s3+s11], $0x40, s7, s11, $0xb8;
	[tilespmem:$0x1F400] =	vst v63  }
0x263: {  	s7 =	sadd.s32 $0xFFFFFF80, s22;
	s26 =	simm.s32 $0x1D000  }
0x264: {  	[tilespmem:s26], [sflag:$0x4] =	stream.indirect.gather [hbm4b:s3+s11], $0x40, s7, s11, $0xb8;
	[tilespmem:$0x1F400] =	vst v63  }
0x265: {  	s24 =	simm.s32 $0x1F000  }
0x266: {  	[tilespmem:s24], [sflag:$0x4] =	stream.indirect.gather [hbm4b:s3+s15], $0x40, s22, s15, $0xb8;
	[tilespmem:$0x1F400] =	vst v63  }
0x267: {  	_ =	swait.ge [sflag:s30], $0x2000  }
0x268: {  	[sflag:s30] =	ssyncset.done $0x0  }
0x269: {  	[sflag:s30] =	ssyncadd.s32 $0xFFFFE000  }
0x26a: {  	_ =	swait.ge [sflag:s30], $0x2000  }
0x26b: {  	[sflag:s30] =	ssyncset.done $0x0  }
0x26c: {  	[sflag:s30] =	ssyncadd.s32 $0xFFFFE000  }
0x26d: {  	_ =	swait.ge [sflag:s30], $0x2000  }
0x26e: {  	[sflag:s30] =	ssyncset.done $0x0  }
0x26f: {  	[sflag:s30] =	ssyncadd.s32 $0xFFFFE000  }
0x270: {  	_ =	swait.ge [sflag:s30], $0x400  }
0x271: {  	s23 =	smov.u32 s19;
	s26 =	rddreg [dreg:$0x9]  }
0x272: {  	[sflag:s30] =	ssyncset.done $0x0;
	s24 =	sadd.s32 s23, s26  }
0x273: {  	[sflag:s30] =	ssyncadd.s32 $0xFFFFFC00;
	s7 =	sadd.s32 $0x3200, s24  }
0x274: {  	[hbm4b:s7+s2] =	stream.linear.scatter [tilespmem:s12], [sflag:$0x5], $0xC80, $0x38;
	[tilespmem:$0x1F400] =	vst v63  }
0x275: {  	s28 =	rddreg [dreg:$0x8];
	s7 =	sadd.s32 $0x3390, s24  }
0x276: {  	[hbm4b:s7+s2] =	stream.linear.scatter [tilespmem:s0], [sflag:$0x5], $0xC80, $0x38;
	[tilespmem:$0x1F400] =	vst v63  }
0x277: {  	s29 =	rddreg [dreg:$0x7];
	s26 =	sadd.s32 s23, s28;
	s7 =	simm.s32 $0x7D00  }
0x278: {  	[hbm4b:s26+s2] =	stream.linear.scatter [tilespmem:s7], [sflag:$0x5], $0xC80, $0x38;
	[tilespmem:$0x1F400] =	vst v63  }
0x279: {  	s28 =	rddreg [dreg:$0x6];
	s26 =	sadd.s32 s23, s29;
	s7 =	simm.s32 $0x8980  }
0x27a: {  	[hbm4b:s26+s2] =	stream.linear.scatter [tilespmem:s7], [sflag:$0x5], $0xC80, $0x38;
	[tilespmem:$0x1F400] =	vst v63  }
0x27b: {  	s29 =	rddreg [dreg:$0x5];
	s26 =	sadd.s32 s23, s28;
	s7 =	simm.s32 $0x9600  }
0x27c: {  	[hbm4b:s26+s2] =	stream.linear.scatter [tilespmem:s7], [sflag:$0x5], $0xC80, $0x38;
	[tilespmem:$0x1F400] =	vst v63  }
0x27d: {  	s28 =	rddreg [dreg:$0x4];
	s26 =	sadd.s32 s23, s29;
	s7 =	simm.s32 $0xA280  }
0x27e: {  	[hbm4b:s26+s2] =	stream.linear.scatter [tilespmem:s7], [sflag:$0x5], $0xC80, $0x38;
	[tilespmem:$0x1F400] =	vst v63  }
0x27f: {  	s29 =	rddreg [dreg:$0x3];
	s26 =	sadd.s32 s23, s28;
	s7 =	simm.s32 $0xAF00  }
0x280: {  	[hbm4b:s26+s2] =	stream.linear.scatter [tilespmem:s7], [sflag:$0x5], $0xC80, $0x38;
	[tilespmem:$0x1F400] =	vst v63  }
0x281: {  	s26 =	sadd.s32 s23, s29;
	s7 =	simm.s32 $0xBB80  }
0x282: {  	[hbm4b:s26+s2] =	stream.linear.scatter [tilespmem:s7], [sflag:$0x5], $0xC80, $0x38;
	[tilespmem:$0x1F400] =	vst v63  }
0x283: {  	_ =	swait.ge [sflag:s9], $0x2000  }
0x284: {  	[sflag:s9] =	ssyncset.done $0x0  }
0x285: {  	[sflag:s9] =	ssyncadd.s32 $0xFFFFE000  }
0x286: {  	_ =	swait.ge [sflag:s9], $0x2000  }
0x287: {  	[sflag:s9] =	ssyncset.done $0x0  }
0x288: {  	[sflag:s9] =	ssyncadd.s32 $0xFFFFE000  }
0x289: {  	_ =	swait.ge [sflag:s9], $0x2000  }
0x28a: {  	[sflag:s9] =	ssyncset.done $0x0  }
0x28b: {  	[sflag:s9] =	ssyncadd.s32 $0xFFFFE000  }
0x28c: {  	_ =	swait.ge [sflag:s9], $0x400  }
0x28d: {  	[sflag:s9] =	ssyncset.done $0x0  }
0x28e: {  	s28 =	sadd.s32 $0x3E80, s24;
	s7 =	rddreg [dreg:$0x1e];
	[sflag:s9] =	ssyncadd.s32 $0xFFFFFC00  }
0x28f: {  	[hbm4b:s28+s2] =	stream.linear.scatter [tilespmem:s17], [sflag:$0x6], $0xC80, $0x38;
	[tilespmem:$0x1F400] =	vst v63  }
0x290: {  	s29 =	rddreg [dreg:$0x1d];
	s26 =	sadd.s32 s23, s7;
	s7 =	simm.s32 $0xD480  }
0x291: {  	[hbm4b:s26+s2] =	stream.linear.scatter [tilespmem:s7], [sflag:$0x6], $0xC80, $0x38;
	[tilespmem:$0x1F400] =	vst v63  }
0x292: {  	s28 =	rddreg [dreg:$0x1c];
	s26 =	sadd.s32 s23, s29;
	s7 =	simm.s32 $0xE100  }
0x293: {  	[hbm4b:s26+s2] =	stream.linear.scatter [tilespmem:s7], [sflag:$0x6], $0xC80, $0x38;
	[tilespmem:$0x1F400] =	vst v63  }
0x294: {  	s29 =	rddreg [dreg:$0x1b];
	s26 =	sadd.s32 s23, s28;
	s7 =	simm.s32 $0xED80  }
0x295: {  	[hbm4b:s26+s2] =	stream.linear.scatter [tilespmem:s7], [sflag:$0x6], $0xC80, $0x38;
	[tilespmem:$0x1F400] =	vst v63  }
0x296: {  	s28 =	rddreg [dreg:$0x1a];
	s26 =	sadd.s32 s23, s29;
	s7 =	simm.s32 $0xFA00  }
0x297: {  	[hbm4b:s26+s2] =	stream.linear.scatter [tilespmem:s7], [sflag:$0x6], $0xC80, $0x38;
	[tilespmem:$0x1F400] =	vst v63  }
0x298: {  	s29 =	rddreg [dreg:$0x19];
	s26 =	sadd.s32 s23, s28;
	s7 =	simm.s32 $0x10680  }
0x299: {  	[hbm4b:s26+s2] =	stream.linear.scatter [tilespmem:s7], [sflag:$0x6], $0xC80, $0x38;
	[tilespmem:$0x1F400] =	vst v63  }
0x29a: {  	s28 =	rddreg [dreg:$0x18];
	s26 =	sadd.s32 s23, s29;
	s7 =	simm.s32 $0x11300  }
0x29b: {  	[hbm4b:s26+s2] =	stream.linear.scatter [tilespmem:s7], [sflag:$0x6], $0xC80, $0x38;
	[tilespmem:$0x1F400] =	vst v63  }
0x29c: {  	s26 =	sadd.s32 s23, s28;
	s7 =	simm.s32 $0x11F80  }
0x29d: {  	[hbm4b:s26+s2] =	stream.linear.scatter [tilespmem:s7], [sflag:$0x6], $0xC80, $0x38;
	[tilespmem:$0x1F400] =	vst v63  }
0x29e: {  	_ =	swait.ge [sflag:s20], $0x2000  }
0x29f: {  	[sflag:s20] =	ssyncset.done $0x0  }
0x2a0: {  	[sflag:s20] =	ssyncadd.s32 $0xFFFFE000  }
0x2a1: {  	_ =	swait.ge [sflag:s20], $0x2000  }
0x2a2: {  	[sflag:s20] =	ssyncset.done $0x0  }
0x2a3: {  	[sflag:s20] =	ssyncadd.s32 $0xFFFFE000  }
0x2a4: {  	_ =	swait.ge [sflag:s20], $0x2000  }
0x2a5: {  	[sflag:s20] =	ssyncset.done $0x0  }
0x2a6: {  	[sflag:s20] =	ssyncadd.s32 $0xFFFFE000  }
0x2a7: {  	_ =	swait.ge [sflag:s20], $0x400  }
0x2a8: {  	[sflag:s20] =	ssyncset.done $0x0  }
0x2a9: {  	s28 =	sadd.s32 $0x4B00, s24;
	s7 =	rddreg [dreg:$0x17];
	[sflag:s20] =	ssyncadd.s32 $0xFFFFFC00  }
0x2aa: {  	[hbm4b:s28+s2] =	stream.linear.scatter [tilespmem:s21], [sflag:$0x7], $0xC80, $0x38;
	[tilespmem:$0x1F400] =	vst v63  }
0x2ab: {  	s29 =	rddreg [dreg:$0x16];
	s26 =	sadd.s32 s23, s7;
	s7 =	simm.s32 $0x13880  }
0x2ac: {  	[hbm4b:s26+s2] =	stream.linear.scatter [tilespmem:s7], [sflag:$0x7], $0xC80, $0x38;
	[tilespmem:$0x1F400] =	vst v63  }
0x2ad: {  	s28 =	rddreg [dreg:$0x15];
	s26 =	sadd.s32 s23, s29;
	s7 =	simm.s32 $0x14500  }
0x2ae: {  	[hbm4b:s26+s2] =	stream.linear.scatter [tilespmem:s7], [sflag:$0x7], $0xC80, $0x38;
	[tilespmem:$0x1F400] =	vst v63  }
0x2af: {  	s29 =	rddreg [dreg:$0x14];
	s26 =	sadd.s32 s23, s28;
	s7 =	simm.s32 $0x15180  }
0x2b0: {  	[hbm4b:s26+s2] =	stream.linear.scatter [tilespmem:s7], [sflag:$0x7], $0xC80, $0x38;
	[tilespmem:$0x1F400] =	vst v63  }
0x2b1: {  	s28 =	rddreg [dreg:$0x13];
	s26 =	sadd.s32 s23, s29;
	s7 =	simm.s32 $0x15E00  }
0x2b2: {  	[hbm4b:s26+s2] =	stream.linear.scatter [tilespmem:s7], [sflag:$0x7], $0xC80, $0x38;
	[tilespmem:$0x1F400] =	vst v63  }
0x2b3: {  	s29 =	rddreg [dreg:$0x12];
	s26 =	sadd.s32 s23, s28;
	s7 =	simm.s32 $0x16A80  }
0x2b4: {  	[hbm4b:s26+s2] =	stream.linear.scatter [tilespmem:s7], [sflag:$0x7], $0xC80, $0x38;
	[tilespmem:$0x1F400] =	vst v63  }
0x2b5: {  	s28 =	rddreg [dreg:$0x11];
	s26 =	sadd.s32 s23, s29;
	s7 =	simm.s32 $0x17700  }
0x2b6: {  	[hbm4b:s26+s2] =	stream.linear.scatter [tilespmem:s7], [sflag:$0x7], $0xC80, $0x38;
	[tilespmem:$0x1F400] =	vst v63  }
0x2b7: {  	s26 =	sadd.s32 s23, s28;
	s7 =	simm.s32 $0x18380  }
0x2b8: {  	[hbm4b:s26+s2] =	stream.linear.scatter [tilespmem:s7], [sflag:$0x7], $0xC80, $0x38;
	[tilespmem:$0x1F400] =	vst v63  }
0x2b9: {  	_ =	swait.ge [sflag:s1], $0x2000  }
0x2ba: {  	[sflag:s1] =	ssyncset.done $0x0  }
0x2bb: {  	[sflag:s1] =	ssyncadd.s32 $0xFFFFE000  }
0x2bc: {  	_ =	swait.ge [sflag:s1], $0x2000  }
0x2bd: {  	[sflag:s1] =	ssyncset.done $0x0  }
0x2be: {  	[sflag:s1] =	ssyncadd.s32 $0xFFFFE000  }
0x2bf: {  	_ =	swait.ge [sflag:s1], $0x2000  }
0x2c0: {  	[sflag:s1] =	ssyncset.done $0x0  }
0x2c1: {  	[sflag:s1] =	ssyncadd.s32 $0xFFFFE000  }
0x2c2: {  	_ =	swait.ge [sflag:s1], $0x400  }
0x2c3: {  	[sflag:s1] =	ssyncset.done $0x0  }
0x2c4: {  	s24 =	sadd.s32 $0x5780, s24;
	s7 =	rddreg [dreg:$0x10];
	[sflag:s1] =	ssyncadd.s32 $0xFFFFFC00  }
0x2c5: {  	[hbm4b:s24+s2] =	stream.linear.scatter [tilespmem:s25], [sflag:$0x8], $0xC80, $0x38;
	[tilespmem:$0x1F400] =	vst v63  }
0x2c6: {  	s28 =	rddreg [dreg:$0xf];
	s7 =	sadd.s32 s23, s7  }
0x2c7: {  	[hbm4b:s7+s2] =	stream.linear.scatter [tilespmem:s6], [sflag:$0x8], $0xC80, $0x38;
	[tilespmem:$0x1F400] =	vst v63  }
0x2c8: {  	p0 =	sne.s32 s19, $0x2BC00;
	s26 =	rddreg [dreg:$0xe];
	s7 =	sadd.s32 s23, s28  }
0x2c9: {  	[hbm4b:s7+s2] =	stream.linear.scatter [tilespmem:s8], [sflag:$0x8], $0xC80, $0x38;
	[tilespmem:$0x1F400] =	vst v63  }
0x2ca: {  	s19 =	sadd.s32 $0x3200, s19;
	s28 =	rddreg [dreg:$0xd];
	s7 =	sadd.s32 s23, s26  }
0x2cb: {  	[hbm4b:s7+s2] =	stream.linear.scatter [tilespmem:s4], [sflag:$0x8], $0xC80, $0x38;
	[tilespmem:$0x1F400] =	vst v63  }
0x2cc: {  	s22 =	sadd.s32 $0x640, s22;
	s26 =	rddreg [dreg:$0xc];
	s7 =	sadd.s32 s23, s28  }
0x2cd: {  	[hbm4b:s7+s2] =	stream.linear.scatter [tilespmem:s10], [sflag:$0x8], $0xC80, $0x38;
	[tilespmem:$0x1F400] =	vst v63  }
.Ltmp0:
0x2ce: {  	s28 =	rddreg [dreg:$0xb];
	s7 =	sadd.s32 s23, s26;
	(pc) =	sbr.rel @p0 .LBB2_2-.Ltmp0, $4  }
0x2cf: {  	[hbm4b:s7+s2] =	stream.linear.scatter [tilespmem:s31], [sflag:$0x8], $0xC80, $0x38;
	[tilespmem:$0x1F400] =	vst v63  }
0x2d0: {  	s29 =	simm.s32 $0xC400;
	s26 =	rddreg [dreg:$0xa];
	s7 =	sadd.s32 s23, s28  }
0x2d1: {  	s28 =	simm.s32 $0xA400;
	s23 =	sadd.s32 s23, s26;
	s26 =	simm.s32 $0x8400  }
0x2d2: {  	[hbm4b:s7+s2] =	stream.linear.scatter [tilespmem:s5], [sflag:$0x8], $0xC80, $0x38;
	[tilespmem:$0x1F400] =	vst v63  }
0x2d3: {  	s0 =	simm.s32 $0x1E780  }
0x2d4: {  	[hbm4b:s23+s2] =	stream.linear.scatter [tilespmem:s0], [sflag:$0x8], $0xC80, $0x38;
	[tilespmem:$0x1F400] =	vst v63  }
0x2d5: {  	_ =	swait.ge [sflag:s13], $0xC80  }
0x2d6: {  	[sflag:s13] =	ssyncset.done $0x0  }
0x2d7: {  	[sflag:s13] =	ssyncadd.s32 $0xFFFFF380  }
0x2d8: {  	_ =	swait.ge [sflag:s13], $0xC80  }
0x2d9: {  	[sflag:s13] =	ssyncset.done $0x0  }
0x2da: {  	[sflag:s13] =	ssyncadd.s32 $0xFFFFF380  }
0x2db: {  	_ =	swait.ge [sflag:s13], $0xC80  }
0x2dc: {  	[sflag:s13] =	ssyncset.done $0x0  }
0x2dd: {  	[sflag:s13] =	ssyncadd.s32 $0xFFFFF380  }
0x2de: {  	_ =	swait.ge [sflag:s13], $0xC80  }
0x2df: {  	[sflag:s13] =	ssyncset.done $0x0  }
0x2e0: {  	[sflag:s13] =	ssyncadd.s32 $0xFFFFF380  }
0x2e1: {  	_ =	swait.ge [sflag:s13], $0xC80  }
0x2e2: {  	[sflag:s13] =	ssyncset.done $0x0  }
0x2e3: {  	[sflag:s13] =	ssyncadd.s32 $0xFFFFF380  }
0x2e4: {  	_ =	swait.ge [sflag:s13], $0xC80  }
0x2e5: {  	[sflag:s13] =	ssyncset.done $0x0  }
0x2e6: {  	[sflag:s13] =	ssyncadd.s32 $0xFFFFF380  }
0x2e7: {  	_ =	swait.ge [sflag:s13], $0xC80  }
0x2e8: {  	[sflag:s13] =	ssyncset.done $0x0  }
0x2e9: {  	[sflag:s13] =	ssyncadd.s32 $0xFFFFF380  }
0x2ea: {  	_ =	swait.ge [sflag:s13], $0xC80  }
0x2eb: {  	[sflag:s13] =	ssyncset.done $0x0  }
0x2ec: {  	[sflag:s13] =	ssyncadd.s32 $0xFFFFF380  }
0x2ed: {  	_ =	swait.ge [sflag:s14], $0xC80  }
0x2ee: {  	[sflag:s14] =	ssyncset.done $0x0  }
0x2ef: {  	[sflag:s14] =	ssyncadd.s32 $0xFFFFF380  }
0x2f0: {  	_ =	swait.ge [sflag:s14], $0xC80  }
0x2f1: {  	[sflag:s14] =	ssyncset.done $0x0  }
0x2f2: {  	[sflag:s14] =	ssyncadd.s32 $0xFFFFF380  }
0x2f3: {  	_ =	swait.ge [sflag:s14], $0xC80  }
0x2f4: {  	[sflag:s14] =	ssyncset.done $0x0  }
0x2f5: {  	[sflag:s14] =	ssyncadd.s32 $0xFFFFF380  }
0x2f6: {  	_ =	swait.ge [sflag:s14], $0xC80  }
0x2f7: {  	[sflag:s14] =	ssyncset.done $0x0  }
0x2f8: {  	[sflag:s14] =	ssyncadd.s32 $0xFFFFF380  }
0x2f9: {  	_ =	swait.ge [sflag:s14], $0xC80  }
0x2fa: {  	[sflag:s14] =	ssyncset.done $0x0  }
0x2fb: {  	[sflag:s14] =	ssyncadd.s32 $0xFFFFF380  }
0x2fc: {  	_ =	swait.ge [sflag:s14], $0xC80  }
0x2fd: {  	[sflag:s14] =	ssyncset.done $0x0  }
0x2fe: {  	[sflag:s14] =	ssyncadd.s32 $0xFFFFF380  }
0x2ff: {  	_ =	swait.ge [sflag:s14], $0xC80  }
0x300: {  	[sflag:s14] =	ssyncset.done $0x0  }
0x301: {  	[sflag:s14] =	ssyncadd.s32 $0xFFFFF380  }
0x302: {  	_ =	swait.ge [sflag:s14], $0xC80  }
0x303: {  	[sflag:s14] =	ssyncset.done $0x0  }
0x304: {  	[sflag:s14] =	ssyncadd.s32 $0xFFFFF380  }
0x305: {  	_ =	swait.ge [sflag:s16], $0xC80  }
0x306: {  	[sflag:s16] =	ssyncset.done $0x0  }
0x307: {  	[sflag:s16] =	ssyncadd.s32 $0xFFFFF380  }
0x308: {  	_ =	swait.ge [sflag:s16], $0xC80  }
0x309: {  	[sflag:s16] =	ssyncset.done $0x0  }
0x30a: {  	[sflag:s16] =	ssyncadd.s32 $0xFFFFF380  }
0x30b: {  	_ =	swait.ge [sflag:s16], $0xC80  }
0x30c: {  	[sflag:s16] =	ssyncset.done $0x0  }
0x30d: {  	[sflag:s16] =	ssyncadd.s32 $0xFFFFF380  }
0x30e: {  	_ =	swait.ge [sflag:s16], $0xC80  }
0x30f: {  	[sflag:s16] =	ssyncset.done $0x0  }
0x310: {  	[sflag:s16] =	ssyncadd.s32 $0xFFFFF380  }
0x311: {  	_ =	swait.ge [sflag:s16], $0xC80  }
0x312: {  	[sflag:s16] =	ssyncset.done $0x0  }
0x313: {  	[sflag:s16] =	ssyncadd.s32 $0xFFFFF380  }
0x314: {  	_ =	swait.ge [sflag:s16], $0xC80  }
0x315: {  	[sflag:s16] =	ssyncset.done $0x0  }
0x316: {  	[sflag:s16] =	ssyncadd.s32 $0xFFFFF380  }
0x317: {  	_ =	swait.ge [sflag:s16], $0xC80  }
0x318: {  	[sflag:s16] =	ssyncset.done $0x0  }
0x319: {  	[sflag:s16] =	ssyncadd.s32 $0xFFFFF380  }
0x31a: {  	_ =	swait.ge [sflag:s16], $0xC80  }
0x31b: {  	[sflag:s16] =	ssyncset.done $0x0  }
0x31c: {  	[sflag:s16] =	ssyncadd.s32 $0xFFFFF380  }
0x31d: {  	_ =	swait.ge [sflag:s18], $0xC80  }
0x31e: {  	[sflag:s18] =	ssyncset.done $0x0  }
0x31f: {  	[sflag:s18] =	ssyncadd.s32 $0xFFFFF380  }
0x320: {  	_ =	swait.ge [sflag:s18], $0xC80  }
0x321: {  	[sflag:s18] =	ssyncset.done $0x0  }
0x322: {  	[sflag:s18] =	ssyncadd.s32 $0xFFFFF380  }
0x323: {  	_ =	swait.ge [sflag:s18], $0xC80  }
0x324: {  	[sflag:s18] =	ssyncset.done $0x0  }
0x325: {  	[sflag:s18] =	ssyncadd.s32 $0xFFFFF380  }
0x326: {  	_ =	swait.ge [sflag:s18], $0xC80  }
0x327: {  	[sflag:s18] =	ssyncset.done $0x0  }
0x328: {  	[sflag:s18] =	ssyncadd.s32 $0xFFFFF380  }
0x329: {  	_ =	swait.ge [sflag:s18], $0xC80  }
0x32a: {  	[sflag:s18] =	ssyncset.done $0x0  }
0x32b: {  	[sflag:s18] =	ssyncadd.s32 $0xFFFFF380  }
0x32c: {  	_ =	swait.ge [sflag:s18], $0xC80  }
0x32d: {  	[sflag:s18] =	ssyncset.done $0x0  }
0x32e: {  	[sflag:s18] =	ssyncadd.s32 $0xFFFFF380  }
0x32f: {  	_ =	swait.ge [sflag:s18], $0xC80  }
0x330: {  	[sflag:s18] =	ssyncset.done $0x0  }
0x331: {  	[sflag:s18] =	ssyncadd.s32 $0xFFFFF380  }
0x332: {  	_ =	swait.ge [sflag:s18], $0xC80  }
0x333: {  	s24 =	sld [smem:$0x7FD]  }
0x334: {  	s19 =	sld [smem:$0x7F0];
	_ =	sdelay $0x1  }
0x335: {  	s0 =	sadd.s32 $0x1, s24  }
0x336: {  	p0 =	sne.s32 s0, s19  }
.Ltmp1:
0x337: {  	s22 =	simm.s32 $0xE800;
	s5 =	simm.s32 $0x12800;
	(pc) =	sbr.rel @p0 .LBB2_1-.Ltmp1, $4  }
0x338: {  	s6 =	simm.s32 $0x14C00;
	s7 =	simm.s32 $0x16C00;
	s8 =	simm.s32 $0x18C00  }
0x339: {  	s4 =	simm.s32 $0x1B000;
	s10 =	simm.s32 $0x1D000;
	[sflag:s18] =	ssyncset.done $0x0  }
0x33a: {  	s31 =	simm.s32 $0x7D00;
	s23 =	simm.s32 $0x1F000;
	[sflag:s18] =	ssyncadd.s32 $0xFFFFF380  }
0x33b: {  	s24 =	simm.s32 $0x7080;
	[smem:$0x7FD] =	sst s0;
	s0 =	simm.s32 $0x10800  }
0x33c: {  	_ =	sfence.sel $0x180000  }
0x33d: {  	[bflag:$0x0] =	sbarrier.arrive $0xFFFF  }
0x33e: {  	_ =	strace $0x9000004A  }
0x33f: {  	s0 =	stileid.u32;
	[bflag:$0x2] =	sbarrier.arrive $0xFFFF  }
0x340: {  	p0 =	sne.s32 s0, $0x0;
	s0 =	rddreg [dreg:$0x2]  }
0x341: {  	s0 =	sadd.s32 @!p0 $0x100000, s0  }
0x342: {  	[sflag:s0] =	ssyncadd.tile.s32 @!p0 $0x1;
	_ =	shalt  }
.Lfunc_end2:
_tile_overlayer_lowered:
.L_overlay_start_2:
0x343: {  	(tag) =	ssettag $0x2  }
0x344: {  	s0 =	rddreg [dreg:$0x0];
	s2 =	stileid.u32  }
0x345: {  	s1 =	rddreg [dreg:$0x1];
	p0 =	sne.s32 s2, $0x0  }
0x346: {  	s3 =	rddreg [dreg:$0x2];
	[bflag:$0x3] =	sbarrier.arrive $0xFFFF;
	s2 =	simm.s32 @!p0 $0x1C09  }
0x347: {  	[timem:s3], [sflag:s2] =	dma.local @!p0 [hbm:s0], s1  }
0x348: {  	s0 =	simm.s32 @!p0 $0x9  }
0x349: {  	_ =	swait.ge @!p0 [sflag:s0], s1  }
0x34a: {  	s1 =	ssub.s32 @!p0 $0x0, s1;
	[sflag:s0] =	ssyncset.done @!p0 $0x0  }
0x34b: {  	[sflag:s0] =	ssyncadd.s32 @!p0 s1  }
0x34c: {  	[bflag:$0x3] =	sbarrier.arrive $0xFFFF  }
0x34d: {  	_ =	shalt  }

// kernel: sparse-core-data-format-call.cloned.1.call-start
scs
called_computation_lowered:
.L_overlay_start_0:
0x0: {  	s2 =	sld [smem:$0x3FD9]  }
0x1: {  	s3 =	sld [smem:$0x3FFE];
	_ =	sdelay $0x1  }
0x2: {  	s1 =	srdreg.scid  }
0x3: {  	s0 =	sand.u32 $0x1, s1  }
0x4: {  	s18 =	sshll.u32 s0, $0xA;
	s2 =	sadd.s32 s3, s2  }
0x5: {  	s2 =	sadd.s32 s2, s18  }
0x6: {  	[smem:$0x3FC6] =	sst s2  }
0x7: {  	_ = 	snop  }
0x8: {  	s2 =	sld [smem:$0x3FD0];
	(tm) =	ssettm $0x1  }
0x9: {  	s19 =	sld [smem:$0x3FFB];
	_ =	sdelay $0x3  }
0xa: {  	_ =	strace s19  }
0xb: {  	s3 =	sld [smem:$0x3FFC];
	_ =	sdelay $0x3  }
0xc: {  	_ =	strace s3  }
0xd: {  	s3 =	sld [smem:$0x3FFD];
	_ =	sdelay $0x3  }
0xe: {  	_ =	strace s3  }
0xf: {  	_ =	strace $0x8FFFFFFF  }
0x10: {  	s20 =	sld [smem:$0x3FDB];
	_ =	sdelay $0x1  }
0x11: {  	s4 =	simm.s32 $_scs_section_size  }
0x12: {  	s5 =	simm.s32 $_size__tile_overlayer_lowered;
	s6 =	simm.s32 $_tile_overlayer_lowered  }
0x13: {  	s23 =	simm.s32 $0x1BFF;
	s22 =	sshll.u32 s6, $0x1;
	s3 =	sadd.s32 s4, s20  }
0x14: {  	s7 =	simm.s32 $0x0;
	s21 =	sshll.u32 s5, $0x1;
	s5 =	sadd.s32 s22, s3  }
0x15: {  	[timem:s7], [sflag:s23] =	dma.local [hbm:s5], s21  }
0x16: {  	_ =	swait.ge [sflag:s23], s21  }
0x17: {  	s4 =	ssub.s32 $0x0, s21;
	[sflag:s23] =	ssyncset.done $0x0  }
0x18: {  	[sflag:s23] =	ssyncadd.s32 s4;
	_ =	sdelay $0x1  }
0x19: {  	s24 =	simm.s32 $0x1B8B  }
0x1a: {  	_ =	swait.ge [sflag:s24], $0x1  }
0x1b: {  	[sflag:s24] =	ssyncset.done $0x0  }
0x1c: {  	s26 =	simm.s32 $0x1B8E;
	s25 =	sld [smem:$0x3FFE];
	[sflag:s24] =	ssyncadd.s32 $0xFFFFFFFF  }
0x1d: {  	s27 =	simm.s32 $execute0_lowered;
	[smem:$0x3FD2] =	sst s26  }
0x1e: {  	s5 =	sshll.u32 s27, $0x1;
	_ =	strace $0x8000004C;
	[dreg:$0x1] =	wrdreg $0xFFFFFFFF  }
0x1f: {  	s28 =	simm.s32 $_size_execute0_lowered;
	s3 =	sadd.s32 s3, s5;
	[dreg:$0x0] =	wrdreg $0x0  }
0x20: {  	s5 =	sshll.u32 s28, $0x1;
	[dreg:$0x2] =	wrdreg s3  }
0x21: {  	[dreg:$0x3] =	wrdreg s5  }
0x22: {  	[dreg:$0x4] =	wrdreg $0xC0  }
0x23: {  	_ =	task [dreg:s7], $0x5FFFF  }
0x24: {  	[dreg:$0x1] =	wrdreg $0xFFFFFFFF  }
0x25: {  	[dreg:$0x0] =	wrdreg $0x60  }
0x26: {  	[dreg:$0x2] =	wrdreg s25  }
0x27: {  	[dreg:$0x3] =	wrdreg s2  }
0x28: {  	[dreg:$0x4] =	wrdreg $0x9  }
0x29: {  	_ =	task.clear_ibuf [dreg:s7], $0x5FFFF;
	_ =	strace $0x9000004C  }
0x2a: {  	s29 =	simm.s32 $0x9;
	_ =	strace $0x8000004E  }
0x2b: {  	_ =	swait.ge [sflag:s29], $0x1  }
0x2c: {  	[sflag:s29] =	ssyncadd.s32 $0xFFFFFFFF  }
0x2d: {  	_ =	strace $0x9000004E  }
0x2e: {  	_ =	sfence  }
0x2f: {  	s30 =	sld [smem:$0x0];
	_ =	sdelay $0x2  }
0x30: {  	s31 =	sshll.u32 s1, $0xD;
	s1 =	sshrl.u32 s1, $0x2  }
0x31: {  	s3 =	sand.u32 $0x4000, s31;
	s1 =	sadd.s32 s1, s30  }
0x32: {  	s0 =	sor.u32 s3, s0;
	s1 =	sshll.u32 s1, $0x11  }
0x33: {  	s0 =	sor.u32 s1, s0  }
0x34: {  	s0 =	sadd.s32 $0x8F2B, s0  }
0x35: {  	[sflag:s0] =	ssyncadd.remote.s32 $0x1  }
0x36: {  	_ =	sfence.sel $0xFFFF  }
0x37: {  	[dreg:$0x0] =	wrdreg $0xFFFFFFFF;
	(pc) =	sbr.abs _section_cstart, $3  }
0x38: {  	[dreg:$0x1] =	wrdreg $0xFFFFFFFF  }
0x39: {  	_ =	task.clear_ibuf [dreg:s7], $0x2FFFF;
	_ =	strace $0x9FFFFFFF  }
0x3a: {  	(tm) =	ssettm $0x7FFFFFFF  }
0x3b: {  	_ =	shalt  }
tec
execute0_lowered:
.L_overlay_start_1:
0x0: {  	(tag) =	ssettag $0x1  }
0x1: {  	s0 =	srdreg.scid  }
0x2: {  	s1 =	sshll.u32 s0, $0x4  }
0x3: {  	s0 =	stileid.u32;
	s1 =	sand.u32 $0x10, s1  }
0x4: {  	s1 =	sor.u32 s0, s1  }
0x5: {  	s6 =	rddreg [dreg:$0x0];
	s4 =	simm.s32 $0x1;
	s2 =	sshll.u32 s1, $0x7  }
0x6: {  	s7 =	simm.s32 $0x2;
	s12 =	simm.s32 $0x0;
	s1 =	ssub.s32 $0x4000, s2  }
0x7: {  	s8 =	simm.s32 $0x20000;
	s13 =	simm.s32 $0x0;
	s3 =	sand.u32 $0xF80, s1  }
0x8: {  	s9 =	simm.s32 $0x0;
	s5 =	sshrl.u32 s1, $0xC;
	p0 =	sne.s32 s3, $0x0  }
.Ltmp0:
0x9: {  	s1 =	rddreg [dreg:$0x2];
	s4 =	simm.s32 @!p0 $0x0;
	(pc) =	sbr.rel .LBB1_1-.Ltmp0, $4  }
0xa: {  	s11 =	simm.s32 $0x0;
	s3 =	rddreg [dreg:$0x1];
	s5 =	sadd.s32 s4, s5  }
0xb: {  	_ =	strace $0x8000004D;
	s4 =	simm.s32 $0x1;
	s5 =	smul.u32 $0x32, s5  }
0xc: {  	s6 =	sadd.s32 $0xE00, s6;
	s10 =	smov.u32 s2;
	[sflag:s4] =	ssyncpa.u1 $0x0  }
0xd: {  	p0 =	por $0x0, $0x0;
	[sflag:s7] =	ssyncpa.u1 $0x0;
	s7 =	sor.u32 $0x1, s5  }
.LBB1_4:
0xe: {  	s16 =	sshll.u32 s13, $0x3;
	s17 =	sand.u32 $0x78, s13  }
0xf: {  	s30 =	sand.u32 $0x1F800, s13;
	s12 =	sshll.u32 s12, $0x11;
	s16 =	sand.u32 $0x3C00, s16  }
0x10: {  	[tilespmem:s15+$0x810 ss:$0x81] =	vst.msk $0xffff, v2;
	s31 =	sand.u32 $0x7, s13;
	s16 =	sor.u32 s17, s16;
	s17 =	sadd.s32 s3, s30  }
0x11: {  	[tilespmem:s15+$0x1020 ss:$0x81] =	vst.msk $0xffff, v0;
	s13 =	sshll.u32 s31, $0x12;
	s12 =	sadd.s32 s12, s17;
	s16 =	sshrl.u32 s16, $0x3  }
0x12: {  	[tilespmem:s15+$0x0 ss:$0x81] =	vst.msk $0xffff, v1;
	s13 =	sor.u32 $0x400, s13;
	s12 =	sadd.s32 s16, s12  }
0x13: {  	[hbm4b:s12+s13] =	stream.strided.scatter [tilespmem:s14], [sflag:$0x2], $0x2000, s8, s13, $0x20;
	[tilespmem:$0x8080] =	vst v63  }
.LBB1_5:
0x14: {  	s14 =	sadd.s32 $0x1, s9  }
0x15: {  	s12 =	sadd.s32 $0x1000, s10;
	s16 =	smov.u32 s10;
	p2 =	sgt.s32 s14, $0x31  }
0x16: {  	s16 =	smov.u32 @p2 s12  }
0x17: {  	s14 =	simm.s32 @p2 $0x0;
	p2 =	sgt.s32 s16, $0x3FFF  }
0x18: {  	s16 =	smov.u32 @p2 s2;
	p2 =	sne.s32 s11, s7  }
.Ltmp1:
0x19: {  	p1 =	slt.u32 s11, $0x2;
	(pc) =	sbr.rel @!p2 .LBB1_6-.Ltmp1, $4  }
0x1a: {  	s15 =	simm.s32 @!p1 $0x2  }
0x1b: {  	s13 =	smov.u32 s10;
	p0 =	por !p0, !p0;
	_ =	swait.ge @!p1 [sflag:s15], $0x2000  }
0x1c: {  	s12 =	smov.u32 s9;
	[sflag:s15] =	ssyncset.done @!p1 $0x0;
	s9 =	smov.u32 s14  }
0x1d: {  	s11 =	sadd.s32 $0x1, s11;
	[sflag:s15] =	ssyncadd.s32 @!p1 $0xFFFFE000;
	s10 =	smov.u32 s16  }
.LBB1_1:
0x1e: {  	p1 =	sge.u32 s11, s5  }
0x1f: {  	s14 =	sand.u32 @!p1 $0x1FFFFFF, s9  }
0x20: {  	s15 =	smulhi.u32 @!p1 $0x4924925, s14;
	_ =	sdelay $0x1  }
0x21: {  	s15 =	smul.u32 @!p1 $0x38, s15  }
0x22: {  	s16 =	sxor.u32 @!p1 $0xFFFFFFFF, s11;
	s17 =	smul.u32 @!p1 $0x380, s10  }
0x23: {  	s31 =	sadd.s32 $0xFFFFFFFF, s11;
	s16 =	sshll.u32 @!p1 s16, $0xD;
	s14 =	ssub.s32 @!p1 s14, s15  }
0x24: {  	s15 =	sand.u32 @!p1 $0x2000, s16;
	s16 =	sadd.s32 @!p1 s6, s17;
	s14 =	sshll.u32 @!p1 s14, $0x4  }
0x25: {  	s17 =	simm.s32 @!p1 $0x1C00;
	s14 =	sadd.s32 @!p1 s14, s16;
	s16 =	simm.s32 @!p1 $0x40  }
0x26: {  	[tilespmem:s15], [sflag:$0x1] =	stream.strided.gather @!p1 [hbm4b:s14+s16], $0x2000, s17, s16, $0x38;
	[tilespmem:$0x8080] =	vst v63  }
0x27: {  	p1 =	sge.u32 s31, s5  }
.Ltmp2:
0x28: {  	_ = 	snop;
	(pc) =	sbr.rel @p1 .LBB1_5-.Ltmp2, $1  }
0x29: {  	_ =	sdelay $0x3  }
0x2a: {  	s14 =	simm.s32 $0x1  }
0x2b: {  	_ =	swait.ge [sflag:s4], $0x2000;
	s14 =	simm.s32 @!p0 $0x0  }
0x2c: {  	[sflag:s4] =	ssyncset.done $0x0;
	s15 =	sshll.u32 s14, $0xD  }
0x2d: {  	[sflag:s4] =	ssyncadd.s32 $0xFFFFE000;
	s18 =	sor.u32 $0x20, s15  }
0x2e: {  	s14 =	smul.u32 $0x8100, s14;
	v3 =	vld [tilespmem:s18+$0x10]  }
0x2f: {  	s30 =	sand.u32 $0x1, s11;
	v2 =	vld [tilespmem:s18+$0xFFFFFFF0]  }
0x30: {  	s15 =	smul.u32 $0x8100, s30;
	s14 =	sshrl.u32 s14, $0x2;
	v0 =	vld [tilespmem:s18+$0x0]  }
0x31: {  	v1 =	vld [tilespmem:s18+$0xFFFFFFE0];
	s16 =	sor.u32 $0x4000, s14  }
0x32: {  	s31 =	sshrl.u32 s15, $0x2;
	s15 =	sadd.s32 $0x0, s16  }
0x33: {  	s17 =	simm.s32 $0x4;
	s18 =	sadd.s32 $0x40, s18;
	s14 =	sor.u32 $0x4000, s31;
	[tilespmem:s15+$0x1830 ss:$0x81] =	vst.msk $0xffff, v3  }
.LBB1_3:
0x34: {  	v3 =	vld [tilespmem:s18+$0x10];
	p1 =	sne.s32 s17, $0x1FC;
	[tilespmem:s15+$0x810 ss:$0x81] =	vst.msk $0xffff, v2;
	s19 =	smov.u32 s17;
	s17 =	sadd.s32 $0x4, s17  }
.Ltmp3:
0x35: {  	v2 =	vld [tilespmem:s18+$0xFFFFFFF0];
	[tilespmem:s15+$0x1020 ss:$0x81] =	vst.msk $0xffff, v0;
	(pc) =	sbr.rel @p1 .LBB1_3-.Ltmp3, $4  }
0x36: {  	v0 =	vld [tilespmem:s18+$0x0];
	[tilespmem:s15+$0x0 ss:$0x81] =	vst.msk $0xffff, v1  }
0x37: {  	s15 =	sshra.s32 s19, $0x2;
	v1 =	vld [tilespmem:s18+$0xFFFFFFE0]  }
0x38: {  	s15 =	sadd.s32 s15, s16  }
0x39: {  	s18 =	sadd.s32 $0x40, s18;
	[tilespmem:s15+$0x1830 ss:$0x81] =	vst.msk $0xffff, v3  }
.Ltmp4:
0x3a: {  	_ = 	snop;
	(pc) =	sbr.rel .LBB1_4-.Ltmp4, $1  }
0x3b: {  	_ =	sdelay $0x3  }
.LBB1_6:
0x3c: {  	_ =	sfence.sel $0x180000  }
0x3d: {  	s2 =	simm.s32 $0x1;
	[bflag:$0x0] =	sbarrier.arrive $0xFFFF  }
0x3e: {  	s31 =	simm.s32 $0x2;
	[sflag:s2] =	ssyncpa.u1 $0x1  }
0x3f: {  	[sflag:s31] =	ssyncpa.u1 $0x1  }
0x40: {  	p0 =	sne.s32 s0, $0x0;
	_ =	strace $0x9000004D  }
0x41: {  	s0 =	sadd.s32 @!p0 $0x100000, s1;
	[bflag:$0x2] =	sbarrier.arrive $0xFFFF  }
0x42: {  	[sflag:s0] =	ssyncadd.tile.s32 @!p0 $0x1;
	_ =	shalt  }
.Lfunc_end1:
_tile_overlayer_lowered:
.L_overlay_start_2:
0x43: {  	(tag) =	ssettag $0x2  }
0x44: {  	s0 =	rddreg [dreg:$0x0];
	s2 =	stileid.u32  }
0x45: {  	s1 =	rddreg [dreg:$0x1];
	p0 =	sne.s32 s2, $0x0  }
0x46: {  	s3 =	rddreg [dreg:$0x2];
	[bflag:$0x3] =	sbarrier.arrive $0xFFFF;
	s2 =	simm.s32 @!p0 $0x1C01  }
0x47: {  	[timem:s3], [sflag:s2] =	dma.local @!p0 [hbm:s0], s1  }
0x48: {  	s0 =	simm.s32 @!p0 $0x1  }
0x49: {  	_ =	swait.ge @!p0 [sflag:s0], s1  }
0x4a: {  	s1 =	ssub.s32 @!p0 $0x0, s1;
	[sflag:s0] =	ssyncset.done @!p0 $0x0  }
0x4b: {  	[sflag:s0] =	ssyncadd.s32 @!p0 s1  }
0x4c: {  	[bflag:$0x3] =	sbarrier.arrive $0xFFFF  }
0x4d: {  	_ =	shalt  }

</sc_bundles>
